<compile_context>
chip_gen: v7x
topology: tpu7x:2x2x1
jax: 0.10.2.dev20260603
libtpu: 0.0.44.dev20260713+nightly
codegen_flags: <defaults>
</compile_context>

<pallas_src>
import dataclasses
import functools

import jax
import jax.numpy as jnp
from jax import lax
from jax.experimental import pallas as pl
from jax.experimental.pallas import tpu as pltpu
from jax.experimental.pallas import tpu_sc as plsc

B = 4096
L = 200
D = 128
NC = 2
NS = 16
NW = NC * NS
BL = B // NW
S0, S1 = 104, 96
NCHUNK = D // 16


def _take(vec, idx):
    dnums = lax.GatherDimensionNumbers(
        offset_dims=(), collapsed_slice_dims=(0,), start_index_map=(0,))
    return lax.gather(vec, idx[:, None], dnums, slice_sizes=(1,),
                      mode=lax.GatherScatterMode.PROMISE_IN_BOUNDS)


def _lane_sum_bcast(acc):
    iota = lax.iota(jnp.int32, 16)
    for sh in (1, 2, 4, 8):
        acc = acc + _take(acc, lax.bitwise_xor(iota, sh))
    return acc


def _mf_sc(user, item_flat, user_table, item_table, user_bias, item_bias):
    mesh = plsc.VectorSubcoreMesh(core_axis_name="c", subcore_axis_name="s")
    cp = pltpu.CompilerParams()
    if "needs_layout_passes" in pltpu.CompilerParams.__dataclass_fields__:
        cp = dataclasses.replace(cp, needs_layout_passes=False)

    @functools.partial(
        pl.kernel,
        out_type=jax.ShapeDtypeStruct((B, L), jnp.float32),
        mesh=mesh,
        compiler_params=cp,
        scratch_types=[
            pltpu.VMEM((BL,), jnp.int32),
            pltpu.VMEM((BL * L,), jnp.int32),
            pltpu.VMEM((BL, D), jnp.float32),
            pltpu.VMEM((BL,), jnp.float32),
            pltpu.VMEM((L, D), jnp.float32),
            pltpu.VMEM((L, D), jnp.float32),
            pltpu.VMEM((L,), jnp.float32),
            pltpu.VMEM((L,), jnp.float32),
            pltpu.VMEM((BL, L), jnp.float32),
            pltpu.SemaphoreType.DMA,
            pltpu.SemaphoreType.DMA,
            pltpu.SemaphoreType.DMA,
        ],
    )
    def k(user_hbm, item_hbm, utab_hbm, itab_hbm, ubias_hbm, ibias_hbm,
          out_hbm, uidx_v, idx_v, urows_v, ub_v, rows_a, rows_b, ib_a, ib_b,
          out_v, sem_a, sem_b, sem0):
        wid = lax.axis_index("s") * NC + lax.axis_index("c")
        base = wid * BL

        pltpu.sync_copy(user_hbm.at[pl.ds(base, BL)], uidx_v)
        pltpu.sync_copy(item_hbm.at[pl.ds(base * L, BL * L)], idx_v)
        pltpu.async_copy(utab_hbm.at[uidx_v], urows_v, sem0).wait()
        pltpu.async_copy(ubias_hbm.at[uidx_v], ub_v, sem0).wait()

        def idx_views(b):
            o = pl.multiple_of(b * L, 8)
            return (idx_v.at[pl.ds(o, S0)],
                    idx_v.at[pl.ds(pl.multiple_of(b * L + S0, 8), S1)])

        def fire(b, rows, ib, sem):
            i1, i2 = idx_views(b)
            pltpu.async_copy(itab_hbm.at[i1], rows.at[pl.ds(0, S0)], sem)
            pltpu.async_copy(itab_hbm.at[i2], rows.at[pl.ds(S0, S1)], sem)
            pltpu.async_copy(ibias_hbm.at[i1], ib.at[pl.ds(0, S0)], sem)
            pltpu.async_copy(ibias_hbm.at[i2], ib.at[pl.ds(S0, S1)], sem)

        def drain(b, rows, ib, sem):
            i1, i2 = idx_views(b)
            pltpu.make_async_copy(itab_hbm.at[i1], rows.at[pl.ds(0, S0)],
                                  sem).wait()
            pltpu.make_async_copy(itab_hbm.at[i2], rows.at[pl.ds(S0, S1)],
                                  sem).wait()
            pltpu.make_async_copy(ibias_hbm.at[i1], ib.at[pl.ds(0, S0)],
                                  sem).wait()
            pltpu.make_async_copy(ibias_hbm.at[i2], ib.at[pl.ds(S0, S1)],
                                  sem).wait()

        lane_iota = lax.iota(jnp.int32, 16)

        def compute(b, rows, ib):
            u = [urows_v[b, pl.ds(16 * c, 16)] for c in range(NCHUNK)]
            ub_chunk = ub_v[pl.ds((b // 16) * 16, 16)]
            ubs = _take(ub_chunk, jnp.full((16,), lax.rem(b, 16), jnp.int32))

            @pl.loop(0, 13)
            def _(g):
                off = jnp.minimum(16 * g, L - 16)
                out16 = jnp.zeros((16,), jnp.float32)
                for j in range(16):
                    row = off + j
                    acc = rows[row, pl.ds(0, 16)] * u[0]
                    for c in range(1, NCHUNK):
                        acc = acc + rows[row, pl.ds(16 * c, 16)] * u[c]
                    acc = _lane_sum_bcast(acc)
                    out16 = jnp.where(lane_iota == j, acc, out16)
                out16 = out16 + ib[pl.ds(off, 16)] + ubs
                out_v[b, pl.ds(off, 16)] = out16

        fire(0, rows_a, ib_a, sem_a)

        @pl.loop(0, BL, step=2)
        def _(b):
            fire(b + 1, rows_b, ib_b, sem_b)
            drain(b, rows_a, ib_a, sem_a)
            compute(b, rows_a, ib_a)

            @pl.when(b + 2 < BL)
            def _():
                fire(b + 2, rows_a, ib_a, sem_a)

            drain(b + 1, rows_b, ib_b, sem_b)
            compute(b + 1, rows_b, ib_b)

        pltpu.sync_copy(out_v, out_hbm.at[pl.ds(base, BL)])

    return k(user, item_flat, user_table, item_table, user_bias, item_bias)


def kernel(user, item, user_table, item_table, user_bias, item_bias):
    item_flat = item.reshape(B * L).astype(jnp.int32)
    user = user.astype(jnp.int32)
    return _mf_sc(user, item_flat, user_table, item_table, user_bias,
                  item_bias)

# --- scband reference (transcript-rebuilt; emitter-appended) ---
"""Pipeline reference for scband-mf-46179488367356 (READ-ONLY COPY).

The authoritative reference and input builder live on the scoring server;
editing this copy changes nothing except your own understanding.
"""

import jax, jax.numpy as jnp
import numpy as np

NUM_USERS = 100000
NUM_ITEMS = 100000
DIM = 128
B = 4096
L = 200

def setup_inputs(seed: int = 0) -> dict:
    key = jax.random.key(seed)
    k1, k2, k3, k4 = jax.random.split(key, 4)
    user = jax.random.randint(k1, (B,), 0, NUM_USERS, dtype=jnp.int64) if jax.config.jax_enable_x64 else jax.random.randint(k1, (B,), 0, NUM_USERS, dtype=jnp.int32)
    item = jax.random.randint(k2, (B, L), 0, NUM_ITEMS, dtype=jnp.int64) if jax.config.jax_enable_x64 else jax.random.randint(k2, (B, L), 0, NUM_ITEMS, dtype=jnp.int32)
    # reset_parameters: uniform(0,1) - 0.5, divided by embedding_dim
    user_table = (jax.random.uniform(k3, (NUM_USERS, DIM), dtype=jnp.float32) - 0.5) / DIM
    item_table = (jax.random.uniform(k4, (NUM_ITEMS, DIM), dtype=jnp.float32) - 0.5) / DIM
    # biases initialized to zeros per init.zeros_
    user_bias = jnp.zeros((NUM_USERS,), dtype=jnp.float32)
    item_bias = jnp.zeros((NUM_ITEMS,), dtype=jnp.float32)
    return {"user": user, "item": item, "user_table": user_table, "item_table": item_table, "user_bias": user_bias, "item_bias": item_bias}

def reference(user, item, user_table, item_table, user_bias, item_bias):
    # user_logits = self._user_emb(user) -> [B, H]
    user_logits = jnp.take(user_table, user, axis=0)
    # item_logits = self._item_emb(item) -> [B, L, H]
    item_logits = jnp.take(item_table, item, axis=0)
    # logits = einsum('bh,b...h->b...') -> [B, L]
    logits = jnp.einsum('bh,blh->bl', user_logits, item_logits)
    # item bias gather: self._item_bias[item] -> [B, L]
    logits = logits + jnp.take(item_bias, item, axis=0)
    # user bias gather with broadcast over item dim
    ub = jnp.take(user_bias, user, axis=0)[:, None]
    logits = logits + ub
    return logits

if __name__ == "__main__":
    import jax
    _d = setup_inputs()
    print(jax.jit(kernel)(*tuple(_d.values())))

</pallas_src>

<mosaic_0001>
#map = affine_map<(d0, d1) -> (0)>
#map1 = affine_map<(d0, d1) -> (0, 0)>
module attributes {stable_mosaic.version = 14 : i64} {
  func.func @k(%arg0: i32, %arg1: i32, %arg2: memref<4096xi32, #tpu.memory_space<hbm>>, %arg3: memref<819200xi32, #tpu.memory_space<hbm>>, %arg4: memref<100000x128xf32, #tpu.memory_space<hbm>>, %arg5: memref<100000x128xf32, #tpu.memory_space<hbm>>, %arg6: memref<100000xf32, #tpu.memory_space<hbm>>, %arg7: memref<100000xf32, #tpu.memory_space<hbm>>, %arg8: memref<4096x200xf32, #tpu.memory_space<hbm>>, %arg9: memref<128xi32, #tpu.memory_space<vmem>>, %arg10: memref<25600xi32, #tpu.memory_space<vmem>>, %arg11: memref<128x128xf32, #tpu.memory_space<vmem>>, %arg12: memref<128xf32, #tpu.memory_space<vmem>>, %arg13: memref<200x128xf32, #tpu.memory_space<vmem>>, %arg14: memref<200x128xf32, #tpu.memory_space<vmem>>, %arg15: memref<200xf32, #tpu.memory_space<vmem>>, %arg16: memref<200xf32, #tpu.memory_space<vmem>>, %arg17: memref<128x200xf32, #tpu.memory_space<vmem>>, %arg18: memref<!tpu.dma_semaphore, #tpu.memory_space<semaphore_mem>>, %arg19: memref<!tpu.dma_semaphore, #tpu.memory_space<semaphore_mem>>, %arg20: memref<!tpu.dma_semaphore, #tpu.memory_space<semaphore_mem>>) attributes {dimension_semantics = [#tpu.dimension_semantics<core_parallel>, #tpu.dimension_semantics<subcore_parallel>], iteration_bounds = array<i64: 2, 16>, scalar_prefetch = 0 : i64, scratch_operands = 12 : i64, tpu.core_type = #tpu.core_type<sc_vector_subcore>, window_params = [{transform_indices = #map}, {transform_indices = #map}, {transform_indices = #map1}, {transform_indices = #map1}, {transform_indices = #map}, {transform_indices = #map}, {transform_indices = #map1}]} {
    %mul3A = arith.constant 2 : i32
    %mul3A_0 = arith.muli %arg1, %mul3A : i32
    %add3A = arith.addi %mul3A_0, %arg0 : i32
    %mul3A_1 = arith.constant 128 : i32
    %mul3A_2 = arith.muli %add3A, %mul3A_1 : i32
    "tpu.region"() ({
      %run_scoped3A = tpu.sem_alloc : memref<!tpu.dma_semaphore, #tpu.memory_space<semaphore_mem>>
      %dma_start3A_44 = tpu.memref_slice %arg2[%mul3A_2] : memref<4096xi32, #tpu.memory_space<hbm>> -> memref<128xi32, #tpu.memory_space<hbm>>
      %dma_start3A_45 = tpu.memref_slice %arg2[%mul3A_2] : memref<4096xi32, #tpu.memory_space<hbm>> -> memref<128xi32, #tpu.memory_space<hbm>>
      tpu.enqueue_dma source(%dma_start3A_45 : memref<128xi32, #tpu.memory_space<hbm>>) target(%arg9 : memref<128xi32, #tpu.memory_space<vmem>>) target_semaphore(%run_scoped3A : memref<!tpu.dma_semaphore, #tpu.memory_space<semaphore_mem>>)
      %dma_wait3A_46 = tpu.memref_slice %arg2[%mul3A_2] : memref<4096xi32, #tpu.memory_space<hbm>> -> memref<128xi32, #tpu.memory_space<hbm>>
      %dma_wait3A_47 = tpu.memref_slice %arg2[%mul3A_2] : memref<4096xi32, #tpu.memory_space<hbm>> -> memref<128xi32, #tpu.memory_space<hbm>>
      tpu.wait_dma2 semaphore(%run_scoped3A : memref<!tpu.dma_semaphore, #tpu.memory_space<semaphore_mem>>) src(%dma_wait3A_47 : memref<128xi32, #tpu.memory_space<hbm>>) dst(%arg9 : memref<128xi32, #tpu.memory_space<vmem>>)
      tpu.yield
    }) : () -> ()
    %mul3A_3 = arith.constant 200 : i32
    %mul3A_4 = arith.muli %mul3A_2, %mul3A_3 : i32
    "tpu.region"() ({
      %run_scoped3A = tpu.sem_alloc : memref<!tpu.dma_semaphore, #tpu.memory_space<semaphore_mem>>
      %dma_start3A_44 = tpu.memref_slice %arg3[%mul3A_4] : memref<819200xi32, #tpu.memory_space<hbm>> -> memref<25600xi32, #tpu.memory_space<hbm>>
      %dma_start3A_45 = tpu.memref_slice %arg3[%mul3A_4] : memref<819200xi32, #tpu.memory_space<hbm>> -> memref<25600xi32, #tpu.memory_space<hbm>>
      tpu.enqueue_dma source(%dma_start3A_45 : memref<25600xi32, #tpu.memory_space<hbm>>) target(%arg10 : memref<25600xi32, #tpu.memory_space<vmem>>) target_semaphore(%run_scoped3A : memref<!tpu.dma_semaphore, #tpu.memory_space<semaphore_mem>>)
      %dma_wait3A_46 = tpu.memref_slice %arg3[%mul3A_4] : memref<819200xi32, #tpu.memory_space<hbm>> -> memref<25600xi32, #tpu.memory_space<hbm>>
      %dma_wait3A_47 = tpu.memref_slice %arg3[%mul3A_4] : memref<819200xi32, #tpu.memory_space<hbm>> -> memref<25600xi32, #tpu.memory_space<hbm>>
      tpu.wait_dma2 semaphore(%run_scoped3A : memref<!tpu.dma_semaphore, #tpu.memory_space<semaphore_mem>>) src(%dma_wait3A_47 : memref<25600xi32, #tpu.memory_space<hbm>>) dst(%arg10 : memref<25600xi32, #tpu.memory_space<vmem>>)
      tpu.yield
    }) : () -> ()
    %dma_start3A = arith.constant 0 : i32
    %dma_start3A_5 = arith.constant 0 : i32
    %dma_start3A_6 = tpu.memref_slice %arg4[%dma_start3A, %dma_start3A_5] : memref<100000x128xf32, #tpu.memory_space<hbm>> -> memref<100000x128xf32, #tpu.memory_space<hbm>>
    tpu.enqueue_indirect_dma source(%dma_start3A_6 : memref<100000x128xf32, #tpu.memory_space<hbm>>) target(%arg11 : memref<128x128xf32, #tpu.memory_space<vmem>>) offsets(%arg9 : memref<128xi32, #tpu.memory_space<vmem>>) semaphore(%arg20 : memref<!tpu.dma_semaphore, #tpu.memory_space<semaphore_mem>>)
    %dma_wait3A = arith.constant 0 : i32
    %dma_wait3A_7 = arith.constant 0 : i32
    %dma_wait3A_8 = tpu.memref_slice %arg4[%dma_wait3A, %dma_wait3A_7] : memref<100000x128xf32, #tpu.memory_space<hbm>> -> memref<100000x128xf32, #tpu.memory_space<hbm>>
    tpu.wait_indirect_dma semaphore(%arg20 : memref<!tpu.dma_semaphore, #tpu.memory_space<semaphore_mem>>) src(%dma_wait3A_8 : memref<100000x128xf32, #tpu.memory_space<hbm>>) dst(%arg11 : memref<128x128xf32, #tpu.memory_space<vmem>>)
    %dma_start3A_9 = arith.constant 0 : i32
    %dma_start3A_10 = tpu.memref_slice %arg6[%dma_start3A_9] : memref<100000xf32, #tpu.memory_space<hbm>> -> memref<100000xf32, #tpu.memory_space<hbm>>
    tpu.enqueue_indirect_dma source(%dma_start3A_10 : memref<100000xf32, #tpu.memory_space<hbm>>) target(%arg12 : memref<128xf32, #tpu.memory_space<vmem>>) offsets(%arg9 : memref<128xi32, #tpu.memory_space<vmem>>) semaphore(%arg20 : memref<!tpu.dma_semaphore, #tpu.memory_space<semaphore_mem>>)
    %dma_wait3A_11 = arith.constant 0 : i32
    %dma_wait3A_12 = tpu.memref_slice %arg6[%dma_wait3A_11] : memref<100000xf32, #tpu.memory_space<hbm>> -> memref<100000xf32, #tpu.memory_space<hbm>>
    tpu.wait_indirect_dma semaphore(%arg20 : memref<!tpu.dma_semaphore, #tpu.memory_space<semaphore_mem>>) src(%dma_wait3A_12 : memref<100000xf32, #tpu.memory_space<hbm>>) dst(%arg12 : memref<128xf32, #tpu.memory_space<vmem>>)
    %iota3A = tpu.iota {dimensions = array<i32: 0>} : vector<16xi32>
    %multiple_of3A = arith.constant 0 : i32
    %multiple_of3A_13 = tpu.assume_multiple %multiple_of3A, 8 : i32
    %multiple_of3A_14 = arith.constant 104 : i32
    %multiple_of3A_15 = tpu.assume_multiple %multiple_of3A_14, 8 : i32
    %dma_start3A_16 = arith.constant 0 : i32
    %dma_start3A_17 = arith.constant 0 : i32
    %dma_start3A_18 = tpu.memref_slice %arg13[%dma_start3A_16, %dma_start3A_17] : memref<200x128xf32, #tpu.memory_space<vmem>> -> memref<104x128xf32, #tpu.memory_space<vmem>>
    %dma_start3A_19 = tpu.memref_slice %arg10[%multiple_of3A_13] : memref<25600xi32, #tpu.memory_space<vmem>> -> memref<104xi32, #tpu.memory_space<vmem>>
    %dma_start3A_20 = arith.constant 0 : i32
    %dma_start3A_21 = arith.constant 0 : i32
    %dma_start3A_22 = tpu.memref_slice %arg5[%dma_start3A_20, %dma_start3A_21] : memref<100000x128xf32, #tpu.memory_space<hbm>> -> memref<100000x128xf32, #tpu.memory_space<hbm>>
    tpu.enqueue_indirect_dma source(%dma_start3A_22 : memref<100000x128xf32, #tpu.memory_space<hbm>>) target(%dma_start3A_18 : memref<104x128xf32, #tpu.memory_space<vmem>>) offsets(%dma_start3A_19 : memref<104xi32, #tpu.memory_space<vmem>>) semaphore(%arg18 : memref<!tpu.dma_semaphore, #tpu.memory_space<semaphore_mem>>)
    %dma_start3A_23 = arith.constant 104 : i32
    %dma_start3A_24 = arith.constant 0 : i32
    %dma_start3A_25 = tpu.memref_slice %arg13[%dma_start3A_23, %dma_start3A_24] : memref<200x128xf32, #tpu.memory_space<vmem>> -> memref<96x128xf32, #tpu.memory_space<vmem>>
    %dma_start3A_26 = tpu.memref_slice %arg10[%multiple_of3A_15] : memref<25600xi32, #tpu.memory_space<vmem>> -> memref<96xi32, #tpu.memory_space<vmem>>
    %dma_start3A_27 = arith.constant 0 : i32
    %dma_start3A_28 = arith.constant 0 : i32
    %dma_start3A_29 = tpu.memref_slice %arg5[%dma_start3A_27, %dma_start3A_28] : memref<100000x128xf32, #tpu.memory_space<hbm>> -> memref<100000x128xf32, #tpu.memory_space<hbm>>
    tpu.enqueue_indirect_dma source(%dma_start3A_29 : memref<100000x128xf32, #tpu.memory_space<hbm>>) target(%dma_start3A_25 : memref<96x128xf32, #tpu.memory_space<vmem>>) offsets(%dma_start3A_26 : memref<96xi32, #tpu.memory_space<vmem>>) semaphore(%arg18 : memref<!tpu.dma_semaphore, #tpu.memory_space<semaphore_mem>>)
    %dma_start3A_30 = arith.constant 0 : i32
    %dma_start3A_31 = tpu.memref_slice %arg15[%dma_start3A_30] : memref<200xf32, #tpu.memory_space<vmem>> -> memref<104xf32, #tpu.memory_space<vmem>>
    %dma_start3A_32 = tpu.memref_slice %arg10[%multiple_of3A_13] : memref<25600xi32, #tpu.memory_space<vmem>> -> memref<104xi32, #tpu.memory_space<vmem>>
    %dma_start3A_33 = arith.constant 0 : i32
    %dma_start3A_34 = tpu.memref_slice %arg7[%dma_start3A_33] : memref<100000xf32, #tpu.memory_space<hbm>> -> memref<100000xf32, #tpu.memory_space<hbm>>
    tpu.enqueue_indirect_dma source(%dma_start3A_34 : memref<100000xf32, #tpu.memory_space<hbm>>) target(%dma_start3A_31 : memref<104xf32, #tpu.memory_space<vmem>>) offsets(%dma_start3A_32 : memref<104xi32, #tpu.memory_space<vmem>>) semaphore(%arg18 : memref<!tpu.dma_semaphore, #tpu.memory_space<semaphore_mem>>)
    %dma_start3A_35 = arith.constant 104 : i32
    %dma_start3A_36 = tpu.memref_slice %arg15[%dma_start3A_35] : memref<200xf32, #tpu.memory_space<vmem>> -> memref<96xf32, #tpu.memory_space<vmem>>
    %dma_start3A_37 = tpu.memref_slice %arg10[%multiple_of3A_15] : memref<25600xi32, #tpu.memory_space<vmem>> -> memref<96xi32, #tpu.memory_space<vmem>>
    %dma_start3A_38 = arith.constant 0 : i32
    %dma_start3A_39 = tpu.memref_slice %arg7[%dma_start3A_38] : memref<100000xf32, #tpu.memory_space<hbm>> -> memref<100000xf32, #tpu.memory_space<hbm>>
    tpu.enqueue_indirect_dma source(%dma_start3A_39 : memref<100000xf32, #tpu.memory_space<hbm>>) target(%dma_start3A_36 : memref<96xf32, #tpu.memory_space<vmem>>) offsets(%dma_start3A_37 : memref<96xi32, #tpu.memory_space<vmem>>) semaphore(%arg18 : memref<!tpu.dma_semaphore, #tpu.memory_space<semaphore_mem>>)
    %scan3A = arith.constant 0 : i32
    %scan3A_40 = arith.constant 64 : i32
    %scan3A_41 = arith.addi %scan3A, %scan3A_40 : i32
    %scan3A_42 = arith.constant 1 : i32
    scf.for %scan3A_44 = %scan3A to %scan3A_41 step %scan3A_42  : i32 {
      %mul3A_45 = arith.constant 2 : i32
      %mul3A_46 = arith.muli %scan3A_44, %mul3A_45 : i32
      %add3A_47 = arith.constant 0 : i32
      %add3A_48 = arith.addi %add3A_47, %mul3A_46 : i32
      %add3A_49 = arith.constant 1 : i32
      %add3A_50 = arith.addi %add3A_48, %add3A_49 : i32
      %mul3A_51 = arith.constant 200 : i32
      %mul3A_52 = arith.muli %add3A_50, %mul3A_51 : i32
      %multiple_of3A_53 = tpu.assume_multiple %mul3A_52, 8 : i32
      %mul3A_54 = arith.constant 200 : i32
      %mul3A_55 = arith.muli %add3A_50, %mul3A_54 : i32
      %add3A_56 = arith.constant 104 : i32
      %add3A_57 = arith.addi %mul3A_55, %add3A_56 : i32
      %multiple_of3A_58 = tpu.assume_multiple %add3A_57, 8 : i32
      %dma_start3A_59 = arith.constant 0 : i32
      %dma_start3A_60 = arith.constant 0 : i32
      %dma_start3A_61 = tpu.memref_slice %arg14[%dma_start3A_59, %dma_start3A_60] : memref<200x128xf32, #tpu.memory_space<vmem>> -> memref<104x128xf32, #tpu.memory_space<vmem>>
      %dma_start3A_62 = tpu.memref_slice %arg10[%multiple_of3A_53] : memref<25600xi32, #tpu.memory_space<vmem>> -> memref<104xi32, #tpu.memory_space<vmem>>
      %dma_start3A_63 = arith.constant 0 : i32
      %dma_start3A_64 = arith.constant 0 : i32
      %dma_start3A_65 = tpu.memref_slice %arg5[%dma_start3A_63, %dma_start3A_64] : memref<100000x128xf32, #tpu.memory_space<hbm>> -> memref<100000x128xf32, #tpu.memory_space<hbm>>
      tpu.enqueue_indirect_dma source(%dma_start3A_65 : memref<100000x128xf32, #tpu.memory_space<hbm>>) target(%dma_start3A_61 : memref<104x128xf32, #tpu.memory_space<vmem>>) offsets(%dma_start3A_62 : memref<104xi32, #tpu.memory_space<vmem>>) semaphore(%arg19 : memref<!tpu.dma_semaphore, #tpu.memory_space<semaphore_mem>>)
      %dma_start3A_66 = arith.constant 104 : i32
      %dma_start3A_67 = arith.constant 0 : i32
      %dma_start3A_68 = tpu.memref_slice %arg14[%dma_start3A_66, %dma_start3A_67] : memref<200x128xf32, #tpu.memory_space<vmem>> -> memref<96x128xf32, #tpu.memory_space<vmem>>
      %dma_start3A_69 = tpu.memref_slice %arg10[%multiple_of3A_58] : memref<25600xi32, #tpu.memory_space<vmem>> -> memref<96xi32, #tpu.memory_space<vmem>>
      %dma_start3A_70 = arith.constant 0 : i32
      %dma_start3A_71 = arith.constant 0 : i32
      %dma_start3A_72 = tpu.memref_slice %arg5[%dma_start3A_70, %dma_start3A_71] : memref<100000x128xf32, #tpu.memory_space<hbm>> -> memref<100000x128xf32, #tpu.memory_space<hbm>>
      tpu.enqueue_indirect_dma source(%dma_start3A_72 : memref<100000x128xf32, #tpu.memory_space<hbm>>) target(%dma_start3A_68 : memref<96x128xf32, #tpu.memory_space<vmem>>) offsets(%dma_start3A_69 : memref<96xi32, #tpu.memory_space<vmem>>) semaphore(%arg19 : memref<!tpu.dma_semaphore, #tpu.memory_space<semaphore_mem>>)
      %dma_start3A_73 = arith.constant 0 : i32
      %dma_start3A_74 = tpu.memref_slice %arg16[%dma_start3A_73] : memref<200xf32, #tpu.memory_space<vmem>> -> memref<104xf32, #tpu.memory_space<vmem>>
      %dma_start3A_75 = tpu.memref_slice %arg10[%multiple_of3A_53] : memref<25600xi32, #tpu.memory_space<vmem>> -> memref<104xi32, #tpu.memory_space<vmem>>
      %dma_start3A_76 = arith.constant 0 : i32
      %dma_start3A_77 = tpu.memref_slice %arg7[%dma_start3A_76] : memref<100000xf32, #tpu.memory_space<hbm>> -> memref<100000xf32, #tpu.memory_space<hbm>>
      tpu.enqueue_indirect_dma source(%dma_start3A_77 : memref<100000xf32, #tpu.memory_space<hbm>>) target(%dma_start3A_74 : memref<104xf32, #tpu.memory_space<vmem>>) offsets(%dma_start3A_75 : memref<104xi32, #tpu.memory_space<vmem>>) semaphore(%arg19 : memref<!tpu.dma_semaphore, #tpu.memory_space<semaphore_mem>>)
      %dma_start3A_78 = arith.constant 104 : i32
      %dma_start3A_79 = tpu.memref_slice %arg16[%dma_start3A_78] : memref<200xf32, #tpu.memory_space<vmem>> -> memref<96xf32, #tpu.memory_space<vmem>>
      %dma_start3A_80 = tpu.memref_slice %arg10[%multiple_of3A_58] : memref<25600xi32, #tpu.memory_space<vmem>> -> memref<96xi32, #tpu.memory_space<vmem>>
      %dma_start3A_81 = arith.constant 0 : i32
      %dma_start3A_82 = tpu.memref_slice %arg7[%dma_start3A_81] : memref<100000xf32, #tpu.memory_space<hbm>> -> memref<100000xf32, #tpu.memory_space<hbm>>
      tpu.enqueue_indirect_dma source(%dma_start3A_82 : memref<100000xf32, #tpu.memory_space<hbm>>) target(%dma_start3A_79 : memref<96xf32, #tpu.memory_space<vmem>>) offsets(%dma_start3A_80 : memref<96xi32, #tpu.memory_space<vmem>>) semaphore(%arg19 : memref<!tpu.dma_semaphore, #tpu.memory_space<semaphore_mem>>)
      %mul3A_83 = arith.constant 200 : i32
      %mul3A_84 = arith.muli %add3A_48, %mul3A_83 : i32
      %multiple_of3A_85 = tpu.assume_multiple %mul3A_84, 8 : i32
      %mul3A_86 = arith.constant 200 : i32
      %mul3A_87 = arith.muli %add3A_48, %mul3A_86 : i32
      %add3A_88 = arith.constant 104 : i32
      %add3A_89 = arith.addi %mul3A_87, %add3A_88 : i32
      %multiple_of3A_90 = tpu.assume_multiple %add3A_89, 8 : i32
      %dma_wait3A_91 = arith.constant 0 : i32
      %dma_wait3A_92 = arith.constant 0 : i32
      %dma_wait3A_93 = tpu.memref_slice %arg13[%dma_wait3A_91, %dma_wait3A_92] : memref<200x128xf32, #tpu.memory_space<vmem>> -> memref<104x128xf32, #tpu.memory_space<vmem>>
      %dma_wait3A_94 = tpu.memref_slice %arg10[%multiple_of3A_85] : memref<25600xi32, #tpu.memory_space<vmem>> -> memref<104xi32, #tpu.memory_space<vmem>>
      %dma_wait3A_95 = arith.constant 0 : i32
      %dma_wait3A_96 = arith.constant 0 : i32
      %dma_wait3A_97 = tpu.memref_slice %arg5[%dma_wait3A_95, %dma_wait3A_96] : memref<100000x128xf32, #tpu.memory_space<hbm>> -> memref<100000x128xf32, #tpu.memory_space<hbm>>
      tpu.wait_indirect_dma semaphore(%arg18 : memref<!tpu.dma_semaphore, #tpu.memory_space<semaphore_mem>>) src(%dma_wait3A_97 : memref<100000x128xf32, #tpu.memory_space<hbm>>) dst(%dma_wait3A_93 : memref<104x128xf32, #tpu.memory_space<vmem>>)
      %dma_wait3A_98 = arith.constant 104 : i32
      %dma_wait3A_99 = arith.constant 0 : i32
      %dma_wait3A_100 = tpu.memref_slice %arg13[%dma_wait3A_98, %dma_wait3A_99] : memref<200x128xf32, #tpu.memory_space<vmem>> -> memref<96x128xf32, #tpu.memory_space<vmem>>
      %dma_wait3A_101 = tpu.memref_slice %arg10[%multiple_of3A_90] : memref<25600xi32, #tpu.memory_space<vmem>> -> memref<96xi32, #tpu.memory_space<vmem>>
      %dma_wait3A_102 = arith.constant 0 : i32
      %dma_wait3A_103 = arith.constant 0 : i32
      %dma_wait3A_104 = tpu.memref_slice %arg5[%dma_wait3A_102, %dma_wait3A_103] : memref<100000x128xf32, #tpu.memory_space<hbm>> -> memref<100000x128xf32, #tpu.memory_space<hbm>>
      tpu.wait_indirect_dma semaphore(%arg18 : memref<!tpu.dma_semaphore, #tpu.memory_space<semaphore_mem>>) src(%dma_wait3A_104 : memref<100000x128xf32, #tpu.memory_space<hbm>>) dst(%dma_wait3A_100 : memref<96x128xf32, #tpu.memory_space<vmem>>)
      %dma_wait3A_105 = arith.constant 0 : i32
      %dma_wait3A_106 = tpu.memref_slice %arg15[%dma_wait3A_105] : memref<200xf32, #tpu.memory_space<vmem>> -> memref<104xf32, #tpu.memory_space<vmem>>
      %dma_wait3A_107 = tpu.memref_slice %arg10[%multiple_of3A_85] : memref<25600xi32, #tpu.memory_space<vmem>> -> memref<104xi32, #tpu.memory_space<vmem>>
      %dma_wait3A_108 = arith.constant 0 : i32
      %dma_wait3A_109 = tpu.memref_slice %arg7[%dma_wait3A_108] : memref<100000xf32, #tpu.memory_space<hbm>> -> memref<100000xf32, #tpu.memory_space<hbm>>
      tpu.wait_indirect_dma semaphore(%arg18 : memref<!tpu.dma_semaphore, #tpu.memory_space<semaphore_mem>>) src(%dma_wait3A_109 : memref<100000xf32, #tpu.memory_space<hbm>>) dst(%dma_wait3A_106 : memref<104xf32, #tpu.memory_space<vmem>>)
      %dma_wait3A_110 = arith.constant 104 : i32
      %dma_wait3A_111 = tpu.memref_slice %arg15[%dma_wait3A_110] : memref<200xf32, #tpu.memory_space<vmem>> -> memref<96xf32, #tpu.memory_space<vmem>>
      %dma_wait3A_112 = tpu.memref_slice %arg10[%multiple_of3A_90] : memref<25600xi32, #tpu.memory_space<vmem>> -> memref<96xi32, #tpu.memory_space<vmem>>
      %dma_wait3A_113 = arith.constant 0 : i32
      %dma_wait3A_114 = tpu.memref_slice %arg7[%dma_wait3A_113] : memref<100000xf32, #tpu.memory_space<hbm>> -> memref<100000xf32, #tpu.memory_space<hbm>>
      tpu.wait_indirect_dma semaphore(%arg18 : memref<!tpu.dma_semaphore, #tpu.memory_space<semaphore_mem>>) src(%dma_wait3A_114 : memref<100000xf32, #tpu.memory_space<hbm>>) dst(%dma_wait3A_111 : memref<96xf32, #tpu.memory_space<vmem>>)
      %get3A = arith.index_cast %add3A_48 : i32 to index
      %get3A_115 = arith.constant 0 : index
      %get3A_116 = tpu.vector_load %arg11[%get3A, %get3A_115] {strides = array<i32>} : memref<128x128xf32, #tpu.memory_space<vmem>>, vector<16xf32>,
      %get3A_117 = arith.index_cast %add3A_48 : i32 to index
      %get3A_118 = arith.constant 16 : index
      %get3A_119 = tpu.vector_load %arg11[%get3A_117, %get3A_118] {strides = array<i32>} : memref<128x128xf32, #tpu.memory_space<vmem>>, vector<16xf32>,
      %get3A_120 = arith.index_cast %add3A_48 : i32 to index
      %get3A_121 = arith.constant 32 : index
      %get3A_122 = tpu.vector_load %arg11[%get3A_120, %get3A_121] {strides = array<i32>} : memref<128x128xf32, #tpu.memory_space<vmem>>, vector<16xf32>,
      %get3A_123 = arith.index_cast %add3A_48 : i32 to index
      %get3A_124 = arith.constant 48 : index
      %get3A_125 = tpu.vector_load %arg11[%get3A_123, %get3A_124] {strides = array<i32>} : memref<128x128xf32, #tpu.memory_space<vmem>>, vector<16xf32>,
      %get3A_126 = arith.index_cast %add3A_48 : i32 to index
      %get3A_127 = arith.constant 64 : index
      %get3A_128 = tpu.vector_load %arg11[%get3A_126, %get3A_127] {strides = array<i32>} : memref<128x128xf32, #tpu.memory_space<vmem>>, vector<16xf32>,
      %get3A_129 = arith.index_cast %add3A_48 : i32 to index
      %get3A_130 = arith.constant 80 : index
      %get3A_131 = tpu.vector_load %arg11[%get3A_129, %get3A_130] {strides = array<i32>} : memref<128x128xf32, #tpu.memory_space<vmem>>, vector<16xf32>,
      %get3A_132 = arith.index_cast %add3A_48 : i32 to index
      %get3A_133 = arith.constant 96 : index
      %get3A_134 = tpu.vector_load %arg11[%get3A_132, %get3A_133] {strides = array<i32>} : memref<128x128xf32, #tpu.memory_space<vmem>>, vector<16xf32>,
      %get3A_135 = arith.index_cast %add3A_48 : i32 to index
      %get3A_136 = arith.constant 112 : index
      %get3A_137 = tpu.vector_load %arg11[%get3A_135, %get3A_136] {strides = array<i32>} : memref<128x128xf32, #tpu.memory_space<vmem>>, vector<16xf32>,
      %jit3A = arith.constant 16 : i32
      %div3A = arith.divsi %add3A_48, %jit3A : i32
      %sign3A = arith.constant 0 : i32
      %sign3A_138 = arith.cmpi sgt, %add3A_48, %sign3A : i32
      %sign3A_139 = arith.extui %sign3A_138 : i1 to i32
      %sign3A_140 = arith.constant 0 : i32
      %sign3A_141 = arith.cmpi slt, %add3A_48, %sign3A_140 : i32
      %sign3A_142 = arith.extui %sign3A_141 : i1 to i32
      %sign3A_143 = arith.subi %sign3A_139, %sign3A_142 : i32
      %sign3A_144 = arith.constant 0 : i32
      %sign3A_145 = arith.cmpi sgt, %jit3A, %sign3A_144 : i32
      %sign3A_146 = arith.extui %sign3A_145 : i1 to i32
      %sign3A_147 = arith.constant 0 : i32
      %sign3A_148 = arith.cmpi slt, %jit3A, %sign3A_147 : i32
      %sign3A_149 = arith.extui %sign3A_148 : i1 to i32
      %sign3A_150 = arith.subi %sign3A_146, %sign3A_149 : i32
      %ne3A = arith.cmpi ne, %sign3A_143, %sign3A_150 : i32
      %rem3A = arith.remsi %add3A_48, %jit3A : i32
      %ne3A_151 = arith.constant 0 : i32
      %ne3A_152 = arith.cmpi ne, %rem3A, %ne3A_151 : i32
      %and3A = arith.andi %ne3A, %ne3A_152 : i1
      %sub3A = arith.constant 1 : i32
      %sub3A_153 = arith.subi %div3A, %sub3A : i32
      %select_n3A = arith.select %and3A, %sub3A_153, %div3A : i32
      %mul3A_154 = arith.constant 16 : i32
      %mul3A_155 = arith.muli %select_n3A, %mul3A_154 : i32
      %get3A_156 = arith.index_cast %mul3A_155 : i32 to index
      %get3A_157 = tpu.vector_load %arg12[%get3A_156] {strides = array<i32>} : memref<128xf32, #tpu.memory_space<vmem>>, vector<16xf32>,
      %rem3A_158 = arith.constant 16 : i32
      %rem3A_159 = arith.remsi %add3A_48, %rem3A_158 : i32
      %broadcast_in_dim3A = vector.broadcast %rem3A_159 : i32 to vector<16xi32>
      %broadcast_in_dim3A_160 = vector.shape_cast %broadcast_in_dim3A : vector<16xi32> to vector<16x1xi32>
      %gather3A = vector.shape_cast %broadcast_in_dim3A_160 : vector<16x1xi32> to vector<16xi32>
      %gather3A_161 = tpu.dynamic_gather %get3A_157[%gather3A] in [0] : vector<16xf32>, vector<16xi32> -> vector<16xf32>
      %scan3A_162 = arith.constant 0 : i32
      %scan3A_163 = arith.constant 13 : i32
      %scan3A_164 = arith.addi %scan3A_162, %scan3A_163 : i32
      %scan3A_165 = arith.constant 1 : i32
      scf.for %scan3A_270 = %scan3A_162 to %scan3A_164 step %scan3A_165  : i32 {
        %mul3A_271 = arith.constant 1 : i32
        %mul3A_272 = arith.muli %scan3A_270, %mul3A_271 : i32
        %add3A_273 = arith.constant 0 : i32
        %add3A_274 = arith.addi %add3A_273, %mul3A_272 : i32
        %mul3A_275 = arith.constant 16 : i32
        %mul3A_276 = arith.muli %mul3A_275, %add3A_274 : i32
        %min3A = arith.constant 184 : i32
        %min3A_277 = arith.minsi %mul3A_276, %min3A : i32
        %broadcast_in_dim3A_278 = arith.constant 0.000000e+00 : f32
        %broadcast_in_dim3A_279 = vector.broadcast %broadcast_in_dim3A_278 : f32 to vector<16xf32>
        %add3A_280 = arith.constant 0 : i32
        %add3A_281 = arith.addi %min3A_277, %add3A_280 : i32
        %get3A_282 = arith.index_cast %add3A_281 : i32 to index
        %get3A_283 = arith.constant 0 : index
        %get3A_284 = tpu.vector_load %arg13[%get3A_282, %get3A_283] {strides = array<i32>} : memref<200x128xf32, #tpu.memory_space<vmem>>, vector<16xf32>,
        %mul3A_285 = arith.mulf %get3A_284, %get3A_116 : vector<16xf32>
        %get3A_286 = arith.index_cast %add3A_281 : i32 to index
        %get3A_287 = arith.constant 16 : index
        %get3A_288 = tpu.vector_load %arg13[%get3A_286, %get3A_287] {strides = array<i32>} : memref<200x128xf32, #tpu.memory_space<vmem>>, vector<16xf32>,
        %mul3A_289 = arith.mulf %get3A_288, %get3A_119 : vector<16xf32>
        %add3A_290 = arith.addf %mul3A_285, %mul3A_289 : vector<16xf32>
        %get3A_291 = arith.index_cast %add3A_281 : i32 to index
        %get3A_292 = arith.constant 32 : index
        %get3A_293 = tpu.vector_load %arg13[%get3A_291, %get3A_292] {strides = array<i32>} : memref<200x128xf32, #tpu.memory_space<vmem>>, vector<16xf32>,
        %mul3A_294 = arith.mulf %get3A_293, %get3A_122 : vector<16xf32>
        %add3A_295 = arith.addf %add3A_290, %mul3A_294 : vector<16xf32>
        %get3A_296 = arith.index_cast %add3A_281 : i32 to index
        %get3A_297 = arith.constant 48 : index
        %get3A_298 = tpu.vector_load %arg13[%get3A_296, %get3A_297] {strides = array<i32>} : memref<200x128xf32, #tpu.memory_space<vmem>>, vector<16xf32>,
        %mul3A_299 = arith.mulf %get3A_298, %get3A_125 : vector<16xf32>
        %add3A_300 = arith.addf %add3A_295, %mul3A_299 : vector<16xf32>
        %get3A_301 = arith.index_cast %add3A_281 : i32 to index
        %get3A_302 = arith.constant 64 : index
        %get3A_303 = tpu.vector_load %arg13[%get3A_301, %get3A_302] {strides = array<i32>} : memref<200x128xf32, #tpu.memory_space<vmem>>, vector<16xf32>,
        %mul3A_304 = arith.mulf %get3A_303, %get3A_128 : vector<16xf32>
        %add3A_305 = arith.addf %add3A_300, %mul3A_304 : vector<16xf32>
        %get3A_306 = arith.index_cast %add3A_281 : i32 to index
        %get3A_307 = arith.constant 80 : index
        %get3A_308 = tpu.vector_load %arg13[%get3A_306, %get3A_307] {strides = array<i32>} : memref<200x128xf32, #tpu.memory_space<vmem>>, vector<16xf32>,
        %mul3A_309 = arith.mulf %get3A_308, %get3A_131 : vector<16xf32>
        %add3A_310 = arith.addf %add3A_305, %mul3A_309 : vector<16xf32>
        %get3A_311 = arith.index_cast %add3A_281 : i32 to index
        %get3A_312 = arith.constant 96 : index
        %get3A_313 = tpu.vector_load %arg13[%get3A_311, %get3A_312] {strides = array<i32>} : memref<200x128xf32, #tpu.memory_space<vmem>>, vector<16xf32>,
        %mul3A_314 = arith.mulf %get3A_313, %get3A_134 : vector<16xf32>
        %add3A_315 = arith.addf %add3A_310, %mul3A_314 : vector<16xf32>
        %get3A_316 = arith.index_cast %add3A_281 : i32 to index
        %get3A_317 = arith.constant 112 : index
        %get3A_318 = tpu.vector_load %arg13[%get3A_316, %get3A_317] {strides = array<i32>} : memref<200x128xf32, #tpu.memory_space<vmem>>, vector<16xf32>,
        %mul3A_319 = arith.mulf %get3A_318, %get3A_137 : vector<16xf32>
        %add3A_320 = arith.addf %add3A_315, %mul3A_319 : vector<16xf32>
        %iota3A_321 = tpu.iota {dimensions = array<i32: 0>} : vector<16xi32>
        %xor3A = arith.constant 1 : i32
        %xor3A_322 = vector.broadcast %xor3A : i32 to vector<16xi32>
        %xor3A_323 = arith.xori %iota3A_321, %xor3A_322 : vector<16xi32>
        %broadcast_in_dim3A_324 = vector.shape_cast %xor3A_323 : vector<16xi32> to vector<16x1xi32>
        %gather3A_325 = vector.shape_cast %broadcast_in_dim3A_324 : vector<16x1xi32> to vector<16xi32>
        %gather3A_326 = tpu.dynamic_gather %add3A_320[%gather3A_325] in [0] : vector<16xf32>, vector<16xi32> -> vector<16xf32>
        %add3A_327 = arith.addf %add3A_320, %gather3A_326 : vector<16xf32>
        %xor3A_328 = arith.constant 2 : i32
        %xor3A_329 = vector.broadcast %xor3A_328 : i32 to vector<16xi32>
        %xor3A_330 = arith.xori %iota3A_321, %xor3A_329 : vector<16xi32>
        %broadcast_in_dim3A_331 = vector.shape_cast %xor3A_330 : vector<16xi32> to vector<16x1xi32>
        %gather3A_332 = vector.shape_cast %broadcast_in_dim3A_331 : vector<16x1xi32> to vector<16xi32>
        %gather3A_333 = tpu.dynamic_gather %add3A_327[%gather3A_332] in [0] : vector<16xf32>, vector<16xi32> -> vector<16xf32>
        %add3A_334 = arith.addf %add3A_327, %gather3A_333 : vector<16xf32>
        %xor3A_335 = arith.constant 4 : i32
        %xor3A_336 = vector.broadcast %xor3A_335 : i32 to vector<16xi32>
        %xor3A_337 = arith.xori %iota3A_321, %xor3A_336 : vector<16xi32>
        %broadcast_in_dim3A_338 = vector.shape_cast %xor3A_337 : vector<16xi32> to vector<16x1xi32>
        %gather3A_339 = vector.shape_cast %broadcast_in_dim3A_338 : vector<16x1xi32> to vector<16xi32>
        %gather3A_340 = tpu.dynamic_gather %add3A_334[%gather3A_339] in [0] : vector<16xf32>, vector<16xi32> -> vector<16xf32>
        %add3A_341 = arith.addf %add3A_334, %gather3A_340 : vector<16xf32>
        %xor3A_342 = arith.constant 8 : i32
        %xor3A_343 = vector.broadcast %xor3A_342 : i32 to vector<16xi32>
        %xor3A_344 = arith.xori %iota3A_321, %xor3A_343 : vector<16xi32>
        %broadcast_in_dim3A_345 = vector.shape_cast %xor3A_344 : vector<16xi32> to vector<16x1xi32>
        %gather3A_346 = vector.shape_cast %broadcast_in_dim3A_345 : vector<16x1xi32> to vector<16xi32>
        %gather3A_347 = tpu.dynamic_gather %add3A_341[%gather3A_346] in [0] : vector<16xf32>, vector<16xi32> -> vector<16xf32>
        %add3A_348 = arith.addf %add3A_341, %gather3A_347 : vector<16xf32>
        %eq3A = arith.constant 0 : i32
        %eq3A_349 = vector.broadcast %eq3A : i32 to vector<16xi32>
        %eq3A_350 = arith.cmpi eq, %iota3A, %eq3A_349 : vector<16xi32>
        %select_n3A_351 = arith.select %eq3A_350, %add3A_348, %broadcast_in_dim3A_279 : vector<16xi1>, vector<16xf32>
        %add3A_352 = arith.constant 1 : i32
        %add3A_353 = arith.addi %min3A_277, %add3A_352 : i32
        %get3A_354 = arith.index_cast %add3A_353 : i32 to index
        %get3A_355 = arith.constant 0 : index
        %get3A_356 = tpu.vector_load %arg13[%get3A_354, %get3A_355] {strides = array<i32>} : memref<200x128xf32, #tpu.memory_space<vmem>>, vector<16xf32>,
        %mul3A_357 = arith.mulf %get3A_356, %get3A_116 : vector<16xf32>
        %get3A_358 = arith.index_cast %add3A_353 : i32 to index
        %get3A_359 = arith.constant 16 : index
        %get3A_360 = tpu.vector_load %arg13[%get3A_358, %get3A_359] {strides = array<i32>} : memref<200x128xf32, #tpu.memory_space<vmem>>, vector<16xf32>,
        %mul3A_361 = arith.mulf %get3A_360, %get3A_119 : vector<16xf32>
        %add3A_362 = arith.addf %mul3A_357, %mul3A_361 : vector<16xf32>
        %get3A_363 = arith.index_cast %add3A_353 : i32 to index
        %get3A_364 = arith.constant 32 : index
        %get3A_365 = tpu.vector_load %arg13[%get3A_363, %get3A_364] {strides = array<i32>} : memref<200x128xf32, #tpu.memory_space<vmem>>, vector<16xf32>,
        %mul3A_366 = arith.mulf %get3A_365, %get3A_122 : vector<16xf32>
        %add3A_367 = arith.addf %add3A_362, %mul3A_366 : vector<16xf32>
        %get3A_368 = arith.index_cast %add3A_353 : i32 to index
        %get3A_369 = arith.constant 48 : index
        %get3A_370 = tpu.vector_load %arg13[%get3A_368, %get3A_369] {strides = array<i32>} : memref<200x128xf32, #tpu.memory_space<vmem>>, vector<16xf32>,
        %mul3A_371 = arith.mulf %get3A_370, %get3A_125 : vector<16xf32>
        %add3A_372 = arith.addf %add3A_367, %mul3A_371 : vector<16xf32>
        %get3A_373 = arith.index_cast %add3A_353 : i32 to index
        %get3A_374 = arith.constant 64 : index
        %get3A_375 = tpu.vector_load %arg13[%get3A_373, %get3A_374] {strides = array<i32>} : memref<200x128xf32, #tpu.memory_space<vmem>>, vector<16xf32>,
        %mul3A_376 = arith.mulf %get3A_375, %get3A_128 : vector<16xf32>
        %add3A_377 = arith.addf %add3A_372, %mul3A_376 : vector<16xf32>
        %get3A_378 = arith.index_cast %add3A_353 : i32 to index
        %get3A_379 = arith.constant 80 : index
        %get3A_380 = tpu.vector_load %arg13[%get3A_378, %get3A_379] {strides = array<i32>} : memref<200x128xf32, #tpu.memory_space<vmem>>, vector<16xf32>,
        %mul3A_381 = arith.mulf %get3A_380, %get3A_131 : vector<16xf32>
        %add3A_382 = arith.addf %add3A_377, %mul3A_381 : vector<16xf32>
        %get3A_383 = arith.index_cast %add3A_353 : i32 to index
        %get3A_384 = arith.constant 96 : index
        %get3A_385 = tpu.vector_load %arg13[%get3A_383, %get3A_384] {strides = array<i32>} : memref<200x128xf32, #tpu.memory_space<vmem>>, vector<16xf32>,
        %mul3A_386 = arith.mulf %get3A_385, %get3A_134 : vector<16xf32>
        %add3A_387 = arith.addf %add3A_382, %mul3A_386 : vector<16xf32>
        %get3A_388 = arith.index_cast %add3A_353 : i32 to index
        %get3A_389 = arith.constant 112 : index
        %get3A_390 = tpu.vector_load %arg13[%get3A_388, %get3A_389] {strides = array<i32>} : memref<200x128xf32, #tpu.memory_space<vmem>>, vector<16xf32>,
        %mul3A_391 = arith.mulf %get3A_390, %get3A_137 : vector<16xf32>
        %add3A_392 = arith.addf %add3A_387, %mul3A_391 : vector<16xf32>
        %iota3A_393 = tpu.iota {dimensions = array<i32: 0>} : vector<16xi32>
        %xor3A_394 = arith.constant 1 : i32
        %xor3A_395 = vector.broadcast %xor3A_394 : i32 to vector<16xi32>
        %xor3A_396 = arith.xori %iota3A_393, %xor3A_395 : vector<16xi32>
        %broadcast_in_dim3A_397 = vector.shape_cast %xor3A_396 : vector<16xi32> to vector<16x1xi32>
        %gather3A_398 = vector.shape_cast %broadcast_in_dim3A_397 : vector<16x1xi32> to vector<16xi32>
        %gather3A_399 = tpu.dynamic_gather %add3A_392[%gather3A_398] in [0] : vector<16xf32>, vector<16xi32> -> vector<16xf32>
        %add3A_400 = arith.addf %add3A_392, %gather3A_399 : vector<16xf32>
        %xor3A_401 = arith.constant 2 : i32
        %xor3A_402 = vector.broadcast %xor3A_401 : i32 to vector<16xi32>
        %xor3A_403 = arith.xori %iota3A_393, %xor3A_402 : vector<16xi32>
        %broadcast_in_dim3A_404 = vector.shape_cast %xor3A_403 : vector<16xi32> to vector<16x1xi32>
        %gather3A_405 = vector.shape_cast %broadcast_in_dim3A_404 : vector<16x1xi32> to vector<16xi32>
        %gather3A_406 = tpu.dynamic_gather %add3A_400[%gather3A_405] in [0] : vector<16xf32>, vector<16xi32> -> vector<16xf32>
        %add3A_407 = arith.addf %add3A_400, %gather3A_406 : vector<16xf32>
        %xor3A_408 = arith.constant 4 : i32
        %xor3A_409 = vector.broadcast %xor3A_408 : i32 to vector<16xi32>
        %xor3A_410 = arith.xori %iota3A_393, %xor3A_409 : vector<16xi32>
        %broadcast_in_dim3A_411 = vector.shape_cast %xor3A_410 : vector<16xi32> to vector<16x1xi32>
        %gather3A_412 = vector.shape_cast %broadcast_in_dim3A_411 : vector<16x1xi32> to vector<16xi32>
        %gather3A_413 = tpu.dynamic_gather %add3A_407[%gather3A_412] in [0] : vector<16xf32>, vector<16xi32> -> vector<16xf32>
        %add3A_414 = arith.addf %add3A_407, %gather3A_413 : vector<16xf32>
        %xor3A_415 = arith.constant 8 : i32
        %xor3A_416 = vector.broadcast %xor3A_415 : i32 to vector<16xi32>
        %xor3A_417 = arith.xori %iota3A_393, %xor3A_416 : vector<16xi32>
        %broadcast_in_dim3A_418 = vector.shape_cast %xor3A_417 : vector<16xi32> to vector<16x1xi32>
        %gather3A_419 = vector.shape_cast %broadcast_in_dim3A_418 : vector<16x1xi32> to vector<16xi32>
        %gather3A_420 = tpu.dynamic_gather %add3A_414[%gather3A_419] in [0] : vector<16xf32>, vector<16xi32> -> vector<16xf32>
        %add3A_421 = arith.addf %add3A_414, %gather3A_420 : vector<16xf32>
        %eq3A_422 = arith.constant 1 : i32
        %eq3A_423 = vector.broadcast %eq3A_422 : i32 to vector<16xi32>
        %eq3A_424 = arith.cmpi eq, %iota3A, %eq3A_423 : vector<16xi32>
        %select_n3A_425 = arith.select %eq3A_424, %add3A_421, %select_n3A_351 : vector<16xi1>, vector<16xf32>
        %add3A_426 = arith.constant 2 : i32
        %add3A_427 = arith.addi %min3A_277, %add3A_426 : i32
        %get3A_428 = arith.index_cast %add3A_427 : i32 to index
        %get3A_429 = arith.constant 0 : index
        %get3A_430 = tpu.vector_load %arg13[%get3A_428, %get3A_429] {strides = array<i32>} : memref<200x128xf32, #tpu.memory_space<vmem>>, vector<16xf32>,
        %mul3A_431 = arith.mulf %get3A_430, %get3A_116 : vector<16xf32>
        %get3A_432 = arith.index_cast %add3A_427 : i32 to index
        %get3A_433 = arith.constant 16 : index
        %get3A_434 = tpu.vector_load %arg13[%get3A_432, %get3A_433] {strides = array<i32>} : memref<200x128xf32, #tpu.memory_space<vmem>>, vector<16xf32>,
        %mul3A_435 = arith.mulf %get3A_434, %get3A_119 : vector<16xf32>
        %add3A_436 = arith.addf %mul3A_431, %mul3A_435 : vector<16xf32>
        %get3A_437 = arith.index_cast %add3A_427 : i32 to index
        %get3A_438 = arith.constant 32 : index
        %get3A_439 = tpu.vector_load %arg13[%get3A_437, %get3A_438] {strides = array<i32>} : memref<200x128xf32, #tpu.memory_space<vmem>>, vector<16xf32>,
        %mul3A_440 = arith.mulf %get3A_439, %get3A_122 : vector<16xf32>
        %add3A_441 = arith.addf %add3A_436, %mul3A_440 : vector<16xf32>
        %get3A_442 = arith.index_cast %add3A_427 : i32 to index
        %get3A_443 = arith.constant 48 : index
        %get3A_444 = tpu.vector_load %arg13[%get3A_442, %get3A_443] {strides = array<i32>} : memref<200x128xf32, #tpu.memory_space<vmem>>, vector<16xf32>,
        %mul3A_445 = arith.mulf %get3A_444, %get3A_125 : vector<16xf32>
        %add3A_446 = arith.addf %add3A_441, %mul3A_445 : vector<16xf32>
        %get3A_447 = arith.index_cast %add3A_427 : i32 to index
        %get3A_448 = arith.constant 64 : index
        %get3A_449 = tpu.vector_load %arg13[%get3A_447, %get3A_448] {strides = array<i32>} : memref<200x128xf32, #tpu.memory_space<vmem>>, vector<16xf32>,
        %mul3A_450 = arith.mulf %get3A_449, %get3A_128 : vector<16xf32>
        %add3A_451 = arith.addf %add3A_446, %mul3A_450 : vector<16xf32>
        %get3A_452 = arith.index_cast %add3A_427 : i32 to index
        %get3A_453 = arith.constant 80 : index
        %get3A_454 = tpu.vector_load %arg13[%get3A_452, %get3A_453] {strides = array<i32>} : memref<200x128xf32, #tpu.memory_space<vmem>>, vector<16xf32>,
        %mul3A_455 = arith.mulf %get3A_454, %get3A_131 : vector<16xf32>
        %add3A_456 = arith.addf %add3A_451, %mul3A_455 : vector<16xf32>
        %get3A_457 = arith.index_cast %add3A_427 : i32 to index
        %get3A_458 = arith.constant 96 : index
        %get3A_459 = tpu.vector_load %arg13[%get3A_457, %get3A_458] {strides = array<i32>} : memref<200x128xf32, #tpu.memory_space<vmem>>, vector<16xf32>,
        %mul3A_460 = arith.mulf %get3A_459, %get3A_134 : vector<16xf32>
        %add3A_461 = arith.addf %add3A_456, %mul3A_460 : vector<16xf32>
        %get3A_462 = arith.index_cast %add3A_427 : i32 to index
        %get3A_463 = arith.constant 112 : index
        %get3A_464 = tpu.vector_load %arg13[%get3A_462, %get3A_463] {strides = array<i32>} : memref<200x128xf32, #tpu.memory_space<vmem>>, vector<16xf32>,
        %mul3A_465 = arith.mulf %get3A_464, %get3A_137 : vector<16xf32>
        %add3A_466 = arith.addf %add3A_461, %mul3A_465 : vector<16xf32>
        %iota3A_467 = tpu.iota {dimensions = array<i32: 0>} : vector<16xi32>
        %xor3A_468 = arith.constant 1 : i32
        %xor3A_469 = vector.broadcast %xor3A_468 : i32 to vector<16xi32>
        %xor3A_470 = arith.xori %iota3A_467, %xor3A_469 : vector<16xi32>
        %broadcast_in_dim3A_471 = vector.shape_cast %xor3A_470 : vector<16xi32> to vector<16x1xi32>
        %gather3A_472 = vector.shape_cast %broadcast_in_dim3A_471 : vector<16x1xi32> to vector<16xi32>
        %gather3A_473 = tpu.dynamic_gather %add3A_466[%gather3A_472] in [0] : vector<16xf32>, vector<16xi32> -> vector<16xf32>
        %add3A_474 = arith.addf %add3A_466, %gather3A_473 : vector<16xf32>
        %xor3A_475 = arith.constant 2 : i32
        %xor3A_476 = vector.broadcast %xor3A_475 : i32 to vector<16xi32>
        %xor3A_477 = arith.xori %iota3A_467, %xor3A_476 : vector<16xi32>
        %broadcast_in_dim3A_478 = vector.shape_cast %xor3A_477 : vector<16xi32> to vector<16x1xi32>
        %gather3A_479 = vector.shape_cast %broadcast_in_dim3A_478 : vector<16x1xi32> to vector<16xi32>
        %gather3A_480 = tpu.dynamic_gather %add3A_474[%gather3A_479] in [0] : vector<16xf32>, vector<16xi32> -> vector<16xf32>
        %add3A_481 = arith.addf %add3A_474, %gather3A_480 : vector<16xf32>
        %xor3A_482 = arith.constant 4 : i32
        %xor3A_483 = vector.broadcast %xor3A_482 : i32 to vector<16xi32>
        %xor3A_484 = arith.xori %iota3A_467, %xor3A_483 : vector<16xi32>
        %broadcast_in_dim3A_485 = vector.shape_cast %xor3A_484 : vector<16xi32> to vector<16x1xi32>
        %gather3A_486 = vector.shape_cast %broadcast_in_dim3A_485 : vector<16x1xi32> to vector<16xi32>
        %gather3A_487 = tpu.dynamic_gather %add3A_481[%gather3A_486] in [0] : vector<16xf32>, vector<16xi32> -> vector<16xf32>
        %add3A_488 = arith.addf %add3A_481, %gather3A_487 : vector<16xf32>
        %xor3A_489 = arith.constant 8 : i32
        %xor3A_490 = vector.broadcast %xor3A_489 : i32 to vector<16xi32>
        %xor3A_491 = arith.xori %iota3A_467, %xor3A_490 : vector<16xi32>
        %broadcast_in_dim3A_492 = vector.shape_cast %xor3A_491 : vector<16xi32> to vector<16x1xi32>
        %gather3A_493 = vector.shape_cast %broadcast_in_dim3A_492 : vector<16x1xi32> to vector<16xi32>
        %gather3A_494 = tpu.dynamic_gather %add3A_488[%gather3A_493] in [0] : vector<16xf32>, vector<16xi32> -> vector<16xf32>
        %add3A_495 = arith.addf %add3A_488, %gather3A_494 : vector<16xf32>
        %eq3A_496 = arith.constant 2 : i32
        %eq3A_497 = vector.broadcast %eq3A_496 : i32 to vector<16xi32>
        %eq3A_498 = arith.cmpi eq, %iota3A, %eq3A_497 : vector<16xi32>
        %select_n3A_499 = arith.select %eq3A_498, %add3A_495, %select_n3A_425 : vector<16xi1>, vector<16xf32>
        %add3A_500 = arith.constant 3 : i32
        %add3A_501 = arith.addi %min3A_277, %add3A_500 : i32
        %get3A_502 = arith.index_cast %add3A_501 : i32 to index
        %get3A_503 = arith.constant 0 : index
        %get3A_504 = tpu.vector_load %arg13[%get3A_502, %get3A_503] {strides = array<i32>} : memref<200x128xf32, #tpu.memory_space<vmem>>, vector<16xf32>,
        %mul3A_505 = arith.mulf %get3A_504, %get3A_116 : vector<16xf32>
        %get3A_506 = arith.index_cast %add3A_501 : i32 to index
        %get3A_507 = arith.constant 16 : index
        %get3A_508 = tpu.vector_load %arg13[%get3A_506, %get3A_507] {strides = array<i32>} : memref<200x128xf32, #tpu.memory_space<vmem>>, vector<16xf32>,
        %mul3A_509 = arith.mulf %get3A_508, %get3A_119 : vector<16xf32>
        %add3A_510 = arith.addf %mul3A_505, %mul3A_509 : vector<16xf32>
        %get3A_511 = arith.index_cast %add3A_501 : i32 to index
        %get3A_512 = arith.constant 32 : index
        %get3A_513 = tpu.vector_load %arg13[%get3A_511, %get3A_512] {strides = array<i32>} : memref<200x128xf32, #tpu.memory_space<vmem>>, vector<16xf32>,
        %mul3A_514 = arith.mulf %get3A_513, %get3A_122 : vector<16xf32>
        %add3A_515 = arith.addf %add3A_510, %mul3A_514 : vector<16xf32>
        %get3A_516 = arith.index_cast %add3A_501 : i32 to index
        %get3A_517 = arith.constant 48 : index
        %get3A_518 = tpu.vector_load %arg13[%get3A_516, %get3A_517] {strides = array<i32>} : memref<200x128xf32, #tpu.memory_space<vmem>>, vector<16xf32>,
        %mul3A_519 = arith.mulf %get3A_518, %get3A_125 : vector<16xf32>
        %add3A_520 = arith.addf %add3A_515, %mul3A_519 : vector<16xf32>
        %get3A_521 = arith.index_cast %add3A_501 : i32 to index
        %get3A_522 = arith.constant 64 : index
        %get3A_523 = tpu.vector_load %arg13[%get3A_521, %get3A_522] {strides = array<i32>} : memref<200x128xf32, #tpu.memory_space<vmem>>, vector<16xf32>,
        %mul3A_524 = arith.mulf %get3A_523, %get3A_128 : vector<16xf32>
        %add3A_525 = arith.addf %add3A_520, %mul3A_524 : vector<16xf32>
        %get3A_526 = arith.index_cast %add3A_501 : i32 to index
        %get3A_527 = arith.constant 80 : index
        %get3A_528 = tpu.vector_load %arg13[%get3A_526, %get3A_527] {strides = array<i32>} : memref<200x128xf32, #tpu.memory_space<vmem>>, vector<16xf32>,
        %mul3A_529 = arith.mulf %get3A_528, %get3A_131 : vector<16xf32>
        %add3A_530 = arith.addf %add3A_525, %mul3A_529 : vector<16xf32>
        %get3A_531 = arith.index_cast %add3A_501 : i32 to index
        %get3A_532 = arith.constant 96 : index
        %get3A_533 = tpu.vector_load %arg13[%get3A_531, %get3A_532] {strides = array<i32>} : memref<200x128xf32, #tpu.memory_space<vmem>>, vector<16xf32>,
        %mul3A_534 = arith.mulf %get3A_533, %get3A_134 : vector<16xf32>
        %add3A_535 = arith.addf %add3A_530, %mul3A_534 : vector<16xf32>
        %get3A_536 = arith.index_cast %add3A_501 : i32 to index
        %get3A_537 = arith.constant 112 : index
        %get3A_538 = tpu.vector_load %arg13[%get3A_536, %get3A_537] {strides = array<i32>} : memref<200x128xf32, #tpu.memory_space<vmem>>, vector<16xf32>,
        %mul3A_539 = arith.mulf %get3A_538, %get3A_137 : vector<16xf32>
        %add3A_540 = arith.addf %add3A_535, %mul3A_539 : vector<16xf32>
        %iota3A_541 = tpu.iota {dimensions = array<i32: 0>} : vector<16xi32>
        %xor3A_542 = arith.constant 1 : i32
        %xor3A_543 = vector.broadcast %xor3A_542 : i32 to vector<16xi32>
        %xor3A_544 = arith.xori %iota3A_541, %xor3A_543 : vector<16xi32>
        %broadcast_in_dim3A_545 = vector.shape_cast %xor3A_544 : vector<16xi32> to vector<16x1xi32>
        %gather3A_546 = vector.shape_cast %broadcast_in_dim3A_545 : vector<16x1xi32> to vector<16xi32>
        %gather3A_547 = tpu.dynamic_gather %add3A_540[%gather3A_546] in [0] : vector<16xf32>, vector<16xi32> -> vector<16xf32>
        %add3A_548 = arith.addf %add3A_540, %gather3A_547 : vector<16xf32>
        %xor3A_549 = arith.constant 2 : i32
        %xor3A_550 = vector.broadcast %xor3A_549 : i32 to vector<16xi32>
        %xor3A_551 = arith.xori %iota3A_541, %xor3A_550 : vector<16xi32>
        %broadcast_in_dim3A_552 = vector.shape_cast %xor3A_551 : vector<16xi32> to vector<16x1xi32>
        %gather3A_553 = vector.shape_cast %broadcast_in_dim3A_552 : vector<16x1xi32> to vector<16xi32>
        %gather3A_554 = tpu.dynamic_gather %add3A_548[%gather3A_553] in [0] : vector<16xf32>, vector<16xi32> -> vector<16xf32>
        %add3A_555 = arith.addf %add3A_548, %gather3A_554 : vector<16xf32>
        %xor3A_556 = arith.constant 4 : i32
        %xor3A_557 = vector.broadcast %xor3A_556 : i32 to vector<16xi32>
        %xor3A_558 = arith.xori %iota3A_541, %xor3A_557 : vector<16xi32>
        %broadcast_in_dim3A_559 = vector.shape_cast %xor3A_558 : vector<16xi32> to vector<16x1xi32>
        %gather3A_560 = vector.shape_cast %broadcast_in_dim3A_559 : vector<16x1xi32> to vector<16xi32>
        %gather3A_561 = tpu.dynamic_gather %add3A_555[%gather3A_560] in [0] : vector<16xf32>, vector<16xi32> -> vector<16xf32>
        %add3A_562 = arith.addf %add3A_555, %gather3A_561 : vector<16xf32>
        %xor3A_563 = arith.constant 8 : i32
        %xor3A_564 = vector.broadcast %xor3A_563 : i32 to vector<16xi32>
        %xor3A_565 = arith.xori %iota3A_541, %xor3A_564 : vector<16xi32>
        %broadcast_in_dim3A_566 = vector.shape_cast %xor3A_565 : vector<16xi32> to vector<16x1xi32>
        %gather3A_567 = vector.shape_cast %broadcast_in_dim3A_566 : vector<16x1xi32> to vector<16xi32>
        %gather3A_568 = tpu.dynamic_gather %add3A_562[%gather3A_567] in [0] : vector<16xf32>, vector<16xi32> -> vector<16xf32>
        %add3A_569 = arith.addf %add3A_562, %gather3A_568 : vector<16xf32>
        %eq3A_570 = arith.constant 3 : i32
        %eq3A_571 = vector.broadcast %eq3A_570 : i32 to vector<16xi32>
        %eq3A_572 = arith.cmpi eq, %iota3A, %eq3A_571 : vector<16xi32>
        %select_n3A_573 = arith.select %eq3A_572, %add3A_569, %select_n3A_499 : vector<16xi1>, vector<16xf32>
        %add3A_574 = arith.constant 4 : i32
        %add3A_575 = arith.addi %min3A_277, %add3A_574 : i32
        %get3A_576 = arith.index_cast %add3A_575 : i32 to index
        %get3A_577 = arith.constant 0 : index
        %get3A_578 = tpu.vector_load %arg13[%get3A_576, %get3A_577] {strides = array<i32>} : memref<200x128xf32, #tpu.memory_space<vmem>>, vector<16xf32>,
        %mul3A_579 = arith.mulf %get3A_578, %get3A_116 : vector<16xf32>
        %get3A_580 = arith.index_cast %add3A_575 : i32 to index
        %get3A_581 = arith.constant 16 : index
        %get3A_582 = tpu.vector_load %arg13[%get3A_580, %get3A_581] {strides = array<i32>} : memref<200x128xf32, #tpu.memory_space<vmem>>, vector<16xf32>,
        %mul3A_583 = arith.mulf %get3A_582, %get3A_119 : vector<16xf32>
        %add3A_584 = arith.addf %mul3A_579, %mul3A_583 : vector<16xf32>
        %get3A_585 = arith.index_cast %add3A_575 : i32 to index
        %get3A_586 = arith.constant 32 : index
        %get3A_587 = tpu.vector_load %arg13[%get3A_585, %get3A_586] {strides = array<i32>} : memref<200x128xf32, #tpu.memory_space<vmem>>, vector<16xf32>,
        %mul3A_588 = arith.mulf %get3A_587, %get3A_122 : vector<16xf32>
        %add3A_589 = arith.addf %add3A_584, %mul3A_588 : vector<16xf32>
        %get3A_590 = arith.index_cast %add3A_575 : i32 to index
        %get3A_591 = arith.constant 48 : index
        %get3A_592 = tpu.vector_load %arg13[%get3A_590, %get3A_591] {strides = array<i32>} : memref<200x128xf32, #tpu.memory_space<vmem>>, vector<16xf32>,
        %mul3A_593 = arith.mulf %get3A_592, %get3A_125 : vector<16xf32>
        %add3A_594 = arith.addf %add3A_589, %mul3A_593 : vector<16xf32>
        %get3A_595 = arith.index_cast %add3A_575 : i32 to index
        %get3A_596 = arith.constant 64 : index
        %get3A_597 = tpu.vector_load %arg13[%get3A_595, %get3A_596] {strides = array<i32>} : memref<200x128xf32, #tpu.memory_space<vmem>>, vector<16xf32>,
        %mul3A_598 = arith.mulf %get3A_597, %get3A_128 : vector<16xf32>
        %add3A_599 = arith.addf %add3A_594, %mul3A_598 : vector<16xf32>
        %get3A_600 = arith.index_cast %add3A_575 : i32 to index
        %get3A_601 = arith.constant 80 : index
        %get3A_602 = tpu.vector_load %arg13[%get3A_600, %get3A_601] {strides = array<i32>} : memref<200x128xf32, #tpu.memory_space<vmem>>, vector<16xf32>,
        %mul3A_603 = arith.mulf %get3A_602, %get3A_131 : vector<16xf32>
        %add3A_604 = arith.addf %add3A_599, %mul3A_603 : vector<16xf32>
        %get3A_605 = arith.index_cast %add3A_575 : i32 to index
        %get3A_606 = arith.constant 96 : index
        %get3A_607 = tpu.vector_load %arg13[%get3A_605, %get3A_606] {strides = array<i32>} : memref<200x128xf32, #tpu.memory_space<vmem>>, vector<16xf32>,
        %mul3A_608 = arith.mulf %get3A_607, %get3A_134 : vector<16xf32>
        %add3A_609 = arith.addf %add3A_604, %mul3A_608 : vector<16xf32>
        %get3A_610 = arith.index_cast %add3A_575 : i32 to index
        %get3A_611 = arith.constant 112 : index
        %get3A_612 = tpu.vector_load %arg13[%get3A_610, %get3A_611] {strides = array<i32>} : memref<200x128xf32, #tpu.memory_space<vmem>>, vector<16xf32>,
        %mul3A_613 = arith.mulf %get3A_612, %get3A_137 : vector<16xf32>
        %add3A_614 = arith.addf %add3A_609, %mul3A_613 : vector<16xf32>
        %iota3A_615 = tpu.iota {dimensions = array<i32: 0>} : vector<16xi32>
        %xor3A_616 = arith.constant 1 : i32
        %xor3A_617 = vector.broadcast %xor3A_616 : i32 to vector<16xi32>
        %xor3A_618 = arith.xori %iota3A_615, %xor3A_617 : vector<16xi32>
        %broadcast_in_dim3A_619 = vector.shape_cast %xor3A_618 : vector<16xi32> to vector<16x1xi32>
        %gather3A_620 = vector.shape_cast %broadcast_in_dim3A_619 : vector<16x1xi32> to vector<16xi32>
        %gather3A_621 = tpu.dynamic_gather %add3A_614[%gather3A_620] in [0] : vector<16xf32>, vector<16xi32> -> vector<16xf32>
        %add3A_622 = arith.addf %add3A_614, %gather3A_621 : vector<16xf32>
        %xor3A_623 = arith.constant 2 : i32
        %xor3A_624 = vector.broadcast %xor3A_623 : i32 to vector<16xi32>
        %xor3A_625 = arith.xori %iota3A_615, %xor3A_624 : vector<16xi32>
        %broadcast_in_dim3A_626 = vector.shape_cast %xor3A_625 : vector<16xi32> to vector<16x1xi32>
        %gather3A_627 = vector.shape_cast %broadcast_in_dim3A_626 : vector<16x1xi32> to vector<16xi32>
        %gather3A_628 = tpu.dynamic_gather %add3A_622[%gather3A_627] in [0] : vector<16xf32>, vector<16xi32> -> vector<16xf32>
        %add3A_629 = arith.addf %add3A_622, %gather3A_628 : vector<16xf32>
        %xor3A_630 = arith.constant 4 : i32
        %xor3A_631 = vector.broadcast %xor3A_630 : i32 to vector<16xi32>
        %xor3A_632 = arith.xori %iota3A_615, %xor3A_631 : vector<16xi32>
        %broadcast_in_dim3A_633 = vector.shape_cast %xor3A_632 : vector<16xi32> to vector<16x1xi32>
        %gather3A_634 = vector.shape_cast %broadcast_in_dim3A_633 : vector<16x1xi32> to vector<16xi32>
        %gather3A_635 = tpu.dynamic_gather %add3A_629[%gather3A_634] in [0] : vector<16xf32>, vector<16xi32> -> vector<16xf32>
        %add3A_636 = arith.addf %add3A_629, %gather3A_635 : vector<16xf32>
        %xor3A_637 = arith.constant 8 : i32
        %xor3A_638 = vector.broadcast %xor3A_637 : i32 to vector<16xi32>
        %xor3A_639 = arith.xori %iota3A_615, %xor3A_638 : vector<16xi32>
        %broadcast_in_dim3A_640 = vector.shape_cast %xor3A_639 : vector<16xi32> to vector<16x1xi32>
        %gather3A_641 = vector.shape_cast %broadcast_in_dim3A_640 : vector<16x1xi32> to vector<16xi32>
        %gather3A_642 = tpu.dynamic_gather %add3A_636[%gather3A_641] in [0] : vector<16xf32>, vector<16xi32> -> vector<16xf32>
        %add3A_643 = arith.addf %add3A_636, %gather3A_642 : vector<16xf32>
        %eq3A_644 = arith.constant 4 : i32
        %eq3A_645 = vector.broadcast %eq3A_644 : i32 to vector<16xi32>
        %eq3A_646 = arith.cmpi eq, %iota3A, %eq3A_645 : vector<16xi32>
        %select_n3A_647 = arith.select %eq3A_646, %add3A_643, %select_n3A_573 : vector<16xi1>, vector<16xf32>
        %add3A_648 = arith.constant 5 : i32
        %add3A_649 = arith.addi %min3A_277, %add3A_648 : i32
        %get3A_650 = arith.index_cast %add3A_649 : i32 to index
        %get3A_651 = arith.constant 0 : index
        %get3A_652 = tpu.vector_load %arg13[%get3A_650, %get3A_651] {strides = array<i32>} : memref<200x128xf32, #tpu.memory_space<vmem>>, vector<16xf32>,
        %mul3A_653 = arith.mulf %get3A_652, %get3A_116 : vector<16xf32>
        %get3A_654 = arith.index_cast %add3A_649 : i32 to index
        %get3A_655 = arith.constant 16 : index
        %get3A_656 = tpu.vector_load %arg13[%get3A_654, %get3A_655] {strides = array<i32>} : memref<200x128xf32, #tpu.memory_space<vmem>>, vector<16xf32>,
        %mul3A_657 = arith.mulf %get3A_656, %get3A_119 : vector<16xf32>
        %add3A_658 = arith.addf %mul3A_653, %mul3A_657 : vector<16xf32>
        %get3A_659 = arith.index_cast %add3A_649 : i32 to index
        %get3A_660 = arith.constant 32 : index
        %get3A_661 = tpu.vector_load %arg13[%get3A_659, %get3A_660] {strides = array<i32>} : memref<200x128xf32, #tpu.memory_space<vmem>>, vector<16xf32>,
        %mul3A_662 = arith.mulf %get3A_661, %get3A_122 : vector<16xf32>
        %add3A_663 = arith.addf %add3A_658, %mul3A_662 : vector<16xf32>
        %get3A_664 = arith.index_cast %add3A_649 : i32 to index
        %get3A_665 = arith.constant 48 : index
        %get3A_666 = tpu.vector_load %arg13[%get3A_664, %get3A_665] {strides = array<i32>} : memref<200x128xf32, #tpu.memory_space<vmem>>, vector<16xf32>,
        %mul3A_667 = arith.mulf %get3A_666, %get3A_125 : vector<16xf32>
        %add3A_668 = arith.addf %add3A_663, %mul3A_667 : vector<16xf32>
        %get3A_669 = arith.index_cast %add3A_649 : i32 to index
        %get3A_670 = arith.constant 64 : index
        %get3A_671 = tpu.vector_load %arg13[%get3A_669, %get3A_670] {strides = array<i32>} : memref<200x128xf32, #tpu.memory_space<vmem>>, vector<16xf32>,
        %mul3A_672 = arith.mulf %get3A_671, %get3A_128 : vector<16xf32>
        %add3A_673 = arith.addf %add3A_668, %mul3A_672 : vector<16xf32>
        %get3A_674 = arith.index_cast %add3A_649 : i32 to index
        %get3A_675 = arith.constant 80 : index
        %get3A_676 = tpu.vector_load %arg13[%get3A_674, %get3A_675] {strides = array<i32>} : memref<200x128xf32, #tpu.memory_space<vmem>>, vector<16xf32>,
        %mul3A_677 = arith.mulf %get3A_676, %get3A_131 : vector<16xf32>
        %add3A_678 = arith.addf %add3A_673, %mul3A_677 : vector<16xf32>
        %get3A_679 = arith.index_cast %add3A_649 : i32 to index
        %get3A_680 = arith.constant 96 : index
        %get3A_681 = tpu.vector_load %arg13[%get3A_679, %get3A_680] {strides = array<i32>} : memref<200x128xf32, #tpu.memory_space<vmem>>, vector<16xf32>,
        %mul3A_682 = arith.mulf %get3A_681, %get3A_134 : vector<16xf32>
        %add3A_683 = arith.addf %add3A_678, %mul3A_682 : vector<16xf32>
        %get3A_684 = arith.index_cast %add3A_649 : i32 to index
        %get3A_685 = arith.constant 112 : index
        %get3A_686 = tpu.vector_load %arg13[%get3A_684, %get3A_685] {strides = array<i32>} : memref<200x128xf32, #tpu.memory_space<vmem>>, vector<16xf32>,
        %mul3A_687 = arith.mulf %get3A_686, %get3A_137 : vector<16xf32>
        %add3A_688 = arith.addf %add3A_683, %mul3A_687 : vector<16xf32>
        %iota3A_689 = tpu.iota {dimensions = array<i32: 0>} : vector<16xi32>
        %xor3A_690 = arith.constant 1 : i32
        %xor3A_691 = vector.broadcast %xor3A_690 : i32 to vector<16xi32>
        %xor3A_692 = arith.xori %iota3A_689, %xor3A_691 : vector<16xi32>
        %broadcast_in_dim3A_693 = vector.shape_cast %xor3A_692 : vector<16xi32> to vector<16x1xi32>
        %gather3A_694 = vector.shape_cast %broadcast_in_dim3A_693 : vector<16x1xi32> to vector<16xi32>
        %gather3A_695 = tpu.dynamic_gather %add3A_688[%gather3A_694] in [0] : vector<16xf32>, vector<16xi32> -> vector<16xf32>
        %add3A_696 = arith.addf %add3A_688, %gather3A_695 : vector<16xf32>
        %xor3A_697 = arith.constant 2 : i32
        %xor3A_698 = vector.broadcast %xor3A_697 : i32 to vector<16xi32>
        %xor3A_699 = arith.xori %iota3A_689, %xor3A_698 : vector<16xi32>
        %broadcast_in_dim3A_700 = vector.shape_cast %xor3A_699 : vector<16xi32> to vector<16x1xi32>
        %gather3A_701 = vector.shape_cast %broadcast_in_dim3A_700 : vector<16x1xi32> to vector<16xi32>
        %gather3A_702 = tpu.dynamic_gather %add3A_696[%gather3A_701] in [0] : vector<16xf32>, vector<16xi32> -> vector<16xf32>
        %add3A_703 = arith.addf %add3A_696, %gather3A_702 : vector<16xf32>
        %xor3A_704 = arith.constant 4 : i32
        %xor3A_705 = vector.broadcast %xor3A_704 : i32 to vector<16xi32>
        %xor3A_706 = arith.xori %iota3A_689, %xor3A_705 : vector<16xi32>
        %broadcast_in_dim3A_707 = vector.shape_cast %xor3A_706 : vector<16xi32> to vector<16x1xi32>
        %gather3A_708 = vector.shape_cast %broadcast_in_dim3A_707 : vector<16x1xi32> to vector<16xi32>
        %gather3A_709 = tpu.dynamic_gather %add3A_703[%gather3A_708] in [0] : vector<16xf32>, vector<16xi32> -> vector<16xf32>
        %add3A_710 = arith.addf %add3A_703, %gather3A_709 : vector<16xf32>
        %xor3A_711 = arith.constant 8 : i32
        %xor3A_712 = vector.broadcast %xor3A_711 : i32 to vector<16xi32>
        %xor3A_713 = arith.xori %iota3A_689, %xor3A_712 : vector<16xi32>
        %broadcast_in_dim3A_714 = vector.shape_cast %xor3A_713 : vector<16xi32> to vector<16x1xi32>
        %gather3A_715 = vector.shape_cast %broadcast_in_dim3A_714 : vector<16x1xi32> to vector<16xi32>
        %gather3A_716 = tpu.dynamic_gather %add3A_710[%gather3A_715] in [0] : vector<16xf32>, vector<16xi32> -> vector<16xf32>
        %add3A_717 = arith.addf %add3A_710, %gather3A_716 : vector<16xf32>
        %eq3A_718 = arith.constant 5 : i32
        %eq3A_719 = vector.broadcast %eq3A_718 : i32 to vector<16xi32>
        %eq3A_720 = arith.cmpi eq, %iota3A, %eq3A_719 : vector<16xi32>
        %select_n3A_721 = arith.select %eq3A_720, %add3A_717, %select_n3A_647 : vector<16xi1>, vector<16xf32>
        %add3A_722 = arith.constant 6 : i32
        %add3A_723 = arith.addi %min3A_277, %add3A_722 : i32
        %get3A_724 = arith.index_cast %add3A_723 : i32 to index
        %get3A_725 = arith.constant 0 : index
        %get3A_726 = tpu.vector_load %arg13[%get3A_724, %get3A_725] {strides = array<i32>} : memref<200x128xf32, #tpu.memory_space<vmem>>, vector<16xf32>,
        %mul3A_727 = arith.mulf %get3A_726, %get3A_116 : vector<16xf32>
        %get3A_728 = arith.index_cast %add3A_723 : i32 to index
        %get3A_729 = arith.constant 16 : index
        %get3A_730 = tpu.vector_load %arg13[%get3A_728, %get3A_729] {strides = array<i32>} : memref<200x128xf32, #tpu.memory_space<vmem>>, vector<16xf32>,
        %mul3A_731 = arith.mulf %get3A_730, %get3A_119 : vector<16xf32>
        %add3A_732 = arith.addf %mul3A_727, %mul3A_731 : vector<16xf32>
        %get3A_733 = arith.index_cast %add3A_723 : i32 to index
        %get3A_734 = arith.constant 32 : index
        %get3A_735 = tpu.vector_load %arg13[%get3A_733, %get3A_734] {strides = array<i32>} : memref<200x128xf32, #tpu.memory_space<vmem>>, vector<16xf32>,
        %mul3A_736 = arith.mulf %get3A_735, %get3A_122 : vector<16xf32>
        %add3A_737 = arith.addf %add3A_732, %mul3A_736 : vector<16xf32>
        %get3A_738 = arith.index_cast %add3A_723 : i32 to index
        %get3A_739 = arith.constant 48 : index
        %get3A_740 = tpu.vector_load %arg13[%get3A_738, %get3A_739] {strides = array<i32>} : memref<200x128xf32, #tpu.memory_space<vmem>>, vector<16xf32>,
        %mul3A_741 = arith.mulf %get3A_740, %get3A_125 : vector<16xf32>
        %add3A_742 = arith.addf %add3A_737, %mul3A_741 : vector<16xf32>
        %get3A_743 = arith.index_cast %add3A_723 : i32 to index
        %get3A_744 = arith.constant 64 : index
        %get3A_745 = tpu.vector_load %arg13[%get3A_743, %get3A_744] {strides = array<i32>} : memref<200x128xf32, #tpu.memory_space<vmem>>, vector<16xf32>,
        %mul3A_746 = arith.mulf %get3A_745, %get3A_128 : vector<16xf32>
        %add3A_747 = arith.addf %add3A_742, %mul3A_746 : vector<16xf32>
        %get3A_748 = arith.index_cast %add3A_723 : i32 to index
        %get3A_749 = arith.constant 80 : index
        %get3A_750 = tpu.vector_load %arg13[%get3A_748, %get3A_749] {strides = array<i32>} : memref<200x128xf32, #tpu.memory_space<vmem>>, vector<16xf32>,
        %mul3A_751 = arith.mulf %get3A_750, %get3A_131 : vector<16xf32>
        %add3A_752 = arith.addf %add3A_747, %mul3A_751 : vector<16xf32>
        %get3A_753 = arith.index_cast %add3A_723 : i32 to index
        %get3A_754 = arith.constant 96 : index
        %get3A_755 = tpu.vector_load %arg13[%get3A_753, %get3A_754] {strides = array<i32>} : memref<200x128xf32, #tpu.memory_space<vmem>>, vector<16xf32>,
        %mul3A_756 = arith.mulf %get3A_755, %get3A_134 : vector<16xf32>
        %add3A_757 = arith.addf %add3A_752, %mul3A_756 : vector<16xf32>
        %get3A_758 = arith.index_cast %add3A_723 : i32 to index
        %get3A_759 = arith.constant 112 : index
        %get3A_760 = tpu.vector_load %arg13[%get3A_758, %get3A_759] {strides = array<i32>} : memref<200x128xf32, #tpu.memory_space<vmem>>, vector<16xf32>,
        %mul3A_761 = arith.mulf %get3A_760, %get3A_137 : vector<16xf32>
        %add3A_762 = arith.addf %add3A_757, %mul3A_761 : vector<16xf32>
        %iota3A_763 = tpu.iota {dimensions = array<i32: 0>} : vector<16xi32>
        %xor3A_764 = arith.constant 1 : i32
        %xor3A_765 = vector.broadcast %xor3A_764 : i32 to vector<16xi32>
        %xor3A_766 = arith.xori %iota3A_763, %xor3A_765 : vector<16xi32>
        %broadcast_in_dim3A_767 = vector.shape_cast %xor3A_766 : vector<16xi32> to vector<16x1xi32>
        %gather3A_768 = vector.shape_cast %broadcast_in_dim3A_767 : vector<16x1xi32> to vector<16xi32>
        %gather3A_769 = tpu.dynamic_gather %add3A_762[%gather3A_768] in [0] : vector<16xf32>, vector<16xi32> -> vector<16xf32>
        %add3A_770 = arith.addf %add3A_762, %gather3A_769 : vector<16xf32>
        %xor3A_771 = arith.constant 2 : i32
        %xor3A_772 = vector.broadcast %xor3A_771 : i32 to vector<16xi32>
        %xor3A_773 = arith.xori %iota3A_763, %xor3A_772 : vector<16xi32>
        %broadcast_in_dim3A_774 = vector.shape_cast %xor3A_773 : vector<16xi32> to vector<16x1xi32>
        %gather3A_775 = vector.shape_cast %broadcast_in_dim3A_774 : vector<16x1xi32> to vector<16xi32>
        %gather3A_776 = tpu.dynamic_gather %add3A_770[%gather3A_775] in [0] : vector<16xf32>, vector<16xi32> -> vector<16xf32>
        %add3A_777 = arith.addf %add3A_770, %gather3A_776 : vector<16xf32>
        %xor3A_778 = arith.constant 4 : i32
        %xor3A_779 = vector.broadcast %xor3A_778 : i32 to vector<16xi32>
        %xor3A_780 = arith.xori %iota3A_763, %xor3A_779 : vector<16xi32>
        %broadcast_in_dim3A_781 = vector.shape_cast %xor3A_780 : vector<16xi32> to vector<16x1xi32>
        %gather3A_782 = vector.shape_cast %broadcast_in_dim3A_781 : vector<16x1xi32> to vector<16xi32>
        %gather3A_783 = tpu.dynamic_gather %add3A_777[%gather3A_782] in [0] : vector<16xf32>, vector<16xi32> -> vector<16xf32>
        %add3A_784 = arith.addf %add3A_777, %gather3A_783 : vector<16xf32>
        %xor3A_785 = arith.constant 8 : i32
        %xor3A_786 = vector.broadcast %xor3A_785 : i32 to vector<16xi32>
        %xor3A_787 = arith.xori %iota3A_763, %xor3A_786 : vector<16xi32>
        %broadcast_in_dim3A_788 = vector.shape_cast %xor3A_787 : vector<16xi32> to vector<16x1xi32>
        %gather3A_789 = vector.shape_cast %broadcast_in_dim3A_788 : vector<16x1xi32> to vector<16xi32>
        %gather3A_790 = tpu.dynamic_gather %add3A_784[%gather3A_789] in [0] : vector<16xf32>, vector<16xi32> -> vector<16xf32>
        %add3A_791 = arith.addf %add3A_784, %gather3A_790 : vector<16xf32>
        %eq3A_792 = arith.constant 6 : i32
        %eq3A_793 = vector.broadcast %eq3A_792 : i32 to vector<16xi32>
        %eq3A_794 = arith.cmpi eq, %iota3A, %eq3A_793 : vector<16xi32>
        %select_n3A_795 = arith.select %eq3A_794, %add3A_791, %select_n3A_721 : vector<16xi1>, vector<16xf32>
        %add3A_796 = arith.constant 7 : i32
        %add3A_797 = arith.addi %min3A_277, %add3A_796 : i32
        %get3A_798 = arith.index_cast %add3A_797 : i32 to index
        %get3A_799 = arith.constant 0 : index
        %get3A_800 = tpu.vector_load %arg13[%get3A_798, %get3A_799] {strides = array<i32>} : memref<200x128xf32, #tpu.memory_space<vmem>>, vector<16xf32>,
        %mul3A_801 = arith.mulf %get3A_800, %get3A_116 : vector<16xf32>
        %get3A_802 = arith.index_cast %add3A_797 : i32 to index
        %get3A_803 = arith.constant 16 : index
        %get3A_804 = tpu.vector_load %arg13[%get3A_802, %get3A_803] {strides = array<i32>} : memref<200x128xf32, #tpu.memory_space<vmem>>, vector<16xf32>,
        %mul3A_805 = arith.mulf %get3A_804, %get3A_119 : vector<16xf32>
        %add3A_806 = arith.addf %mul3A_801, %mul3A_805 : vector<16xf32>
        %get3A_807 = arith.index_cast %add3A_797 : i32 to index
        %get3A_808 = arith.constant 32 : index
        %get3A_809 = tpu.vector_load %arg13[%get3A_807, %get3A_808] {strides = array<i32>} : memref<200x128xf32, #tpu.memory_space<vmem>>, vector<16xf32>,
        %mul3A_810 = arith.mulf %get3A_809, %get3A_122 : vector<16xf32>
        %add3A_811 = arith.addf %add3A_806, %mul3A_810 : vector<16xf32>
        %get3A_812 = arith.index_cast %add3A_797 : i32 to index
        %get3A_813 = arith.constant 48 : index
        %get3A_814 = tpu.vector_load %arg13[%get3A_812, %get3A_813] {strides = array<i32>} : memref<200x128xf32, #tpu.memory_space<vmem>>, vector<16xf32>,
        %mul3A_815 = arith.mulf %get3A_814, %get3A_125 : vector<16xf32>
        %add3A_816 = arith.addf %add3A_811, %mul3A_815 : vector<16xf32>
        %get3A_817 = arith.index_cast %add3A_797 : i32 to index
        %get3A_818 = arith.constant 64 : index
        %get3A_819 = tpu.vector_load %arg13[%get3A_817, %get3A_818] {strides = array<i32>} : memref<200x128xf32, #tpu.memory_space<vmem>>, vector<16xf32>,
        %mul3A_820 = arith.mulf %get3A_819, %get3A_128 : vector<16xf32>
        %add3A_821 = arith.addf %add3A_816, %mul3A_820 : vector<16xf32>
        %get3A_822 = arith.index_cast %add3A_797 : i32 to index
        %get3A_823 = arith.constant 80 : index
        %get3A_824 = tpu.vector_load %arg13[%get3A_822, %get3A_823] {strides = array<i32>} : memref<200x128xf32, #tpu.memory_space<vmem>>, vector<16xf32>,
        %mul3A_825 = arith.mulf %get3A_824, %get3A_131 : vector<16xf32>
        %add3A_826 = arith.addf %add3A_821, %mul3A_825 : vector<16xf32>
        %get3A_827 = arith.index_cast %add3A_797 : i32 to index
        %get3A_828 = arith.constant 96 : index
        %get3A_829 = tpu.vector_load %arg13[%get3A_827, %get3A_828] {strides = array<i32>} : memref<200x128xf32, #tpu.memory_space<vmem>>, vector<16xf32>,
        %mul3A_830 = arith.mulf %get3A_829, %get3A_134 : vector<16xf32>
        %add3A_831 = arith.addf %add3A_826, %mul3A_830 : vector<16xf32>
        %get3A_832 = arith.index_cast %add3A_797 : i32 to index
        %get3A_833 = arith.constant 112 : index
        %get3A_834 = tpu.vector_load %arg13[%get3A_832, %get3A_833] {strides = array<i32>} : memref<200x128xf32, #tpu.memory_space<vmem>>, vector<16xf32>,
        %mul3A_835 = arith.mulf %get3A_834, %get3A_137 : vector<16xf32>
        %add3A_836 = arith.addf %add3A_831, %mul3A_835 : vector<16xf32>
        %iota3A_837 = tpu.iota {dimensions = array<i32: 0>} : vector<16xi32>
        %xor3A_838 = arith.constant 1 : i32
        %xor3A_839 = vector.broadcast %xor3A_838 : i32 to vector<16xi32>
        %xor3A_840 = arith.xori %iota3A_837, %xor3A_839 : vector<16xi32>
        %broadcast_in_dim3A_841 = vector.shape_cast %xor3A_840 : vector<16xi32> to vector<16x1xi32>
        %gather3A_842 = vector.shape_cast %broadcast_in_dim3A_841 : vector<16x1xi32> to vector<16xi32>
        %gather3A_843 = tpu.dynamic_gather %add3A_836[%gather3A_842] in [0] : vector<16xf32>, vector<16xi32> -> vector<16xf32>
        %add3A_844 = arith.addf %add3A_836, %gather3A_843 : vector<16xf32>
        %xor3A_845 = arith.constant 2 : i32
        %xor3A_846 = vector.broadcast %xor3A_845 : i32 to vector<16xi32>
        %xor3A_847 = arith.xori %iota3A_837, %xor3A_846 : vector<16xi32>
        %broadcast_in_dim3A_848 = vector.shape_cast %xor3A_847 : vector<16xi32> to vector<16x1xi32>
        %gather3A_849 = vector.shape_cast %broadcast_in_dim3A_848 : vector<16x1xi32> to vector<16xi32>
        %gather3A_850 = tpu.dynamic_gather %add3A_844[%gather3A_849] in [0] : vector<16xf32>, vector<16xi32> -> vector<16xf32>
        %add3A_851 = arith.addf %add3A_844, %gather3A_850 : vector<16xf32>
        %xor3A_852 = arith.constant 4 : i32
        %xor3A_853 = vector.broadcast %xor3A_852 : i32 to vector<16xi32>
        %xor3A_854 = arith.xori %iota3A_837, %xor3A_853 : vector<16xi32>
        %broadcast_in_dim3A_855 = vector.shape_cast %xor3A_854 : vector<16xi32> to vector<16x1xi32>
        %gather3A_856 = vector.shape_cast %broadcast_in_dim3A_855 : vector<16x1xi32> to vector<16xi32>
        %gather3A_857 = tpu.dynamic_gather %add3A_851[%gather3A_856] in [0] : vector<16xf32>, vector<16xi32> -> vector<16xf32>
        %add3A_858 = arith.addf %add3A_851, %gather3A_857 : vector<16xf32>
        %xor3A_859 = arith.constant 8 : i32
        %xor3A_860 = vector.broadcast %xor3A_859 : i32 to vector<16xi32>
        %xor3A_861 = arith.xori %iota3A_837, %xor3A_860 : vector<16xi32>
        %broadcast_in_dim3A_862 = vector.shape_cast %xor3A_861 : vector<16xi32> to vector<16x1xi32>
        %gather3A_863 = vector.shape_cast %broadcast_in_dim3A_862 : vector<16x1xi32> to vector<16xi32>
        %gather3A_864 = tpu.dynamic_gather %add3A_858[%gather3A_863] in [0] : vector<16xf32>, vector<16xi32> -> vector<16xf32>
        %add3A_865 = arith.addf %add3A_858, %gather3A_864 : vector<16xf32>
        %eq3A_866 = arith.constant 7 : i32
        %eq3A_867 = vector.broadcast %eq3A_866 : i32 to vector<16xi32>
        %eq3A_868 = arith.cmpi eq, %iota3A, %eq3A_867 : vector<16xi32>
        %select_n3A_869 = arith.select %eq3A_868, %add3A_865, %select_n3A_795 : vector<16xi1>, vector<16xf32>
        %add3A_870 = arith.constant 8 : i32
        %add3A_871 = arith.addi %min3A_277, %add3A_870 : i32
        %get3A_872 = arith.index_cast %add3A_871 : i32 to index
        %get3A_873 = arith.constant 0 : index
        %get3A_874 = tpu.vector_load %arg13[%get3A_872, %get3A_873] {strides = array<i32>} : memref<200x128xf32, #tpu.memory_space<vmem>>, vector<16xf32>,
        %mul3A_875 = arith.mulf %get3A_874, %get3A_116 : vector<16xf32>
        %get3A_876 = arith.index_cast %add3A_871 : i32 to index
        %get3A_877 = arith.constant 16 : index
        %get3A_878 = tpu.vector_load %arg13[%get3A_876, %get3A_877] {strides = array<i32>} : memref<200x128xf32, #tpu.memory_space<vmem>>, vector<16xf32>,
        %mul3A_879 = arith.mulf %get3A_878, %get3A_119 : vector<16xf32>
        %add3A_880 = arith.addf %mul3A_875, %mul3A_879 : vector<16xf32>
        %get3A_881 = arith.index_cast %add3A_871 : i32 to index
        %get3A_882 = arith.constant 32 : index
        %get3A_883 = tpu.vector_load %arg13[%get3A_881, %get3A_882] {strides = array<i32>} : memref<200x128xf32, #tpu.memory_space<vmem>>, vector<16xf32>,
        %mul3A_884 = arith.mulf %get3A_883, %get3A_122 : vector<16xf32>
        %add3A_885 = arith.addf %add3A_880, %mul3A_884 : vector<16xf32>
        %get3A_886 = arith.index_cast %add3A_871 : i32 to index
        %get3A_887 = arith.constant 48 : index
        %get3A_888 = tpu.vector_load %arg13[%get3A_886, %get3A_887] {strides = array<i32>} : memref<200x128xf32, #tpu.memory_space<vmem>>, vector<16xf32>,
        %mul3A_889 = arith.mulf %get3A_888, %get3A_125 : vector<16xf32>
        %add3A_890 = arith.addf %add3A_885, %mul3A_889 : vector<16xf32>
        %get3A_891 = arith.index_cast %add3A_871 : i32 to index
        %get3A_892 = arith.constant 64 : index
        %get3A_893 = tpu.vector_load %arg13[%get3A_891, %get3A_892] {strides = array<i32>} : memref<200x128xf32, #tpu.memory_space<vmem>>, vector<16xf32>,
        %mul3A_894 = arith.mulf %get3A_893, %get3A_128 : vector<16xf32>
        %add3A_895 = arith.addf %add3A_890, %mul3A_894 : vector<16xf32>
        %get3A_896 = arith.index_cast %add3A_871 : i32 to index
        %get3A_897 = arith.constant 80 : index
        %get3A_898 = tpu.vector_load %arg13[%get3A_896, %get3A_897] {strides = array<i32>} : memref<200x128xf32, #tpu.memory_space<vmem>>, vector<16xf32>,
        %mul3A_899 = arith.mulf %get3A_898, %get3A_131 : vector<16xf32>
        %add3A_900 = arith.addf %add3A_895, %mul3A_899 : vector<16xf32>
        %get3A_901 = arith.index_cast %add3A_871 : i32 to index
        %get3A_902 = arith.constant 96 : index
        %get3A_903 = tpu.vector_load %arg13[%get3A_901, %get3A_902] {strides = array<i32>} : memref<200x128xf32, #tpu.memory_space<vmem>>, vector<16xf32>,
        %mul3A_904 = arith.mulf %get3A_903, %get3A_134 : vector<16xf32>
        %add3A_905 = arith.addf %add3A_900, %mul3A_904 : vector<16xf32>
        %get3A_906 = arith.index_cast %add3A_871 : i32 to index
        %get3A_907 = arith.constant 112 : index
        %get3A_908 = tpu.vector_load %arg13[%get3A_906, %get3A_907] {strides = array<i32>} : memref<200x128xf32, #tpu.memory_space<vmem>>, vector<16xf32>,
        %mul3A_909 = arith.mulf %get3A_908, %get3A_137 : vector<16xf32>
        %add3A_910 = arith.addf %add3A_905, %mul3A_909 : vector<16xf32>
        %iota3A_911 = tpu.iota {dimensions = array<i32: 0>} : vector<16xi32>
        %xor3A_912 = arith.constant 1 : i32
        %xor3A_913 = vector.broadcast %xor3A_912 : i32 to vector<16xi32>
        %xor3A_914 = arith.xori %iota3A_911, %xor3A_913 : vector<16xi32>
        %broadcast_in_dim3A_915 = vector.shape_cast %xor3A_914 : vector<16xi32> to vector<16x1xi32>
        %gather3A_916 = vector.shape_cast %broadcast_in_dim3A_915 : vector<16x1xi32> to vector<16xi32>
        %gather3A_917 = tpu.dynamic_gather %add3A_910[%gather3A_916] in [0] : vector<16xf32>, vector<16xi32> -> vector<16xf32>
        %add3A_918 = arith.addf %add3A_910, %gather3A_917 : vector<16xf32>
        %xor3A_919 = arith.constant 2 : i32
        %xor3A_920 = vector.broadcast %xor3A_919 : i32 to vector<16xi32>
        %xor3A_921 = arith.xori %iota3A_911, %xor3A_920 : vector<16xi32>
        %broadcast_in_dim3A_922 = vector.shape_cast %xor3A_921 : vector<16xi32> to vector<16x1xi32>
        %gather3A_923 = vector.shape_cast %broadcast_in_dim3A_922 : vector<16x1xi32> to vector<16xi32>
        %gather3A_924 = tpu.dynamic_gather %add3A_918[%gather3A_923] in [0] : vector<16xf32>, vector<16xi32> -> vector<16xf32>
        %add3A_925 = arith.addf %add3A_918, %gather3A_924 : vector<16xf32>
        %xor3A_926 = arith.constant 4 : i32
        %xor3A_927 = vector.broadcast %xor3A_926 : i32 to vector<16xi32>
        %xor3A_928 = arith.xori %iota3A_911, %xor3A_927 : vector<16xi32>
        %broadcast_in_dim3A_929 = vector.shape_cast %xor3A_928 : vector<16xi32> to vector<16x1xi32>
        %gather3A_930 = vector.shape_cast %broadcast_in_dim3A_929 : vector<16x1xi32> to vector<16xi32>
        %gather3A_931 = tpu.dynamic_gather %add3A_925[%gather3A_930] in [0] : vector<16xf32>, vector<16xi32> -> vector<16xf32>
        %add3A_932 = arith.addf %add3A_925, %gather3A_931 : vector<16xf32>
        %xor3A_933 = arith.constant 8 : i32
        %xor3A_934 = vector.broadcast %xor3A_933 : i32 to vector<16xi32>
        %xor3A_935 = arith.xori %iota3A_911, %xor3A_934 : vector<16xi32>
        %broadcast_in_dim3A_936 = vector.shape_cast %xor3A_935 : vector<16xi32> to vector<16x1xi32>
        %gather3A_937 = vector.shape_cast %broadcast_in_dim3A_936 : vector<16x1xi32> to vector<16xi32>
        %gather3A_938 = tpu.dynamic_gather %add3A_932[%gather3A_937] in [0] : vector<16xf32>, vector<16xi32> -> vector<16xf32>
        %add3A_939 = arith.addf %add3A_932, %gather3A_938 : vector<16xf32>
        %eq3A_940 = arith.constant 8 : i32
        %eq3A_941 = vector.broadcast %eq3A_940 : i32 to vector<16xi32>
        %eq3A_942 = arith.cmpi eq, %iota3A, %eq3A_941 : vector<16xi32>
        %select_n3A_943 = arith.select %eq3A_942, %add3A_939, %select_n3A_869 : vector<16xi1>, vector<16xf32>
        %add3A_944 = arith.constant 9 : i32
        %add3A_945 = arith.addi %min3A_277, %add3A_944 : i32
        %get3A_946 = arith.index_cast %add3A_945 : i32 to index
        %get3A_947 = arith.constant 0 : index
        %get3A_948 = tpu.vector_load %arg13[%get3A_946, %get3A_947] {strides = array<i32>} : memref<200x128xf32, #tpu.memory_space<vmem>>, vector<16xf32>,
        %mul3A_949 = arith.mulf %get3A_948, %get3A_116 : vector<16xf32>
        %get3A_950 = arith.index_cast %add3A_945 : i32 to index
        %get3A_951 = arith.constant 16 : index
        %get3A_952 = tpu.vector_load %arg13[%get3A_950, %get3A_951] {strides = array<i32>} : memref<200x128xf32, #tpu.memory_space<vmem>>, vector<16xf32>,
        %mul3A_953 = arith.mulf %get3A_952, %get3A_119 : vector<16xf32>
        %add3A_954 = arith.addf %mul3A_949, %mul3A_953 : vector<16xf32>
        %get3A_955 = arith.index_cast %add3A_945 : i32 to index
        %get3A_956 = arith.constant 32 : index
        %get3A_957 = tpu.vector_load %arg13[%get3A_955, %get3A_956] {strides = array<i32>} : memref<200x128xf32, #tpu.memory_space<vmem>>, vector<16xf32>,
        %mul3A_958 = arith.mulf %get3A_957, %get3A_122 : vector<16xf32>
        %add3A_959 = arith.addf %add3A_954, %mul3A_958 : vector<16xf32>
        %get3A_960 = arith.index_cast %add3A_945 : i32 to index
        %get3A_961 = arith.constant 48 : index
        %get3A_962 = tpu.vector_load %arg13[%get3A_960, %get3A_961] {strides = array<i32>} : memref<200x128xf32, #tpu.memory_space<vmem>>, vector<16xf32>,
        %mul3A_963 = arith.mulf %get3A_962, %get3A_125 : vector<16xf32>
        %add3A_964 = arith.addf %add3A_959, %mul3A_963 : vector<16xf32>
        %get3A_965 = arith.index_cast %add3A_945 : i32 to index
        %get3A_966 = arith.constant 64 : index
        %get3A_967 = tpu.vector_load %arg13[%get3A_965, %get3A_966] {strides = array<i32>} : memref<200x128xf32, #tpu.memory_space<vmem>>, vector<16xf32>,
        %mul3A_968 = arith.mulf %get3A_967, %get3A_128 : vector<16xf32>
        %add3A_969 = arith.addf %add3A_964, %mul3A_968 : vector<16xf32>
        %get3A_970 = arith.index_cast %add3A_945 : i32 to index
        %get3A_971 = arith.constant 80 : index
        %get3A_972 = tpu.vector_load %arg13[%get3A_970, %get3A_971] {strides = array<i32>} : memref<200x128xf32, #tpu.memory_space<vmem>>, vector<16xf32>,
        %mul3A_973 = arith.mulf %get3A_972, %get3A_131 : vector<16xf32>
        %add3A_974 = arith.addf %add3A_969, %mul3A_973 : vector<16xf32>
        %get3A_975 = arith.index_cast %add3A_945 : i32 to index
        %get3A_976 = arith.constant 96 : index
        %get3A_977 = tpu.vector_load %arg13[%get3A_975, %get3A_976] {strides = array<i32>} : memref<200x128xf32, #tpu.memory_space<vmem>>, vector<16xf32>,
        %mul3A_978 = arith.mulf %get3A_977, %get3A_134 : vector<16xf32>
        %add3A_979 = arith.addf %add3A_974, %mul3A_978 : vector<16xf32>
        %get3A_980 = arith.index_cast %add3A_945 : i32 to index
        %get3A_981 = arith.constant 112 : index
        %get3A_982 = tpu.vector_load %arg13[%get3A_980, %get3A_981] {strides = array<i32>} : memref<200x128xf32, #tpu.memory_space<vmem>>, vector<16xf32>,
        %mul3A_983 = arith.mulf %get3A_982, %get3A_137 : vector<16xf32>
        %add3A_984 = arith.addf %add3A_979, %mul3A_983 : vector<16xf32>
        %iota3A_985 = tpu.iota {dimensions = array<i32: 0>} : vector<16xi32>
        %xor3A_986 = arith.constant 1 : i32
        %xor3A_987 = vector.broadcast %xor3A_986 : i32 to vector<16xi32>
        %xor3A_988 = arith.xori %iota3A_985, %xor3A_987 : vector<16xi32>
        %broadcast_in_dim3A_989 = vector.shape_cast %xor3A_988 : vector<16xi32> to vector<16x1xi32>
        %gather3A_990 = vector.shape_cast %broadcast_in_dim3A_989 : vector<16x1xi32> to vector<16xi32>
        %gather3A_991 = tpu.dynamic_gather %add3A_984[%gather3A_990] in [0] : vector<16xf32>, vector<16xi32> -> vector<16xf32>
        %add3A_992 = arith.addf %add3A_984, %gather3A_991 : vector<16xf32>
        %xor3A_993 = arith.constant 2 : i32
        %xor3A_994 = vector.broadcast %xor3A_993 : i32 to vector<16xi32>
        %xor3A_995 = arith.xori %iota3A_985, %xor3A_994 : vector<16xi32>
        %broadcast_in_dim3A_996 = vector.shape_cast %xor3A_995 : vector<16xi32> to vector<16x1xi32>
        %gather3A_997 = vector.shape_cast %broadcast_in_dim3A_996 : vector<16x1xi32> to vector<16xi32>
        %gather3A_998 = tpu.dynamic_gather %add3A_992[%gather3A_997] in [0] : vector<16xf32>, vector<16xi32> -> vector<16xf32>
        %add3A_999 = arith.addf %add3A_992, %gather3A_998 : vector<16xf32>
        %xor3A_1000 = arith.constant 4 : i32
        %xor3A_1001 = vector.broadcast %xor3A_1000 : i32 to vector<16xi32>
        %xor3A_1002 = arith.xori %iota3A_985, %xor3A_1001 : vector<16xi32>
        %broadcast_in_dim3A_1003 = vector.shape_cast %xor3A_1002 : vector<16xi32> to vector<16x1xi32>
        %gather3A_1004 = vector.shape_cast %broadcast_in_dim3A_1003 : vector<16x1xi32> to vector<16xi32>
        %gather3A_1005 = tpu.dynamic_gather %add3A_999[%gather3A_1004] in [0] : vector<16xf32>, vector<16xi32> -> vector<16xf32>
        %add3A_1006 = arith.addf %add3A_999, %gather3A_1005 : vector<16xf32>
        %xor3A_1007 = arith.constant 8 : i32
        %xor3A_1008 = vector.broadcast %xor3A_1007 : i32 to vector<16xi32>
        %xor3A_1009 = arith.xori %iota3A_985, %xor3A_1008 : vector<16xi32>
        %broadcast_in_dim3A_1010 = vector.shape_cast %xor3A_1009 : vector<16xi32> to vector<16x1xi32>
        %gather3A_1011 = vector.shape_cast %broadcast_in_dim3A_1010 : vector<16x1xi32> to vector<16xi32>
        %gather3A_1012 = tpu.dynamic_gather %add3A_1006[%gather3A_1011] in [0] : vector<16xf32>, vector<16xi32> -> vector<16xf32>
        %add3A_1013 = arith.addf %add3A_1006, %gather3A_1012 : vector<16xf32>
        %eq3A_1014 = arith.constant 9 : i32
        %eq3A_1015 = vector.broadcast %eq3A_1014 : i32 to vector<16xi32>
        %eq3A_1016 = arith.cmpi eq, %iota3A, %eq3A_1015 : vector<16xi32>
        %select_n3A_1017 = arith.select %eq3A_1016, %add3A_1013, %select_n3A_943 : vector<16xi1>, vector<16xf32>
        %add3A_1018 = arith.constant 10 : i32
        %add3A_1019 = arith.addi %min3A_277, %add3A_1018 : i32
        %get3A_1020 = arith.index_cast %add3A_1019 : i32 to index
        %get3A_1021 = arith.constant 0 : index
        %get3A_1022 = tpu.vector_load %arg13[%get3A_1020, %get3A_1021] {strides = array<i32>} : memref<200x128xf32, #tpu.memory_space<vmem>>, vector<16xf32>,
        %mul3A_1023 = arith.mulf %get3A_1022, %get3A_116 : vector<16xf32>
        %get3A_1024 = arith.index_cast %add3A_1019 : i32 to index
        %get3A_1025 = arith.constant 16 : index
        %get3A_1026 = tpu.vector_load %arg13[%get3A_1024, %get3A_1025] {strides = array<i32>} : memref<200x128xf32, #tpu.memory_space<vmem>>, vector<16xf32>,
        %mul3A_1027 = arith.mulf %get3A_1026, %get3A_119 : vector<16xf32>
        %add3A_1028 = arith.addf %mul3A_1023, %mul3A_1027 : vector<16xf32>
        %get3A_1029 = arith.index_cast %add3A_1019 : i32 to index
        %get3A_1030 = arith.constant 32 : index
        %get3A_1031 = tpu.vector_load %arg13[%get3A_1029, %get3A_1030] {strides = array<i32>} : memref<200x128xf32, #tpu.memory_space<vmem>>, vector<16xf32>,
        %mul3A_1032 = arith.mulf %get3A_1031, %get3A_122 : vector<16xf32>
        %add3A_1033 = arith.addf %add3A_1028, %mul3A_1032 : vector<16xf32>
        %get3A_1034 = arith.index_cast %add3A_1019 : i32 to index
        %get3A_1035 = arith.constant 48 : index
        %get3A_1036 = tpu.vector_load %arg13[%get3A_1034, %get3A_1035] {strides = array<i32>} : memref<200x128xf32, #tpu.memory_space<vmem>>, vector<16xf32>,
        %mul3A_1037 = arith.mulf %get3A_1036, %get3A_125 : vector<16xf32>
        %add3A_1038 = arith.addf %add3A_1033, %mul3A_1037 : vector<16xf32>
        %get3A_1039 = arith.index_cast %add3A_1019 : i32 to index
        %get3A_1040 = arith.constant 64 : index
        %get3A_1041 = tpu.vector_load %arg13[%get3A_1039, %get3A_1040] {strides = array<i32>} : memref<200x128xf32, #tpu.memory_space<vmem>>, vector<16xf32>,
        %mul3A_1042 = arith.mulf %get3A_1041, %get3A_128 : vector<16xf32>
        %add3A_1043 = arith.addf %add3A_1038, %mul3A_1042 : vector<16xf32>
        %get3A_1044 = arith.index_cast %add3A_1019 : i32 to index
        %get3A_1045 = arith.constant 80 : index
        %get3A_1046 = tpu.vector_load %arg13[%get3A_1044, %get3A_1045] {strides = array<i32>} : memref<200x128xf32, #tpu.memory_space<vmem>>, vector<16xf32>,
        %mul3A_1047 = arith.mulf %get3A_1046, %get3A_131 : vector<16xf32>
        %add3A_1048 = arith.addf %add3A_1043, %mul3A_1047 : vector<16xf32>
        %get3A_1049 = arith.index_cast %add3A_1019 : i32 to index
        %get3A_1050 = arith.constant 96 : index
        %get3A_1051 = tpu.vector_load %arg13[%get3A_1049, %get3A_1050] {strides = array<i32>} : memref<200x128xf32, #tpu.memory_space<vmem>>, vector<16xf32>,
        %mul3A_1052 = arith.mulf %get3A_1051, %get3A_134 : vector<16xf32>
        %add3A_1053 = arith.addf %add3A_1048, %mul3A_1052 : vector<16xf32>
        %get3A_1054 = arith.index_cast %add3A_1019 : i32 to index
        %get3A_1055 = arith.constant 112 : index
        %get3A_1056 = tpu.vector_load %arg13[%get3A_1054, %get3A_1055] {strides = array<i32>} : memref<200x128xf32, #tpu.memory_space<vmem>>, vector<16xf32>,
        %mul3A_1057 = arith.mulf %get3A_1056, %get3A_137 : vector<16xf32>
        %add3A_1058 = arith.addf %add3A_1053, %mul3A_1057 : vector<16xf32>
        %iota3A_1059 = tpu.iota {dimensions = array<i32: 0>} : vector<16xi32>
        %xor3A_1060 = arith.constant 1 : i32
        %xor3A_1061 = vector.broadcast %xor3A_1060 : i32 to vector<16xi32>
        %xor3A_1062 = arith.xori %iota3A_1059, %xor3A_1061 : vector<16xi32>
        %broadcast_in_dim3A_1063 = vector.shape_cast %xor3A_1062 : vector<16xi32> to vector<16x1xi32>
        %gather3A_1064 = vector.shape_cast %broadcast_in_dim3A_1063 : vector<16x1xi32> to vector<16xi32>
        %gather3A_1065 = tpu.dynamic_gather %add3A_1058[%gather3A_1064] in [0] : vector<16xf32>, vector<16xi32> -> vector<16xf32>
        %add3A_1066 = arith.addf %add3A_1058, %gather3A_1065 : vector<16xf32>
        %xor3A_1067 = arith.constant 2 : i32
        %xor3A_1068 = vector.broadcast %xor3A_1067 : i32 to vector<16xi32>
        %xor3A_1069 = arith.xori %iota3A_1059, %xor3A_1068 : vector<16xi32>
        %broadcast_in_dim3A_1070 = vector.shape_cast %xor3A_1069 : vector<16xi32> to vector<16x1xi32>
        %gather3A_1071 = vector.shape_cast %broadcast_in_dim3A_1070 : vector<16x1xi32> to vector<16xi32>
        %gather3A_1072 = tpu.dynamic_gather %add3A_1066[%gather3A_1071] in [0] : vector<16xf32>, vector<16xi32> -> vector<16xf32>
        %add3A_1073 = arith.addf %add3A_1066, %gather3A_1072 : vector<16xf32>
        %xor3A_1074 = arith.constant 4 : i32
        %xor3A_1075 = vector.broadcast %xor3A_1074 : i32 to vector<16xi32>
        %xor3A_1076 = arith.xori %iota3A_1059, %xor3A_1075 : vector<16xi32>
        %broadcast_in_dim3A_1077 = vector.shape_cast %xor3A_1076 : vector<16xi32> to vector<16x1xi32>
        %gather3A_1078 = vector.shape_cast %broadcast_in_dim3A_1077 : vector<16x1xi32> to vector<16xi32>
        %gather3A_1079 = tpu.dynamic_gather %add3A_1073[%gather3A_1078] in [0] : vector<16xf32>, vector<16xi32> -> vector<16xf32>
        %add3A_1080 = arith.addf %add3A_1073, %gather3A_1079 : vector<16xf32>
        %xor3A_1081 = arith.constant 8 : i32
        %xor3A_1082 = vector.broadcast %xor3A_1081 : i32 to vector<16xi32>
        %xor3A_1083 = arith.xori %iota3A_1059, %xor3A_1082 : vector<16xi32>
        %broadcast_in_dim3A_1084 = vector.shape_cast %xor3A_1083 : vector<16xi32> to vector<16x1xi32>
        %gather3A_1085 = vector.shape_cast %broadcast_in_dim3A_1084 : vector<16x1xi32> to vector<16xi32>
        %gather3A_1086 = tpu.dynamic_gather %add3A_1080[%gather3A_1085] in [0] : vector<16xf32>, vector<16xi32> -> vector<16xf32>
        %add3A_1087 = arith.addf %add3A_1080, %gather3A_1086 : vector<16xf32>
        %eq3A_1088 = arith.constant 10 : i32
        %eq3A_1089 = vector.broadcast %eq3A_1088 : i32 to vector<16xi32>
        %eq3A_1090 = arith.cmpi eq, %iota3A, %eq3A_1089 : vector<16xi32>
        %select_n3A_1091 = arith.select %eq3A_1090, %add3A_1087, %select_n3A_1017 : vector<16xi1>, vector<16xf32>
        %add3A_1092 = arith.constant 11 : i32
        %add3A_1093 = arith.addi %min3A_277, %add3A_1092 : i32
        %get3A_1094 = arith.index_cast %add3A_1093 : i32 to index
        %get3A_1095 = arith.constant 0 : index
        %get3A_1096 = tpu.vector_load %arg13[%get3A_1094, %get3A_1095] {strides = array<i32>} : memref<200x128xf32, #tpu.memory_space<vmem>>, vector<16xf32>,
        %mul3A_1097 = arith.mulf %get3A_1096, %get3A_116 : vector<16xf32>
        %get3A_1098 = arith.index_cast %add3A_1093 : i32 to index
        %get3A_1099 = arith.constant 16 : index
        %get3A_1100 = tpu.vector_load %arg13[%get3A_1098, %get3A_1099] {strides = array<i32>} : memref<200x128xf32, #tpu.memory_space<vmem>>, vector<16xf32>,
        %mul3A_1101 = arith.mulf %get3A_1100, %get3A_119 : vector<16xf32>
        %add3A_1102 = arith.addf %mul3A_1097, %mul3A_1101 : vector<16xf32>
        %get3A_1103 = arith.index_cast %add3A_1093 : i32 to index
        %get3A_1104 = arith.constant 32 : index
        %get3A_1105 = tpu.vector_load %arg13[%get3A_1103, %get3A_1104] {strides = array<i32>} : memref<200x128xf32, #tpu.memory_space<vmem>>, vector<16xf32>,
        %mul3A_1106 = arith.mulf %get3A_1105, %get3A_122 : vector<16xf32>
        %add3A_1107 = arith.addf %add3A_1102, %mul3A_1106 : vector<16xf32>
        %get3A_1108 = arith.index_cast %add3A_1093 : i32 to index
        %get3A_1109 = arith.constant 48 : index
        %get3A_1110 = tpu.vector_load %arg13[%get3A_1108, %get3A_1109] {strides = array<i32>} : memref<200x128xf32, #tpu.memory_space<vmem>>, vector<16xf32>,
        %mul3A_1111 = arith.mulf %get3A_1110, %get3A_125 : vector<16xf32>
        %add3A_1112 = arith.addf %add3A_1107, %mul3A_1111 : vector<16xf32>
        %get3A_1113 = arith.index_cast %add3A_1093 : i32 to index
        %get3A_1114 = arith.constant 64 : index
        %get3A_1115 = tpu.vector_load %arg13[%get3A_1113, %get3A_1114] {strides = array<i32>} : memref<200x128xf32, #tpu.memory_space<vmem>>, vector<16xf32>,
        %mul3A_1116 = arith.mulf %get3A_1115, %get3A_128 : vector<16xf32>
        %add3A_1117 = arith.addf %add3A_1112, %mul3A_1116 : vector<16xf32>
        %get3A_1118 = arith.index_cast %add3A_1093 : i32 to index
        %get3A_1119 = arith.constant 80 : index
        %get3A_1120 = tpu.vector_load %arg13[%get3A_1118, %get3A_1119] {strides = array<i32>} : memref<200x128xf32, #tpu.memory_space<vmem>>, vector<16xf32>,
        %mul3A_1121 = arith.mulf %get3A_1120, %get3A_131 : vector<16xf32>
        %add3A_1122 = arith.addf %add3A_1117, %mul3A_1121 : vector<16xf32>
        %get3A_1123 = arith.index_cast %add3A_1093 : i32 to index
        %get3A_1124 = arith.constant 96 : index
        %get3A_1125 = tpu.vector_load %arg13[%get3A_1123, %get3A_1124] {strides = array<i32>} : memref<200x128xf32, #tpu.memory_space<vmem>>, vector<16xf32>,
        %mul3A_1126 = arith.mulf %get3A_1125, %get3A_134 : vector<16xf32>
        %add3A_1127 = arith.addf %add3A_1122, %mul3A_1126 : vector<16xf32>
        %get3A_1128 = arith.index_cast %add3A_1093 : i32 to index
        %get3A_1129 = arith.constant 112 : index
        %get3A_1130 = tpu.vector_load %arg13[%get3A_1128, %get3A_1129] {strides = array<i32>} : memref<200x128xf32, #tpu.memory_space<vmem>>, vector<16xf32>,
        %mul3A_1131 = arith.mulf %get3A_1130, %get3A_137 : vector<16xf32>
        %add3A_1132 = arith.addf %add3A_1127, %mul3A_1131 : vector<16xf32>
        %iota3A_1133 = tpu.iota {dimensions = array<i32: 0>} : vector<16xi32>
        %xor3A_1134 = arith.constant 1 : i32
        %xor3A_1135 = vector.broadcast %xor3A_1134 : i32 to vector<16xi32>
        %xor3A_1136 = arith.xori %iota3A_1133, %xor3A_1135 : vector<16xi32>
        %broadcast_in_dim3A_1137 = vector.shape_cast %xor3A_1136 : vector<16xi32> to vector<16x1xi32>
        %gather3A_1138 = vector.shape_cast %broadcast_in_dim3A_1137 : vector<16x1xi32> to vector<16xi32>
        %gather3A_1139 = tpu.dynamic_gather %add3A_1132[%gather3A_1138] in [0] : vector<16xf32>, vector<16xi32> -> vector<16xf32>
        %add3A_1140 = arith.addf %add3A_1132, %gather3A_1139 : vector<16xf32>
        %xor3A_1141 = arith.constant 2 : i32
        %xor3A_1142 = vector.broadcast %xor3A_1141 : i32 to vector<16xi32>
        %xor3A_1143 = arith.xori %iota3A_1133, %xor3A_1142 : vector<16xi32>
        %broadcast_in_dim3A_1144 = vector.shape_cast %xor3A_1143 : vector<16xi32> to vector<16x1xi32>
        %gather3A_1145 = vector.shape_cast %broadcast_in_dim3A_1144 : vector<16x1xi32> to vector<16xi32>
        %gather3A_1146 = tpu.dynamic_gather %add3A_1140[%gather3A_1145] in [0] : vector<16xf32>, vector<16xi32> -> vector<16xf32>
        %add3A_1147 = arith.addf %add3A_1140, %gather3A_1146 : vector<16xf32>
        %xor3A_1148 = arith.constant 4 : i32
        %xor3A_1149 = vector.broadcast %xor3A_1148 : i32 to vector<16xi32>
        %xor3A_1150 = arith.xori %iota3A_1133, %xor3A_1149 : vector<16xi32>
        %broadcast_in_dim3A_1151 = vector.shape_cast %xor3A_1150 : vector<16xi32> to vector<16x1xi32>
        %gather3A_1152 = vector.shape_cast %broadcast_in_dim3A_1151 : vector<16x1xi32> to vector<16xi32>
        %gather3A_1153 = tpu.dynamic_gather %add3A_1147[%gather3A_1152] in [0] : vector<16xf32>, vector<16xi32> -> vector<16xf32>
        %add3A_1154 = arith.addf %add3A_1147, %gather3A_1153 : vector<16xf32>
        %xor3A_1155 = arith.constant 8 : i32
        %xor3A_1156 = vector.broadcast %xor3A_1155 : i32 to vector<16xi32>
        %xor3A_1157 = arith.xori %iota3A_1133, %xor3A_1156 : vector<16xi32>
        %broadcast_in_dim3A_1158 = vector.shape_cast %xor3A_1157 : vector<16xi32> to vector<16x1xi32>
        %gather3A_1159 = vector.shape_cast %broadcast_in_dim3A_1158 : vector<16x1xi32> to vector<16xi32>
        %gather3A_1160 = tpu.dynamic_gather %add3A_1154[%gather3A_1159] in [0] : vector<16xf32>, vector<16xi32> -> vector<16xf32>
        %add3A_1161 = arith.addf %add3A_1154, %gather3A_1160 : vector<16xf32>
        %eq3A_1162 = arith.constant 11 : i32
        %eq3A_1163 = vector.broadcast %eq3A_1162 : i32 to vector<16xi32>
        %eq3A_1164 = arith.cmpi eq, %iota3A, %eq3A_1163 : vector<16xi32>
        %select_n3A_1165 = arith.select %eq3A_1164, %add3A_1161, %select_n3A_1091 : vector<16xi1>, vector<16xf32>
        %add3A_1166 = arith.constant 12 : i32
        %add3A_1167 = arith.addi %min3A_277, %add3A_1166 : i32
        %get3A_1168 = arith.index_cast %add3A_1167 : i32 to index
        %get3A_1169 = arith.constant 0 : index
        %get3A_1170 = tpu.vector_load %arg13[%get3A_1168, %get3A_1169] {strides = array<i32>} : memref<200x128xf32, #tpu.memory_space<vmem>>, vector<16xf32>,
        %mul3A_1171 = arith.mulf %get3A_1170, %get3A_116 : vector<16xf32>
        %get3A_1172 = arith.index_cast %add3A_1167 : i32 to index
        %get3A_1173 = arith.constant 16 : index
        %get3A_1174 = tpu.vector_load %arg13[%get3A_1172, %get3A_1173] {strides = array<i32>} : memref<200x128xf32, #tpu.memory_space<vmem>>, vector<16xf32>,
        %mul3A_1175 = arith.mulf %get3A_1174, %get3A_119 : vector<16xf32>
        %add3A_1176 = arith.addf %mul3A_1171, %mul3A_1175 : vector<16xf32>
        %get3A_1177 = arith.index_cast %add3A_1167 : i32 to index
        %get3A_1178 = arith.constant 32 : index
        %get3A_1179 = tpu.vector_load %arg13[%get3A_1177, %get3A_1178] {strides = array<i32>} : memref<200x128xf32, #tpu.memory_space<vmem>>, vector<16xf32>,
        %mul3A_1180 = arith.mulf %get3A_1179, %get3A_122 : vector<16xf32>
        %add3A_1181 = arith.addf %add3A_1176, %mul3A_1180 : vector<16xf32>
        %get3A_1182 = arith.index_cast %add3A_1167 : i32 to index
        %get3A_1183 = arith.constant 48 : index
        %get3A_1184 = tpu.vector_load %arg13[%get3A_1182, %get3A_1183] {strides = array<i32>} : memref<200x128xf32, #tpu.memory_space<vmem>>, vector<16xf32>,
        %mul3A_1185 = arith.mulf %get3A_1184, %get3A_125 : vector<16xf32>
        %add3A_1186 = arith.addf %add3A_1181, %mul3A_1185 : vector<16xf32>
        %get3A_1187 = arith.index_cast %add3A_1167 : i32 to index
        %get3A_1188 = arith.constant 64 : index
        %get3A_1189 = tpu.vector_load %arg13[%get3A_1187, %get3A_1188] {strides = array<i32>} : memref<200x128xf32, #tpu.memory_space<vmem>>, vector<16xf32>,
        %mul3A_1190 = arith.mulf %get3A_1189, %get3A_128 : vector<16xf32>
        %add3A_1191 = arith.addf %add3A_1186, %mul3A_1190 : vector<16xf32>
        %get3A_1192 = arith.index_cast %add3A_1167 : i32 to index
        %get3A_1193 = arith.constant 80 : index
        %get3A_1194 = tpu.vector_load %arg13[%get3A_1192, %get3A_1193] {strides = array<i32>} : memref<200x128xf32, #tpu.memory_space<vmem>>, vector<16xf32>,
        %mul3A_1195 = arith.mulf %get3A_1194, %get3A_131 : vector<16xf32>
        %add3A_1196 = arith.addf %add3A_1191, %mul3A_1195 : vector<16xf32>
        %get3A_1197 = arith.index_cast %add3A_1167 : i32 to index
        %get3A_1198 = arith.constant 96 : index
        %get3A_1199 = tpu.vector_load %arg13[%get3A_1197, %get3A_1198] {strides = array<i32>} : memref<200x128xf32, #tpu.memory_space<vmem>>, vector<16xf32>,
        %mul3A_1200 = arith.mulf %get3A_1199, %get3A_134 : vector<16xf32>
        %add3A_1201 = arith.addf %add3A_1196, %mul3A_1200 : vector<16xf32>
        %get3A_1202 = arith.index_cast %add3A_1167 : i32 to index
        %get3A_1203 = arith.constant 112 : index
        %get3A_1204 = tpu.vector_load %arg13[%get3A_1202, %get3A_1203] {strides = array<i32>} : memref<200x128xf32, #tpu.memory_space<vmem>>, vector<16xf32>,
        %mul3A_1205 = arith.mulf %get3A_1204, %get3A_137 : vector<16xf32>
        %add3A_1206 = arith.addf %add3A_1201, %mul3A_1205 : vector<16xf32>
        %iota3A_1207 = tpu.iota {dimensions = array<i32: 0>} : vector<16xi32>
        %xor3A_1208 = arith.constant 1 : i32
        %xor3A_1209 = vector.broadcast %xor3A_1208 : i32 to vector<16xi32>
        %xor3A_1210 = arith.xori %iota3A_1207, %xor3A_1209 : vector<16xi32>
        %broadcast_in_dim3A_1211 = vector.shape_cast %xor3A_1210 : vector<16xi32> to vector<16x1xi32>
        %gather3A_1212 = vector.shape_cast %broadcast_in_dim3A_1211 : vector<16x1xi32> to vector<16xi32>
        %gather3A_1213 = tpu.dynamic_gather %add3A_1206[%gather3A_1212] in [0] : vector<16xf32>, vector<16xi32> -> vector<16xf32>
        %add3A_1214 = arith.addf %add3A_1206, %gather3A_1213 : vector<16xf32>
        %xor3A_1215 = arith.constant 2 : i32
        %xor3A_1216 = vector.broadcast %xor3A_1215 : i32 to vector<16xi32>
        %xor3A_1217 = arith.xori %iota3A_1207, %xor3A_1216 : vector<16xi32>
        %broadcast_in_dim3A_1218 = vector.shape_cast %xor3A_1217 : vector<16xi32> to vector<16x1xi32>
        %gather3A_1219 = vector.shape_cast %broadcast_in_dim3A_1218 : vector<16x1xi32> to vector<16xi32>
        %gather3A_1220 = tpu.dynamic_gather %add3A_1214[%gather3A_1219] in [0] : vector<16xf32>, vector<16xi32> -> vector<16xf32>
        %add3A_1221 = arith.addf %add3A_1214, %gather3A_1220 : vector<16xf32>
        %xor3A_1222 = arith.constant 4 : i32
        %xor3A_1223 = vector.broadcast %xor3A_1222 : i32 to vector<16xi32>
        %xor3A_1224 = arith.xori %iota3A_1207, %xor3A_1223 : vector<16xi32>
        %broadcast_in_dim3A_1225 = vector.shape_cast %xor3A_1224 : vector<16xi32> to vector<16x1xi32>
        %gather3A_1226 = vector.shape_cast %broadcast_in_dim3A_1225 : vector<16x1xi32> to vector<16xi32>
        %gather3A_1227 = tpu.dynamic_gather %add3A_1221[%gather3A_1226] in [0] : vector<16xf32>, vector<16xi32> -> vector<16xf32>
        %add3A_1228 = arith.addf %add3A_1221, %gather3A_1227 : vector<16xf32>
        %xor3A_1229 = arith.constant 8 : i32
        %xor3A_1230 = vector.broadcast %xor3A_1229 : i32 to vector<16xi32>
        %xor3A_1231 = arith.xori %iota3A_1207, %xor3A_1230 : vector<16xi32>
        %broadcast_in_dim3A_1232 = vector.shape_cast %xor3A_1231 : vector<16xi32> to vector<16x1xi32>
        %gather3A_1233 = vector.shape_cast %broadcast_in_dim3A_1232 : vector<16x1xi32> to vector<16xi32>
        %gather3A_1234 = tpu.dynamic_gather %add3A_1228[%gather3A_1233] in [0] : vector<16xf32>, vector<16xi32> -> vector<16xf32>
        %add3A_1235 = arith.addf %add3A_1228, %gather3A_1234 : vector<16xf32>
        %eq3A_1236 = arith.constant 12 : i32
        %eq3A_1237 = vector.broadcast %eq3A_1236 : i32 to vector<16xi32>
        %eq3A_1238 = arith.cmpi eq, %iota3A, %eq3A_1237 : vector<16xi32>
        %select_n3A_1239 = arith.select %eq3A_1238, %add3A_1235, %select_n3A_1165 : vector<16xi1>, vector<16xf32>
        %add3A_1240 = arith.constant 13 : i32
        %add3A_1241 = arith.addi %min3A_277, %add3A_1240 : i32
        %get3A_1242 = arith.index_cast %add3A_1241 : i32 to index
        %get3A_1243 = arith.constant 0 : index
        %get3A_1244 = tpu.vector_load %arg13[%get3A_1242, %get3A_1243] {strides = array<i32>} : memref<200x128xf32, #tpu.memory_space<vmem>>, vector<16xf32>,
        %mul3A_1245 = arith.mulf %get3A_1244, %get3A_116 : vector<16xf32>
        %get3A_1246 = arith.index_cast %add3A_1241 : i32 to index
        %get3A_1247 = arith.constant 16 : index
        %get3A_1248 = tpu.vector_load %arg13[%get3A_1246, %get3A_1247] {strides = array<i32>} : memref<200x128xf32, #tpu.memory_space<vmem>>, vector<16xf32>,
        %mul3A_1249 = arith.mulf %get3A_1248, %get3A_119 : vector<16xf32>
        %add3A_1250 = arith.addf %mul3A_1245, %mul3A_1249 : vector<16xf32>
        %get3A_1251 = arith.index_cast %add3A_1241 : i32 to index
        %get3A_1252 = arith.constant 32 : index
        %get3A_1253 = tpu.vector_load %arg13[%get3A_1251, %get3A_1252] {strides = array<i32>} : memref<200x128xf32, #tpu.memory_space<vmem>>, vector<16xf32>,
        %mul3A_1254 = arith.mulf %get3A_1253, %get3A_122 : vector<16xf32>
        %add3A_1255 = arith.addf %add3A_1250, %mul3A_1254 : vector<16xf32>
        %get3A_1256 = arith.index_cast %add3A_1241 : i32 to index
        %get3A_1257 = arith.constant 48 : index
        %get3A_1258 = tpu.vector_load %arg13[%get3A_1256, %get3A_1257] {strides = array<i32>} : memref<200x128xf32, #tpu.memory_space<vmem>>, vector<16xf32>,
        %mul3A_1259 = arith.mulf %get3A_1258, %get3A_125 : vector<16xf32>
        %add3A_1260 = arith.addf %add3A_1255, %mul3A_1259 : vector<16xf32>
        %get3A_1261 = arith.index_cast %add3A_1241 : i32 to index
        %get3A_1262 = arith.constant 64 : index
        %get3A_1263 = tpu.vector_load %arg13[%get3A_1261, %get3A_1262] {strides = array<i32>} : memref<200x128xf32, #tpu.memory_space<vmem>>, vector<16xf32>,
        %mul3A_1264 = arith.mulf %get3A_1263, %get3A_128 : vector<16xf32>
        %add3A_1265 = arith.addf %add3A_1260, %mul3A_1264 : vector<16xf32>
        %get3A_1266 = arith.index_cast %add3A_1241 : i32 to index
        %get3A_1267 = arith.constant 80 : index
        %get3A_1268 = tpu.vector_load %arg13[%get3A_1266, %get3A_1267] {strides = array<i32>} : memref<200x128xf32, #tpu.memory_space<vmem>>, vector<16xf32>,
        %mul3A_1269 = arith.mulf %get3A_1268, %get3A_131 : vector<16xf32>
        %add3A_1270 = arith.addf %add3A_1265, %mul3A_1269 : vector<16xf32>
        %get3A_1271 = arith.index_cast %add3A_1241 : i32 to index
        %get3A_1272 = arith.constant 96 : index
        %get3A_1273 = tpu.vector_load %arg13[%get3A_1271, %get3A_1272] {strides = array<i32>} : memref<200x128xf32, #tpu.memory_space<vmem>>, vector<16xf32>,
        %mul3A_1274 = arith.mulf %get3A_1273, %get3A_134 : vector<16xf32>
        %add3A_1275 = arith.addf %add3A_1270, %mul3A_1274 : vector<16xf32>
        %get3A_1276 = arith.index_cast %add3A_1241 : i32 to index
        %get3A_1277 = arith.constant 112 : index
        %get3A_1278 = tpu.vector_load %arg13[%get3A_1276, %get3A_1277] {strides = array<i32>} : memref<200x128xf32, #tpu.memory_space<vmem>>, vector<16xf32>,
        %mul3A_1279 = arith.mulf %get3A_1278, %get3A_137 : vector<16xf32>
        %add3A_1280 = arith.addf %add3A_1275, %mul3A_1279 : vector<16xf32>
        %iota3A_1281 = tpu.iota {dimensions = array<i32: 0>} : vector<16xi32>
        %xor3A_1282 = arith.constant 1 : i32
        %xor3A_1283 = vector.broadcast %xor3A_1282 : i32 to vector<16xi32>
        %xor3A_1284 = arith.xori %iota3A_1281, %xor3A_1283 : vector<16xi32>
        %broadcast_in_dim3A_1285 = vector.shape_cast %xor3A_1284 : vector<16xi32> to vector<16x1xi32>
        %gather3A_1286 = vector.shape_cast %broadcast_in_dim3A_1285 : vector<16x1xi32> to vector<16xi32>
        %gather3A_1287 = tpu.dynamic_gather %add3A_1280[%gather3A_1286] in [0] : vector<16xf32>, vector<16xi32> -> vector<16xf32>
        %add3A_1288 = arith.addf %add3A_1280, %gather3A_1287 : vector<16xf32>
        %xor3A_1289 = arith.constant 2 : i32
        %xor3A_1290 = vector.broadcast %xor3A_1289 : i32 to vector<16xi32>
        %xor3A_1291 = arith.xori %iota3A_1281, %xor3A_1290 : vector<16xi32>
        %broadcast_in_dim3A_1292 = vector.shape_cast %xor3A_1291 : vector<16xi32> to vector<16x1xi32>
        %gather3A_1293 = vector.shape_cast %broadcast_in_dim3A_1292 : vector<16x1xi32> to vector<16xi32>
        %gather3A_1294 = tpu.dynamic_gather %add3A_1288[%gather3A_1293] in [0] : vector<16xf32>, vector<16xi32> -> vector<16xf32>
        %add3A_1295 = arith.addf %add3A_1288, %gather3A_1294 : vector<16xf32>
        %xor3A_1296 = arith.constant 4 : i32
        %xor3A_1297 = vector.broadcast %xor3A_1296 : i32 to vector<16xi32>
        %xor3A_1298 = arith.xori %iota3A_1281, %xor3A_1297 : vector<16xi32>
        %broadcast_in_dim3A_1299 = vector.shape_cast %xor3A_1298 : vector<16xi32> to vector<16x1xi32>
        %gather3A_1300 = vector.shape_cast %broadcast_in_dim3A_1299 : vector<16x1xi32> to vector<16xi32>
        %gather3A_1301 = tpu.dynamic_gather %add3A_1295[%gather3A_1300] in [0] : vector<16xf32>, vector<16xi32> -> vector<16xf32>
        %add3A_1302 = arith.addf %add3A_1295, %gather3A_1301 : vector<16xf32>
        %xor3A_1303 = arith.constant 8 : i32
        %xor3A_1304 = vector.broadcast %xor3A_1303 : i32 to vector<16xi32>
        %xor3A_1305 = arith.xori %iota3A_1281, %xor3A_1304 : vector<16xi32>
        %broadcast_in_dim3A_1306 = vector.shape_cast %xor3A_1305 : vector<16xi32> to vector<16x1xi32>
        %gather3A_1307 = vector.shape_cast %broadcast_in_dim3A_1306 : vector<16x1xi32> to vector<16xi32>
        %gather3A_1308 = tpu.dynamic_gather %add3A_1302[%gather3A_1307] in [0] : vector<16xf32>, vector<16xi32> -> vector<16xf32>
        %add3A_1309 = arith.addf %add3A_1302, %gather3A_1308 : vector<16xf32>
        %eq3A_1310 = arith.constant 13 : i32
        %eq3A_1311 = vector.broadcast %eq3A_1310 : i32 to vector<16xi32>
        %eq3A_1312 = arith.cmpi eq, %iota3A, %eq3A_1311 : vector<16xi32>
        %select_n3A_1313 = arith.select %eq3A_1312, %add3A_1309, %select_n3A_1239 : vector<16xi1>, vector<16xf32>
        %add3A_1314 = arith.constant 14 : i32
        %add3A_1315 = arith.addi %min3A_277, %add3A_1314 : i32
        %get3A_1316 = arith.index_cast %add3A_1315 : i32 to index
        %get3A_1317 = arith.constant 0 : index
        %get3A_1318 = tpu.vector_load %arg13[%get3A_1316, %get3A_1317] {strides = array<i32>} : memref<200x128xf32, #tpu.memory_space<vmem>>, vector<16xf32>,
        %mul3A_1319 = arith.mulf %get3A_1318, %get3A_116 : vector<16xf32>
        %get3A_1320 = arith.index_cast %add3A_1315 : i32 to index
        %get3A_1321 = arith.constant 16 : index
        %get3A_1322 = tpu.vector_load %arg13[%get3A_1320, %get3A_1321] {strides = array<i32>} : memref<200x128xf32, #tpu.memory_space<vmem>>, vector<16xf32>,
        %mul3A_1323 = arith.mulf %get3A_1322, %get3A_119 : vector<16xf32>
        %add3A_1324 = arith.addf %mul3A_1319, %mul3A_1323 : vector<16xf32>
        %get3A_1325 = arith.index_cast %add3A_1315 : i32 to index
        %get3A_1326 = arith.constant 32 : index
        %get3A_1327 = tpu.vector_load %arg13[%get3A_1325, %get3A_1326] {strides = array<i32>} : memref<200x128xf32, #tpu.memory_space<vmem>>, vector<16xf32>,
        %mul3A_1328 = arith.mulf %get3A_1327, %get3A_122 : vector<16xf32>
        %add3A_1329 = arith.addf %add3A_1324, %mul3A_1328 : vector<16xf32>
        %get3A_1330 = arith.index_cast %add3A_1315 : i32 to index
        %get3A_1331 = arith.constant 48 : index
        %get3A_1332 = tpu.vector_load %arg13[%get3A_1330, %get3A_1331] {strides = array<i32>} : memref<200x128xf32, #tpu.memory_space<vmem>>, vector<16xf32>,
        %mul3A_1333 = arith.mulf %get3A_1332, %get3A_125 : vector<16xf32>
        %add3A_1334 = arith.addf %add3A_1329, %mul3A_1333 : vector<16xf32>
        %get3A_1335 = arith.index_cast %add3A_1315 : i32 to index
        %get3A_1336 = arith.constant 64 : index
        %get3A_1337 = tpu.vector_load %arg13[%get3A_1335, %get3A_1336] {strides = array<i32>} : memref<200x128xf32, #tpu.memory_space<vmem>>, vector<16xf32>,
        %mul3A_1338 = arith.mulf %get3A_1337, %get3A_128 : vector<16xf32>
        %add3A_1339 = arith.addf %add3A_1334, %mul3A_1338 : vector<16xf32>
        %get3A_1340 = arith.index_cast %add3A_1315 : i32 to index
        %get3A_1341 = arith.constant 80 : index
        %get3A_1342 = tpu.vector_load %arg13[%get3A_1340, %get3A_1341] {strides = array<i32>} : memref<200x128xf32, #tpu.memory_space<vmem>>, vector<16xf32>,
        %mul3A_1343 = arith.mulf %get3A_1342, %get3A_131 : vector<16xf32>
        %add3A_1344 = arith.addf %add3A_1339, %mul3A_1343 : vector<16xf32>
        %get3A_1345 = arith.index_cast %add3A_1315 : i32 to index
        %get3A_1346 = arith.constant 96 : index
        %get3A_1347 = tpu.vector_load %arg13[%get3A_1345, %get3A_1346] {strides = array<i32>} : memref<200x128xf32, #tpu.memory_space<vmem>>, vector<16xf32>,
        %mul3A_1348 = arith.mulf %get3A_1347, %get3A_134 : vector<16xf32>
        %add3A_1349 = arith.addf %add3A_1344, %mul3A_1348 : vector<16xf32>
        %get3A_1350 = arith.index_cast %add3A_1315 : i32 to index
        %get3A_1351 = arith.constant 112 : index
        %get3A_1352 = tpu.vector_load %arg13[%get3A_1350, %get3A_1351] {strides = array<i32>} : memref<200x128xf32, #tpu.memory_space<vmem>>, vector<16xf32>,
        %mul3A_1353 = arith.mulf %get3A_1352, %get3A_137 : vector<16xf32>
        %add3A_1354 = arith.addf %add3A_1349, %mul3A_1353 : vector<16xf32>
        %iota3A_1355 = tpu.iota {dimensions = array<i32: 0>} : vector<16xi32>
        %xor3A_1356 = arith.constant 1 : i32
        %xor3A_1357 = vector.broadcast %xor3A_1356 : i32 to vector<16xi32>
        %xor3A_1358 = arith.xori %iota3A_1355, %xor3A_1357 : vector<16xi32>
        %broadcast_in_dim3A_1359 = vector.shape_cast %xor3A_1358 : vector<16xi32> to vector<16x1xi32>
        %gather3A_1360 = vector.shape_cast %broadcast_in_dim3A_1359 : vector<16x1xi32> to vector<16xi32>
        %gather3A_1361 = tpu.dynamic_gather %add3A_1354[%gather3A_1360] in [0] : vector<16xf32>, vector<16xi32> -> vector<16xf32>
        %add3A_1362 = arith.addf %add3A_1354, %gather3A_1361 : vector<16xf32>
        %xor3A_1363 = arith.constant 2 : i32
        %xor3A_1364 = vector.broadcast %xor3A_1363 : i32 to vector<16xi32>
        %xor3A_1365 = arith.xori %iota3A_1355, %xor3A_1364 : vector<16xi32>
        %broadcast_in_dim3A_1366 = vector.shape_cast %xor3A_1365 : vector<16xi32> to vector<16x1xi32>
        %gather3A_1367 = vector.shape_cast %broadcast_in_dim3A_1366 : vector<16x1xi32> to vector<16xi32>
        %gather3A_1368 = tpu.dynamic_gather %add3A_1362[%gather3A_1367] in [0] : vector<16xf32>, vector<16xi32> -> vector<16xf32>
        %add3A_1369 = arith.addf %add3A_1362, %gather3A_1368 : vector<16xf32>
        %xor3A_1370 = arith.constant 4 : i32
        %xor3A_1371 = vector.broadcast %xor3A_1370 : i32 to vector<16xi32>
        %xor3A_1372 = arith.xori %iota3A_1355, %xor3A_1371 : vector<16xi32>
        %broadcast_in_dim3A_1373 = vector.shape_cast %xor3A_1372 : vector<16xi32> to vector<16x1xi32>
        %gather3A_1374 = vector.shape_cast %broadcast_in_dim3A_1373 : vector<16x1xi32> to vector<16xi32>
        %gather3A_1375 = tpu.dynamic_gather %add3A_1369[%gather3A_1374] in [0] : vector<16xf32>, vector<16xi32> -> vector<16xf32>
        %add3A_1376 = arith.addf %add3A_1369, %gather3A_1375 : vector<16xf32>
        %xor3A_1377 = arith.constant 8 : i32
        %xor3A_1378 = vector.broadcast %xor3A_1377 : i32 to vector<16xi32>
        %xor3A_1379 = arith.xori %iota3A_1355, %xor3A_1378 : vector<16xi32>
        %broadcast_in_dim3A_1380 = vector.shape_cast %xor3A_1379 : vector<16xi32> to vector<16x1xi32>
        %gather3A_1381 = vector.shape_cast %broadcast_in_dim3A_1380 : vector<16x1xi32> to vector<16xi32>
        %gather3A_1382 = tpu.dynamic_gather %add3A_1376[%gather3A_1381] in [0] : vector<16xf32>, vector<16xi32> -> vector<16xf32>
        %add3A_1383 = arith.addf %add3A_1376, %gather3A_1382 : vector<16xf32>
        %eq3A_1384 = arith.constant 14 : i32
        %eq3A_1385 = vector.broadcast %eq3A_1384 : i32 to vector<16xi32>
        %eq3A_1386 = arith.cmpi eq, %iota3A, %eq3A_1385 : vector<16xi32>
        %select_n3A_1387 = arith.select %eq3A_1386, %add3A_1383, %select_n3A_1313 : vector<16xi1>, vector<16xf32>
        %add3A_1388 = arith.constant 15 : i32
        %add3A_1389 = arith.addi %min3A_277, %add3A_1388 : i32
        %get3A_1390 = arith.index_cast %add3A_1389 : i32 to index
        %get3A_1391 = arith.constant 0 : index
        %get3A_1392 = tpu.vector_load %arg13[%get3A_1390, %get3A_1391] {strides = array<i32>} : memref<200x128xf32, #tpu.memory_space<vmem>>, vector<16xf32>,
        %mul3A_1393 = arith.mulf %get3A_1392, %get3A_116 : vector<16xf32>
        %get3A_1394 = arith.index_cast %add3A_1389 : i32 to index
        %get3A_1395 = arith.constant 16 : index
        %get3A_1396 = tpu.vector_load %arg13[%get3A_1394, %get3A_1395] {strides = array<i32>} : memref<200x128xf32, #tpu.memory_space<vmem>>, vector<16xf32>,
        %mul3A_1397 = arith.mulf %get3A_1396, %get3A_119 : vector<16xf32>
        %add3A_1398 = arith.addf %mul3A_1393, %mul3A_1397 : vector<16xf32>
        %get3A_1399 = arith.index_cast %add3A_1389 : i32 to index
        %get3A_1400 = arith.constant 32 : index
        %get3A_1401 = tpu.vector_load %arg13[%get3A_1399, %get3A_1400] {strides = array<i32>} : memref<200x128xf32, #tpu.memory_space<vmem>>, vector<16xf32>,
        %mul3A_1402 = arith.mulf %get3A_1401, %get3A_122 : vector<16xf32>
        %add3A_1403 = arith.addf %add3A_1398, %mul3A_1402 : vector<16xf32>
        %get3A_1404 = arith.index_cast %add3A_1389 : i32 to index
        %get3A_1405 = arith.constant 48 : index
        %get3A_1406 = tpu.vector_load %arg13[%get3A_1404, %get3A_1405] {strides = array<i32>} : memref<200x128xf32, #tpu.memory_space<vmem>>, vector<16xf32>,
        %mul3A_1407 = arith.mulf %get3A_1406, %get3A_125 : vector<16xf32>
        %add3A_1408 = arith.addf %add3A_1403, %mul3A_1407 : vector<16xf32>
        %get3A_1409 = arith.index_cast %add3A_1389 : i32 to index
        %get3A_1410 = arith.constant 64 : index
        %get3A_1411 = tpu.vector_load %arg13[%get3A_1409, %get3A_1410] {strides = array<i32>} : memref<200x128xf32, #tpu.memory_space<vmem>>, vector<16xf32>,
        %mul3A_1412 = arith.mulf %get3A_1411, %get3A_128 : vector<16xf32>
        %add3A_1413 = arith.addf %add3A_1408, %mul3A_1412 : vector<16xf32>
        %get3A_1414 = arith.index_cast %add3A_1389 : i32 to index
        %get3A_1415 = arith.constant 80 : index
        %get3A_1416 = tpu.vector_load %arg13[%get3A_1414, %get3A_1415] {strides = array<i32>} : memref<200x128xf32, #tpu.memory_space<vmem>>, vector<16xf32>,
        %mul3A_1417 = arith.mulf %get3A_1416, %get3A_131 : vector<16xf32>
        %add3A_1418 = arith.addf %add3A_1413, %mul3A_1417 : vector<16xf32>
        %get3A_1419 = arith.index_cast %add3A_1389 : i32 to index
        %get3A_1420 = arith.constant 96 : index
        %get3A_1421 = tpu.vector_load %arg13[%get3A_1419, %get3A_1420] {strides = array<i32>} : memref<200x128xf32, #tpu.memory_space<vmem>>, vector<16xf32>,
        %mul3A_1422 = arith.mulf %get3A_1421, %get3A_134 : vector<16xf32>
        %add3A_1423 = arith.addf %add3A_1418, %mul3A_1422 : vector<16xf32>
        %get3A_1424 = arith.index_cast %add3A_1389 : i32 to index
        %get3A_1425 = arith.constant 112 : index
        %get3A_1426 = tpu.vector_load %arg13[%get3A_1424, %get3A_1425] {strides = array<i32>} : memref<200x128xf32, #tpu.memory_space<vmem>>, vector<16xf32>,
        %mul3A_1427 = arith.mulf %get3A_1426, %get3A_137 : vector<16xf32>
        %add3A_1428 = arith.addf %add3A_1423, %mul3A_1427 : vector<16xf32>
        %iota3A_1429 = tpu.iota {dimensions = array<i32: 0>} : vector<16xi32>
        %xor3A_1430 = arith.constant 1 : i32
        %xor3A_1431 = vector.broadcast %xor3A_1430 : i32 to vector<16xi32>
        %xor3A_1432 = arith.xori %iota3A_1429, %xor3A_1431 : vector<16xi32>
        %broadcast_in_dim3A_1433 = vector.shape_cast %xor3A_1432 : vector<16xi32> to vector<16x1xi32>
        %gather3A_1434 = vector.shape_cast %broadcast_in_dim3A_1433 : vector<16x1xi32> to vector<16xi32>
        %gather3A_1435 = tpu.dynamic_gather %add3A_1428[%gather3A_1434] in [0] : vector<16xf32>, vector<16xi32> -> vector<16xf32>
        %add3A_1436 = arith.addf %add3A_1428, %gather3A_1435 : vector<16xf32>
        %xor3A_1437 = arith.constant 2 : i32
        %xor3A_1438 = vector.broadcast %xor3A_1437 : i32 to vector<16xi32>
        %xor3A_1439 = arith.xori %iota3A_1429, %xor3A_1438 : vector<16xi32>
        %broadcast_in_dim3A_1440 = vector.shape_cast %xor3A_1439 : vector<16xi32> to vector<16x1xi32>
        %gather3A_1441 = vector.shape_cast %broadcast_in_dim3A_1440 : vector<16x1xi32> to vector<16xi32>
        %gather3A_1442 = tpu.dynamic_gather %add3A_1436[%gather3A_1441] in [0] : vector<16xf32>, vector<16xi32> -> vector<16xf32>
        %add3A_1443 = arith.addf %add3A_1436, %gather3A_1442 : vector<16xf32>
        %xor3A_1444 = arith.constant 4 : i32
        %xor3A_1445 = vector.broadcast %xor3A_1444 : i32 to vector<16xi32>
        %xor3A_1446 = arith.xori %iota3A_1429, %xor3A_1445 : vector<16xi32>
        %broadcast_in_dim3A_1447 = vector.shape_cast %xor3A_1446 : vector<16xi32> to vector<16x1xi32>
        %gather3A_1448 = vector.shape_cast %broadcast_in_dim3A_1447 : vector<16x1xi32> to vector<16xi32>
        %gather3A_1449 = tpu.dynamic_gather %add3A_1443[%gather3A_1448] in [0] : vector<16xf32>, vector<16xi32> -> vector<16xf32>
        %add3A_1450 = arith.addf %add3A_1443, %gather3A_1449 : vector<16xf32>
        %xor3A_1451 = arith.constant 8 : i32
        %xor3A_1452 = vector.broadcast %xor3A_1451 : i32 to vector<16xi32>
        %xor3A_1453 = arith.xori %iota3A_1429, %xor3A_1452 : vector<16xi32>
        %broadcast_in_dim3A_1454 = vector.shape_cast %xor3A_1453 : vector<16xi32> to vector<16x1xi32>
        %gather3A_1455 = vector.shape_cast %broadcast_in_dim3A_1454 : vector<16x1xi32> to vector<16xi32>
        %gather3A_1456 = tpu.dynamic_gather %add3A_1450[%gather3A_1455] in [0] : vector<16xf32>, vector<16xi32> -> vector<16xf32>
        %add3A_1457 = arith.addf %add3A_1450, %gather3A_1456 : vector<16xf32>
        %eq3A_1458 = arith.constant 15 : i32
        %eq3A_1459 = vector.broadcast %eq3A_1458 : i32 to vector<16xi32>
        %eq3A_1460 = arith.cmpi eq, %iota3A, %eq3A_1459 : vector<16xi32>
        %select_n3A_1461 = arith.select %eq3A_1460, %add3A_1457, %select_n3A_1387 : vector<16xi1>, vector<16xf32>
        %get3A_1462 = arith.index_cast %min3A_277 : i32 to index
        %get3A_1463 = tpu.vector_load %arg15[%get3A_1462] {strides = array<i32>} : memref<200xf32, #tpu.memory_space<vmem>>, vector<16xf32>,
        %add3A_1464 = arith.addf %select_n3A_1461, %get3A_1463 : vector<16xf32>
        %add3A_1465 = arith.addf %add3A_1464, %gather3A_161 : vector<16xf32>
        %swap3A = arith.index_cast %add3A_48 : i32 to index
        %swap3A_1466 = arith.index_cast %min3A_277 : i32 to index
        %swap3A_1467 = tpu.vector_load %arg17[%swap3A, %swap3A_1466] {strides = array<i32>} : memref<128x200xf32, #tpu.memory_space<vmem>>, vector<16xf32>,
        tpu.vector_store %arg17[%swap3A, %swap3A_1466], %add3A_1465 {strides = array<i32>} : memref<128x200xf32, #tpu.memory_space<vmem>>, vector<16xf32>,
      }
      %scan3A_166 = arith.constant 13 : i32
      %add3A_167 = arith.constant 2 : i32
      %add3A_168 = arith.addi %add3A_48, %add3A_167 : i32
      %lt3A = arith.constant 128 : i32
      %lt3A_169 = arith.cmpi slt, %add3A_168, %lt3A : i32
      %convert_element_type3A = arith.extui %lt3A_169 : i1 to i32
      %cond3A = arith.constant 0 : i32
      %cond3A_170 = arith.cmpi ne, %convert_element_type3A, %cond3A : i32
      scf.if %cond3A_170 {
        %add3A_270 = arith.constant 2 : i32
        %add3A_271 = arith.addi %add3A_48, %add3A_270 : i32
        %mul3A_272 = arith.constant 200 : i32
        %mul3A_273 = arith.muli %add3A_271, %mul3A_272 : i32
        %multiple_of3A_274 = tpu.assume_multiple %mul3A_273, 8 : i32
        %mul3A_275 = arith.constant 200 : i32
        %mul3A_276 = arith.muli %add3A_271, %mul3A_275 : i32
        %add3A_277 = arith.constant 104 : i32
        %add3A_278 = arith.addi %mul3A_276, %add3A_277 : i32
        %multiple_of3A_279 = tpu.assume_multiple %add3A_278, 8 : i32
        %dma_start3A_280 = arith.constant 0 : i32
        %dma_start3A_281 = arith.constant 0 : i32
        %dma_start3A_282 = tpu.memref_slice %arg13[%dma_start3A_280, %dma_start3A_281] : memref<200x128xf32, #tpu.memory_space<vmem>> -> memref<104x128xf32, #tpu.memory_space<vmem>>
        %dma_start3A_283 = tpu.memref_slice %arg10[%multiple_of3A_274] : memref<25600xi32, #tpu.memory_space<vmem>> -> memref<104xi32, #tpu.memory_space<vmem>>
        %dma_start3A_284 = arith.constant 0 : i32
        %dma_start3A_285 = arith.constant 0 : i32
        %dma_start3A_286 = tpu.memref_slice %arg5[%dma_start3A_284, %dma_start3A_285] : memref<100000x128xf32, #tpu.memory_space<hbm>> -> memref<100000x128xf32, #tpu.memory_space<hbm>>
        tpu.enqueue_indirect_dma source(%dma_start3A_286 : memref<100000x128xf32, #tpu.memory_space<hbm>>) target(%dma_start3A_282 : memref<104x128xf32, #tpu.memory_space<vmem>>) offsets(%dma_start3A_283 : memref<104xi32, #tpu.memory_space<vmem>>) semaphore(%arg18 : memref<!tpu.dma_semaphore, #tpu.memory_space<semaphore_mem>>)
        %dma_start3A_287 = arith.constant 104 : i32
        %dma_start3A_288 = arith.constant 0 : i32
        %dma_start3A_289 = tpu.memref_slice %arg13[%dma_start3A_287, %dma_start3A_288] : memref<200x128xf32, #tpu.memory_space<vmem>> -> memref<96x128xf32, #tpu.memory_space<vmem>>
        %dma_start3A_290 = tpu.memref_slice %arg10[%multiple_of3A_279] : memref<25600xi32, #tpu.memory_space<vmem>> -> memref<96xi32, #tpu.memory_space<vmem>>
        %dma_start3A_291 = arith.constant 0 : i32
        %dma_start3A_292 = arith.constant 0 : i32
        %dma_start3A_293 = tpu.memref_slice %arg5[%dma_start3A_291, %dma_start3A_292] : memref<100000x128xf32, #tpu.memory_space<hbm>> -> memref<100000x128xf32, #tpu.memory_space<hbm>>
        tpu.enqueue_indirect_dma source(%dma_start3A_293 : memref<100000x128xf32, #tpu.memory_space<hbm>>) target(%dma_start3A_289 : memref<96x128xf32, #tpu.memory_space<vmem>>) offsets(%dma_start3A_290 : memref<96xi32, #tpu.memory_space<vmem>>) semaphore(%arg18 : memref<!tpu.dma_semaphore, #tpu.memory_space<semaphore_mem>>)
        %dma_start3A_294 = arith.constant 0 : i32
        %dma_start3A_295 = tpu.memref_slice %arg15[%dma_start3A_294] : memref<200xf32, #tpu.memory_space<vmem>> -> memref<104xf32, #tpu.memory_space<vmem>>
        %dma_start3A_296 = tpu.memref_slice %arg10[%multiple_of3A_274] : memref<25600xi32, #tpu.memory_space<vmem>> -> memref<104xi32, #tpu.memory_space<vmem>>
        %dma_start3A_297 = arith.constant 0 : i32
        %dma_start3A_298 = tpu.memref_slice %arg7[%dma_start3A_297] : memref<100000xf32, #tpu.memory_space<hbm>> -> memref<100000xf32, #tpu.memory_space<hbm>>
        tpu.enqueue_indirect_dma source(%dma_start3A_298 : memref<100000xf32, #tpu.memory_space<hbm>>) target(%dma_start3A_295 : memref<104xf32, #tpu.memory_space<vmem>>) offsets(%dma_start3A_296 : memref<104xi32, #tpu.memory_space<vmem>>) semaphore(%arg18 : memref<!tpu.dma_semaphore, #tpu.memory_space<semaphore_mem>>)
        %dma_start3A_299 = arith.constant 104 : i32
        %dma_start3A_300 = tpu.memref_slice %arg15[%dma_start3A_299] : memref<200xf32, #tpu.memory_space<vmem>> -> memref<96xf32, #tpu.memory_space<vmem>>
        %dma_start3A_301 = tpu.memref_slice %arg10[%multiple_of3A_279] : memref<25600xi32, #tpu.memory_space<vmem>> -> memref<96xi32, #tpu.memory_space<vmem>>
        %dma_start3A_302 = arith.constant 0 : i32
        %dma_start3A_303 = tpu.memref_slice %arg7[%dma_start3A_302] : memref<100000xf32, #tpu.memory_space<hbm>> -> memref<100000xf32, #tpu.memory_space<hbm>>
        tpu.enqueue_indirect_dma source(%dma_start3A_303 : memref<100000xf32, #tpu.memory_space<hbm>>) target(%dma_start3A_300 : memref<96xf32, #tpu.memory_space<vmem>>) offsets(%dma_start3A_301 : memref<96xi32, #tpu.memory_space<vmem>>) semaphore(%arg18 : memref<!tpu.dma_semaphore, #tpu.memory_space<semaphore_mem>>)
      } else {
      }
      %add3A_171 = arith.constant 1 : i32
      %add3A_172 = arith.addi %add3A_48, %add3A_171 : i32
      %mul3A_173 = arith.constant 200 : i32
      %mul3A_174 = arith.muli %add3A_172, %mul3A_173 : i32
      %multiple_of3A_175 = tpu.assume_multiple %mul3A_174, 8 : i32
      %mul3A_176 = arith.constant 200 : i32
      %mul3A_177 = arith.muli %add3A_172, %mul3A_176 : i32
      %add3A_178 = arith.constant 104 : i32
      %add3A_179 = arith.addi %mul3A_177, %add3A_178 : i32
      %multiple_of3A_180 = tpu.assume_multiple %add3A_179, 8 : i32
      %dma_wait3A_181 = arith.constant 0 : i32
      %dma_wait3A_182 = arith.constant 0 : i32
      %dma_wait3A_183 = tpu.memref_slice %arg14[%dma_wait3A_181, %dma_wait3A_182] : memref<200x128xf32, #tpu.memory_space<vmem>> -> memref<104x128xf32, #tpu.memory_space<vmem>>
      %dma_wait3A_184 = tpu.memref_slice %arg10[%multiple_of3A_175] : memref<25600xi32, #tpu.memory_space<vmem>> -> memref<104xi32, #tpu.memory_space<vmem>>
      %dma_wait3A_185 = arith.constant 0 : i32
      %dma_wait3A_186 = arith.constant 0 : i32
      %dma_wait3A_187 = tpu.memref_slice %arg5[%dma_wait3A_185, %dma_wait3A_186] : memref<100000x128xf32, #tpu.memory_space<hbm>> -> memref<100000x128xf32, #tpu.memory_space<hbm>>
      tpu.wait_indirect_dma semaphore(%arg19 : memref<!tpu.dma_semaphore, #tpu.memory_space<semaphore_mem>>) src(%dma_wait3A_187 : memref<100000x128xf32, #tpu.memory_space<hbm>>) dst(%dma_wait3A_183 : memref<104x128xf32, #tpu.memory_space<vmem>>)
      %dma_wait3A_188 = arith.constant 104 : i32
      %dma_wait3A_189 = arith.constant 0 : i32
      %dma_wait3A_190 = tpu.memref_slice %arg14[%dma_wait3A_188, %dma_wait3A_189] : memref<200x128xf32, #tpu.memory_space<vmem>> -> memref<96x128xf32, #tpu.memory_space<vmem>>
      %dma_wait3A_191 = tpu.memref_slice %arg10[%multiple_of3A_180] : memref<25600xi32, #tpu.memory_space<vmem>> -> memref<96xi32, #tpu.memory_space<vmem>>
      %dma_wait3A_192 = arith.constant 0 : i32
      %dma_wait3A_193 = arith.constant 0 : i32
      %dma_wait3A_194 = tpu.memref_slice %arg5[%dma_wait3A_192, %dma_wait3A_193] : memref<100000x128xf32, #tpu.memory_space<hbm>> -> memref<100000x128xf32, #tpu.memory_space<hbm>>
      tpu.wait_indirect_dma semaphore(%arg19 : memref<!tpu.dma_semaphore, #tpu.memory_space<semaphore_mem>>) src(%dma_wait3A_194 : memref<100000x128xf32, #tpu.memory_space<hbm>>) dst(%dma_wait3A_190 : memref<96x128xf32, #tpu.memory_space<vmem>>)
      %dma_wait3A_195 = arith.constant 0 : i32
      %dma_wait3A_196 = tpu.memref_slice %arg16[%dma_wait3A_195] : memref<200xf32, #tpu.memory_space<vmem>> -> memref<104xf32, #tpu.memory_space<vmem>>
      %dma_wait3A_197 = tpu.memref_slice %arg10[%multiple_of3A_175] : memref<25600xi32, #tpu.memory_space<vmem>> -> memref<104xi32, #tpu.memory_space<vmem>>
      %dma_wait3A_198 = arith.constant 0 : i32
      %dma_wait3A_199 = tpu.memref_slice %arg7[%dma_wait3A_198] : memref<100000xf32, #tpu.memory_space<hbm>> -> memref<100000xf32, #tpu.memory_space<hbm>>
      tpu.wait_indirect_dma semaphore(%arg19 : memref<!tpu.dma_semaphore, #tpu.memory_space<semaphore_mem>>) src(%dma_wait3A_199 : memref<100000xf32, #tpu.memory_space<hbm>>) dst(%dma_wait3A_196 : memref<104xf32, #tpu.memory_space<vmem>>)
      %dma_wait3A_200 = arith.constant 104 : i32
      %dma_wait3A_201 = tpu.memref_slice %arg16[%dma_wait3A_200] : memref<200xf32, #tpu.memory_space<vmem>> -> memref<96xf32, #tpu.memory_space<vmem>>
      %dma_wait3A_202 = tpu.memref_slice %arg10[%multiple_of3A_180] : memref<25600xi32, #tpu.memory_space<vmem>> -> memref<96xi32, #tpu.memory_space<vmem>>
      %dma_wait3A_203 = arith.constant 0 : i32
      %dma_wait3A_204 = tpu.memref_slice %arg7[%dma_wait3A_203] : memref<100000xf32, #tpu.memory_space<hbm>> -> memref<100000xf32, #tpu.memory_space<hbm>>
      tpu.wait_indirect_dma semaphore(%arg19 : memref<!tpu.dma_semaphore, #tpu.memory_space<semaphore_mem>>) src(%dma_wait3A_204 : memref<100000xf32, #tpu.memory_space<hbm>>) dst(%dma_wait3A_201 : memref<96xf32, #tpu.memory_space<vmem>>)
      %add3A_205 = arith.constant 1 : i32
      %add3A_206 = arith.addi %add3A_48, %add3A_205 : i32
      %get3A_207 = arith.index_cast %add3A_206 : i32 to index
      %get3A_208 = arith.constant 0 : index
      %get3A_209 = tpu.vector_load %arg11[%get3A_207, %get3A_208] {strides = array<i32>} : memref<128x128xf32, #tpu.memory_space<vmem>>, vector<16xf32>,
      %get3A_210 = arith.index_cast %add3A_206 : i32 to index
      %get3A_211 = arith.constant 16 : index
      %get3A_212 = tpu.vector_load %arg11[%get3A_210, %get3A_211] {strides = array<i32>} : memref<128x128xf32, #tpu.memory_space<vmem>>, vector<16xf32>,
      %get3A_213 = arith.index_cast %add3A_206 : i32 to index
      %get3A_214 = arith.constant 32 : index
      %get3A_215 = tpu.vector_load %arg11[%get3A_213, %get3A_214] {strides = array<i32>} : memref<128x128xf32, #tpu.memory_space<vmem>>, vector<16xf32>,
      %get3A_216 = arith.index_cast %add3A_206 : i32 to index
      %get3A_217 = arith.constant 48 : index
      %get3A_218 = tpu.vector_load %arg11[%get3A_216, %get3A_217] {strides = array<i32>} : memref<128x128xf32, #tpu.memory_space<vmem>>, vector<16xf32>,
      %get3A_219 = arith.index_cast %add3A_206 : i32 to index
      %get3A_220 = arith.constant 64 : index
      %get3A_221 = tpu.vector_load %arg11[%get3A_219, %get3A_220] {strides = array<i32>} : memref<128x128xf32, #tpu.memory_space<vmem>>, vector<16xf32>,
      %get3A_222 = arith.index_cast %add3A_206 : i32 to index
      %get3A_223 = arith.constant 80 : index
      %get3A_224 = tpu.vector_load %arg11[%get3A_222, %get3A_223] {strides = array<i32>} : memref<128x128xf32, #tpu.memory_space<vmem>>, vector<16xf32>,
      %get3A_225 = arith.index_cast %add3A_206 : i32 to index
      %get3A_226 = arith.constant 96 : index
      %get3A_227 = tpu.vector_load %arg11[%get3A_225, %get3A_226] {strides = array<i32>} : memref<128x128xf32, #tpu.memory_space<vmem>>, vector<16xf32>,
      %get3A_228 = arith.index_cast %add3A_206 : i32 to index
      %get3A_229 = arith.constant 112 : index
      %get3A_230 = tpu.vector_load %arg11[%get3A_228, %get3A_229] {strides = array<i32>} : memref<128x128xf32, #tpu.memory_space<vmem>>, vector<16xf32>,
      %jit3A_231 = arith.constant 16 : i32
      %div3A_232 = arith.divsi %add3A_206, %jit3A_231 : i32
      %sign3A_233 = arith.constant 0 : i32
      %sign3A_234 = arith.cmpi sgt, %add3A_206, %sign3A_233 : i32
      %sign3A_235 = arith.extui %sign3A_234 : i1 to i32
      %sign3A_236 = arith.constant 0 : i32
      %sign3A_237 = arith.cmpi slt, %add3A_206, %sign3A_236 : i32
      %sign3A_238 = arith.extui %sign3A_237 : i1 to i32
      %sign3A_239 = arith.subi %sign3A_235, %sign3A_238 : i32
      %sign3A_240 = arith.constant 0 : i32
      %sign3A_241 = arith.cmpi sgt, %jit3A_231, %sign3A_240 : i32
      %sign3A_242 = arith.extui %sign3A_241 : i1 to i32
      %sign3A_243 = arith.constant 0 : i32
      %sign3A_244 = arith.cmpi slt, %jit3A_231, %sign3A_243 : i32
      %sign3A_245 = arith.extui %sign3A_244 : i1 to i32
      %sign3A_246 = arith.subi %sign3A_242, %sign3A_245 : i32
      %ne3A_247 = arith.cmpi ne, %sign3A_239, %sign3A_246 : i32
      %rem3A_248 = arith.remsi %add3A_206, %jit3A_231 : i32
      %ne3A_249 = arith.constant 0 : i32
      %ne3A_250 = arith.cmpi ne, %rem3A_248, %ne3A_249 : i32
      %and3A_251 = arith.andi %ne3A_247, %ne3A_250 : i1
      %sub3A_252 = arith.constant 1 : i32
      %sub3A_253 = arith.subi %div3A_232, %sub3A_252 : i32
      %select_n3A_254 = arith.select %and3A_251, %sub3A_253, %div3A_232 : i32
      %mul3A_255 = arith.constant 16 : i32
      %mul3A_256 = arith.muli %select_n3A_254, %mul3A_255 : i32
      %get3A_257 = arith.index_cast %mul3A_256 : i32 to index
      %get3A_258 = tpu.vector_load %arg12[%get3A_257] {strides = array<i32>} : memref<128xf32, #tpu.memory_space<vmem>>, vector<16xf32>,
      %rem3A_259 = arith.constant 16 : i32
      %rem3A_260 = arith.remsi %add3A_206, %rem3A_259 : i32
      %broadcast_in_dim3A_261 = vector.broadcast %rem3A_260 : i32 to vector<16xi32>
      %broadcast_in_dim3A_262 = vector.shape_cast %broadcast_in_dim3A_261 : vector<16xi32> to vector<16x1xi32>
      %gather3A_263 = vector.shape_cast %broadcast_in_dim3A_262 : vector<16x1xi32> to vector<16xi32>
      %gather3A_264 = tpu.dynamic_gather %get3A_258[%gather3A_263] in [0] : vector<16xf32>, vector<16xi32> -> vector<16xf32>
      %scan3A_265 = arith.constant 0 : i32
      %scan3A_266 = arith.constant 13 : i32
      %scan3A_267 = arith.addi %scan3A_265, %scan3A_266 : i32
      %scan3A_268 = arith.constant 1 : i32
      scf.for %scan3A_270 = %scan3A_265 to %scan3A_267 step %scan3A_268  : i32 {
        %mul3A_271 = arith.constant 1 : i32
        %mul3A_272 = arith.muli %scan3A_270, %mul3A_271 : i32
        %add3A_273 = arith.constant 0 : i32
        %add3A_274 = arith.addi %add3A_273, %mul3A_272 : i32
        %mul3A_275 = arith.constant 16 : i32
        %mul3A_276 = arith.muli %mul3A_275, %add3A_274 : i32
        %min3A = arith.constant 184 : i32
        %min3A_277 = arith.minsi %mul3A_276, %min3A : i32
        %broadcast_in_dim3A_278 = arith.constant 0.000000e+00 : f32
        %broadcast_in_dim3A_279 = vector.broadcast %broadcast_in_dim3A_278 : f32 to vector<16xf32>
        %add3A_280 = arith.constant 0 : i32
        %add3A_281 = arith.addi %min3A_277, %add3A_280 : i32
        %get3A_282 = arith.index_cast %add3A_281 : i32 to index
        %get3A_283 = arith.constant 0 : index
        %get3A_284 = tpu.vector_load %arg14[%get3A_282, %get3A_283] {strides = array<i32>} : memref<200x128xf32, #tpu.memory_space<vmem>>, vector<16xf32>,
        %mul3A_285 = arith.mulf %get3A_284, %get3A_209 : vector<16xf32>
        %get3A_286 = arith.index_cast %add3A_281 : i32 to index
        %get3A_287 = arith.constant 16 : index
        %get3A_288 = tpu.vector_load %arg14[%get3A_286, %get3A_287] {strides = array<i32>} : memref<200x128xf32, #tpu.memory_space<vmem>>, vector<16xf32>,
        %mul3A_289 = arith.mulf %get3A_288, %get3A_212 : vector<16xf32>
        %add3A_290 = arith.addf %mul3A_285, %mul3A_289 : vector<16xf32>
        %get3A_291 = arith.index_cast %add3A_281 : i32 to index
        %get3A_292 = arith.constant 32 : index
        %get3A_293 = tpu.vector_load %arg14[%get3A_291, %get3A_292] {strides = array<i32>} : memref<200x128xf32, #tpu.memory_space<vmem>>, vector<16xf32>,
        %mul3A_294 = arith.mulf %get3A_293, %get3A_215 : vector<16xf32>
        %add3A_295 = arith.addf %add3A_290, %mul3A_294 : vector<16xf32>
        %get3A_296 = arith.index_cast %add3A_281 : i32 to index
        %get3A_297 = arith.constant 48 : index
        %get3A_298 = tpu.vector_load %arg14[%get3A_296, %get3A_297] {strides = array<i32>} : memref<200x128xf32, #tpu.memory_space<vmem>>, vector<16xf32>,
        %mul3A_299 = arith.mulf %get3A_298, %get3A_218 : vector<16xf32>
        %add3A_300 = arith.addf %add3A_295, %mul3A_299 : vector<16xf32>
        %get3A_301 = arith.index_cast %add3A_281 : i32 to index
        %get3A_302 = arith.constant 64 : index
        %get3A_303 = tpu.vector_load %arg14[%get3A_301, %get3A_302] {strides = array<i32>} : memref<200x128xf32, #tpu.memory_space<vmem>>, vector<16xf32>,
        %mul3A_304 = arith.mulf %get3A_303, %get3A_221 : vector<16xf32>
        %add3A_305 = arith.addf %add3A_300, %mul3A_304 : vector<16xf32>
        %get3A_306 = arith.index_cast %add3A_281 : i32 to index
        %get3A_307 = arith.constant 80 : index
        %get3A_308 = tpu.vector_load %arg14[%get3A_306, %get3A_307] {strides = array<i32>} : memref<200x128xf32, #tpu.memory_space<vmem>>, vector<16xf32>,
        %mul3A_309 = arith.mulf %get3A_308, %get3A_224 : vector<16xf32>
        %add3A_310 = arith.addf %add3A_305, %mul3A_309 : vector<16xf32>
        %get3A_311 = arith.index_cast %add3A_281 : i32 to index
        %get3A_312 = arith.constant 96 : index
        %get3A_313 = tpu.vector_load %arg14[%get3A_311, %get3A_312] {strides = array<i32>} : memref<200x128xf32, #tpu.memory_space<vmem>>, vector<16xf32>,
        %mul3A_314 = arith.mulf %get3A_313, %get3A_227 : vector<16xf32>
        %add3A_315 = arith.addf %add3A_310, %mul3A_314 : vector<16xf32>
        %get3A_316 = arith.index_cast %add3A_281 : i32 to index
        %get3A_317 = arith.constant 112 : index
        %get3A_318 = tpu.vector_load %arg14[%get3A_316, %get3A_317] {strides = array<i32>} : memref<200x128xf32, #tpu.memory_space<vmem>>, vector<16xf32>,
        %mul3A_319 = arith.mulf %get3A_318, %get3A_230 : vector<16xf32>
        %add3A_320 = arith.addf %add3A_315, %mul3A_319 : vector<16xf32>
        %iota3A_321 = tpu.iota {dimensions = array<i32: 0>} : vector<16xi32>
        %xor3A = arith.constant 1 : i32
        %xor3A_322 = vector.broadcast %xor3A : i32 to vector<16xi32>
        %xor3A_323 = arith.xori %iota3A_321, %xor3A_322 : vector<16xi32>
        %broadcast_in_dim3A_324 = vector.shape_cast %xor3A_323 : vector<16xi32> to vector<16x1xi32>
        %gather3A_325 = vector.shape_cast %broadcast_in_dim3A_324 : vector<16x1xi32> to vector<16xi32>
        %gather3A_326 = tpu.dynamic_gather %add3A_320[%gather3A_325] in [0] : vector<16xf32>, vector<16xi32> -> vector<16xf32>
        %add3A_327 = arith.addf %add3A_320, %gather3A_326 : vector<16xf32>
        %xor3A_328 = arith.constant 2 : i32
        %xor3A_329 = vector.broadcast %xor3A_328 : i32 to vector<16xi32>
        %xor3A_330 = arith.xori %iota3A_321, %xor3A_329 : vector<16xi32>
        %broadcast_in_dim3A_331 = vector.shape_cast %xor3A_330 : vector<16xi32> to vector<16x1xi32>
        %gather3A_332 = vector.shape_cast %broadcast_in_dim3A_331 : vector<16x1xi32> to vector<16xi32>
        %gather3A_333 = tpu.dynamic_gather %add3A_327[%gather3A_332] in [0] : vector<16xf32>, vector<16xi32> -> vector<16xf32>
        %add3A_334 = arith.addf %add3A_327, %gather3A_333 : vector<16xf32>
        %xor3A_335 = arith.constant 4 : i32
        %xor3A_336 = vector.broadcast %xor3A_335 : i32 to vector<16xi32>
        %xor3A_337 = arith.xori %iota3A_321, %xor3A_336 : vector<16xi32>
        %broadcast_in_dim3A_338 = vector.shape_cast %xor3A_337 : vector<16xi32> to vector<16x1xi32>
        %gather3A_339 = vector.shape_cast %broadcast_in_dim3A_338 : vector<16x1xi32> to vector<16xi32>
        %gather3A_340 = tpu.dynamic_gather %add3A_334[%gather3A_339] in [0] : vector<16xf32>, vector<16xi32> -> vector<16xf32>
        %add3A_341 = arith.addf %add3A_334, %gather3A_340 : vector<16xf32>
        %xor3A_342 = arith.constant 8 : i32
        %xor3A_343 = vector.broadcast %xor3A_342 : i32 to vector<16xi32>
        %xor3A_344 = arith.xori %iota3A_321, %xor3A_343 : vector<16xi32>
        %broadcast_in_dim3A_345 = vector.shape_cast %xor3A_344 : vector<16xi32> to vector<16x1xi32>
        %gather3A_346 = vector.shape_cast %broadcast_in_dim3A_345 : vector<16x1xi32> to vector<16xi32>
        %gather3A_347 = tpu.dynamic_gather %add3A_341[%gather3A_346] in [0] : vector<16xf32>, vector<16xi32> -> vector<16xf32>
        %add3A_348 = arith.addf %add3A_341, %gather3A_347 : vector<16xf32>
        %eq3A = arith.constant 0 : i32
        %eq3A_349 = vector.broadcast %eq3A : i32 to vector<16xi32>
        %eq3A_350 = arith.cmpi eq, %iota3A, %eq3A_349 : vector<16xi32>
        %select_n3A_351 = arith.select %eq3A_350, %add3A_348, %broadcast_in_dim3A_279 : vector<16xi1>, vector<16xf32>
        %add3A_352 = arith.constant 1 : i32
        %add3A_353 = arith.addi %min3A_277, %add3A_352 : i32
        %get3A_354 = arith.index_cast %add3A_353 : i32 to index
        %get3A_355 = arith.constant 0 : index
        %get3A_356 = tpu.vector_load %arg14[%get3A_354, %get3A_355] {strides = array<i32>} : memref<200x128xf32, #tpu.memory_space<vmem>>, vector<16xf32>,
        %mul3A_357 = arith.mulf %get3A_356, %get3A_209 : vector<16xf32>
        %get3A_358 = arith.index_cast %add3A_353 : i32 to index
        %get3A_359 = arith.constant 16 : index
        %get3A_360 = tpu.vector_load %arg14[%get3A_358, %get3A_359] {strides = array<i32>} : memref<200x128xf32, #tpu.memory_space<vmem>>, vector<16xf32>,
        %mul3A_361 = arith.mulf %get3A_360, %get3A_212 : vector<16xf32>
        %add3A_362 = arith.addf %mul3A_357, %mul3A_361 : vector<16xf32>
        %get3A_363 = arith.index_cast %add3A_353 : i32 to index
        %get3A_364 = arith.constant 32 : index
        %get3A_365 = tpu.vector_load %arg14[%get3A_363, %get3A_364] {strides = array<i32>} : memref<200x128xf32, #tpu.memory_space<vmem>>, vector<16xf32>,
        %mul3A_366 = arith.mulf %get3A_365, %get3A_215 : vector<16xf32>
        %add3A_367 = arith.addf %add3A_362, %mul3A_366 : vector<16xf32>
        %get3A_368 = arith.index_cast %add3A_353 : i32 to index
        %get3A_369 = arith.constant 48 : index
        %get3A_370 = tpu.vector_load %arg14[%get3A_368, %get3A_369] {strides = array<i32>} : memref<200x128xf32, #tpu.memory_space<vmem>>, vector<16xf32>,
        %mul3A_371 = arith.mulf %get3A_370, %get3A_218 : vector<16xf32>
        %add3A_372 = arith.addf %add3A_367, %mul3A_371 : vector<16xf32>
        %get3A_373 = arith.index_cast %add3A_353 : i32 to index
        %get3A_374 = arith.constant 64 : index
        %get3A_375 = tpu.vector_load %arg14[%get3A_373, %get3A_374] {strides = array<i32>} : memref<200x128xf32, #tpu.memory_space<vmem>>, vector<16xf32>,
        %mul3A_376 = arith.mulf %get3A_375, %get3A_221 : vector<16xf32>
        %add3A_377 = arith.addf %add3A_372, %mul3A_376 : vector<16xf32>
        %get3A_378 = arith.index_cast %add3A_353 : i32 to index
        %get3A_379 = arith.constant 80 : index
        %get3A_380 = tpu.vector_load %arg14[%get3A_378, %get3A_379] {strides = array<i32>} : memref<200x128xf32, #tpu.memory_space<vmem>>, vector<16xf32>,
        %mul3A_381 = arith.mulf %get3A_380, %get3A_224 : vector<16xf32>
        %add3A_382 = arith.addf %add3A_377, %mul3A_381 : vector<16xf32>
        %get3A_383 = arith.index_cast %add3A_353 : i32 to index
        %get3A_384 = arith.constant 96 : index
        %get3A_385 = tpu.vector_load %arg14[%get3A_383, %get3A_384] {strides = array<i32>} : memref<200x128xf32, #tpu.memory_space<vmem>>, vector<16xf32>,
        %mul3A_386 = arith.mulf %get3A_385, %get3A_227 : vector<16xf32>
        %add3A_387 = arith.addf %add3A_382, %mul3A_386 : vector<16xf32>
        %get3A_388 = arith.index_cast %add3A_353 : i32 to index
        %get3A_389 = arith.constant 112 : index
        %get3A_390 = tpu.vector_load %arg14[%get3A_388, %get3A_389] {strides = array<i32>} : memref<200x128xf32, #tpu.memory_space<vmem>>, vector<16xf32>,
        %mul3A_391 = arith.mulf %get3A_390, %get3A_230 : vector<16xf32>
        %add3A_392 = arith.addf %add3A_387, %mul3A_391 : vector<16xf32>
        %iota3A_393 = tpu.iota {dimensions = array<i32: 0>} : vector<16xi32>
        %xor3A_394 = arith.constant 1 : i32
        %xor3A_395 = vector.broadcast %xor3A_394 : i32 to vector<16xi32>
        %xor3A_396 = arith.xori %iota3A_393, %xor3A_395 : vector<16xi32>
        %broadcast_in_dim3A_397 = vector.shape_cast %xor3A_396 : vector<16xi32> to vector<16x1xi32>
        %gather3A_398 = vector.shape_cast %broadcast_in_dim3A_397 : vector<16x1xi32> to vector<16xi32>
        %gather3A_399 = tpu.dynamic_gather %add3A_392[%gather3A_398] in [0] : vector<16xf32>, vector<16xi32> -> vector<16xf32>
        %add3A_400 = arith.addf %add3A_392, %gather3A_399 : vector<16xf32>
        %xor3A_401 = arith.constant 2 : i32
        %xor3A_402 = vector.broadcast %xor3A_401 : i32 to vector<16xi32>
        %xor3A_403 = arith.xori %iota3A_393, %xor3A_402 : vector<16xi32>
        %broadcast_in_dim3A_404 = vector.shape_cast %xor3A_403 : vector<16xi32> to vector<16x1xi32>
        %gather3A_405 = vector.shape_cast %broadcast_in_dim3A_404 : vector<16x1xi32> to vector<16xi32>
        %gather3A_406 = tpu.dynamic_gather %add3A_400[%gather3A_405] in [0] : vector<16xf32>, vector<16xi32> -> vector<16xf32>
        %add3A_407 = arith.addf %add3A_400, %gather3A_406 : vector<16xf32>
        %xor3A_408 = arith.constant 4 : i32
        %xor3A_409 = vector.broadcast %xor3A_408 : i32 to vector<16xi32>
        %xor3A_410 = arith.xori %iota3A_393, %xor3A_409 : vector<16xi32>
        %broadcast_in_dim3A_411 = vector.shape_cast %xor3A_410 : vector<16xi32> to vector<16x1xi32>
        %gather3A_412 = vector.shape_cast %broadcast_in_dim3A_411 : vector<16x1xi32> to vector<16xi32>
        %gather3A_413 = tpu.dynamic_gather %add3A_407[%gather3A_412] in [0] : vector<16xf32>, vector<16xi32> -> vector<16xf32>
        %add3A_414 = arith.addf %add3A_407, %gather3A_413 : vector<16xf32>
        %xor3A_415 = arith.constant 8 : i32
        %xor3A_416 = vector.broadcast %xor3A_415 : i32 to vector<16xi32>
        %xor3A_417 = arith.xori %iota3A_393, %xor3A_416 : vector<16xi32>
        %broadcast_in_dim3A_418 = vector.shape_cast %xor3A_417 : vector<16xi32> to vector<16x1xi32>
        %gather3A_419 = vector.shape_cast %broadcast_in_dim3A_418 : vector<16x1xi32> to vector<16xi32>
        %gather3A_420 = tpu.dynamic_gather %add3A_414[%gather3A_419] in [0] : vector<16xf32>, vector<16xi32> -> vector<16xf32>
        %add3A_421 = arith.addf %add3A_414, %gather3A_420 : vector<16xf32>
        %eq3A_422 = arith.constant 1 : i32
        %eq3A_423 = vector.broadcast %eq3A_422 : i32 to vector<16xi32>
        %eq3A_424 = arith.cmpi eq, %iota3A, %eq3A_423 : vector<16xi32>
        %select_n3A_425 = arith.select %eq3A_424, %add3A_421, %select_n3A_351 : vector<16xi1>, vector<16xf32>
        %add3A_426 = arith.constant 2 : i32
        %add3A_427 = arith.addi %min3A_277, %add3A_426 : i32
        %get3A_428 = arith.index_cast %add3A_427 : i32 to index
        %get3A_429 = arith.constant 0 : index
        %get3A_430 = tpu.vector_load %arg14[%get3A_428, %get3A_429] {strides = array<i32>} : memref<200x128xf32, #tpu.memory_space<vmem>>, vector<16xf32>,
        %mul3A_431 = arith.mulf %get3A_430, %get3A_209 : vector<16xf32>
        %get3A_432 = arith.index_cast %add3A_427 : i32 to index
        %get3A_433 = arith.constant 16 : index
        %get3A_434 = tpu.vector_load %arg14[%get3A_432, %get3A_433] {strides = array<i32>} : memref<200x128xf32, #tpu.memory_space<vmem>>, vector<16xf32>,
        %mul3A_435 = arith.mulf %get3A_434, %get3A_212 : vector<16xf32>
        %add3A_436 = arith.addf %mul3A_431, %mul3A_435 : vector<16xf32>
        %get3A_437 = arith.index_cast %add3A_427 : i32 to index
        %get3A_438 = arith.constant 32 : index
        %get3A_439 = tpu.vector_load %arg14[%get3A_437, %get3A_438] {strides = array<i32>} : memref<200x128xf32, #tpu.memory_space<vmem>>, vector<16xf32>,
        %mul3A_440 = arith.mulf %get3A_439, %get3A_215 : vector<16xf32>
        %add3A_441 = arith.addf %add3A_436, %mul3A_440 : vector<16xf32>
        %get3A_442 = arith.index_cast %add3A_427 : i32 to index
        %get3A_443 = arith.constant 48 : index
        %get3A_444 = tpu.vector_load %arg14[%get3A_442, %get3A_443] {strides = array<i32>} : memref<200x128xf32, #tpu.memory_space<vmem>>, vector<16xf32>,
        %mul3A_445 = arith.mulf %get3A_444, %get3A_218 : vector<16xf32>
        %add3A_446 = arith.addf %add3A_441, %mul3A_445 : vector<16xf32>
        %get3A_447 = arith.index_cast %add3A_427 : i32 to index
        %get3A_448 = arith.constant 64 : index
        %get3A_449 = tpu.vector_load %arg14[%get3A_447, %get3A_448] {strides = array<i32>} : memref<200x128xf32, #tpu.memory_space<vmem>>, vector<16xf32>,
        %mul3A_450 = arith.mulf %get3A_449, %get3A_221 : vector<16xf32>
        %add3A_451 = arith.addf %add3A_446, %mul3A_450 : vector<16xf32>
        %get3A_452 = arith.index_cast %add3A_427 : i32 to index
        %get3A_453 = arith.constant 80 : index
        %get3A_454 = tpu.vector_load %arg14[%get3A_452, %get3A_453] {strides = array<i32>} : memref<200x128xf32, #tpu.memory_space<vmem>>, vector<16xf32>,
        %mul3A_455 = arith.mulf %get3A_454, %get3A_224 : vector<16xf32>
        %add3A_456 = arith.addf %add3A_451, %mul3A_455 : vector<16xf32>
        %get3A_457 = arith.index_cast %add3A_427 : i32 to index
        %get3A_458 = arith.constant 96 : index
        %get3A_459 = tpu.vector_load %arg14[%get3A_457, %get3A_458] {strides = array<i32>} : memref<200x128xf32, #tpu.memory_space<vmem>>, vector<16xf32>,
        %mul3A_460 = arith.mulf %get3A_459, %get3A_227 : vector<16xf32>
        %add3A_461 = arith.addf %add3A_456, %mul3A_460 : vector<16xf32>
        %get3A_462 = arith.index_cast %add3A_427 : i32 to index
        %get3A_463 = arith.constant 112 : index
        %get3A_464 = tpu.vector_load %arg14[%get3A_462, %get3A_463] {strides = array<i32>} : memref<200x128xf32, #tpu.memory_space<vmem>>, vector<16xf32>,
        %mul3A_465 = arith.mulf %get3A_464, %get3A_230 : vector<16xf32>
        %add3A_466 = arith.addf %add3A_461, %mul3A_465 : vector<16xf32>
        %iota3A_467 = tpu.iota {dimensions = array<i32: 0>} : vector<16xi32>
        %xor3A_468 = arith.constant 1 : i32
        %xor3A_469 = vector.broadcast %xor3A_468 : i32 to vector<16xi32>
        %xor3A_470 = arith.xori %iota3A_467, %xor3A_469 : vector<16xi32>
        %broadcast_in_dim3A_471 = vector.shape_cast %xor3A_470 : vector<16xi32> to vector<16x1xi32>
        %gather3A_472 = vector.shape_cast %broadcast_in_dim3A_471 : vector<16x1xi32> to vector<16xi32>
        %gather3A_473 = tpu.dynamic_gather %add3A_466[%gather3A_472] in [0] : vector<16xf32>, vector<16xi32> -> vector<16xf32>
        %add3A_474 = arith.addf %add3A_466, %gather3A_473 : vector<16xf32>
        %xor3A_475 = arith.constant 2 : i32
        %xor3A_476 = vector.broadcast %xor3A_475 : i32 to vector<16xi32>
        %xor3A_477 = arith.xori %iota3A_467, %xor3A_476 : vector<16xi32>
        %broadcast_in_dim3A_478 = vector.shape_cast %xor3A_477 : vector<16xi32> to vector<16x1xi32>
        %gather3A_479 = vector.shape_cast %broadcast_in_dim3A_478 : vector<16x1xi32> to vector<16xi32>
        %gather3A_480 = tpu.dynamic_gather %add3A_474[%gather3A_479] in [0] : vector<16xf32>, vector<16xi32> -> vector<16xf32>
        %add3A_481 = arith.addf %add3A_474, %gather3A_480 : vector<16xf32>
        %xor3A_482 = arith.constant 4 : i32
        %xor3A_483 = vector.broadcast %xor3A_482 : i32 to vector<16xi32>
        %xor3A_484 = arith.xori %iota3A_467, %xor3A_483 : vector<16xi32>
        %broadcast_in_dim3A_485 = vector.shape_cast %xor3A_484 : vector<16xi32> to vector<16x1xi32>
        %gather3A_486 = vector.shape_cast %broadcast_in_dim3A_485 : vector<16x1xi32> to vector<16xi32>
        %gather3A_487 = tpu.dynamic_gather %add3A_481[%gather3A_486] in [0] : vector<16xf32>, vector<16xi32> -> vector<16xf32>
        %add3A_488 = arith.addf %add3A_481, %gather3A_487 : vector<16xf32>
        %xor3A_489 = arith.constant 8 : i32
        %xor3A_490 = vector.broadcast %xor3A_489 : i32 to vector<16xi32>
        %xor3A_491 = arith.xori %iota3A_467, %xor3A_490 : vector<16xi32>
        %broadcast_in_dim3A_492 = vector.shape_cast %xor3A_491 : vector<16xi32> to vector<16x1xi32>
        %gather3A_493 = vector.shape_cast %broadcast_in_dim3A_492 : vector<16x1xi32> to vector<16xi32>
        %gather3A_494 = tpu.dynamic_gather %add3A_488[%gather3A_493] in [0] : vector<16xf32>, vector<16xi32> -> vector<16xf32>
        %add3A_495 = arith.addf %add3A_488, %gather3A_494 : vector<16xf32>
        %eq3A_496 = arith.constant 2 : i32
        %eq3A_497 = vector.broadcast %eq3A_496 : i32 to vector<16xi32>
        %eq3A_498 = arith.cmpi eq, %iota3A, %eq3A_497 : vector<16xi32>
        %select_n3A_499 = arith.select %eq3A_498, %add3A_495, %select_n3A_425 : vector<16xi1>, vector<16xf32>
        %add3A_500 = arith.constant 3 : i32
        %add3A_501 = arith.addi %min3A_277, %add3A_500 : i32
        %get3A_502 = arith.index_cast %add3A_501 : i32 to index
        %get3A_503 = arith.constant 0 : index
        %get3A_504 = tpu.vector_load %arg14[%get3A_502, %get3A_503] {strides = array<i32>} : memref<200x128xf32, #tpu.memory_space<vmem>>, vector<16xf32>,
        %mul3A_505 = arith.mulf %get3A_504, %get3A_209 : vector<16xf32>
        %get3A_506 = arith.index_cast %add3A_501 : i32 to index
        %get3A_507 = arith.constant 16 : index
        %get3A_508 = tpu.vector_load %arg14[%get3A_506, %get3A_507] {strides = array<i32>} : memref<200x128xf32, #tpu.memory_space<vmem>>, vector<16xf32>,
        %mul3A_509 = arith.mulf %get3A_508, %get3A_212 : vector<16xf32>
        %add3A_510 = arith.addf %mul3A_505, %mul3A_509 : vector<16xf32>
        %get3A_511 = arith.index_cast %add3A_501 : i32 to index
        %get3A_512 = arith.constant 32 : index
        %get3A_513 = tpu.vector_load %arg14[%get3A_511, %get3A_512] {strides = array<i32>} : memref<200x128xf32, #tpu.memory_space<vmem>>, vector<16xf32>,
        %mul3A_514 = arith.mulf %get3A_513, %get3A_215 : vector<16xf32>
        %add3A_515 = arith.addf %add3A_510, %mul3A_514 : vector<16xf32>
        %get3A_516 = arith.index_cast %add3A_501 : i32 to index
        %get3A_517 = arith.constant 48 : index
        %get3A_518 = tpu.vector_load %arg14[%get3A_516, %get3A_517] {strides = array<i32>} : memref<200x128xf32, #tpu.memory_space<vmem>>, vector<16xf32>,
        %mul3A_519 = arith.mulf %get3A_518, %get3A_218 : vector<16xf32>
        %add3A_520 = arith.addf %add3A_515, %mul3A_519 : vector<16xf32>
        %get3A_521 = arith.index_cast %add3A_501 : i32 to index
        %get3A_522 = arith.constant 64 : index
        %get3A_523 = tpu.vector_load %arg14[%get3A_521, %get3A_522] {strides = array<i32>} : memref<200x128xf32, #tpu.memory_space<vmem>>, vector<16xf32>,
        %mul3A_524 = arith.mulf %get3A_523, %get3A_221 : vector<16xf32>
        %add3A_525 = arith.addf %add3A_520, %mul3A_524 : vector<16xf32>
        %get3A_526 = arith.index_cast %add3A_501 : i32 to index
        %get3A_527 = arith.constant 80 : index
        %get3A_528 = tpu.vector_load %arg14[%get3A_526, %get3A_527] {strides = array<i32>} : memref<200x128xf32, #tpu.memory_space<vmem>>, vector<16xf32>,
        %mul3A_529 = arith.mulf %get3A_528, %get3A_224 : vector<16xf32>
        %add3A_530 = arith.addf %add3A_525, %mul3A_529 : vector<16xf32>
        %get3A_531 = arith.index_cast %add3A_501 : i32 to index
        %get3A_532 = arith.constant 96 : index
        %get3A_533 = tpu.vector_load %arg14[%get3A_531, %get3A_532] {strides = array<i32>} : memref<200x128xf32, #tpu.memory_space<vmem>>, vector<16xf32>,
        %mul3A_534 = arith.mulf %get3A_533, %get3A_227 : vector<16xf32>
        %add3A_535 = arith.addf %add3A_530, %mul3A_534 : vector<16xf32>
        %get3A_536 = arith.index_cast %add3A_501 : i32 to index
        %get3A_537 = arith.constant 112 : index
        %get3A_538 = tpu.vector_load %arg14[%get3A_536, %get3A_537] {strides = array<i32>} : memref<200x128xf32, #tpu.memory_space<vmem>>, vector<16xf32>,
        %mul3A_539 = arith.mulf %get3A_538, %get3A_230 : vector<16xf32>
        %add3A_540 = arith.addf %add3A_535, %mul3A_539 : vector<16xf32>
        %iota3A_541 = tpu.iota {dimensions = array<i32: 0>} : vector<16xi32>
        %xor3A_542 = arith.constant 1 : i32
        %xor3A_543 = vector.broadcast %xor3A_542 : i32 to vector<16xi32>
        %xor3A_544 = arith.xori %iota3A_541, %xor3A_543 : vector<16xi32>
        %broadcast_in_dim3A_545 = vector.shape_cast %xor3A_544 : vector<16xi32> to vector<16x1xi32>
        %gather3A_546 = vector.shape_cast %broadcast_in_dim3A_545 : vector<16x1xi32> to vector<16xi32>
        %gather3A_547 = tpu.dynamic_gather %add3A_540[%gather3A_546] in [0] : vector<16xf32>, vector<16xi32> -> vector<16xf32>
        %add3A_548 = arith.addf %add3A_540, %gather3A_547 : vector<16xf32>
        %xor3A_549 = arith.constant 2 : i32
        %xor3A_550 = vector.broadcast %xor3A_549 : i32 to vector<16xi32>
        %xor3A_551 = arith.xori %iota3A_541, %xor3A_550 : vector<16xi32>
        %broadcast_in_dim3A_552 = vector.shape_cast %xor3A_551 : vector<16xi32> to vector<16x1xi32>
        %gather3A_553 = vector.shape_cast %broadcast_in_dim3A_552 : vector<16x1xi32> to vector<16xi32>
        %gather3A_554 = tpu.dynamic_gather %add3A_548[%gather3A_553] in [0] : vector<16xf32>, vector<16xi32> -> vector<16xf32>
        %add3A_555 = arith.addf %add3A_548, %gather3A_554 : vector<16xf32>
        %xor3A_556 = arith.constant 4 : i32
        %xor3A_557 = vector.broadcast %xor3A_556 : i32 to vector<16xi32>
        %xor3A_558 = arith.xori %iota3A_541, %xor3A_557 : vector<16xi32>
        %broadcast_in_dim3A_559 = vector.shape_cast %xor3A_558 : vector<16xi32> to vector<16x1xi32>
        %gather3A_560 = vector.shape_cast %broadcast_in_dim3A_559 : vector<16x1xi32> to vector<16xi32>
        %gather3A_561 = tpu.dynamic_gather %add3A_555[%gather3A_560] in [0] : vector<16xf32>, vector<16xi32> -> vector<16xf32>
        %add3A_562 = arith.addf %add3A_555, %gather3A_561 : vector<16xf32>
        %xor3A_563 = arith.constant 8 : i32
        %xor3A_564 = vector.broadcast %xor3A_563 : i32 to vector<16xi32>
        %xor3A_565 = arith.xori %iota3A_541, %xor3A_564 : vector<16xi32>
        %broadcast_in_dim3A_566 = vector.shape_cast %xor3A_565 : vector<16xi32> to vector<16x1xi32>
        %gather3A_567 = vector.shape_cast %broadcast_in_dim3A_566 : vector<16x1xi32> to vector<16xi32>
        %gather3A_568 = tpu.dynamic_gather %add3A_562[%gather3A_567] in [0] : vector<16xf32>, vector<16xi32> -> vector<16xf32>
        %add3A_569 = arith.addf %add3A_562, %gather3A_568 : vector<16xf32>
        %eq3A_570 = arith.constant 3 : i32
        %eq3A_571 = vector.broadcast %eq3A_570 : i32 to vector<16xi32>
        %eq3A_572 = arith.cmpi eq, %iota3A, %eq3A_571 : vector<16xi32>
        %select_n3A_573 = arith.select %eq3A_572, %add3A_569, %select_n3A_499 : vector<16xi1>, vector<16xf32>
        %add3A_574 = arith.constant 4 : i32
        %add3A_575 = arith.addi %min3A_277, %add3A_574 : i32
        %get3A_576 = arith.index_cast %add3A_575 : i32 to index
        %get3A_577 = arith.constant 0 : index
        %get3A_578 = tpu.vector_load %arg14[%get3A_576, %get3A_577] {strides = array<i32>} : memref<200x128xf32, #tpu.memory_space<vmem>>, vector<16xf32>,
        %mul3A_579 = arith.mulf %get3A_578, %get3A_209 : vector<16xf32>
        %get3A_580 = arith.index_cast %add3A_575 : i32 to index
        %get3A_581 = arith.constant 16 : index
        %get3A_582 = tpu.vector_load %arg14[%get3A_580, %get3A_581] {strides = array<i32>} : memref<200x128xf32, #tpu.memory_space<vmem>>, vector<16xf32>,
        %mul3A_583 = arith.mulf %get3A_582, %get3A_212 : vector<16xf32>
        %add3A_584 = arith.addf %mul3A_579, %mul3A_583 : vector<16xf32>
        %get3A_585 = arith.index_cast %add3A_575 : i32 to index
        %get3A_586 = arith.constant 32 : index
        %get3A_587 = tpu.vector_load %arg14[%get3A_585, %get3A_586] {strides = array<i32>} : memref<200x128xf32, #tpu.memory_space<vmem>>, vector<16xf32>,
        %mul3A_588 = arith.mulf %get3A_587, %get3A_215 : vector<16xf32>
        %add3A_589 = arith.addf %add3A_584, %mul3A_588 : vector<16xf32>
        %get3A_590 = arith.index_cast %add3A_575 : i32 to index
        %get3A_591 = arith.constant 48 : index
        %get3A_592 = tpu.vector_load %arg14[%get3A_590, %get3A_591] {strides = array<i32>} : memref<200x128xf32, #tpu.memory_space<vmem>>, vector<16xf32>,
        %mul3A_593 = arith.mulf %get3A_592, %get3A_218 : vector<16xf32>
        %add3A_594 = arith.addf %add3A_589, %mul3A_593 : vector<16xf32>
        %get3A_595 = arith.index_cast %add3A_575 : i32 to index
        %get3A_596 = arith.constant 64 : index
        %get3A_597 = tpu.vector_load %arg14[%get3A_595, %get3A_596] {strides = array<i32>} : memref<200x128xf32, #tpu.memory_space<vmem>>, vector<16xf32>,
        %mul3A_598 = arith.mulf %get3A_597, %get3A_221 : vector<16xf32>
        %add3A_599 = arith.addf %add3A_594, %mul3A_598 : vector<16xf32>
        %get3A_600 = arith.index_cast %add3A_575 : i32 to index
        %get3A_601 = arith.constant 80 : index
        %get3A_602 = tpu.vector_load %arg14[%get3A_600, %get3A_601] {strides = array<i32>} : memref<200x128xf32, #tpu.memory_space<vmem>>, vector<16xf32>,
        %mul3A_603 = arith.mulf %get3A_602, %get3A_224 : vector<16xf32>
        %add3A_604 = arith.addf %add3A_599, %mul3A_603 : vector<16xf32>
        %get3A_605 = arith.index_cast %add3A_575 : i32 to index
        %get3A_606 = arith.constant 96 : index
        %get3A_607 = tpu.vector_load %arg14[%get3A_605, %get3A_606] {strides = array<i32>} : memref<200x128xf32, #tpu.memory_space<vmem>>, vector<16xf32>,
        %mul3A_608 = arith.mulf %get3A_607, %get3A_227 : vector<16xf32>
        %add3A_609 = arith.addf %add3A_604, %mul3A_608 : vector<16xf32>
        %get3A_610 = arith.index_cast %add3A_575 : i32 to index
        %get3A_611 = arith.constant 112 : index
        %get3A_612 = tpu.vector_load %arg14[%get3A_610, %get3A_611] {strides = array<i32>} : memref<200x128xf32, #tpu.memory_space<vmem>>, vector<16xf32>,
        %mul3A_613 = arith.mulf %get3A_612, %get3A_230 : vector<16xf32>
        %add3A_614 = arith.addf %add3A_609, %mul3A_613 : vector<16xf32>
        %iota3A_615 = tpu.iota {dimensions = array<i32: 0>} : vector<16xi32>
        %xor3A_616 = arith.constant 1 : i32
        %xor3A_617 = vector.broadcast %xor3A_616 : i32 to vector<16xi32>
        %xor3A_618 = arith.xori %iota3A_615, %xor3A_617 : vector<16xi32>
        %broadcast_in_dim3A_619 = vector.shape_cast %xor3A_618 : vector<16xi32> to vector<16x1xi32>
        %gather3A_620 = vector.shape_cast %broadcast_in_dim3A_619 : vector<16x1xi32> to vector<16xi32>
        %gather3A_621 = tpu.dynamic_gather %add3A_614[%gather3A_620] in [0] : vector<16xf32>, vector<16xi32> -> vector<16xf32>
        %add3A_622 = arith.addf %add3A_614, %gather3A_621 : vector<16xf32>
        %xor3A_623 = arith.constant 2 : i32
        %xor3A_624 = vector.broadcast %xor3A_623 : i32 to vector<16xi32>
        %xor3A_625 = arith.xori %iota3A_615, %xor3A_624 : vector<16xi32>
        %broadcast_in_dim3A_626 = vector.shape_cast %xor3A_625 : vector<16xi32> to vector<16x1xi32>
        %gather3A_627 = vector.shape_cast %broadcast_in_dim3A_626 : vector<16x1xi32> to vector<16xi32>
        %gather3A_628 = tpu.dynamic_gather %add3A_622[%gather3A_627] in [0] : vector<16xf32>, vector<16xi32> -> vector<16xf32>
        %add3A_629 = arith.addf %add3A_622, %gather3A_628 : vector<16xf32>
        %xor3A_630 = arith.constant 4 : i32
        %xor3A_631 = vector.broadcast %xor3A_630 : i32 to vector<16xi32>
        %xor3A_632 = arith.xori %iota3A_615, %xor3A_631 : vector<16xi32>
        %broadcast_in_dim3A_633 = vector.shape_cast %xor3A_632 : vector<16xi32> to vector<16x1xi32>
        %gather3A_634 = vector.shape_cast %broadcast_in_dim3A_633 : vector<16x1xi32> to vector<16xi32>
        %gather3A_635 = tpu.dynamic_gather %add3A_629[%gather3A_634] in [0] : vector<16xf32>, vector<16xi32> -> vector<16xf32>
        %add3A_636 = arith.addf %add3A_629, %gather3A_635 : vector<16xf32>
        %xor3A_637 = arith.constant 8 : i32
        %xor3A_638 = vector.broadcast %xor3A_637 : i32 to vector<16xi32>
        %xor3A_639 = arith.xori %iota3A_615, %xor3A_638 : vector<16xi32>
        %broadcast_in_dim3A_640 = vector.shape_cast %xor3A_639 : vector<16xi32> to vector<16x1xi32>
        %gather3A_641 = vector.shape_cast %broadcast_in_dim3A_640 : vector<16x1xi32> to vector<16xi32>
        %gather3A_642 = tpu.dynamic_gather %add3A_636[%gather3A_641] in [0] : vector<16xf32>, vector<16xi32> -> vector<16xf32>
        %add3A_643 = arith.addf %add3A_636, %gather3A_642 : vector<16xf32>
        %eq3A_644 = arith.constant 4 : i32
        %eq3A_645 = vector.broadcast %eq3A_644 : i32 to vector<16xi32>
        %eq3A_646 = arith.cmpi eq, %iota3A, %eq3A_645 : vector<16xi32>
        %select_n3A_647 = arith.select %eq3A_646, %add3A_643, %select_n3A_573 : vector<16xi1>, vector<16xf32>
        %add3A_648 = arith.constant 5 : i32
        %add3A_649 = arith.addi %min3A_277, %add3A_648 : i32
        %get3A_650 = arith.index_cast %add3A_649 : i32 to index
        %get3A_651 = arith.constant 0 : index
        %get3A_652 = tpu.vector_load %arg14[%get3A_650, %get3A_651] {strides = array<i32>} : memref<200x128xf32, #tpu.memory_space<vmem>>, vector<16xf32>,
        %mul3A_653 = arith.mulf %get3A_652, %get3A_209 : vector<16xf32>
        %get3A_654 = arith.index_cast %add3A_649 : i32 to index
        %get3A_655 = arith.constant 16 : index
        %get3A_656 = tpu.vector_load %arg14[%get3A_654, %get3A_655] {strides = array<i32>} : memref<200x128xf32, #tpu.memory_space<vmem>>, vector<16xf32>,
        %mul3A_657 = arith.mulf %get3A_656, %get3A_212 : vector<16xf32>
        %add3A_658 = arith.addf %mul3A_653, %mul3A_657 : vector<16xf32>
        %get3A_659 = arith.index_cast %add3A_649 : i32 to index
        %get3A_660 = arith.constant 32 : index
        %get3A_661 = tpu.vector_load %arg14[%get3A_659, %get3A_660] {strides = array<i32>} : memref<200x128xf32, #tpu.memory_space<vmem>>, vector<16xf32>,
        %mul3A_662 = arith.mulf %get3A_661, %get3A_215 : vector<16xf32>
        %add3A_663 = arith.addf %add3A_658, %mul3A_662 : vector<16xf32>
        %get3A_664 = arith.index_cast %add3A_649 : i32 to index
        %get3A_665 = arith.constant 48 : index
        %get3A_666 = tpu.vector_load %arg14[%get3A_664, %get3A_665] {strides = array<i32>} : memref<200x128xf32, #tpu.memory_space<vmem>>, vector<16xf32>,
        %mul3A_667 = arith.mulf %get3A_666, %get3A_218 : vector<16xf32>
        %add3A_668 = arith.addf %add3A_663, %mul3A_667 : vector<16xf32>
        %get3A_669 = arith.index_cast %add3A_649 : i32 to index
        %get3A_670 = arith.constant 64 : index
        %get3A_671 = tpu.vector_load %arg14[%get3A_669, %get3A_670] {strides = array<i32>} : memref<200x128xf32, #tpu.memory_space<vmem>>, vector<16xf32>,
        %mul3A_672 = arith.mulf %get3A_671, %get3A_221 : vector<16xf32>
        %add3A_673 = arith.addf %add3A_668, %mul3A_672 : vector<16xf32>
        %get3A_674 = arith.index_cast %add3A_649 : i32 to index
        %get3A_675 = arith.constant 80 : index
        %get3A_676 = tpu.vector_load %arg14[%get3A_674, %get3A_675] {strides = array<i32>} : memref<200x128xf32, #tpu.memory_space<vmem>>, vector<16xf32>,
        %mul3A_677 = arith.mulf %get3A_676, %get3A_224 : vector<16xf32>
        %add3A_678 = arith.addf %add3A_673, %mul3A_677 : vector<16xf32>
        %get3A_679 = arith.index_cast %add3A_649 : i32 to index
        %get3A_680 = arith.constant 96 : index
        %get3A_681 = tpu.vector_load %arg14[%get3A_679, %get3A_680] {strides = array<i32>} : memref<200x128xf32, #tpu.memory_space<vmem>>, vector<16xf32>,
        %mul3A_682 = arith.mulf %get3A_681, %get3A_227 : vector<16xf32>
        %add3A_683 = arith.addf %add3A_678, %mul3A_682 : vector<16xf32>
        %get3A_684 = arith.index_cast %add3A_649 : i32 to index
        %get3A_685 = arith.constant 112 : index
        %get3A_686 = tpu.vector_load %arg14[%get3A_684, %get3A_685] {strides = array<i32>} : memref<200x128xf32, #tpu.memory_space<vmem>>, vector<16xf32>,
        %mul3A_687 = arith.mulf %get3A_686, %get3A_230 : vector<16xf32>
        %add3A_688 = arith.addf %add3A_683, %mul3A_687 : vector<16xf32>
        %iota3A_689 = tpu.iota {dimensions = array<i32: 0>} : vector<16xi32>
        %xor3A_690 = arith.constant 1 : i32
        %xor3A_691 = vector.broadcast %xor3A_690 : i32 to vector<16xi32>
        %xor3A_692 = arith.xori %iota3A_689, %xor3A_691 : vector<16xi32>
        %broadcast_in_dim3A_693 = vector.shape_cast %xor3A_692 : vector<16xi32> to vector<16x1xi32>
        %gather3A_694 = vector.shape_cast %broadcast_in_dim3A_693 : vector<16x1xi32> to vector<16xi32>
        %gather3A_695 = tpu.dynamic_gather %add3A_688[%gather3A_694] in [0] : vector<16xf32>, vector<16xi32> -> vector<16xf32>
        %add3A_696 = arith.addf %add3A_688, %gather3A_695 : vector<16xf32>
        %xor3A_697 = arith.constant 2 : i32
        %xor3A_698 = vector.broadcast %xor3A_697 : i32 to vector<16xi32>
        %xor3A_699 = arith.xori %iota3A_689, %xor3A_698 : vector<16xi32>
        %broadcast_in_dim3A_700 = vector.shape_cast %xor3A_699 : vector<16xi32> to vector<16x1xi32>
        %gather3A_701 = vector.shape_cast %broadcast_in_dim3A_700 : vector<16x1xi32> to vector<16xi32>
        %gather3A_702 = tpu.dynamic_gather %add3A_696[%gather3A_701] in [0] : vector<16xf32>, vector<16xi32> -> vector<16xf32>
        %add3A_703 = arith.addf %add3A_696, %gather3A_702 : vector<16xf32>
        %xor3A_704 = arith.constant 4 : i32
        %xor3A_705 = vector.broadcast %xor3A_704 : i32 to vector<16xi32>
        %xor3A_706 = arith.xori %iota3A_689, %xor3A_705 : vector<16xi32>
        %broadcast_in_dim3A_707 = vector.shape_cast %xor3A_706 : vector<16xi32> to vector<16x1xi32>
        %gather3A_708 = vector.shape_cast %broadcast_in_dim3A_707 : vector<16x1xi32> to vector<16xi32>
        %gather3A_709 = tpu.dynamic_gather %add3A_703[%gather3A_708] in [0] : vector<16xf32>, vector<16xi32> -> vector<16xf32>
        %add3A_710 = arith.addf %add3A_703, %gather3A_709 : vector<16xf32>
        %xor3A_711 = arith.constant 8 : i32
        %xor3A_712 = vector.broadcast %xor3A_711 : i32 to vector<16xi32>
        %xor3A_713 = arith.xori %iota3A_689, %xor3A_712 : vector<16xi32>
        %broadcast_in_dim3A_714 = vector.shape_cast %xor3A_713 : vector<16xi32> to vector<16x1xi32>
        %gather3A_715 = vector.shape_cast %broadcast_in_dim3A_714 : vector<16x1xi32> to vector<16xi32>
        %gather3A_716 = tpu.dynamic_gather %add3A_710[%gather3A_715] in [0] : vector<16xf32>, vector<16xi32> -> vector<16xf32>
        %add3A_717 = arith.addf %add3A_710, %gather3A_716 : vector<16xf32>
        %eq3A_718 = arith.constant 5 : i32
        %eq3A_719 = vector.broadcast %eq3A_718 : i32 to vector<16xi32>
        %eq3A_720 = arith.cmpi eq, %iota3A, %eq3A_719 : vector<16xi32>
        %select_n3A_721 = arith.select %eq3A_720, %add3A_717, %select_n3A_647 : vector<16xi1>, vector<16xf32>
        %add3A_722 = arith.constant 6 : i32
        %add3A_723 = arith.addi %min3A_277, %add3A_722 : i32
        %get3A_724 = arith.index_cast %add3A_723 : i32 to index
        %get3A_725 = arith.constant 0 : index
        %get3A_726 = tpu.vector_load %arg14[%get3A_724, %get3A_725] {strides = array<i32>} : memref<200x128xf32, #tpu.memory_space<vmem>>, vector<16xf32>,
        %mul3A_727 = arith.mulf %get3A_726, %get3A_209 : vector<16xf32>
        %get3A_728 = arith.index_cast %add3A_723 : i32 to index
        %get3A_729 = arith.constant 16 : index
        %get3A_730 = tpu.vector_load %arg14[%get3A_728, %get3A_729] {strides = array<i32>} : memref<200x128xf32, #tpu.memory_space<vmem>>, vector<16xf32>,
        %mul3A_731 = arith.mulf %get3A_730, %get3A_212 : vector<16xf32>
        %add3A_732 = arith.addf %mul3A_727, %mul3A_731 : vector<16xf32>
        %get3A_733 = arith.index_cast %add3A_723 : i32 to index
        %get3A_734 = arith.constant 32 : index
        %get3A_735 = tpu.vector_load %arg14[%get3A_733, %get3A_734] {strides = array<i32>} : memref<200x128xf32, #tpu.memory_space<vmem>>, vector<16xf32>,
        %mul3A_736 = arith.mulf %get3A_735, %get3A_215 : vector<16xf32>
        %add3A_737 = arith.addf %add3A_732, %mul3A_736 : vector<16xf32>
        %get3A_738 = arith.index_cast %add3A_723 : i32 to index
        %get3A_739 = arith.constant 48 : index
        %get3A_740 = tpu.vector_load %arg14[%get3A_738, %get3A_739] {strides = array<i32>} : memref<200x128xf32, #tpu.memory_space<vmem>>, vector<16xf32>,
        %mul3A_741 = arith.mulf %get3A_740, %get3A_218 : vector<16xf32>
        %add3A_742 = arith.addf %add3A_737, %mul3A_741 : vector<16xf32>
        %get3A_743 = arith.index_cast %add3A_723 : i32 to index
        %get3A_744 = arith.constant 64 : index
        %get3A_745 = tpu.vector_load %arg14[%get3A_743, %get3A_744] {strides = array<i32>} : memref<200x128xf32, #tpu.memory_space<vmem>>, vector<16xf32>,
        %mul3A_746 = arith.mulf %get3A_745, %get3A_221 : vector<16xf32>
        %add3A_747 = arith.addf %add3A_742, %mul3A_746 : vector<16xf32>
        %get3A_748 = arith.index_cast %add3A_723 : i32 to index
        %get3A_749 = arith.constant 80 : index
        %get3A_750 = tpu.vector_load %arg14[%get3A_748, %get3A_749] {strides = array<i32>} : memref<200x128xf32, #tpu.memory_space<vmem>>, vector<16xf32>,
        %mul3A_751 = arith.mulf %get3A_750, %get3A_224 : vector<16xf32>
        %add3A_752 = arith.addf %add3A_747, %mul3A_751 : vector<16xf32>
        %get3A_753 = arith.index_cast %add3A_723 : i32 to index
        %get3A_754 = arith.constant 96 : index
        %get3A_755 = tpu.vector_load %arg14[%get3A_753, %get3A_754] {strides = array<i32>} : memref<200x128xf32, #tpu.memory_space<vmem>>, vector<16xf32>,
        %mul3A_756 = arith.mulf %get3A_755, %get3A_227 : vector<16xf32>
        %add3A_757 = arith.addf %add3A_752, %mul3A_756 : vector<16xf32>
        %get3A_758 = arith.index_cast %add3A_723 : i32 to index
        %get3A_759 = arith.constant 112 : index
        %get3A_760 = tpu.vector_load %arg14[%get3A_758, %get3A_759] {strides = array<i32>} : memref<200x128xf32, #tpu.memory_space<vmem>>, vector<16xf32>,
        %mul3A_761 = arith.mulf %get3A_760, %get3A_230 : vector<16xf32>
        %add3A_762 = arith.addf %add3A_757, %mul3A_761 : vector<16xf32>
        %iota3A_763 = tpu.iota {dimensions = array<i32: 0>} : vector<16xi32>
        %xor3A_764 = arith.constant 1 : i32
        %xor3A_765 = vector.broadcast %xor3A_764 : i32 to vector<16xi32>
        %xor3A_766 = arith.xori %iota3A_763, %xor3A_765 : vector<16xi32>
        %broadcast_in_dim3A_767 = vector.shape_cast %xor3A_766 : vector<16xi32> to vector<16x1xi32>
        %gather3A_768 = vector.shape_cast %broadcast_in_dim3A_767 : vector<16x1xi32> to vector<16xi32>
        %gather3A_769 = tpu.dynamic_gather %add3A_762[%gather3A_768] in [0] : vector<16xf32>, vector<16xi32> -> vector<16xf32>
        %add3A_770 = arith.addf %add3A_762, %gather3A_769 : vector<16xf32>
        %xor3A_771 = arith.constant 2 : i32
        %xor3A_772 = vector.broadcast %xor3A_771 : i32 to vector<16xi32>
        %xor3A_773 = arith.xori %iota3A_763, %xor3A_772 : vector<16xi32>
        %broadcast_in_dim3A_774 = vector.shape_cast %xor3A_773 : vector<16xi32> to vector<16x1xi32>
        %gather3A_775 = vector.shape_cast %broadcast_in_dim3A_774 : vector<16x1xi32> to vector<16xi32>
        %gather3A_776 = tpu.dynamic_gather %add3A_770[%gather3A_775] in [0] : vector<16xf32>, vector<16xi32> -> vector<16xf32>
        %add3A_777 = arith.addf %add3A_770, %gather3A_776 : vector<16xf32>
        %xor3A_778 = arith.constant 4 : i32
        %xor3A_779 = vector.broadcast %xor3A_778 : i32 to vector<16xi32>
        %xor3A_780 = arith.xori %iota3A_763, %xor3A_779 : vector<16xi32>
        %broadcast_in_dim3A_781 = vector.shape_cast %xor3A_780 : vector<16xi32> to vector<16x1xi32>
        %gather3A_782 = vector.shape_cast %broadcast_in_dim3A_781 : vector<16x1xi32> to vector<16xi32>
        %gather3A_783 = tpu.dynamic_gather %add3A_777[%gather3A_782] in [0] : vector<16xf32>, vector<16xi32> -> vector<16xf32>
        %add3A_784 = arith.addf %add3A_777, %gather3A_783 : vector<16xf32>
        %xor3A_785 = arith.constant 8 : i32
        %xor3A_786 = vector.broadcast %xor3A_785 : i32 to vector<16xi32>
        %xor3A_787 = arith.xori %iota3A_763, %xor3A_786 : vector<16xi32>
        %broadcast_in_dim3A_788 = vector.shape_cast %xor3A_787 : vector<16xi32> to vector<16x1xi32>
        %gather3A_789 = vector.shape_cast %broadcast_in_dim3A_788 : vector<16x1xi32> to vector<16xi32>
        %gather3A_790 = tpu.dynamic_gather %add3A_784[%gather3A_789] in [0] : vector<16xf32>, vector<16xi32> -> vector<16xf32>
        %add3A_791 = arith.addf %add3A_784, %gather3A_790 : vector<16xf32>
        %eq3A_792 = arith.constant 6 : i32
        %eq3A_793 = vector.broadcast %eq3A_792 : i32 to vector<16xi32>
        %eq3A_794 = arith.cmpi eq, %iota3A, %eq3A_793 : vector<16xi32>
        %select_n3A_795 = arith.select %eq3A_794, %add3A_791, %select_n3A_721 : vector<16xi1>, vector<16xf32>
        %add3A_796 = arith.constant 7 : i32
        %add3A_797 = arith.addi %min3A_277, %add3A_796 : i32
        %get3A_798 = arith.index_cast %add3A_797 : i32 to index
        %get3A_799 = arith.constant 0 : index
        %get3A_800 = tpu.vector_load %arg14[%get3A_798, %get3A_799] {strides = array<i32>} : memref<200x128xf32, #tpu.memory_space<vmem>>, vector<16xf32>,
        %mul3A_801 = arith.mulf %get3A_800, %get3A_209 : vector<16xf32>
        %get3A_802 = arith.index_cast %add3A_797 : i32 to index
        %get3A_803 = arith.constant 16 : index
        %get3A_804 = tpu.vector_load %arg14[%get3A_802, %get3A_803] {strides = array<i32>} : memref<200x128xf32, #tpu.memory_space<vmem>>, vector<16xf32>,
        %mul3A_805 = arith.mulf %get3A_804, %get3A_212 : vector<16xf32>
        %add3A_806 = arith.addf %mul3A_801, %mul3A_805 : vector<16xf32>
        %get3A_807 = arith.index_cast %add3A_797 : i32 to index
        %get3A_808 = arith.constant 32 : index
        %get3A_809 = tpu.vector_load %arg14[%get3A_807, %get3A_808] {strides = array<i32>} : memref<200x128xf32, #tpu.memory_space<vmem>>, vector<16xf32>,
        %mul3A_810 = arith.mulf %get3A_809, %get3A_215 : vector<16xf32>
        %add3A_811 = arith.addf %add3A_806, %mul3A_810 : vector<16xf32>
        %get3A_812 = arith.index_cast %add3A_797 : i32 to index
        %get3A_813 = arith.constant 48 : index
        %get3A_814 = tpu.vector_load %arg14[%get3A_812, %get3A_813] {strides = array<i32>} : memref<200x128xf32, #tpu.memory_space<vmem>>, vector<16xf32>,
        %mul3A_815 = arith.mulf %get3A_814, %get3A_218 : vector<16xf32>
        %add3A_816 = arith.addf %add3A_811, %mul3A_815 : vector<16xf32>
        %get3A_817 = arith.index_cast %add3A_797 : i32 to index
        %get3A_818 = arith.constant 64 : index
        %get3A_819 = tpu.vector_load %arg14[%get3A_817, %get3A_818] {strides = array<i32>} : memref<200x128xf32, #tpu.memory_space<vmem>>, vector<16xf32>,
        %mul3A_820 = arith.mulf %get3A_819, %get3A_221 : vector<16xf32>
        %add3A_821 = arith.addf %add3A_816, %mul3A_820 : vector<16xf32>
        %get3A_822 = arith.index_cast %add3A_797 : i32 to index
        %get3A_823 = arith.constant 80 : index
        %get3A_824 = tpu.vector_load %arg14[%get3A_822, %get3A_823] {strides = array<i32>} : memref<200x128xf32, #tpu.memory_space<vmem>>, vector<16xf32>,
        %mul3A_825 = arith.mulf %get3A_824, %get3A_224 : vector<16xf32>
        %add3A_826 = arith.addf %add3A_821, %mul3A_825 : vector<16xf32>
        %get3A_827 = arith.index_cast %add3A_797 : i32 to index
        %get3A_828 = arith.constant 96 : index
        %get3A_829 = tpu.vector_load %arg14[%get3A_827, %get3A_828] {strides = array<i32>} : memref<200x128xf32, #tpu.memory_space<vmem>>, vector<16xf32>,
        %mul3A_830 = arith.mulf %get3A_829, %get3A_227 : vector<16xf32>
        %add3A_831 = arith.addf %add3A_826, %mul3A_830 : vector<16xf32>
        %get3A_832 = arith.index_cast %add3A_797 : i32 to index
        %get3A_833 = arith.constant 112 : index
        %get3A_834 = tpu.vector_load %arg14[%get3A_832, %get3A_833] {strides = array<i32>} : memref<200x128xf32, #tpu.memory_space<vmem>>, vector<16xf32>,
        %mul3A_835 = arith.mulf %get3A_834, %get3A_230 : vector<16xf32>
        %add3A_836 = arith.addf %add3A_831, %mul3A_835 : vector<16xf32>
        %iota3A_837 = tpu.iota {dimensions = array<i32: 0>} : vector<16xi32>
        %xor3A_838 = arith.constant 1 : i32
        %xor3A_839 = vector.broadcast %xor3A_838 : i32 to vector<16xi32>
        %xor3A_840 = arith.xori %iota3A_837, %xor3A_839 : vector<16xi32>
        %broadcast_in_dim3A_841 = vector.shape_cast %xor3A_840 : vector<16xi32> to vector<16x1xi32>
        %gather3A_842 = vector.shape_cast %broadcast_in_dim3A_841 : vector<16x1xi32> to vector<16xi32>
        %gather3A_843 = tpu.dynamic_gather %add3A_836[%gather3A_842] in [0] : vector<16xf32>, vector<16xi32> -> vector<16xf32>
        %add3A_844 = arith.addf %add3A_836, %gather3A_843 : vector<16xf32>
        %xor3A_845 = arith.constant 2 : i32
        %xor3A_846 = vector.broadcast %xor3A_845 : i32 to vector<16xi32>
        %xor3A_847 = arith.xori %iota3A_837, %xor3A_846 : vector<16xi32>
        %broadcast_in_dim3A_848 = vector.shape_cast %xor3A_847 : vector<16xi32> to vector<16x1xi32>
        %gather3A_849 = vector.shape_cast %broadcast_in_dim3A_848 : vector<16x1xi32> to vector<16xi32>
        %gather3A_850 = tpu.dynamic_gather %add3A_844[%gather3A_849] in [0] : vector<16xf32>, vector<16xi32> -> vector<16xf32>
        %add3A_851 = arith.addf %add3A_844, %gather3A_850 : vector<16xf32>
        %xor3A_852 = arith.constant 4 : i32
        %xor3A_853 = vector.broadcast %xor3A_852 : i32 to vector<16xi32>
        %xor3A_854 = arith.xori %iota3A_837, %xor3A_853 : vector<16xi32>
        %broadcast_in_dim3A_855 = vector.shape_cast %xor3A_854 : vector<16xi32> to vector<16x1xi32>
        %gather3A_856 = vector.shape_cast %broadcast_in_dim3A_855 : vector<16x1xi32> to vector<16xi32>
        %gather3A_857 = tpu.dynamic_gather %add3A_851[%gather3A_856] in [0] : vector<16xf32>, vector<16xi32> -> vector<16xf32>
        %add3A_858 = arith.addf %add3A_851, %gather3A_857 : vector<16xf32>
        %xor3A_859 = arith.constant 8 : i32
        %xor3A_860 = vector.broadcast %xor3A_859 : i32 to vector<16xi32>
        %xor3A_861 = arith.xori %iota3A_837, %xor3A_860 : vector<16xi32>
        %broadcast_in_dim3A_862 = vector.shape_cast %xor3A_861 : vector<16xi32> to vector<16x1xi32>
        %gather3A_863 = vector.shape_cast %broadcast_in_dim3A_862 : vector<16x1xi32> to vector<16xi32>
        %gather3A_864 = tpu.dynamic_gather %add3A_858[%gather3A_863] in [0] : vector<16xf32>, vector<16xi32> -> vector<16xf32>
        %add3A_865 = arith.addf %add3A_858, %gather3A_864 : vector<16xf32>
        %eq3A_866 = arith.constant 7 : i32
        %eq3A_867 = vector.broadcast %eq3A_866 : i32 to vector<16xi32>
        %eq3A_868 = arith.cmpi eq, %iota3A, %eq3A_867 : vector<16xi32>
        %select_n3A_869 = arith.select %eq3A_868, %add3A_865, %select_n3A_795 : vector<16xi1>, vector<16xf32>
        %add3A_870 = arith.constant 8 : i32
        %add3A_871 = arith.addi %min3A_277, %add3A_870 : i32
        %get3A_872 = arith.index_cast %add3A_871 : i32 to index
        %get3A_873 = arith.constant 0 : index
        %get3A_874 = tpu.vector_load %arg14[%get3A_872, %get3A_873] {strides = array<i32>} : memref<200x128xf32, #tpu.memory_space<vmem>>, vector<16xf32>,
        %mul3A_875 = arith.mulf %get3A_874, %get3A_209 : vector<16xf32>
        %get3A_876 = arith.index_cast %add3A_871 : i32 to index
        %get3A_877 = arith.constant 16 : index
        %get3A_878 = tpu.vector_load %arg14[%get3A_876, %get3A_877] {strides = array<i32>} : memref<200x128xf32, #tpu.memory_space<vmem>>, vector<16xf32>,
        %mul3A_879 = arith.mulf %get3A_878, %get3A_212 : vector<16xf32>
        %add3A_880 = arith.addf %mul3A_875, %mul3A_879 : vector<16xf32>
        %get3A_881 = arith.index_cast %add3A_871 : i32 to index
        %get3A_882 = arith.constant 32 : index
        %get3A_883 = tpu.vector_load %arg14[%get3A_881, %get3A_882] {strides = array<i32>} : memref<200x128xf32, #tpu.memory_space<vmem>>, vector<16xf32>,
        %mul3A_884 = arith.mulf %get3A_883, %get3A_215 : vector<16xf32>
        %add3A_885 = arith.addf %add3A_880, %mul3A_884 : vector<16xf32>
        %get3A_886 = arith.index_cast %add3A_871 : i32 to index
        %get3A_887 = arith.constant 48 : index
        %get3A_888 = tpu.vector_load %arg14[%get3A_886, %get3A_887] {strides = array<i32>} : memref<200x128xf32, #tpu.memory_space<vmem>>, vector<16xf32>,
        %mul3A_889 = arith.mulf %get3A_888, %get3A_218 : vector<16xf32>
        %add3A_890 = arith.addf %add3A_885, %mul3A_889 : vector<16xf32>
        %get3A_891 = arith.index_cast %add3A_871 : i32 to index
        %get3A_892 = arith.constant 64 : index
        %get3A_893 = tpu.vector_load %arg14[%get3A_891, %get3A_892] {strides = array<i32>} : memref<200x128xf32, #tpu.memory_space<vmem>>, vector<16xf32>,
        %mul3A_894 = arith.mulf %get3A_893, %get3A_221 : vector<16xf32>
        %add3A_895 = arith.addf %add3A_890, %mul3A_894 : vector<16xf32>
        %get3A_896 = arith.index_cast %add3A_871 : i32 to index
        %get3A_897 = arith.constant 80 : index
        %get3A_898 = tpu.vector_load %arg14[%get3A_896, %get3A_897] {strides = array<i32>} : memref<200x128xf32, #tpu.memory_space<vmem>>, vector<16xf32>,
        %mul3A_899 = arith.mulf %get3A_898, %get3A_224 : vector<16xf32>
        %add3A_900 = arith.addf %add3A_895, %mul3A_899 : vector<16xf32>
        %get3A_901 = arith.index_cast %add3A_871 : i32 to index
        %get3A_902 = arith.constant 96 : index
        %get3A_903 = tpu.vector_load %arg14[%get3A_901, %get3A_902] {strides = array<i32>} : memref<200x128xf32, #tpu.memory_space<vmem>>, vector<16xf32>,
        %mul3A_904 = arith.mulf %get3A_903, %get3A_227 : vector<16xf32>
        %add3A_905 = arith.addf %add3A_900, %mul3A_904 : vector<16xf32>
        %get3A_906 = arith.index_cast %add3A_871 : i32 to index
        %get3A_907 = arith.constant 112 : index
        %get3A_908 = tpu.vector_load %arg14[%get3A_906, %get3A_907] {strides = array<i32>} : memref<200x128xf32, #tpu.memory_space<vmem>>, vector<16xf32>,
        %mul3A_909 = arith.mulf %get3A_908, %get3A_230 : vector<16xf32>
        %add3A_910 = arith.addf %add3A_905, %mul3A_909 : vector<16xf32>
        %iota3A_911 = tpu.iota {dimensions = array<i32: 0>} : vector<16xi32>
        %xor3A_912 = arith.constant 1 : i32
        %xor3A_913 = vector.broadcast %xor3A_912 : i32 to vector<16xi32>
        %xor3A_914 = arith.xori %iota3A_911, %xor3A_913 : vector<16xi32>
        %broadcast_in_dim3A_915 = vector.shape_cast %xor3A_914 : vector<16xi32> to vector<16x1xi32>
        %gather3A_916 = vector.shape_cast %broadcast_in_dim3A_915 : vector<16x1xi32> to vector<16xi32>
        %gather3A_917 = tpu.dynamic_gather %add3A_910[%gather3A_916] in [0] : vector<16xf32>, vector<16xi32> -> vector<16xf32>
        %add3A_918 = arith.addf %add3A_910, %gather3A_917 : vector<16xf32>
        %xor3A_919 = arith.constant 2 : i32
        %xor3A_920 = vector.broadcast %xor3A_919 : i32 to vector<16xi32>
        %xor3A_921 = arith.xori %iota3A_911, %xor3A_920 : vector<16xi32>
        %broadcast_in_dim3A_922 = vector.shape_cast %xor3A_921 : vector<16xi32> to vector<16x1xi32>
        %gather3A_923 = vector.shape_cast %broadcast_in_dim3A_922 : vector<16x1xi32> to vector<16xi32>
        %gather3A_924 = tpu.dynamic_gather %add3A_918[%gather3A_923] in [0] : vector<16xf32>, vector<16xi32> -> vector<16xf32>
        %add3A_925 = arith.addf %add3A_918, %gather3A_924 : vector<16xf32>
        %xor3A_926 = arith.constant 4 : i32
        %xor3A_927 = vector.broadcast %xor3A_926 : i32 to vector<16xi32>
        %xor3A_928 = arith.xori %iota3A_911, %xor3A_927 : vector<16xi32>
        %broadcast_in_dim3A_929 = vector.shape_cast %xor3A_928 : vector<16xi32> to vector<16x1xi32>
        %gather3A_930 = vector.shape_cast %broadcast_in_dim3A_929 : vector<16x1xi32> to vector<16xi32>
        %gather3A_931 = tpu.dynamic_gather %add3A_925[%gather3A_930] in [0] : vector<16xf32>, vector<16xi32> -> vector<16xf32>
        %add3A_932 = arith.addf %add3A_925, %gather3A_931 : vector<16xf32>
        %xor3A_933 = arith.constant 8 : i32
        %xor3A_934 = vector.broadcast %xor3A_933 : i32 to vector<16xi32>
        %xor3A_935 = arith.xori %iota3A_911, %xor3A_934 : vector<16xi32>
        %broadcast_in_dim3A_936 = vector.shape_cast %xor3A_935 : vector<16xi32> to vector<16x1xi32>
        %gather3A_937 = vector.shape_cast %broadcast_in_dim3A_936 : vector<16x1xi32> to vector<16xi32>
        %gather3A_938 = tpu.dynamic_gather %add3A_932[%gather3A_937] in [0] : vector<16xf32>, vector<16xi32> -> vector<16xf32>
        %add3A_939 = arith.addf %add3A_932, %gather3A_938 : vector<16xf32>
        %eq3A_940 = arith.constant 8 : i32
        %eq3A_941 = vector.broadcast %eq3A_940 : i32 to vector<16xi32>
        %eq3A_942 = arith.cmpi eq, %iota3A, %eq3A_941 : vector<16xi32>
        %select_n3A_943 = arith.select %eq3A_942, %add3A_939, %select_n3A_869 : vector<16xi1>, vector<16xf32>
        %add3A_944 = arith.constant 9 : i32
        %add3A_945 = arith.addi %min3A_277, %add3A_944 : i32
        %get3A_946 = arith.index_cast %add3A_945 : i32 to index
        %get3A_947 = arith.constant 0 : index
        %get3A_948 = tpu.vector_load %arg14[%get3A_946, %get3A_947] {strides = array<i32>} : memref<200x128xf32, #tpu.memory_space<vmem>>, vector<16xf32>,
        %mul3A_949 = arith.mulf %get3A_948, %get3A_209 : vector<16xf32>
        %get3A_950 = arith.index_cast %add3A_945 : i32 to index
        %get3A_951 = arith.constant 16 : index
        %get3A_952 = tpu.vector_load %arg14[%get3A_950, %get3A_951] {strides = array<i32>} : memref<200x128xf32, #tpu.memory_space<vmem>>, vector<16xf32>,
        %mul3A_953 = arith.mulf %get3A_952, %get3A_212 : vector<16xf32>
        %add3A_954 = arith.addf %mul3A_949, %mul3A_953 : vector<16xf32>
        %get3A_955 = arith.index_cast %add3A_945 : i32 to index
        %get3A_956 = arith.constant 32 : index
        %get3A_957 = tpu.vector_load %arg14[%get3A_955, %get3A_956] {strides = array<i32>} : memref<200x128xf32, #tpu.memory_space<vmem>>, vector<16xf32>,
        %mul3A_958 = arith.mulf %get3A_957, %get3A_215 : vector<16xf32>
        %add3A_959 = arith.addf %add3A_954, %mul3A_958 : vector<16xf32>
        %get3A_960 = arith.index_cast %add3A_945 : i32 to index
        %get3A_961 = arith.constant 48 : index
        %get3A_962 = tpu.vector_load %arg14[%get3A_960, %get3A_961] {strides = array<i32>} : memref<200x128xf32, #tpu.memory_space<vmem>>, vector<16xf32>,
        %mul3A_963 = arith.mulf %get3A_962, %get3A_218 : vector<16xf32>
        %add3A_964 = arith.addf %add3A_959, %mul3A_963 : vector<16xf32>
        %get3A_965 = arith.index_cast %add3A_945 : i32 to index
        %get3A_966 = arith.constant 64 : index
        %get3A_967 = tpu.vector_load %arg14[%get3A_965, %get3A_966] {strides = array<i32>} : memref<200x128xf32, #tpu.memory_space<vmem>>, vector<16xf32>,
        %mul3A_968 = arith.mulf %get3A_967, %get3A_221 : vector<16xf32>
        %add3A_969 = arith.addf %add3A_964, %mul3A_968 : vector<16xf32>
        %get3A_970 = arith.index_cast %add3A_945 : i32 to index
        %get3A_971 = arith.constant 80 : index
        %get3A_972 = tpu.vector_load %arg14[%get3A_970, %get3A_971] {strides = array<i32>} : memref<200x128xf32, #tpu.memory_space<vmem>>, vector<16xf32>,
        %mul3A_973 = arith.mulf %get3A_972, %get3A_224 : vector<16xf32>
        %add3A_974 = arith.addf %add3A_969, %mul3A_973 : vector<16xf32>
        %get3A_975 = arith.index_cast %add3A_945 : i32 to index
        %get3A_976 = arith.constant 96 : index
        %get3A_977 = tpu.vector_load %arg14[%get3A_975, %get3A_976] {strides = array<i32>} : memref<200x128xf32, #tpu.memory_space<vmem>>, vector<16xf32>,
        %mul3A_978 = arith.mulf %get3A_977, %get3A_227 : vector<16xf32>
        %add3A_979 = arith.addf %add3A_974, %mul3A_978 : vector<16xf32>
        %get3A_980 = arith.index_cast %add3A_945 : i32 to index
        %get3A_981 = arith.constant 112 : index
        %get3A_982 = tpu.vector_load %arg14[%get3A_980, %get3A_981] {strides = array<i32>} : memref<200x128xf32, #tpu.memory_space<vmem>>, vector<16xf32>,
        %mul3A_983 = arith.mulf %get3A_982, %get3A_230 : vector<16xf32>
        %add3A_984 = arith.addf %add3A_979, %mul3A_983 : vector<16xf32>
        %iota3A_985 = tpu.iota {dimensions = array<i32: 0>} : vector<16xi32>
        %xor3A_986 = arith.constant 1 : i32
        %xor3A_987 = vector.broadcast %xor3A_986 : i32 to vector<16xi32>
        %xor3A_988 = arith.xori %iota3A_985, %xor3A_987 : vector<16xi32>
        %broadcast_in_dim3A_989 = vector.shape_cast %xor3A_988 : vector<16xi32> to vector<16x1xi32>
        %gather3A_990 = vector.shape_cast %broadcast_in_dim3A_989 : vector<16x1xi32> to vector<16xi32>
        %gather3A_991 = tpu.dynamic_gather %add3A_984[%gather3A_990] in [0] : vector<16xf32>, vector<16xi32> -> vector<16xf32>
        %add3A_992 = arith.addf %add3A_984, %gather3A_991 : vector<16xf32>
        %xor3A_993 = arith.constant 2 : i32
        %xor3A_994 = vector.broadcast %xor3A_993 : i32 to vector<16xi32>
        %xor3A_995 = arith.xori %iota3A_985, %xor3A_994 : vector<16xi32>
        %broadcast_in_dim3A_996 = vector.shape_cast %xor3A_995 : vector<16xi32> to vector<16x1xi32>
        %gather3A_997 = vector.shape_cast %broadcast_in_dim3A_996 : vector<16x1xi32> to vector<16xi32>
        %gather3A_998 = tpu.dynamic_gather %add3A_992[%gather3A_997] in [0] : vector<16xf32>, vector<16xi32> -> vector<16xf32>
        %add3A_999 = arith.addf %add3A_992, %gather3A_998 : vector<16xf32>
        %xor3A_1000 = arith.constant 4 : i32
        %xor3A_1001 = vector.broadcast %xor3A_1000 : i32 to vector<16xi32>
        %xor3A_1002 = arith.xori %iota3A_985, %xor3A_1001 : vector<16xi32>
        %broadcast_in_dim3A_1003 = vector.shape_cast %xor3A_1002 : vector<16xi32> to vector<16x1xi32>
        %gather3A_1004 = vector.shape_cast %broadcast_in_dim3A_1003 : vector<16x1xi32> to vector<16xi32>
        %gather3A_1005 = tpu.dynamic_gather %add3A_999[%gather3A_1004] in [0] : vector<16xf32>, vector<16xi32> -> vector<16xf32>
        %add3A_1006 = arith.addf %add3A_999, %gather3A_1005 : vector<16xf32>
        %xor3A_1007 = arith.constant 8 : i32
        %xor3A_1008 = vector.broadcast %xor3A_1007 : i32 to vector<16xi32>
        %xor3A_1009 = arith.xori %iota3A_985, %xor3A_1008 : vector<16xi32>
        %broadcast_in_dim3A_1010 = vector.shape_cast %xor3A_1009 : vector<16xi32> to vector<16x1xi32>
        %gather3A_1011 = vector.shape_cast %broadcast_in_dim3A_1010 : vector<16x1xi32> to vector<16xi32>
        %gather3A_1012 = tpu.dynamic_gather %add3A_1006[%gather3A_1011] in [0] : vector<16xf32>, vector<16xi32> -> vector<16xf32>
        %add3A_1013 = arith.addf %add3A_1006, %gather3A_1012 : vector<16xf32>
        %eq3A_1014 = arith.constant 9 : i32
        %eq3A_1015 = vector.broadcast %eq3A_1014 : i32 to vector<16xi32>
        %eq3A_1016 = arith.cmpi eq, %iota3A, %eq3A_1015 : vector<16xi32>
        %select_n3A_1017 = arith.select %eq3A_1016, %add3A_1013, %select_n3A_943 : vector<16xi1>, vector<16xf32>
        %add3A_1018 = arith.constant 10 : i32
        %add3A_1019 = arith.addi %min3A_277, %add3A_1018 : i32
        %get3A_1020 = arith.index_cast %add3A_1019 : i32 to index
        %get3A_1021 = arith.constant 0 : index
        %get3A_1022 = tpu.vector_load %arg14[%get3A_1020, %get3A_1021] {strides = array<i32>} : memref<200x128xf32, #tpu.memory_space<vmem>>, vector<16xf32>,
        %mul3A_1023 = arith.mulf %get3A_1022, %get3A_209 : vector<16xf32>
        %get3A_1024 = arith.index_cast %add3A_1019 : i32 to index
        %get3A_1025 = arith.constant 16 : index
        %get3A_1026 = tpu.vector_load %arg14[%get3A_1024, %get3A_1025] {strides = array<i32>} : memref<200x128xf32, #tpu.memory_space<vmem>>, vector<16xf32>,
        %mul3A_1027 = arith.mulf %get3A_1026, %get3A_212 : vector<16xf32>
        %add3A_1028 = arith.addf %mul3A_1023, %mul3A_1027 : vector<16xf32>
        %get3A_1029 = arith.index_cast %add3A_1019 : i32 to index
        %get3A_1030 = arith.constant 32 : index
        %get3A_1031 = tpu.vector_load %arg14[%get3A_1029, %get3A_1030] {strides = array<i32>} : memref<200x128xf32, #tpu.memory_space<vmem>>, vector<16xf32>,
        %mul3A_1032 = arith.mulf %get3A_1031, %get3A_215 : vector<16xf32>
        %add3A_1033 = arith.addf %add3A_1028, %mul3A_1032 : vector<16xf32>
        %get3A_1034 = arith.index_cast %add3A_1019 : i32 to index
        %get3A_1035 = arith.constant 48 : index
        %get3A_1036 = tpu.vector_load %arg14[%get3A_1034, %get3A_1035] {strides = array<i32>} : memref<200x128xf32, #tpu.memory_space<vmem>>, vector<16xf32>,
        %mul3A_1037 = arith.mulf %get3A_1036, %get3A_218 : vector<16xf32>
        %add3A_1038 = arith.addf %add3A_1033, %mul3A_1037 : vector<16xf32>
        %get3A_1039 = arith.index_cast %add3A_1019 : i32 to index
        %get3A_1040 = arith.constant 64 : index
        %get3A_1041 = tpu.vector_load %arg14[%get3A_1039, %get3A_1040] {strides = array<i32>} : memref<200x128xf32, #tpu.memory_space<vmem>>, vector<16xf32>,
        %mul3A_1042 = arith.mulf %get3A_1041, %get3A_221 : vector<16xf32>
        %add3A_1043 = arith.addf %add3A_1038, %mul3A_1042 : vector<16xf32>
        %get3A_1044 = arith.index_cast %add3A_1019 : i32 to index
        %get3A_1045 = arith.constant 80 : index
        %get3A_1046 = tpu.vector_load %arg14[%get3A_1044, %get3A_1045] {strides = array<i32>} : memref<200x128xf32, #tpu.memory_space<vmem>>, vector<16xf32>,
        %mul3A_1047 = arith.mulf %get3A_1046, %get3A_224 : vector<16xf32>
        %add3A_1048 = arith.addf %add3A_1043, %mul3A_1047 : vector<16xf32>
        %get3A_1049 = arith.index_cast %add3A_1019 : i32 to index
        %get3A_1050 = arith.constant 96 : index
        %get3A_1051 = tpu.vector_load %arg14[%get3A_1049, %get3A_1050] {strides = array<i32>} : memref<200x128xf32, #tpu.memory_space<vmem>>, vector<16xf32>,
        %mul3A_1052 = arith.mulf %get3A_1051, %get3A_227 : vector<16xf32>
        %add3A_1053 = arith.addf %add3A_1048, %mul3A_1052 : vector<16xf32>
        %get3A_1054 = arith.index_cast %add3A_1019 : i32 to index
        %get3A_1055 = arith.constant 112 : index
        %get3A_1056 = tpu.vector_load %arg14[%get3A_1054, %get3A_1055] {strides = array<i32>} : memref<200x128xf32, #tpu.memory_space<vmem>>, vector<16xf32>,
        %mul3A_1057 = arith.mulf %get3A_1056, %get3A_230 : vector<16xf32>
        %add3A_1058 = arith.addf %add3A_1053, %mul3A_1057 : vector<16xf32>
        %iota3A_1059 = tpu.iota {dimensions = array<i32: 0>} : vector<16xi32>
        %xor3A_1060 = arith.constant 1 : i32
        %xor3A_1061 = vector.broadcast %xor3A_1060 : i32 to vector<16xi32>
        %xor3A_1062 = arith.xori %iota3A_1059, %xor3A_1061 : vector<16xi32>
        %broadcast_in_dim3A_1063 = vector.shape_cast %xor3A_1062 : vector<16xi32> to vector<16x1xi32>
        %gather3A_1064 = vector.shape_cast %broadcast_in_dim3A_1063 : vector<16x1xi32> to vector<16xi32>
        %gather3A_1065 = tpu.dynamic_gather %add3A_1058[%gather3A_1064] in [0] : vector<16xf32>, vector<16xi32> -> vector<16xf32>
        %add3A_1066 = arith.addf %add3A_1058, %gather3A_1065 : vector<16xf32>
        %xor3A_1067 = arith.constant 2 : i32
        %xor3A_1068 = vector.broadcast %xor3A_1067 : i32 to vector<16xi32>
        %xor3A_1069 = arith.xori %iota3A_1059, %xor3A_1068 : vector<16xi32>
        %broadcast_in_dim3A_1070 = vector.shape_cast %xor3A_1069 : vector<16xi32> to vector<16x1xi32>
        %gather3A_1071 = vector.shape_cast %broadcast_in_dim3A_1070 : vector<16x1xi32> to vector<16xi32>
        %gather3A_1072 = tpu.dynamic_gather %add3A_1066[%gather3A_1071] in [0] : vector<16xf32>, vector<16xi32> -> vector<16xf32>
        %add3A_1073 = arith.addf %add3A_1066, %gather3A_1072 : vector<16xf32>
        %xor3A_1074 = arith.constant 4 : i32
        %xor3A_1075 = vector.broadcast %xor3A_1074 : i32 to vector<16xi32>
        %xor3A_1076 = arith.xori %iota3A_1059, %xor3A_1075 : vector<16xi32>
        %broadcast_in_dim3A_1077 = vector.shape_cast %xor3A_1076 : vector<16xi32> to vector<16x1xi32>
        %gather3A_1078 = vector.shape_cast %broadcast_in_dim3A_1077 : vector<16x1xi32> to vector<16xi32>
        %gather3A_1079 = tpu.dynamic_gather %add3A_1073[%gather3A_1078] in [0] : vector<16xf32>, vector<16xi32> -> vector<16xf32>
        %add3A_1080 = arith.addf %add3A_1073, %gather3A_1079 : vector<16xf32>
        %xor3A_1081 = arith.constant 8 : i32
        %xor3A_1082 = vector.broadcast %xor3A_1081 : i32 to vector<16xi32>
        %xor3A_1083 = arith.xori %iota3A_1059, %xor3A_1082 : vector<16xi32>
        %broadcast_in_dim3A_1084 = vector.shape_cast %xor3A_1083 : vector<16xi32> to vector<16x1xi32>
        %gather3A_1085 = vector.shape_cast %broadcast_in_dim3A_1084 : vector<16x1xi32> to vector<16xi32>
        %gather3A_1086 = tpu.dynamic_gather %add3A_1080[%gather3A_1085] in [0] : vector<16xf32>, vector<16xi32> -> vector<16xf32>
        %add3A_1087 = arith.addf %add3A_1080, %gather3A_1086 : vector<16xf32>
        %eq3A_1088 = arith.constant 10 : i32
        %eq3A_1089 = vector.broadcast %eq3A_1088 : i32 to vector<16xi32>
        %eq3A_1090 = arith.cmpi eq, %iota3A, %eq3A_1089 : vector<16xi32>
        %select_n3A_1091 = arith.select %eq3A_1090, %add3A_1087, %select_n3A_1017 : vector<16xi1>, vector<16xf32>
        %add3A_1092 = arith.constant 11 : i32
        %add3A_1093 = arith.addi %min3A_277, %add3A_1092 : i32
        %get3A_1094 = arith.index_cast %add3A_1093 : i32 to index
        %get3A_1095 = arith.constant 0 : index
        %get3A_1096 = tpu.vector_load %arg14[%get3A_1094, %get3A_1095] {strides = array<i32>} : memref<200x128xf32, #tpu.memory_space<vmem>>, vector<16xf32>,
        %mul3A_1097 = arith.mulf %get3A_1096, %get3A_209 : vector<16xf32>
        %get3A_1098 = arith.index_cast %add3A_1093 : i32 to index
        %get3A_1099 = arith.constant 16 : index
        %get3A_1100 = tpu.vector_load %arg14[%get3A_1098, %get3A_1099] {strides = array<i32>} : memref<200x128xf32, #tpu.memory_space<vmem>>, vector<16xf32>,
        %mul3A_1101 = arith.mulf %get3A_1100, %get3A_212 : vector<16xf32>
        %add3A_1102 = arith.addf %mul3A_1097, %mul3A_1101 : vector<16xf32>
        %get3A_1103 = arith.index_cast %add3A_1093 : i32 to index
        %get3A_1104 = arith.constant 32 : index
        %get3A_1105 = tpu.vector_load %arg14[%get3A_1103, %get3A_1104] {strides = array<i32>} : memref<200x128xf32, #tpu.memory_space<vmem>>, vector<16xf32>,
        %mul3A_1106 = arith.mulf %get3A_1105, %get3A_215 : vector<16xf32>
        %add3A_1107 = arith.addf %add3A_1102, %mul3A_1106 : vector<16xf32>
        %get3A_1108 = arith.index_cast %add3A_1093 : i32 to index
        %get3A_1109 = arith.constant 48 : index
        %get3A_1110 = tpu.vector_load %arg14[%get3A_1108, %get3A_1109] {strides = array<i32>} : memref<200x128xf32, #tpu.memory_space<vmem>>, vector<16xf32>,
        %mul3A_1111 = arith.mulf %get3A_1110, %get3A_218 : vector<16xf32>
        %add3A_1112 = arith.addf %add3A_1107, %mul3A_1111 : vector<16xf32>
        %get3A_1113 = arith.index_cast %add3A_1093 : i32 to index
        %get3A_1114 = arith.constant 64 : index
        %get3A_1115 = tpu.vector_load %arg14[%get3A_1113, %get3A_1114] {strides = array<i32>} : memref<200x128xf32, #tpu.memory_space<vmem>>, vector<16xf32>,
        %mul3A_1116 = arith.mulf %get3A_1115, %get3A_221 : vector<16xf32>
        %add3A_1117 = arith.addf %add3A_1112, %mul3A_1116 : vector<16xf32>
        %get3A_1118 = arith.index_cast %add3A_1093 : i32 to index
        %get3A_1119 = arith.constant 80 : index
        %get3A_1120 = tpu.vector_load %arg14[%get3A_1118, %get3A_1119] {strides = array<i32>} : memref<200x128xf32, #tpu.memory_space<vmem>>, vector<16xf32>,
        %mul3A_1121 = arith.mulf %get3A_1120, %get3A_224 : vector<16xf32>
        %add3A_1122 = arith.addf %add3A_1117, %mul3A_1121 : vector<16xf32>
        %get3A_1123 = arith.index_cast %add3A_1093 : i32 to index
        %get3A_1124 = arith.constant 96 : index
        %get3A_1125 = tpu.vector_load %arg14[%get3A_1123, %get3A_1124] {strides = array<i32>} : memref<200x128xf32, #tpu.memory_space<vmem>>, vector<16xf32>,
        %mul3A_1126 = arith.mulf %get3A_1125, %get3A_227 : vector<16xf32>
        %add3A_1127 = arith.addf %add3A_1122, %mul3A_1126 : vector<16xf32>
        %get3A_1128 = arith.index_cast %add3A_1093 : i32 to index
        %get3A_1129 = arith.constant 112 : index
        %get3A_1130 = tpu.vector_load %arg14[%get3A_1128, %get3A_1129] {strides = array<i32>} : memref<200x128xf32, #tpu.memory_space<vmem>>, vector<16xf32>,
        %mul3A_1131 = arith.mulf %get3A_1130, %get3A_230 : vector<16xf32>
        %add3A_1132 = arith.addf %add3A_1127, %mul3A_1131 : vector<16xf32>
        %iota3A_1133 = tpu.iota {dimensions = array<i32: 0>} : vector<16xi32>
        %xor3A_1134 = arith.constant 1 : i32
        %xor3A_1135 = vector.broadcast %xor3A_1134 : i32 to vector<16xi32>
        %xor3A_1136 = arith.xori %iota3A_1133, %xor3A_1135 : vector<16xi32>
        %broadcast_in_dim3A_1137 = vector.shape_cast %xor3A_1136 : vector<16xi32> to vector<16x1xi32>
        %gather3A_1138 = vector.shape_cast %broadcast_in_dim3A_1137 : vector<16x1xi32> to vector<16xi32>
        %gather3A_1139 = tpu.dynamic_gather %add3A_1132[%gather3A_1138] in [0] : vector<16xf32>, vector<16xi32> -> vector<16xf32>
        %add3A_1140 = arith.addf %add3A_1132, %gather3A_1139 : vector<16xf32>
        %xor3A_1141 = arith.constant 2 : i32
        %xor3A_1142 = vector.broadcast %xor3A_1141 : i32 to vector<16xi32>
        %xor3A_1143 = arith.xori %iota3A_1133, %xor3A_1142 : vector<16xi32>
        %broadcast_in_dim3A_1144 = vector.shape_cast %xor3A_1143 : vector<16xi32> to vector<16x1xi32>
        %gather3A_1145 = vector.shape_cast %broadcast_in_dim3A_1144 : vector<16x1xi32> to vector<16xi32>
        %gather3A_1146 = tpu.dynamic_gather %add3A_1140[%gather3A_1145] in [0] : vector<16xf32>, vector<16xi32> -> vector<16xf32>
        %add3A_1147 = arith.addf %add3A_1140, %gather3A_1146 : vector<16xf32>
        %xor3A_1148 = arith.constant 4 : i32
        %xor3A_1149 = vector.broadcast %xor3A_1148 : i32 to vector<16xi32>
        %xor3A_1150 = arith.xori %iota3A_1133, %xor3A_1149 : vector<16xi32>
        %broadcast_in_dim3A_1151 = vector.shape_cast %xor3A_1150 : vector<16xi32> to vector<16x1xi32>
        %gather3A_1152 = vector.shape_cast %broadcast_in_dim3A_1151 : vector<16x1xi32> to vector<16xi32>
        %gather3A_1153 = tpu.dynamic_gather %add3A_1147[%gather3A_1152] in [0] : vector<16xf32>, vector<16xi32> -> vector<16xf32>
        %add3A_1154 = arith.addf %add3A_1147, %gather3A_1153 : vector<16xf32>
        %xor3A_1155 = arith.constant 8 : i32
        %xor3A_1156 = vector.broadcast %xor3A_1155 : i32 to vector<16xi32>
        %xor3A_1157 = arith.xori %iota3A_1133, %xor3A_1156 : vector<16xi32>
        %broadcast_in_dim3A_1158 = vector.shape_cast %xor3A_1157 : vector<16xi32> to vector<16x1xi32>
        %gather3A_1159 = vector.shape_cast %broadcast_in_dim3A_1158 : vector<16x1xi32> to vector<16xi32>
        %gather3A_1160 = tpu.dynamic_gather %add3A_1154[%gather3A_1159] in [0] : vector<16xf32>, vector<16xi32> -> vector<16xf32>
        %add3A_1161 = arith.addf %add3A_1154, %gather3A_1160 : vector<16xf32>
        %eq3A_1162 = arith.constant 11 : i32
        %eq3A_1163 = vector.broadcast %eq3A_1162 : i32 to vector<16xi32>
        %eq3A_1164 = arith.cmpi eq, %iota3A, %eq3A_1163 : vector<16xi32>
        %select_n3A_1165 = arith.select %eq3A_1164, %add3A_1161, %select_n3A_1091 : vector<16xi1>, vector<16xf32>
        %add3A_1166 = arith.constant 12 : i32
        %add3A_1167 = arith.addi %min3A_277, %add3A_1166 : i32
        %get3A_1168 = arith.index_cast %add3A_1167 : i32 to index
        %get3A_1169 = arith.constant 0 : index
        %get3A_1170 = tpu.vector_load %arg14[%get3A_1168, %get3A_1169] {strides = array<i32>} : memref<200x128xf32, #tpu.memory_space<vmem>>, vector<16xf32>,
        %mul3A_1171 = arith.mulf %get3A_1170, %get3A_209 : vector<16xf32>
        %get3A_1172 = arith.index_cast %add3A_1167 : i32 to index
        %get3A_1173 = arith.constant 16 : index
        %get3A_1174 = tpu.vector_load %arg14[%get3A_1172, %get3A_1173] {strides = array<i32>} : memref<200x128xf32, #tpu.memory_space<vmem>>, vector<16xf32>,
        %mul3A_1175 = arith.mulf %get3A_1174, %get3A_212 : vector<16xf32>
        %add3A_1176 = arith.addf %mul3A_1171, %mul3A_1175 : vector<16xf32>
        %get3A_1177 = arith.index_cast %add3A_1167 : i32 to index
        %get3A_1178 = arith.constant 32 : index
        %get3A_1179 = tpu.vector_load %arg14[%get3A_1177, %get3A_1178] {strides = array<i32>} : memref<200x128xf32, #tpu.memory_space<vmem>>, vector<16xf32>,
        %mul3A_1180 = arith.mulf %get3A_1179, %get3A_215 : vector<16xf32>
        %add3A_1181 = arith.addf %add3A_1176, %mul3A_1180 : vector<16xf32>
        %get3A_1182 = arith.index_cast %add3A_1167 : i32 to index
        %get3A_1183 = arith.constant 48 : index
        %get3A_1184 = tpu.vector_load %arg14[%get3A_1182, %get3A_1183] {strides = array<i32>} : memref<200x128xf32, #tpu.memory_space<vmem>>, vector<16xf32>,
        %mul3A_1185 = arith.mulf %get3A_1184, %get3A_218 : vector<16xf32>
        %add3A_1186 = arith.addf %add3A_1181, %mul3A_1185 : vector<16xf32>
        %get3A_1187 = arith.index_cast %add3A_1167 : i32 to index
        %get3A_1188 = arith.constant 64 : index
        %get3A_1189 = tpu.vector_load %arg14[%get3A_1187, %get3A_1188] {strides = array<i32>} : memref<200x128xf32, #tpu.memory_space<vmem>>, vector<16xf32>,
        %mul3A_1190 = arith.mulf %get3A_1189, %get3A_221 : vector<16xf32>
        %add3A_1191 = arith.addf %add3A_1186, %mul3A_1190 : vector<16xf32>
        %get3A_1192 = arith.index_cast %add3A_1167 : i32 to index
        %get3A_1193 = arith.constant 80 : index
        %get3A_1194 = tpu.vector_load %arg14[%get3A_1192, %get3A_1193] {strides = array<i32>} : memref<200x128xf32, #tpu.memory_space<vmem>>, vector<16xf32>,
        %mul3A_1195 = arith.mulf %get3A_1194, %get3A_224 : vector<16xf32>
        %add3A_1196 = arith.addf %add3A_1191, %mul3A_1195 : vector<16xf32>
        %get3A_1197 = arith.index_cast %add3A_1167 : i32 to index
        %get3A_1198 = arith.constant 96 : index
        %get3A_1199 = tpu.vector_load %arg14[%get3A_1197, %get3A_1198] {strides = array<i32>} : memref<200x128xf32, #tpu.memory_space<vmem>>, vector<16xf32>,
        %mul3A_1200 = arith.mulf %get3A_1199, %get3A_227 : vector<16xf32>
        %add3A_1201 = arith.addf %add3A_1196, %mul3A_1200 : vector<16xf32>
        %get3A_1202 = arith.index_cast %add3A_1167 : i32 to index
        %get3A_1203 = arith.constant 112 : index
        %get3A_1204 = tpu.vector_load %arg14[%get3A_1202, %get3A_1203] {strides = array<i32>} : memref<200x128xf32, #tpu.memory_space<vmem>>, vector<16xf32>,
        %mul3A_1205 = arith.mulf %get3A_1204, %get3A_230 : vector<16xf32>
        %add3A_1206 = arith.addf %add3A_1201, %mul3A_1205 : vector<16xf32>
        %iota3A_1207 = tpu.iota {dimensions = array<i32: 0>} : vector<16xi32>
        %xor3A_1208 = arith.constant 1 : i32
        %xor3A_1209 = vector.broadcast %xor3A_1208 : i32 to vector<16xi32>
        %xor3A_1210 = arith.xori %iota3A_1207, %xor3A_1209 : vector<16xi32>
        %broadcast_in_dim3A_1211 = vector.shape_cast %xor3A_1210 : vector<16xi32> to vector<16x1xi32>
        %gather3A_1212 = vector.shape_cast %broadcast_in_dim3A_1211 : vector<16x1xi32> to vector<16xi32>
        %gather3A_1213 = tpu.dynamic_gather %add3A_1206[%gather3A_1212] in [0] : vector<16xf32>, vector<16xi32> -> vector<16xf32>
        %add3A_1214 = arith.addf %add3A_1206, %gather3A_1213 : vector<16xf32>
        %xor3A_1215 = arith.constant 2 : i32
        %xor3A_1216 = vector.broadcast %xor3A_1215 : i32 to vector<16xi32>
        %xor3A_1217 = arith.xori %iota3A_1207, %xor3A_1216 : vector<16xi32>
        %broadcast_in_dim3A_1218 = vector.shape_cast %xor3A_1217 : vector<16xi32> to vector<16x1xi32>
        %gather3A_1219 = vector.shape_cast %broadcast_in_dim3A_1218 : vector<16x1xi32> to vector<16xi32>
        %gather3A_1220 = tpu.dynamic_gather %add3A_1214[%gather3A_1219] in [0] : vector<16xf32>, vector<16xi32> -> vector<16xf32>
        %add3A_1221 = arith.addf %add3A_1214, %gather3A_1220 : vector<16xf32>
        %xor3A_1222 = arith.constant 4 : i32
        %xor3A_1223 = vector.broadcast %xor3A_1222 : i32 to vector<16xi32>
        %xor3A_1224 = arith.xori %iota3A_1207, %xor3A_1223 : vector<16xi32>
        %broadcast_in_dim3A_1225 = vector.shape_cast %xor3A_1224 : vector<16xi32> to vector<16x1xi32>
        %gather3A_1226 = vector.shape_cast %broadcast_in_dim3A_1225 : vector<16x1xi32> to vector<16xi32>
        %gather3A_1227 = tpu.dynamic_gather %add3A_1221[%gather3A_1226] in [0] : vector<16xf32>, vector<16xi32> -> vector<16xf32>
        %add3A_1228 = arith.addf %add3A_1221, %gather3A_1227 : vector<16xf32>
        %xor3A_1229 = arith.constant 8 : i32
        %xor3A_1230 = vector.broadcast %xor3A_1229 : i32 to vector<16xi32>
        %xor3A_1231 = arith.xori %iota3A_1207, %xor3A_1230 : vector<16xi32>
        %broadcast_in_dim3A_1232 = vector.shape_cast %xor3A_1231 : vector<16xi32> to vector<16x1xi32>
        %gather3A_1233 = vector.shape_cast %broadcast_in_dim3A_1232 : vector<16x1xi32> to vector<16xi32>
        %gather3A_1234 = tpu.dynamic_gather %add3A_1228[%gather3A_1233] in [0] : vector<16xf32>, vector<16xi32> -> vector<16xf32>
        %add3A_1235 = arith.addf %add3A_1228, %gather3A_1234 : vector<16xf32>
        %eq3A_1236 = arith.constant 12 : i32
        %eq3A_1237 = vector.broadcast %eq3A_1236 : i32 to vector<16xi32>
        %eq3A_1238 = arith.cmpi eq, %iota3A, %eq3A_1237 : vector<16xi32>
        %select_n3A_1239 = arith.select %eq3A_1238, %add3A_1235, %select_n3A_1165 : vector<16xi1>, vector<16xf32>
        %add3A_1240 = arith.constant 13 : i32
        %add3A_1241 = arith.addi %min3A_277, %add3A_1240 : i32
        %get3A_1242 = arith.index_cast %add3A_1241 : i32 to index
        %get3A_1243 = arith.constant 0 : index
        %get3A_1244 = tpu.vector_load %arg14[%get3A_1242, %get3A_1243] {strides = array<i32>} : memref<200x128xf32, #tpu.memory_space<vmem>>, vector<16xf32>,
        %mul3A_1245 = arith.mulf %get3A_1244, %get3A_209 : vector<16xf32>
        %get3A_1246 = arith.index_cast %add3A_1241 : i32 to index
        %get3A_1247 = arith.constant 16 : index
        %get3A_1248 = tpu.vector_load %arg14[%get3A_1246, %get3A_1247] {strides = array<i32>} : memref<200x128xf32, #tpu.memory_space<vmem>>, vector<16xf32>,
        %mul3A_1249 = arith.mulf %get3A_1248, %get3A_212 : vector<16xf32>
        %add3A_1250 = arith.addf %mul3A_1245, %mul3A_1249 : vector<16xf32>
        %get3A_1251 = arith.index_cast %add3A_1241 : i32 to index
        %get3A_1252 = arith.constant 32 : index
        %get3A_1253 = tpu.vector_load %arg14[%get3A_1251, %get3A_1252] {strides = array<i32>} : memref<200x128xf32, #tpu.memory_space<vmem>>, vector<16xf32>,
        %mul3A_1254 = arith.mulf %get3A_1253, %get3A_215 : vector<16xf32>
        %add3A_1255 = arith.addf %add3A_1250, %mul3A_1254 : vector<16xf32>
        %get3A_1256 = arith.index_cast %add3A_1241 : i32 to index
        %get3A_1257 = arith.constant 48 : index
        %get3A_1258 = tpu.vector_load %arg14[%get3A_1256, %get3A_1257] {strides = array<i32>} : memref<200x128xf32, #tpu.memory_space<vmem>>, vector<16xf32>,
        %mul3A_1259 = arith.mulf %get3A_1258, %get3A_218 : vector<16xf32>
        %add3A_1260 = arith.addf %add3A_1255, %mul3A_1259 : vector<16xf32>
        %get3A_1261 = arith.index_cast %add3A_1241 : i32 to index
        %get3A_1262 = arith.constant 64 : index
        %get3A_1263 = tpu.vector_load %arg14[%get3A_1261, %get3A_1262] {strides = array<i32>} : memref<200x128xf32, #tpu.memory_space<vmem>>, vector<16xf32>,
        %mul3A_1264 = arith.mulf %get3A_1263, %get3A_221 : vector<16xf32>
        %add3A_1265 = arith.addf %add3A_1260, %mul3A_1264 : vector<16xf32>
        %get3A_1266 = arith.index_cast %add3A_1241 : i32 to index
        %get3A_1267 = arith.constant 80 : index
        %get3A_1268 = tpu.vector_load %arg14[%get3A_1266, %get3A_1267] {strides = array<i32>} : memref<200x128xf32, #tpu.memory_space<vmem>>, vector<16xf32>,
        %mul3A_1269 = arith.mulf %get3A_1268, %get3A_224 : vector<16xf32>
        %add3A_1270 = arith.addf %add3A_1265, %mul3A_1269 : vector<16xf32>
        %get3A_1271 = arith.index_cast %add3A_1241 : i32 to index
        %get3A_1272 = arith.constant 96 : index
        %get3A_1273 = tpu.vector_load %arg14[%get3A_1271, %get3A_1272] {strides = array<i32>} : memref<200x128xf32, #tpu.memory_space<vmem>>, vector<16xf32>,
        %mul3A_1274 = arith.mulf %get3A_1273, %get3A_227 : vector<16xf32>
        %add3A_1275 = arith.addf %add3A_1270, %mul3A_1274 : vector<16xf32>
        %get3A_1276 = arith.index_cast %add3A_1241 : i32 to index
        %get3A_1277 = arith.constant 112 : index
        %get3A_1278 = tpu.vector_load %arg14[%get3A_1276, %get3A_1277] {strides = array<i32>} : memref<200x128xf32, #tpu.memory_space<vmem>>, vector<16xf32>,
        %mul3A_1279 = arith.mulf %get3A_1278, %get3A_230 : vector<16xf32>
        %add3A_1280 = arith.addf %add3A_1275, %mul3A_1279 : vector<16xf32>
        %iota3A_1281 = tpu.iota {dimensions = array<i32: 0>} : vector<16xi32>
        %xor3A_1282 = arith.constant 1 : i32
        %xor3A_1283 = vector.broadcast %xor3A_1282 : i32 to vector<16xi32>
        %xor3A_1284 = arith.xori %iota3A_1281, %xor3A_1283 : vector<16xi32>
        %broadcast_in_dim3A_1285 = vector.shape_cast %xor3A_1284 : vector<16xi32> to vector<16x1xi32>
        %gather3A_1286 = vector.shape_cast %broadcast_in_dim3A_1285 : vector<16x1xi32> to vector<16xi32>
        %gather3A_1287 = tpu.dynamic_gather %add3A_1280[%gather3A_1286] in [0] : vector<16xf32>, vector<16xi32> -> vector<16xf32>
        %add3A_1288 = arith.addf %add3A_1280, %gather3A_1287 : vector<16xf32>
        %xor3A_1289 = arith.constant 2 : i32
        %xor3A_1290 = vector.broadcast %xor3A_1289 : i32 to vector<16xi32>
        %xor3A_1291 = arith.xori %iota3A_1281, %xor3A_1290 : vector<16xi32>
        %broadcast_in_dim3A_1292 = vector.shape_cast %xor3A_1291 : vector<16xi32> to vector<16x1xi32>
        %gather3A_1293 = vector.shape_cast %broadcast_in_dim3A_1292 : vector<16x1xi32> to vector<16xi32>
        %gather3A_1294 = tpu.dynamic_gather %add3A_1288[%gather3A_1293] in [0] : vector<16xf32>, vector<16xi32> -> vector<16xf32>
        %add3A_1295 = arith.addf %add3A_1288, %gather3A_1294 : vector<16xf32>
        %xor3A_1296 = arith.constant 4 : i32
        %xor3A_1297 = vector.broadcast %xor3A_1296 : i32 to vector<16xi32>
        %xor3A_1298 = arith.xori %iota3A_1281, %xor3A_1297 : vector<16xi32>
        %broadcast_in_dim3A_1299 = vector.shape_cast %xor3A_1298 : vector<16xi32> to vector<16x1xi32>
        %gather3A_1300 = vector.shape_cast %broadcast_in_dim3A_1299 : vector<16x1xi32> to vector<16xi32>
        %gather3A_1301 = tpu.dynamic_gather %add3A_1295[%gather3A_1300] in [0] : vector<16xf32>, vector<16xi32> -> vector<16xf32>
        %add3A_1302 = arith.addf %add3A_1295, %gather3A_1301 : vector<16xf32>
        %xor3A_1303 = arith.constant 8 : i32
        %xor3A_1304 = vector.broadcast %xor3A_1303 : i32 to vector<16xi32>
        %xor3A_1305 = arith.xori %iota3A_1281, %xor3A_1304 : vector<16xi32>
        %broadcast_in_dim3A_1306 = vector.shape_cast %xor3A_1305 : vector<16xi32> to vector<16x1xi32>
        %gather3A_1307 = vector.shape_cast %broadcast_in_dim3A_1306 : vector<16x1xi32> to vector<16xi32>
        %gather3A_1308 = tpu.dynamic_gather %add3A_1302[%gather3A_1307] in [0] : vector<16xf32>, vector<16xi32> -> vector<16xf32>
        %add3A_1309 = arith.addf %add3A_1302, %gather3A_1308 : vector<16xf32>
        %eq3A_1310 = arith.constant 13 : i32
        %eq3A_1311 = vector.broadcast %eq3A_1310 : i32 to vector<16xi32>
        %eq3A_1312 = arith.cmpi eq, %iota3A, %eq3A_1311 : vector<16xi32>
        %select_n3A_1313 = arith.select %eq3A_1312, %add3A_1309, %select_n3A_1239 : vector<16xi1>, vector<16xf32>
        %add3A_1314 = arith.constant 14 : i32
        %add3A_1315 = arith.addi %min3A_277, %add3A_1314 : i32
        %get3A_1316 = arith.index_cast %add3A_1315 : i32 to index
        %get3A_1317 = arith.constant 0 : index
        %get3A_1318 = tpu.vector_load %arg14[%get3A_1316, %get3A_1317] {strides = array<i32>} : memref<200x128xf32, #tpu.memory_space<vmem>>, vector<16xf32>,
        %mul3A_1319 = arith.mulf %get3A_1318, %get3A_209 : vector<16xf32>
        %get3A_1320 = arith.index_cast %add3A_1315 : i32 to index
        %get3A_1321 = arith.constant 16 : index
        %get3A_1322 = tpu.vector_load %arg14[%get3A_1320, %get3A_1321] {strides = array<i32>} : memref<200x128xf32, #tpu.memory_space<vmem>>, vector<16xf32>,
        %mul3A_1323 = arith.mulf %get3A_1322, %get3A_212 : vector<16xf32>
        %add3A_1324 = arith.addf %mul3A_1319, %mul3A_1323 : vector<16xf32>
        %get3A_1325 = arith.index_cast %add3A_1315 : i32 to index
        %get3A_1326 = arith.constant 32 : index
        %get3A_1327 = tpu.vector_load %arg14[%get3A_1325, %get3A_1326] {strides = array<i32>} : memref<200x128xf32, #tpu.memory_space<vmem>>, vector<16xf32>,
        %mul3A_1328 = arith.mulf %get3A_1327, %get3A_215 : vector<16xf32>
        %add3A_1329 = arith.addf %add3A_1324, %mul3A_1328 : vector<16xf32>
        %get3A_1330 = arith.index_cast %add3A_1315 : i32 to index
        %get3A_1331 = arith.constant 48 : index
        %get3A_1332 = tpu.vector_load %arg14[%get3A_1330, %get3A_1331] {strides = array<i32>} : memref<200x128xf32, #tpu.memory_space<vmem>>, vector<16xf32>,
        %mul3A_1333 = arith.mulf %get3A_1332, %get3A_218 : vector<16xf32>
        %add3A_1334 = arith.addf %add3A_1329, %mul3A_1333 : vector<16xf32>
        %get3A_1335 = arith.index_cast %add3A_1315 : i32 to index
        %get3A_1336 = arith.constant 64 : index
        %get3A_1337 = tpu.vector_load %arg14[%get3A_1335, %get3A_1336] {strides = array<i32>} : memref<200x128xf32, #tpu.memory_space<vmem>>, vector<16xf32>,
        %mul3A_1338 = arith.mulf %get3A_1337, %get3A_221 : vector<16xf32>
        %add3A_1339 = arith.addf %add3A_1334, %mul3A_1338 : vector<16xf32>
        %get3A_1340 = arith.index_cast %add3A_1315 : i32 to index
        %get3A_1341 = arith.constant 80 : index
        %get3A_1342 = tpu.vector_load %arg14[%get3A_1340, %get3A_1341] {strides = array<i32>} : memref<200x128xf32, #tpu.memory_space<vmem>>, vector<16xf32>,
        %mul3A_1343 = arith.mulf %get3A_1342, %get3A_224 : vector<16xf32>
        %add3A_1344 = arith.addf %add3A_1339, %mul3A_1343 : vector<16xf32>
        %get3A_1345 = arith.index_cast %add3A_1315 : i32 to index
        %get3A_1346 = arith.constant 96 : index
        %get3A_1347 = tpu.vector_load %arg14[%get3A_1345, %get3A_1346] {strides = array<i32>} : memref<200x128xf32, #tpu.memory_space<vmem>>, vector<16xf32>,
        %mul3A_1348 = arith.mulf %get3A_1347, %get3A_227 : vector<16xf32>
        %add3A_1349 = arith.addf %add3A_1344, %mul3A_1348 : vector<16xf32>
        %get3A_1350 = arith.index_cast %add3A_1315 : i32 to index
        %get3A_1351 = arith.constant 112 : index
        %get3A_1352 = tpu.vector_load %arg14[%get3A_1350, %get3A_1351] {strides = array<i32>} : memref<200x128xf32, #tpu.memory_space<vmem>>, vector<16xf32>,
        %mul3A_1353 = arith.mulf %get3A_1352, %get3A_230 : vector<16xf32>
        %add3A_1354 = arith.addf %add3A_1349, %mul3A_1353 : vector<16xf32>
        %iota3A_1355 = tpu.iota {dimensions = array<i32: 0>} : vector<16xi32>
        %xor3A_1356 = arith.constant 1 : i32
        %xor3A_1357 = vector.broadcast %xor3A_1356 : i32 to vector<16xi32>
        %xor3A_1358 = arith.xori %iota3A_1355, %xor3A_1357 : vector<16xi32>
        %broadcast_in_dim3A_1359 = vector.shape_cast %xor3A_1358 : vector<16xi32> to vector<16x1xi32>
        %gather3A_1360 = vector.shape_cast %broadcast_in_dim3A_1359 : vector<16x1xi32> to vector<16xi32>
        %gather3A_1361 = tpu.dynamic_gather %add3A_1354[%gather3A_1360] in [0] : vector<16xf32>, vector<16xi32> -> vector<16xf32>
        %add3A_1362 = arith.addf %add3A_1354, %gather3A_1361 : vector<16xf32>
        %xor3A_1363 = arith.constant 2 : i32
        %xor3A_1364 = vector.broadcast %xor3A_1363 : i32 to vector<16xi32>
        %xor3A_1365 = arith.xori %iota3A_1355, %xor3A_1364 : vector<16xi32>
        %broadcast_in_dim3A_1366 = vector.shape_cast %xor3A_1365 : vector<16xi32> to vector<16x1xi32>
        %gather3A_1367 = vector.shape_cast %broadcast_in_dim3A_1366 : vector<16x1xi32> to vector<16xi32>
        %gather3A_1368 = tpu.dynamic_gather %add3A_1362[%gather3A_1367] in [0] : vector<16xf32>, vector<16xi32> -> vector<16xf32>
        %add3A_1369 = arith.addf %add3A_1362, %gather3A_1368 : vector<16xf32>
        %xor3A_1370 = arith.constant 4 : i32
        %xor3A_1371 = vector.broadcast %xor3A_1370 : i32 to vector<16xi32>
        %xor3A_1372 = arith.xori %iota3A_1355, %xor3A_1371 : vector<16xi32>
        %broadcast_in_dim3A_1373 = vector.shape_cast %xor3A_1372 : vector<16xi32> to vector<16x1xi32>
        %gather3A_1374 = vector.shape_cast %broadcast_in_dim3A_1373 : vector<16x1xi32> to vector<16xi32>
        %gather3A_1375 = tpu.dynamic_gather %add3A_1369[%gather3A_1374] in [0] : vector<16xf32>, vector<16xi32> -> vector<16xf32>
        %add3A_1376 = arith.addf %add3A_1369, %gather3A_1375 : vector<16xf32>
        %xor3A_1377 = arith.constant 8 : i32
        %xor3A_1378 = vector.broadcast %xor3A_1377 : i32 to vector<16xi32>
        %xor3A_1379 = arith.xori %iota3A_1355, %xor3A_1378 : vector<16xi32>
        %broadcast_in_dim3A_1380 = vector.shape_cast %xor3A_1379 : vector<16xi32> to vector<16x1xi32>
        %gather3A_1381 = vector.shape_cast %broadcast_in_dim3A_1380 : vector<16x1xi32> to vector<16xi32>
        %gather3A_1382 = tpu.dynamic_gather %add3A_1376[%gather3A_1381] in [0] : vector<16xf32>, vector<16xi32> -> vector<16xf32>
        %add3A_1383 = arith.addf %add3A_1376, %gather3A_1382 : vector<16xf32>
        %eq3A_1384 = arith.constant 14 : i32
        %eq3A_1385 = vector.broadcast %eq3A_1384 : i32 to vector<16xi32>
        %eq3A_1386 = arith.cmpi eq, %iota3A, %eq3A_1385 : vector<16xi32>
        %select_n3A_1387 = arith.select %eq3A_1386, %add3A_1383, %select_n3A_1313 : vector<16xi1>, vector<16xf32>
        %add3A_1388 = arith.constant 15 : i32
        %add3A_1389 = arith.addi %min3A_277, %add3A_1388 : i32
        %get3A_1390 = arith.index_cast %add3A_1389 : i32 to index
        %get3A_1391 = arith.constant 0 : index
        %get3A_1392 = tpu.vector_load %arg14[%get3A_1390, %get3A_1391] {strides = array<i32>} : memref<200x128xf32, #tpu.memory_space<vmem>>, vector<16xf32>,
        %mul3A_1393 = arith.mulf %get3A_1392, %get3A_209 : vector<16xf32>
        %get3A_1394 = arith.index_cast %add3A_1389 : i32 to index
        %get3A_1395 = arith.constant 16 : index
        %get3A_1396 = tpu.vector_load %arg14[%get3A_1394, %get3A_1395] {strides = array<i32>} : memref<200x128xf32, #tpu.memory_space<vmem>>, vector<16xf32>,
        %mul3A_1397 = arith.mulf %get3A_1396, %get3A_212 : vector<16xf32>
        %add3A_1398 = arith.addf %mul3A_1393, %mul3A_1397 : vector<16xf32>
        %get3A_1399 = arith.index_cast %add3A_1389 : i32 to index
        %get3A_1400 = arith.constant 32 : index
        %get3A_1401 = tpu.vector_load %arg14[%get3A_1399, %get3A_1400] {strides = array<i32>} : memref<200x128xf32, #tpu.memory_space<vmem>>, vector<16xf32>,
        %mul3A_1402 = arith.mulf %get3A_1401, %get3A_215 : vector<16xf32>
        %add3A_1403 = arith.addf %add3A_1398, %mul3A_1402 : vector<16xf32>
        %get3A_1404 = arith.index_cast %add3A_1389 : i32 to index
        %get3A_1405 = arith.constant 48 : index
        %get3A_1406 = tpu.vector_load %arg14[%get3A_1404, %get3A_1405] {strides = array<i32>} : memref<200x128xf32, #tpu.memory_space<vmem>>, vector<16xf32>,
        %mul3A_1407 = arith.mulf %get3A_1406, %get3A_218 : vector<16xf32>
        %add3A_1408 = arith.addf %add3A_1403, %mul3A_1407 : vector<16xf32>
        %get3A_1409 = arith.index_cast %add3A_1389 : i32 to index
        %get3A_1410 = arith.constant 64 : index
        %get3A_1411 = tpu.vector_load %arg14[%get3A_1409, %get3A_1410] {strides = array<i32>} : memref<200x128xf32, #tpu.memory_space<vmem>>, vector<16xf32>,
        %mul3A_1412 = arith.mulf %get3A_1411, %get3A_221 : vector<16xf32>
        %add3A_1413 = arith.addf %add3A_1408, %mul3A_1412 : vector<16xf32>
        %get3A_1414 = arith.index_cast %add3A_1389 : i32 to index
        %get3A_1415 = arith.constant 80 : index
        %get3A_1416 = tpu.vector_load %arg14[%get3A_1414, %get3A_1415] {strides = array<i32>} : memref<200x128xf32, #tpu.memory_space<vmem>>, vector<16xf32>,
        %mul3A_1417 = arith.mulf %get3A_1416, %get3A_224 : vector<16xf32>
        %add3A_1418 = arith.addf %add3A_1413, %mul3A_1417 : vector<16xf32>
        %get3A_1419 = arith.index_cast %add3A_1389 : i32 to index
        %get3A_1420 = arith.constant 96 : index
        %get3A_1421 = tpu.vector_load %arg14[%get3A_1419, %get3A_1420] {strides = array<i32>} : memref<200x128xf32, #tpu.memory_space<vmem>>, vector<16xf32>,
        %mul3A_1422 = arith.mulf %get3A_1421, %get3A_227 : vector<16xf32>
        %add3A_1423 = arith.addf %add3A_1418, %mul3A_1422 : vector<16xf32>
        %get3A_1424 = arith.index_cast %add3A_1389 : i32 to index
        %get3A_1425 = arith.constant 112 : index
        %get3A_1426 = tpu.vector_load %arg14[%get3A_1424, %get3A_1425] {strides = array<i32>} : memref<200x128xf32, #tpu.memory_space<vmem>>, vector<16xf32>,
        %mul3A_1427 = arith.mulf %get3A_1426, %get3A_230 : vector<16xf32>
        %add3A_1428 = arith.addf %add3A_1423, %mul3A_1427 : vector<16xf32>
        %iota3A_1429 = tpu.iota {dimensions = array<i32: 0>} : vector<16xi32>
        %xor3A_1430 = arith.constant 1 : i32
        %xor3A_1431 = vector.broadcast %xor3A_1430 : i32 to vector<16xi32>
        %xor3A_1432 = arith.xori %iota3A_1429, %xor3A_1431 : vector<16xi32>
        %broadcast_in_dim3A_1433 = vector.shape_cast %xor3A_1432 : vector<16xi32> to vector<16x1xi32>
        %gather3A_1434 = vector.shape_cast %broadcast_in_dim3A_1433 : vector<16x1xi32> to vector<16xi32>
        %gather3A_1435 = tpu.dynamic_gather %add3A_1428[%gather3A_1434] in [0] : vector<16xf32>, vector<16xi32> -> vector<16xf32>
        %add3A_1436 = arith.addf %add3A_1428, %gather3A_1435 : vector<16xf32>
        %xor3A_1437 = arith.constant 2 : i32
        %xor3A_1438 = vector.broadcast %xor3A_1437 : i32 to vector<16xi32>
        %xor3A_1439 = arith.xori %iota3A_1429, %xor3A_1438 : vector<16xi32>
        %broadcast_in_dim3A_1440 = vector.shape_cast %xor3A_1439 : vector<16xi32> to vector<16x1xi32>
        %gather3A_1441 = vector.shape_cast %broadcast_in_dim3A_1440 : vector<16x1xi32> to vector<16xi32>
        %gather3A_1442 = tpu.dynamic_gather %add3A_1436[%gather3A_1441] in [0] : vector<16xf32>, vector<16xi32> -> vector<16xf32>
        %add3A_1443 = arith.addf %add3A_1436, %gather3A_1442 : vector<16xf32>
        %xor3A_1444 = arith.constant 4 : i32
        %xor3A_1445 = vector.broadcast %xor3A_1444 : i32 to vector<16xi32>
        %xor3A_1446 = arith.xori %iota3A_1429, %xor3A_1445 : vector<16xi32>
        %broadcast_in_dim3A_1447 = vector.shape_cast %xor3A_1446 : vector<16xi32> to vector<16x1xi32>
        %gather3A_1448 = vector.shape_cast %broadcast_in_dim3A_1447 : vector<16x1xi32> to vector<16xi32>
        %gather3A_1449 = tpu.dynamic_gather %add3A_1443[%gather3A_1448] in [0] : vector<16xf32>, vector<16xi32> -> vector<16xf32>
        %add3A_1450 = arith.addf %add3A_1443, %gather3A_1449 : vector<16xf32>
        %xor3A_1451 = arith.constant 8 : i32
        %xor3A_1452 = vector.broadcast %xor3A_1451 : i32 to vector<16xi32>
        %xor3A_1453 = arith.xori %iota3A_1429, %xor3A_1452 : vector<16xi32>
        %broadcast_in_dim3A_1454 = vector.shape_cast %xor3A_1453 : vector<16xi32> to vector<16x1xi32>
        %gather3A_1455 = vector.shape_cast %broadcast_in_dim3A_1454 : vector<16x1xi32> to vector<16xi32>
        %gather3A_1456 = tpu.dynamic_gather %add3A_1450[%gather3A_1455] in [0] : vector<16xf32>, vector<16xi32> -> vector<16xf32>
        %add3A_1457 = arith.addf %add3A_1450, %gather3A_1456 : vector<16xf32>
        %eq3A_1458 = arith.constant 15 : i32
        %eq3A_1459 = vector.broadcast %eq3A_1458 : i32 to vector<16xi32>
        %eq3A_1460 = arith.cmpi eq, %iota3A, %eq3A_1459 : vector<16xi32>
        %select_n3A_1461 = arith.select %eq3A_1460, %add3A_1457, %select_n3A_1387 : vector<16xi1>, vector<16xf32>
        %get3A_1462 = arith.index_cast %min3A_277 : i32 to index
        %get3A_1463 = tpu.vector_load %arg16[%get3A_1462] {strides = array<i32>} : memref<200xf32, #tpu.memory_space<vmem>>, vector<16xf32>,
        %add3A_1464 = arith.addf %select_n3A_1461, %get3A_1463 : vector<16xf32>
        %add3A_1465 = arith.addf %add3A_1464, %gather3A_264 : vector<16xf32>
        %swap3A = arith.index_cast %add3A_206 : i32 to index
        %swap3A_1466 = arith.index_cast %min3A_277 : i32 to index
        %swap3A_1467 = tpu.vector_load %arg17[%swap3A, %swap3A_1466] {strides = array<i32>} : memref<128x200xf32, #tpu.memory_space<vmem>>, vector<16xf32>,
        tpu.vector_store %arg17[%swap3A, %swap3A_1466], %add3A_1465 {strides = array<i32>} : memref<128x200xf32, #tpu.memory_space<vmem>>, vector<16xf32>,
      }
      %scan3A_269 = arith.constant 13 : i32
    }
    %scan3A_43 = arith.constant 64 : i32
    "tpu.region"() ({
      %run_scoped3A = tpu.sem_alloc : memref<!tpu.dma_semaphore, #tpu.memory_space<semaphore_mem>>
      %dma_start3A_44 = arith.constant 0 : i32
      %dma_start3A_45 = tpu.memref_slice %arg8[%mul3A_2, %dma_start3A_44] : memref<4096x200xf32, #tpu.memory_space<hbm>> -> memref<128x200xf32, #tpu.memory_space<hbm>>
      %dma_start3A_46 = arith.constant 0 : i32
      %dma_start3A_47 = tpu.memref_slice %arg8[%mul3A_2, %dma_start3A_46] : memref<4096x200xf32, #tpu.memory_space<hbm>> -> memref<128x200xf32, #tpu.memory_space<hbm>>
      tpu.enqueue_dma source(%arg17 : memref<128x200xf32, #tpu.memory_space<vmem>>) target(%dma_start3A_47 : memref<128x200xf32, #tpu.memory_space<hbm>>) target_semaphore(%run_scoped3A : memref<!tpu.dma_semaphore, #tpu.memory_space<semaphore_mem>>)
      %dma_wait3A_48 = arith.constant 0 : i32
      %dma_wait3A_49 = tpu.memref_slice %arg8[%mul3A_2, %dma_wait3A_48] : memref<4096x200xf32, #tpu.memory_space<hbm>> -> memref<128x200xf32, #tpu.memory_space<hbm>>
      %dma_wait3A_50 = arith.constant 0 : i32
      %dma_wait3A_51 = tpu.memref_slice %arg8[%mul3A_2, %dma_wait3A_50] : memref<4096x200xf32, #tpu.memory_space<hbm>> -> memref<128x200xf32, #tpu.memory_space<hbm>>
      tpu.wait_dma2 semaphore(%run_scoped3A : memref<!tpu.dma_semaphore, #tpu.memory_space<semaphore_mem>>) src(%arg17 : memref<128x200xf32, #tpu.memory_space<vmem>>) dst(%dma_wait3A_51 : memref<128x200xf32, #tpu.memory_space<hbm>>)
      tpu.yield
    }) : () -> ()
    return
  }
}

</mosaic_0001>

<sc_bundles>
// kernel: kernel.3.cloned.1.call-start
scs
__scs_entry_jumppad:
0x0: {  	(pc) =	sbr.rel $0x88, $3  }
0x1: {  	(tag) =	ssettag $0x0;
	lr =	simm.s32 $0x1  }
0x2: {  	[smem:$0x3F9B] =	sst lr;
	_ =	strace $0xD0000000  }
0x3: {  	_ = 	snop  }
0x4: {  	_ = 	snop  }
0x5: {  	_ = 	snop  }
0x6: {  	_ = 	snop  }
0x7: {  	_ = 	snop  }
__scs_overlays_trampoline_lowered:
0x8: {  	[smem:$0x3FAA] =	sst s0  }
0x9: {  	[smem:$0x3FAB] =	sst s1  }
0xa: {  	[smem:$0x3FAC] =	sst s2  }
0xb: {  	[smem:$0x3FAD] =	sst s3  }
0xc: {  	[smem:$0x3FAE] =	sst s4  }
0xd: {  	[smem:$0x3FAF] =	sst s5  }
0xe: {  	[smem:$0x3FB0] =	sst s6  }
0xf: {  	[smem:$0x3FB1] =	sst s7  }
0x10: {  	[smem:$0x3FB2] =	sst s8  }
0x11: {  	[smem:$0x3FB3] =	sst s9;
	s0 =	simm.s32 @!p0 $0x0  }
0x12: {  	s1 =	sld [smem:$0x3F99];
	s0 =	simm.s32 @p0 $0x1  }
0x13: {  	[smem:$0x3FB4] =	sst s0;
	s0 =	simm.s32 @!p1 $0x0  }
0x14: {  	s2 =	sld [smem:$0x3F98];
	s0 =	simm.s32 @p1 $0x1  }
0x15: {  	[smem:$0x3FB5] =	sst s0;
	s0 =	simm.s32 @!p2 $0x0  }
0x16: {  	s3 =	sld [smem:$0x3FDB];
	s0 =	simm.s32 @p2 $0x1  }
0x17: {  	s4 =	simm.s32 $0x1BF5;
	[smem:$0x3FB7] =	sst s0  }
0x18: {  	s0 =	sld [smem:$0x3F9A];
	_ =	swait.ge [sflag:s4], $0x0  }
0x19: {  	s7 =	sld [smem:$0x3F9B]  }
0x1a: {  	s8 =	sadd.s32 $0xFFFFE003, lr  }
0x1b: {  	s9 =	sadd.s32 $0xFFFFFEF7, lr;
	s5 =	simm.s32 $0xFFFFFFFF;
	p2 =	slt.u32 s8, $0xFFFFF086  }
0x1c: {  	p1 =	slt.u32 s9, $0xF7A;
	s5 =	simm.s32 @!p2 $0x0  }
0x1d: {  	s5 =	simm.s32 @p1 $0x1;
	p0 =	seq.s32 s7, s2  }
0x1e: {  	s7 =	smul.u32 @!p0 $0xF7A, s2;
	p2 =	seq.s32 @!p0 s5, $0x0  }
0x1f: {  	s9 =	smul.u32 $0xF7A, s1;
	s8 =	simm.s32 @!p0 $0x1BF5;
	p2 =	por !p2, p0  }
0x20: {  	[sflag:s8] =	ssyncset.s32 @!p0 $0xFFFFF086;
	s6 =	sadd.s32 @!p0 s3, s7;
	s7 =	simm.s32 @!p0 $0x108  }
0x21: {  	s3 =	sadd.s32 s3, s9;
	s6 =	sadd.s32 @!p0 $0x88, s6;
	s7 =	simm.s32 @p2 $0x1082  }
0x22: {  	[simem:s7], [sflag:s8] =	dma.local @!p0 [hbm:s6], $0xF7A  }
0x23: {  	s9 =	sor.u32 $0xD0000000, s2;
	s6 =	simm.s32 $0x108;
	_ =	swait.ge @!p0 [sflag:s8], $0x0  }
0x24: {  	s3 =	sadd.s32 $0x88, s3;
	s6 =	simm.s32 @!p1 $0x1082;
	[sflag:s4] =	ssyncset.s32 $0xFFFFF086  }
0x25: {  	[simem:s6], [sflag:s4] =	dma.local [hbm:s3], $0xF7A  }
0x26: {  	[smem:$0x3F9B] =	sst s1;
	(tag) =	ssettag s2;
	_ =	strace s9  }
0x27: {  	s1 =	sld [smem:$0x3FAB]  }
0x28: {  	s2 =	sld [smem:$0x3FAC]  }
0x29: {  	s4 =	sld [smem:$0x3FAE]  }
0x2a: {  	p0 =	seq.s32 s5, $0x0;
	s5 =	sld [smem:$0x3FAF]  }
0x2b: {  	s6 =	sld [smem:$0x3FB0]  }
0x2c: {  	s7 =	sld [smem:$0x3FB1]  }
0x2d: {  	s3 =	simm.s32 $0x108;
	s8 =	sld [smem:$0x3FB2]  }
0x2e: {  	s3 =	simm.s32 @!p0 $0x1082;
	s9 =	sld [smem:$0x3FB3]  }
0x2f: {  	lr =	sadd.s32 s0, s3;
	s0 =	sld [smem:$0x3FAA]  }
0x30: {  	s3 =	sld [smem:$0x3FAD]  }
0x31: {  	[smem:$0x3FB6] =	sst s10  }
0x32: {  	s10 =	sld [smem:$0x3FB4];
	_ =	sdelay $0x3  }
0x33: {  	p0 =	seq.s32 s10, $0x1;
	s10 =	sld [smem:$0x3FB6];
	_ =	sdelay $0x3  }
0x34: {  	[smem:$0x3FB6] =	sst s10  }
0x35: {  	s10 =	sld [smem:$0x3FB5];
	_ =	sdelay $0x3  }
0x36: {  	p1 =	seq.s32 s10, $0x1;
	s10 =	sld [smem:$0x3FB6];
	_ =	sdelay $0x3  }
0x37: {  	[smem:$0x3FB6] =	sst s10  }
0x38: {  	s10 =	sld [smem:$0x3FB7]  }
0x39: {  	_ = 	snop;
	(pc) =	sbr.ind lr, $3  }
0x3a: {  	_ = 	snop  }
0x3b: {  	_ = 	snop  }
0x3c: {  	p2 =	seq.s32 s10, $0x1;
	s10 =	sld [smem:$0x3FB6]  }
0x3d: {  	_ =	shalt  }
0x3e: {  	_ =	shalt  }
0x3f: {  	_ =	shalt  }
0x40: {  	_ =	shalt  }
0x41: {  	_ =	shalt  }
0x42: {  	_ =	shalt  }
0x43: {  	_ =	shalt  }
0x44: {  	_ =	shalt  }
0x45: {  	_ =	shalt  }
0x46: {  	_ =	shalt  }
0x47: {  	_ =	shalt  }
0x48: {  	_ =	shalt  }
0x49: {  	_ =	shalt  }
0x4a: {  	_ =	shalt  }
0x4b: {  	_ =	shalt  }
0x4c: {  	_ =	shalt  }
0x4d: {  	_ =	shalt  }
0x4e: {  	_ =	shalt  }
0x4f: {  	_ =	shalt  }
0x50: {  	_ =	shalt  }
0x51: {  	_ =	shalt  }
0x52: {  	_ =	shalt  }
0x53: {  	_ =	shalt  }
0x54: {  	_ =	shalt  }
0x55: {  	_ =	shalt  }
0x56: {  	_ =	shalt  }
0x57: {  	_ =	shalt  }
0x58: {  	_ =	shalt  }
0x59: {  	_ =	shalt  }
0x5a: {  	_ =	shalt  }
0x5b: {  	_ =	shalt  }
0x5c: {  	_ =	shalt  }
0x5d: {  	_ =	shalt  }
0x5e: {  	_ =	shalt  }
0x5f: {  	_ =	shalt  }
0x60: {  	_ =	shalt  }
0x61: {  	_ =	shalt  }
0x62: {  	_ =	shalt  }
0x63: {  	_ =	shalt  }
0x64: {  	_ =	shalt  }
0x65: {  	_ =	shalt  }
0x66: {  	_ =	shalt  }
0x67: {  	_ =	shalt  }
0x68: {  	_ =	shalt  }
0x69: {  	_ =	shalt  }
0x6a: {  	_ =	shalt  }
0x6b: {  	_ =	shalt  }
0x6c: {  	_ =	shalt  }
0x6d: {  	_ =	shalt  }
0x6e: {  	_ =	shalt  }
0x6f: {  	_ =	shalt  }
0x70: {  	_ =	shalt  }
0x71: {  	_ =	shalt  }
0x72: {  	_ =	shalt  }
0x73: {  	_ =	shalt  }
0x74: {  	_ =	shalt  }
0x75: {  	_ =	shalt  }
0x76: {  	_ =	shalt  }
0x77: {  	_ =	shalt  }
0x78: {  	_ =	shalt  }
0x79: {  	_ =	shalt  }
0x7a: {  	_ =	shalt  }
0x7b: {  	_ =	shalt  }
0x7c: {  	_ =	shalt  }
0x7d: {  	_ =	shalt  }
0x7e: {  	_ =	shalt  }
0x7f: {  	_ =	shalt  }
0x80: {  	_ =	shalt  }
0x81: {  	_ =	shalt  }
0x82: {  	_ =	shalt  }
0x83: {  	_ =	shalt  }
0x84: {  	_ =	shalt  }
0x85: {  	_ =	shalt  }
0x86: {  	_ =	shalt  }
0x87: {  	_ =	shalt  }
.Lfunc_end0:
.L_simem_size_0:
called_computation_lowered:
.L_overlay_start_0:
0x88: {  	s2 =	sld [smem:$0x3FD9]  }
0x89: {  	s3 =	sld [smem:$0x3FFE];
	_ =	sdelay $0x1  }
0x8a: {  	s1 =	srdreg.scid  }
0x8b: {  	s0 =	sand.u32 $0x1, s1  }
0x8c: {  	s17 =	sshll.u32 s0, $0xA;
	s2 =	sadd.s32 s3, s2  }
0x8d: {  	s2 =	sadd.s32 s2, s17  }
0x8e: {  	[smem:$0x3FC2] =	sst s2  }
0x8f: {  	_ = 	snop  }
0x90: {  	s2 =	sld [smem:$0x3FC9]  }
0x91: {  	s18 =	sld [smem:$0x3FC7]  }
0x92: {  	s4 =	sld [smem:$0x3FC6]  }
0x93: {  	s5 =	sld [smem:$0x3FC5]  }
0x94: {  	s6 =	sld [smem:$0x3FC4]  }
0x95: {  	s7 =	sld [smem:$0x3FD0];
	(tm) =	ssettm $0x1  }
0x96: {  	s8 =	sld [smem:$0x3FFB];
	_ =	sdelay $0x3  }
0x97: {  	_ =	strace s8  }
0x98: {  	s8 =	sld [smem:$0x3FFC];
	_ =	sdelay $0x3  }
0x99: {  	_ =	strace s8  }
0x9a: {  	s8 =	sld [smem:$0x3FFD];
	_ =	sdelay $0x3  }
0x9b: {  	_ =	strace s8  }
0x9c: {  	_ =	strace $0x8FFFFFFF  }
0x9d: {  	s19 =	sld [smem:$0x3FDB];
	_ =	sdelay $0x1  }
0x9e: {  	s9 =	simm.s32 $_scs_section_size  }
0x9f: {  	s10 =	simm.s32 $_size__tile_overlayer_lowered;
	s11 =	simm.s32 $_tile_overlayer_lowered  }
0xa0: {  	s22 =	simm.s32 $0x1BFF;
	s21 =	sshll.u32 s11, $0x1;
	s8 =	sadd.s32 s9, s19  }
0xa1: {  	s12 =	simm.s32 $0x0;
	s20 =	sshll.u32 s10, $0x1;
	s10 =	sadd.s32 s21, s8  }
0xa2: {  	[timem:s12], [sflag:s22] =	dma.local [hbm:s10], s20  }
0xa3: {  	_ =	swait.ge [sflag:s22], s20  }
0xa4: {  	s9 =	ssub.s32 $0x0, s20;
	[sflag:s22] =	ssyncset.done $0x0  }
0xa5: {  	[sflag:s22] =	ssyncadd.s32 s9;
	_ =	sdelay $0x1  }
0xa6: {  	s23 =	simm.s32 $0x1B8B  }
0xa7: {  	_ =	swait.ge [sflag:s23], $0x1  }
0xa8: {  	[sflag:s23] =	ssyncset.done $0x0  }
0xa9: {  	s25 =	simm.s32 $0x1B8E;
	s24 =	sld [smem:$0x3FFE];
	[sflag:s23] =	ssyncadd.s32 $0xFFFFFFFF  }
0xaa: {  	s26 =	simm.s32 $execute0_lowered;
	[smem:$0x3FD2] =	sst s25  }
0xab: {  	s10 =	sshll.u32 s26, $0x1;
	_ =	strace $0x80000046;
	[dreg:$0x1] =	wrdreg $0xFFFFFFFF  }
0xac: {  	s28 =	simm.s32 $_size_execute0_lowered;
	s8 =	sadd.s32 s8, s10;
	[dreg:$0x0] =	wrdreg $0x0  }
0xad: {  	s10 =	sshll.u32 s28, $0x1;
	[dreg:$0x2] =	wrdreg s8  }
0xae: {  	[dreg:$0x3] =	wrdreg s10  }
0xaf: {  	[dreg:$0x4] =	wrdreg $0xC0  }
0xb0: {  	_ =	task [dreg:s12], $0x5FFFF  }
0xb1: {  	[dreg:$0x1] =	wrdreg $0xFFFFFFFF  }
0xb2: {  	[dreg:$0x0] =	wrdreg $0x60  }
0xb3: {  	[dreg:$0x2] =	wrdreg s2  }
0xb4: {  	[dreg:$0x3] =	wrdreg s7  }
0xb5: {  	[dreg:$0x4] =	wrdreg s18  }
0xb6: {  	[dreg:$0x5] =	wrdreg s4  }
0xb7: {  	[dreg:$0x6] =	wrdreg s5  }
0xb8: {  	[dreg:$0x7] =	wrdreg s6  }
0xb9: {  	[dreg:$0x8] =	wrdreg s24  }
0xba: {  	[dreg:$0x9] =	wrdreg $0x9  }
0xbb: {  	_ =	task.clear_ibuf [dreg:s12], $0xAFFFF;
	_ =	strace $0x90000046  }
0xbc: {  	s29 =	simm.s32 $0x9;
	_ =	strace $0x80000048  }
0xbd: {  	_ =	swait.ge [sflag:s29], $0x1  }
0xbe: {  	[sflag:s29] =	ssyncadd.s32 $0xFFFFFFFF  }
0xbf: {  	_ =	strace $0x90000048  }
0xc0: {  	_ =	sfence  }
0xc1: {  	s30 =	sld [smem:$0x0];
	_ =	sdelay $0x2  }
0xc2: {  	s31 =	sshll.u32 s1, $0xD;
	s1 =	sshrl.u32 s1, $0x2  }
0xc3: {  	s3 =	sand.u32 $0x4000, s31;
	s1 =	sadd.s32 s1, s30  }
0xc4: {  	s0 =	sor.u32 s3, s0;
	s1 =	sshll.u32 s1, $0x11  }
0xc5: {  	s0 =	sor.u32 s1, s0  }
0xc6: {  	s0 =	sadd.s32 $0x8F2B, s0  }
0xc7: {  	[sflag:s0] =	ssyncadd.remote.s32 $0x1  }
0xc8: {  	_ =	sfence.sel $0xFFFF  }
0xc9: {  	[dreg:$0x0] =	wrdreg $0xFFFFFFFF;
	(pc) =	sbr.abs _section_cstart, $3  }
0xca: {  	[dreg:$0x1] =	wrdreg $0xFFFFFFFF  }
0xcb: {  	_ =	task.clear_ibuf [dreg:s12], $0x2FFFF;
	_ =	strace $0x9FFFFFFF  }
0xcc: {  	(tm) =	ssettm $0x7FFFFFFF  }
0xcd: {  	_ =	shalt  }
tec
execute0_lowered:
.L_overlay_start_1:
0x0: {  	(tag) =	ssettag $0x1  }
0x1: {  	s0 =	rddreg [dreg:$0x0];
	v0 =	vimm.s32 $0xEFCDAB89;
	v1 =	vimm.s32 $0x67452301  }
0x2: {  	s2 =	rddreg [dreg:$0x1];
	v2 =	vimm.s32 $0xDCFE98BA;
	v3 =	vimm.s32 $0x54761032;
	v4 =	vimm.s32 $0xBA98FEDC  }
0x3: {  	s1 =	rddreg [dreg:$0x3];
	v5 =	vimm.s32 $0x32107654;
	v6 =	vimm.s32 $0xFEDCBA98;
	v7 =	vimm.s32 $0x76543210  }
0x4: {  	s4 =	rddreg [dreg:$0x5];
	vm0 =	vmmov $0x1;
	vm1 =	vmmov $0x3;
	vm2 =	vmmov $0x7  }
0x5: {  	s3 =	rddreg [dreg:$0x6];
	s6 =	simm.s32 $0x0;
	vm3 =	vmmov $0xf;
	vm4 =	vmmov $0x1f;
	vm5 =	vmmov $0x3f  }
0x6: {  	s5 =	srdreg.scid;
	s7 =	stileid.u32;
	s11 =	simm.s32 $0x4;
	vm6 =	vmmov $0x7f;
	vm7 =	vmmov $0xff;
	vm8 =	vmmov $0x1ff  }
0x7: {  	s12 =	simm.s32 $0x80;
	s14 =	simm.s32 $0x3;
	s16 =	simm.s32 $0x68;
	vm9 =	vmmov $0x3ff;
	vm10 =	vmmov $0x7ff;
	vm11 =	vmmov $0xfff  }
0x8: {  	s18 =	simm.s32 $0x60;
	s19 =	simm.s32 $0xE8;
	s22 =	simm.s32 $0x16D68;
	vm12 =	vmmov $0x1fff;
	v0 =	vunpack.c.l.s4.s8 v0;
	v1 =	vunpack.c.l.s4.s8 v1  }
0x9: {  	s23 =	simm.s32 $0x10900;
	s24 =	simm.s32 $0x13D00;
	s25 =	simm.s32 $0x16E00;
	v2 =	vunpack.c.l.s4.s8 v2;
	v3 =	vunpack.c.l.s4.s8 v3;
	v4 =	vunpack.c.l.s4.s8 v4  }
0xa: {  	s26 =	simm.s32 $0x16E68;
	s28 =	simm.s32 $0x1;
	s29 =	simm.s32 $0x2;
	v5 =	vunpack.c.l.s4.s8 v5;
	v6 =	vunpack.c.l.s4.s8 v6;
	v7 =	vunpack.c.l.s4.s8 v7  }
0xb: {  	s30 =	simm.s32 $0x16F00;
	s5 =	sand.u32 $0x1, s5;
	s7 =	sshll.u32 s7, $0x1;
	v0 =	vunpack.c.0.s8.s32 v0;
	v1 =	vunpack.c.0.s8.s32 v1;
	v2 =	vunpack.c.0.s8.s32 v2  }
0xc: {  	s31 =	simm.s32 $0x0;
	[smem:$0x7FF] =	sst s6;
	s7 =	sor.u32 s5, s7;
	v3 =	vunpack.c.0.s8.s32 v3;
	v4 =	vunpack.c.0.s8.s32 v4;
	v5 =	vunpack.c.0.s8.s32 v5  }
0xd: {  	vm13 =	vmmov $0x3fff;
	_ =	strace $0x80000047;
	s5 =	ssub.s32 $0x2, s5;
	s8 =	sshll.u32 s7, $0xC;
	v0 =	vcombine.low v1, v0;
	v1 =	vunpack.c.0.s8.s32 v6  }
0xe: {  	s9 =	sshrl.u32 s5, $0x1;
	s10 =	smul.u32 $0xC80, s7;
	s7 =	sshll.u32 s7, $0x4;
	v2 =	vcombine.low v3, v2;
	v3 =	vcombine.low v5, v4;
	v4 =	vunpack.c.0.s8.s32 v7  }
0xf: {  	vm14 =	vmmov $0x7fff;
	s3 =	sadd.s32 s8, s3;
	s5 =	ssub.s32 s5, s9;
	s7 =	sadd.s32 s0, s7;
	v0 =	vand.u32 $0xF, v0;
	v5 =	vand.u32 $0xF, v1  }
0x10: {  	s8 =	sadd.s32 s2, s10;
	s9 =	sadd.s32 $0x400, s3;
	s10 =	smax.u32 s5, $0x1;
	v1 =	vand.u32 $0xF, v2;
	v2 =	vand.u32 $0xF, v3;
	v3 =	vcombine.low v5, v4  }
.LBB2_1:
0x11: {  	[tilespmem:s6], [sflag:$0x4] =	stream.linear.gather [hbm4b:s7+s6], $0x80, $0x38;
	[tilespmem:$0x1EF00] =	vst v63  }
0x12: {  	_ =	swait.ge [sflag:s11], $0x80  }
0x13: {  	[sflag:s11] =	ssyncset.done $0x0  }
0x14: {  	[sflag:s11] =	ssyncadd.s32 $0xFFFFFF80  }
0x15: {  	[tilespmem:s12], [sflag:$0x4] =	stream.linear.gather [hbm4b:s8+s6], $0x6400, $0x38;
	[tilespmem:$0x1EF00] =	vst v63  }
0x16: {  	_ =	swait.ge [sflag:s11], $0x6400  }
0x17: {  	[sflag:s11] =	ssyncset.done $0x0  }
0x18: {  	[sflag:s11] =	ssyncadd.s32 $0xFFFF9C00  }
0x19: {  	s2 =	simm.s32 $0x6480;
	s0 =	rddreg [dreg:$0x2]  }
0x1a: {  	[tilespmem:s2], [sflag:$0x3] =	stream.indirect.gather [hbm4b:s0+s12], $0x80, s6, s12, $0xb8;
	[tilespmem:$0x1EF00] =	vst v63  }
0x1b: {  	_ =	swait.ge [sflag:s14], $0x4000  }
0x1c: {  	[sflag:s14] =	ssyncset.done $0x0  }
0x1d: {  	[sflag:s14] =	ssyncadd.s32 $0xFFFFC000  }
0x1e: {  	s15 =	simm.s32 $0xA480;
	s13 =	rddreg [dreg:$0x4]  }
0x1f: {  	[tilespmem:s15], [sflag:$0x3] =	stream.indirect.gather [hbm4b:s13+s12], $0x1, s6, s12, $0xb8;
	[tilespmem:$0x1EF00] =	vst v63  }
0x20: {  	_ =	swait.ge [sflag:s14], $0x80  }
0x21: {  	[sflag:s14] =	ssyncset.done $0x0  }
0x22: {  	s17 =	simm.s32 $0xA500;
	[sflag:s14] =	ssyncadd.s32 $0xFFFFFF80  }
0x23: {  	[tilespmem:s17], [sflag:$0x1] =	stream.indirect.gather [hbm4b:s1+s16], $0x80, s12, s16, $0xb8;
	[tilespmem:$0x1EF00] =	vst v63  }
0x24: {  	s20 =	simm.s32 $0xD900  }
0x25: {  	[tilespmem:s20], [sflag:$0x1] =	stream.indirect.gather [hbm4b:s1+s18], $0x80, s19, s18, $0xb8;
	[tilespmem:$0x1EF00] =	vst v63  }
0x26: {  	s21 =	simm.s32 $0x16D00  }
0x27: {  	[tilespmem:s21], [sflag:$0x1] =	stream.indirect.gather [hbm4b:s4+s16], $0x1, s12, s16, $0xb8;
	[tilespmem:$0x1EF00] =	vst v63  }
0x28: {  	s3 =	simm.s32 $0x0  }
0x29: {  	[tilespmem:s22], [sflag:$0x1] =	stream.indirect.gather [hbm4b:s4+s18], $0x1, s19, s18, $0xb8;
	[tilespmem:$0x1EF00] =	vst v63  }
.LBB2_2:
0x2a: {  	s5 =	sshllo.u32 s3, $0x1  }
0x2b: {  	s0 =	smul.u32 $0x320, s5;
	_ =	sdelay $0x1  }
0x2c: {  	s0 =	sshra.s32 s0, $0x2  }
0x2d: {  	s2 =	sadd.s32 $0x80, s0  }
0x2e: {  	[tilespmem:s23], [sflag:$0x2] =	stream.indirect.gather [hbm4b:s1+s16], $0x80, s2, s16, $0xb8;
	[tilespmem:$0x1EF00] =	vst v63  }
0x2f: {  	s0 =	sadd.s32 $0xE8, s0  }
0x30: {  	[tilespmem:s24], [sflag:$0x2] =	stream.indirect.gather [hbm4b:s1+s18], $0x80, s0, s18, $0xb8;
	[tilespmem:$0x1EF00] =	vst v63  }
0x31: {  	_ = 	snop  }
0x32: {  	[tilespmem:s25], [sflag:$0x2] =	stream.indirect.gather [hbm4b:s4+s16], $0x1, s2, s16, $0xb8;
	[tilespmem:$0x1EF00] =	vst v63  }
0x33: {  	_ = 	snop  }
0x34: {  	[tilespmem:s26], [sflag:$0x2] =	stream.indirect.gather [hbm4b:s4+s18], $0x1, s0, s18, $0xb8;
	[tilespmem:$0x1EF00] =	vst v63  }
0x35: {  	_ =	swait.ge [sflag:s28], $0x3400  }
0x36: {  	[sflag:s28] =	ssyncset.done $0x0  }
0x37: {  	[sflag:s28] =	ssyncadd.s32 $0xFFFFCC00  }
0x38: {  	_ =	swait.ge [sflag:s28], $0x3000  }
0x39: {  	[sflag:s28] =	ssyncset.done $0x0  }
0x3a: {  	[sflag:s28] =	ssyncadd.s32 $0xFFFFD000  }
0x3b: {  	_ =	swait.ge [sflag:s28], $0x68  }
0x3c: {  	[sflag:s28] =	ssyncset.done $0x0  }
0x3d: {  	[sflag:s28] =	ssyncadd.s32 $0xFFFFFF98  }
0x3e: {  	_ =	swait.ge [sflag:s28], $0x60  }
0x3f: {  	[sflag:s28] =	ssyncset.done $0x0  }
0x40: {  	s2 =	sshll.u32 s3, $0x8;
	[sflag:s28] =	ssyncadd.s32 $0xFFFFFFA0  }
0x41: {  	v11 =	vld [tilespmem:s2+$0x6480]  }
0x42: {  	v12 =	vld [tilespmem:s2+$0x6490]  }
0x43: {  	v10 =	vld [tilespmem:s2+$0x64A0]  }
0x44: {  	v9 =	vld [tilespmem:s2+$0x64B0]  }
0x45: {  	v8 =	vld [tilespmem:s2+$0x64C0]  }
0x46: {  	s20 =	sshll.u32 s3, $0x3;
	v7 =	vld [tilespmem:s2+$0x64D0]  }
0x47: {  	s13 =	simm.s32 $0x0;
	s0 =	sand.u32 $0x1C0, s20;
	v6 =	vld [tilespmem:s2+$0x64E0]  }
0x48: {  	s13 =	smin.u32 s13, $0xB8;
	s0 =	sshrl.u32 s0, $0x2;
	v5 =	vld [tilespmem:s2+$0x64F0]  }
0x49: {  	s15 =	sshll.u32 s13, $0x7;
	v4 =	vld [tilespmem:s0+$0xA480]  }
0x4a: {  	v13 =	vld [tilespmem:s15+$0xACF0]  }
0x4b: {  	v14 =	vld [tilespmem:s15+$0xAC70]  }
0x4c: {  	v15 =	vld [tilespmem:s15+$0xACE0]  }
0x4d: {  	v16 =	vld [tilespmem:s15+$0xABF0]  }
0x4e: {  	v17 =	vld [tilespmem:s15+$0xAC60]  }
0x4f: {  	v18 =	vld [tilespmem:s15+$0xACD0]  }
0x50: {  	v19 =	vld [tilespmem:s15+$0xAB70]  }
0x51: {  	v20 =	vld [tilespmem:s15+$0xABE0]  }
0x52: {  	v21 =	vld [tilespmem:s15+$0xAC50]  }
0x53: {  	v22 =	vld [tilespmem:s15+$0xACC0]  }
0x54: {  	v23 =	vld [tilespmem:s15+$0xAAF0]  }
0x55: {  	v24 =	vld [tilespmem:s15+$0xAB60]  }
0x56: {  	v25 =	vld [tilespmem:s15+$0xABD0]  }
0x57: {  	v26 =	vld [tilespmem:s15+$0xAC40]  }
0x58: {  	v27 =	vld [tilespmem:s15+$0xACB0]  }
0x59: {  	v28 =	vld [tilespmem:s15+$0xAA70]  }
0x5a: {  	v29 =	vld [tilespmem:s15+$0xAAE0]  }
0x5b: {  	v30 =	vld [tilespmem:s15+$0xAB50]  }
0x5c: {  	v31 =	vld [tilespmem:s15+$0xABC0]  }
0x5d: {  	v32 =	vld [tilespmem:s15+$0xAC30]  }
0x5e: {  	v33 =	vld [tilespmem:s15+$0xACA0]  }
0x5f: {  	v34 =	vld [tilespmem:s15+$0xA9F0]  }
0x60: {  	v35 =	vld [tilespmem:s15+$0xAA60]  }
0x61: {  	v36 =	vld [tilespmem:s15+$0xAAD0]  }
0x62: {  	v37 =	vld [tilespmem:s15+$0xAB40]  }
0x63: {  	v40 =	vld [tilespmem:s15+$0xAC80]  }
0x64: {  	s17 =	sshll.u32 s3, $0x1;
	v41 =	vld [tilespmem:s15+$0xAC90]  }
0x65: {  	v44 =	vmov s17;
	v38 =	vld [tilespmem:s15+$0xABB0]  }
0x66: {  	v39 =	vld [tilespmem:s15+$0xAC20];
	v4 =	vperm.xlane v4, v44  }
0x67: {  	v42 =	vld [tilespmem:s15+$0xA970];
	v13 =	vmul.f32 v13, v5;
	v14 =	vmul.f32 v14, v5  }
0x68: {  	v43 =	vld [tilespmem:s15+$0xA9E0];
	v15 =	vmul.f32 v15, v6;
	v40 =	vmul.f32 v40, v11  }
0x69: {  	v48 =	vld [tilespmem:s15+$0xAC00];
	v41 =	vmul.f32 v41, v12;
	v16 =	vmul.f32 v16, v5  }
0x6a: {  	v49 =	vld [tilespmem:s15+$0xAC10];
	v17 =	vmul.f32 v17, v6;
	v33 =	vmul.f32 v33, v10  }
0x6b: {  	v45 =	vld [tilespmem:s15+$0xAA50];
	v18 =	vmul.f32 v18, v7;
	v50 =	vmul.f32 v19, v5  }
0x6c: {  	v46 =	vld [tilespmem:s15+$0xAB30];
	v51 =	vmul.f32 v20, v6;
	v21 =	vmul.f32 v21, v7  }
0x6d: {  	v52 =	vld [tilespmem:s15+$0xAB00];
	v27 =	vmul.f32 v27, v9;
	v22 =	vmul.f32 v22, v8  }
0x6e: {  	v60 =	vld [tilespmem:s15+$0xAB20];
	v24 =	vmul.f32 v24, v6;
	v25 =	vmul.f32 v25, v7  }
0x6f: {  	v47 =	vld [tilespmem:s15+$0xABA0];
	v48 =	vmul.f32 v48, v11;
	v49 =	vmul.f32 v49, v12  }
0x70: {  	v61 =	vld [tilespmem:s15+$0xAAB0];
	v26 =	vmul.f32 v26, v8;
	v29 =	vmul.f32 v29, v6  }
0x71: {  	v54 =	vld [tilespmem:s15+$0xAA90];
	v39 =	vmul.f32 v39, v10;
	v30 =	vmul.f32 v30, v7  }
0x72: {  	v44 =	vld [tilespmem:s15+$0xAAC0];
	v32 =	vmul.f32 v32, v9;
	v62 =	vmul.f32 v52, v11  }
0x73: {  	v20 =	vld [tilespmem:s15+$0xAB80];
	v63 =	vmul.f32 v60, v10;
	v31 =	vmul.f32 v31, v8;
	v40 =	vadd.f32 v41, v40  }
0x74: {  	v52 =	vld [tilespmem:s15+$0xAA80];
	v55 =	vmul.f32 v46, v9;
	v56 =	vmul.f32 v37, v8  }
0x75: {  	v48 =	vadd.f32 v49, v48;
	v19 =	vadd.f32 v33, v40;
	v33 =	vmul.f32 v23, v5;
	v23 =	vld [tilespmem:s15+$0xAB90]  }
0x76: {  	v37 =	vld [tilespmem:s15+$0xAA30];
	v35 =	vmul.f32 v35, v6;
	v36 =	vmul.f32 v36, v7  }
0x77: {  	v39 =	vadd.f32 v39, v48;
	v27 =	vadd.f32 v27, v19;
	v19 =	vmul.f32 v28, v5;
	v28 =	vld [tilespmem:s15+$0xAB10]  }
0x78: {  	v57 =	vmul.f32 v54, v12;
	v42 =	vmul.f32 v42, v5;
	v54 =	vld [tilespmem:s15+$0xA990]  }
0x79: {  	v46 =	vld [tilespmem:s15+$0xA940];
	v45 =	vmul.f32 v45, v7;
	v32 =	vadd.f32 v32, v39;
	v22 =	vadd.f32 v22, v27  }
0x7a: {  	v41 =	vld [tilespmem:s15+$0xA8F0];
	v20 =	vmul.f32 v20, v11;
	v23 =	vmul.f32 v23, v12  }
0x7b: {  	v40 =	vld [tilespmem:s15+$0xA960];
	v37 =	vmul.f32 v37, v9;
	v26 =	vadd.f32 v26, v32;
	v18 =	vadd.f32 v18, v22  }
0x7c: {  	v39 =	vld [tilespmem:s15+$0xA8E0];
	v20 =	vadd.f32 v23, v20;
	v23 =	vmul.f32 v47, v10;
	v28 =	vmul.f32 v28, v12  }
0x7d: {  	v54 =	vmul.f32 v54, v12;
	v27 =	vld [tilespmem:s15+$0xA9D0];
	v21 =	vadd.f32 v21, v26;
	v15 =	vadd.f32 v15, v18  }
0x7e: {  	v22 =	vld [tilespmem:s15+$0xAA40];
	v20 =	vadd.f32 v23, v20;
	v23 =	vmul.f32 v38, v9;
	v28 =	vadd.f32 v28, v62  }
0x7f: {  	v32 =	vmul.f32 v52, v11;
	v26 =	vld [tilespmem:s15+$0xA9C0];
	v17 =	vadd.f32 v17, v21;
	v13 =	vadd.f32 v13, v15  }
0x80: {  	v40 =	vmul.f32 v40, v6;
	v18 =	vld [tilespmem:s15+$0xA870];
	v23 =	vadd.f32 v23, v20;
	v28 =	vadd.f32 v63, v28  }
0x81: {  	v49 =	vld [tilespmem:s15+$0xA7E0];
	v39 =	vmul.f32 v39, v6;
	v14 =	vadd.f32 v14, v17;
	v53 =	vperm.xlane v13, v0  }
0x82: {  	v27 =	vmul.f32 v27, v7;
	v23 =	vadd.f32 v31, v23;
	v31 =	vld [tilespmem:s15+$0xAAA0];
	v28 =	vadd.f32 v55, v28  }
0x83: {  	v38 =	vld [tilespmem:s15+$0xA8D0];
	v20 =	vmul.f32 v34, v5;
	v52 =	vmul.f32 v22, v8;
	v13 =	vadd.f32 v13, v53  }
0x84: {  	v62 =	vld [tilespmem:s15+$0xA9A0];
	v26 =	vmul.f32 v26, v8;
	v21 =	vadd.f32 v25, v23;
	v23 =	vadd.f32 v56, v28  }
0x85: {  	v22 =	vmul.f32 v18, v5;
	v28 =	vld [tilespmem:s15+$0xA860];
	v17 =	vperm.xlane v13, v1  }
0x86: {  	v15 =	vld [tilespmem:s15+$0xA950];
	v21 =	vadd.f32 v51, v21;
	v23 =	vadd.f32 v30, v23;
	v30 =	vperm.xlane v14, v0  }
0x87: {  	v34 =	vld [tilespmem:s15+$0xA770];
	v13 =	vadd.f32 v13, v17;
	v17 =	vadd.f32 v57, v32;
	v31 =	vmul.f32 v31, v10  }
0x88: {  	v63 =	vld [tilespmem:s15+$0xAA00];
	v38 =	vmul.f32 v38, v7;
	v16 =	vadd.f32 v16, v21;
	v21 =	vadd.f32 v24, v23  }
0x89: {  	v53 =	vld [tilespmem:s15+$0xA760];
	v14 =	vadd.f32 v14, v30;
	v23 =	vmul.f32 v61, v9;
	v17 =	vadd.f32 v31, v17  }
0x8a: {  	v32 =	vld [tilespmem:s15+$0xA9B0];
	v24 =	vperm.xlane v13, v2;
	v28 =	vmul.f32 v28, v6;
	v58 =	vadd.f32 v50, v21  }
0x8b: {  	v25 =	vld [tilespmem:s15+$0xA7F0];
	v31 =	vperm.xlane v16, v0;
	v17 =	vadd.f32 v23, v17;
	v23 =	vmul.f32 v44, v8  }
0x8c: {  	v30 =	vld [tilespmem:s15+$0xAA20];
	v59 =	vperm.xlane v14, v1;
	v60 =	vperm.xlane v58, v0  }
0x8d: {  	v57 =	vld [tilespmem:s15+$0xA570];
	v50 =	vmul.f32 v62, v10;
	v16 =	vadd.f32 v16, v31;
	v17 =	vadd.f32 v23, v17  }
0x8e: {  	v21 =	vld [tilespmem:s15+$0xA850];
	v13 =	vadd.f32 v13, v24;
	v31 =	vmul.f32 v43, v6;
	v43 =	vadd.f32 v58, v60  }
0x8f: {  	v32 =	vmul.f32 v32, v9;
	v61 =	vperm.xlane v16, v1;
	v60 =	vld [tilespmem:s15+$0xAA10];
	v17 =	vadd.f32 v36, v17  }
0x90: {  	v24 =	vld [tilespmem:s15+$0xA910];
	v14 =	vadd.f32 v14, v59;
	v23 =	vmul.f32 v41, v5;
	v59 =	vperm.xlane v43, v1  }
0x91: {  	v41 =	vld [tilespmem:s15+$0xA930];
	v30 =	vmul.f32 v30, v10;
	v16 =	vadd.f32 v16, v61;
	v17 =	vadd.f32 v29, v17  }
0x92: {  	v47 =	vperm.xlane v14, v2;
	v36 =	vmul.f32 v63, v11;
	v61 =	vld [tilespmem:s15+$0xA980];
	v18 =	vadd.f32 v43, v59  }
0x93: {  	v29 =	vperm.xlane v16, v2;
	v33 =	vadd.f32 v33, v17;
	v17 =	vmul.f32 v25, v5;
	v25 =	vld [tilespmem:s15+$0xA900]  }
0x94: {  	v63 =	vld [tilespmem:s15+$0xA890];
	v14 =	vadd.f32 v14, v47;
	v51 =	vmul.f32 v60, v12;
	v55 =	vperm.xlane v18, v2  }
0x95: {  	v43 =	vmul.f32 v15, v7;
	v15 =	vadd.f32 v16, v29;
	v29 =	vld [tilespmem:s15+$0xA920];
	v56 =	vperm.xlane v33, v0  }
0x96: {  	v21 =	vmul.f32 v21, v7;
	v36 =	vadd.f32 v51, v36;
	v16 =	vadd.f32 v18, v55;
	v18 =	vld [tilespmem:s15+$0xA880]  }
0x97: {  	v24 =	vmul.f32 v24, v12;
	v59 =	vld [tilespmem:s15+$0xA8A0];
	v48 =	vmul.f32 v61, v11;
	v33 =	vadd.f32 v33, v56  }
0x98: {  	v47 =	vld [tilespmem:s15+$0xA7D0];
	v60 =	vmul.f32 v46, v8;
	v30 =	vadd.f32 v30, v36;
	v25 =	vmul.f32 v25, v11  }
0x99: {  	v63 =	vmul.f32 v63, v12;
	v48 =	vadd.f32 v54, v48;
	v54 =	vld [tilespmem:s15+$0xA8B0];
	v62 =	vperm.xlane v33, v1  }
0x9a: {  	v44 =	vld [tilespmem:s15+$0xA8C0];
	v30 =	vadd.f32 v37, v30;
	v24 =	vadd.f32 v24, v25;
	v25 =	vmul.f32 v29, v10  }
0x9b: {  	v58 =	vld [tilespmem:s15+$0xA6D0];
	v29 =	vadd.f32 v50, v48;
	v56 =	vadd.f32 v33, v62;
	v62 =	vmul.f32 v18, v11  }
0x9c: {  	v50 =	vld [tilespmem:s15+$0xA7A0];
	v30 =	vadd.f32 v52, v30;
	v18 =	vmul.f32 v34, v5;
	v33 =	vmul.f32 v59, v10  }
0x9d: {  	v52 =	vld [tilespmem:s15+$0xA820];
	v34 =	vmul.f32 v47, v7;
	v24 =	vadd.f32 v25, v24;
	v29 =	vadd.f32 v32, v29  }
0x9e: {  	v61 =	vld [tilespmem:s15+$0xA800];
	v25 =	vmul.f32 v41, v9;
	v55 =	vmul.f32 v54, v9;
	v30 =	vadd.f32 v45, v30  }
0x9f: {  	v46 =	vperm.xlane v56, v2;
	v45 =	vld [tilespmem:s15+$0xA810];
	v41 =	vadd.f32 v63, v62;
	v26 =	vadd.f32 v26, v29  }
0xa0: {  	v51 =	vld [tilespmem:s15+$0xA840];
	v24 =	vadd.f32 v25, v24;
	v25 =	vmul.f32 v49, v6;
	v30 =	vadd.f32 v35, v30  }
0xa1: {  	v33 =	vadd.f32 v33, v41;
	v50 =	vmul.f32 v50, v10;
	v26 =	vadd.f32 v27, v26;
	v27 =	vld [tilespmem:s15+$0xA830]  }
0xa2: {  	v24 =	vadd.f32 v60, v24;
	v60 =	vmul.f32 v52, v10;
	v52 =	vld [tilespmem:s15+$0xA720];
	v19 =	vadd.f32 v19, v30  }
0xa3: {  	v30 =	vmul.f32 v44, v8;
	v33 =	vadd.f32 v55, v33;
	v44 =	vld [tilespmem:s15+$0xA740];
	v26 =	vadd.f32 v31, v26  }
0xa4: {  	v24 =	vadd.f32 v43, v24;
	v31 =	vmul.f32 v61, v11;
	v59 =	vmul.f32 v45, v12;
	v45 =	vld [tilespmem:s15+$0xA7B0]  }
0xa5: {  	v36 =	vld [tilespmem:s15+$0xA540];
	v30 =	vadd.f32 v30, v33;
	v20 =	vadd.f32 v20, v26;
	v26 =	vperm.xlane v19, v0  }
0xa6: {  	v37 =	vld [tilespmem:s15+$0xA6E0];
	v24 =	vadd.f32 v40, v24;
	v31 =	vadd.f32 v59, v31;
	v27 =	vmul.f32 v27, v9  }
0xa7: {  	v29 =	vld [tilespmem:s15+$0xA7C0];
	v52 =	vmul.f32 v52, v10;
	v61 =	vperm.xlane v20, v0;
	v19 =	vadd.f32 v19, v26  }
0xa8: {  	v48 =	vld [tilespmem:s15+$0xA750];
	v26 =	vadd.f32 v60, v31;
	v31 =	vadd.f32 v38, v30;
	v38 =	vmul.f32 v44, v8  }
0xa9: {  	v24 =	vadd.f32 v42, v24;
	v60 =	vld [tilespmem:s15+$0xA790];
	v47 =	vmul.f32 v45, v9;
	v63 =	vperm.xlane v19, v1  }
0xaa: {  	v32 =	vld [tilespmem:s15+$0xA550];
	v26 =	vadd.f32 v27, v26;
	v27 =	vmul.f32 v51, v8;
	v31 =	vadd.f32 v39, v31  }
0xab: {  	v49 =	vld [tilespmem:s15+$0xA6C0];
	v62 =	vperm.xlane v24, v0;
	v20 =	vadd.f32 v20, v61;
	v42 =	vadd.f32 v19, v63  }
0xac: {  	v35 =	vld [tilespmem:s15+$0xA560];
	v39 =	vmul.f32 v29, v8;
	v19 =	vadd.f32 v27, v26;
	v23 =	vadd.f32 v23, v31  }
0xad: {  	v41 =	vld [tilespmem:s15+$0xA600];
	v40 =	vadd.f32 v24, v62;
	v24 =	vperm.xlane v20, v1;
	v31 =	vmul.f32 v48, v7  }
0xae: {  	v43 =	vld [tilespmem:s15+$0xA690];
	v59 =	vmul.f32 v60, v12;
	v19 =	vadd.f32 v21, v19;
	v21 =	vperm.xlane v23, v0  }
0xaf: {  	v26 =	vperm.xlane v40, v1;
	v51 =	vadd.f32 v20, v24;
	v24 =	vmul.f32 v53, v6;
	v53 =	vld [tilespmem:s15+$0xA780]  }
0xb0: {  	v33 =	vld [tilespmem:s15+$0xA6B0];
	v20 =	vperm.xlane v42, v2;
	v27 =	vadd.f32 v28, v19;
	v21 =	vadd.f32 v23, v21  }
0xb1: {  	v55 =	vadd.f32 v40, v26;
	v61 =	vperm.xlane v51, v2;
	v19 =	vadd.f32 v56, v46;
	v23 =	vld [tilespmem:s15+$0xA700]  }
0xb2: {  	v28 =	vmul.f32 v58, v7;
	v56 =	vld [tilespmem:s15+$0xA710];
	v29 =	vadd.f32 v22, v27;
	v22 =	vperm.xlane v21, v1  }
0xb3: {  	v30 =	vld [tilespmem:s15+$0xA730];
	v62 =	vperm.xlane v55, v2;
	v27 =	vmul.f32 v57, v5  }
0xb4: {  	v44 =	vld [tilespmem:s15+$0xA520];
	v58 =	vmul.f32 v53, v11;
	v63 =	vperm.xlane v29, v0;
	v57 =	vadd.f32 v21, v22  }
0xb5: {  	v45 =	vld [tilespmem:s15+$0xA500];
	v26 =	vmul.f32 v37, v6;
	v21 =	vadd.f32 v51, v61;
	v22 =	vadd.f32 v55, v62  }
0xb6: {  	s21 =	sshll.u32 s3, $0x9;
	v37 =	vld [tilespmem:s15+$0xA6A0];
	v61 =	vadd.f32 v59, v58;
	v62 =	vmul.f32 v23, v11;
	v48 =	vadd.f32 v29, v63  }
0xb7: {  	s17 =	sand.u32 $0x7800, s21;
	v20 =	vadd.f32 v42, v20;
	v40 =	vld [tilespmem:s15+$0xA530];
	v60 =	vperm.xlane v57, v2;
	v63 =	vmul.f32 v56, v12  }
0xb8: {  	s20 =	sand.u32 $0x300, s2;
	s2 =	sadd.s32 $0x16F00, s17;
	v42 =	vld [tilespmem:s15+$0xA680];
	v29 =	vmul.f32 v35, v6;
	v50 =	vadd.f32 v50, v61;
	v51 =	vperm.xlane v48, v1  }
0xb9: {  	s17 =	sadd.s32 s20, s2;
	s20 =	simm.s32 $0x10;
	v46 =	vld [tilespmem:s15+$0xA510];
	v35 =	vmul.f32 v49, v8;
	v23 =	vadd.f32 v57, v60;
	v49 =	vadd.f32 v63, v62  }
.LBB2_3:
0xba: {  	p0 =	sne.s32 s20, $0xC0;
	v53 =	vld [tilespmem:s15+$0xA580];
	v54 =	vmul.f32 v30, v9;
	v47 =	vadd.f32 v47, v50;
	v30 =	vadd.f32 v48, v51  }
0xbb: {  	v32 =	vmul.f32 v32, v7;
	v33 =	vmul.f32 v33, v9;
	v48 =	vld [tilespmem:s15+$0xA590];
	v49 =	vadd.f32 v52, v49  }
0xbc: {  	v36 =	vmul.f32 v36, v8;
	v37 =	vmul.f32 v37, v10;
	v50 =	vld [tilespmem:s15+$0xA610];
	v39 =	vadd.f32 v39, v47  }
0xbd: {  	v40 =	vmul.f32 v40, v9;
	v42 =	vmul.f32 v42, v11;
	v47 =	vld [tilespmem:s15+$0xA5A0];
	v49 =	vadd.f32 v54, v49  }
0xbe: {  	v43 =	vmul.f32 v43, v12;
	v44 =	vmul.f32 v44, v10;
	v51 =	vld [tilespmem:s15+$0xA620];
	v34 =	vadd.f32 v34, v39  }
0xbf: {  	v39 =	vmul.f32 v45, v11;
	v45 =	vmul.f32 v46, v12;
	v46 =	vld [tilespmem:s15+$0xA5B0];
	v38 =	vadd.f32 v38, v49  }
0xc0: {  	v49 =	vmul.f32 v53, v11;
	v48 =	vmul.f32 v48, v12;
	v52 =	vld [tilespmem:s15+$0xA630];
	v25 =	vadd.f32 v25, v34  }
0xc1: {  	v41 =	vmul.f32 v41, v11;
	v34 =	vld [tilespmem:s15+$0xA5C0];
	v50 =	vmul.f32 v50, v12;
	v31 =	vadd.f32 v31, v38  }
0xc2: {  	v38 =	vadd.f32 v45, v39;
	v39 =	vadd.f32 v48, v49;
	v45 =	vmul.f32 v47, v10;
	v47 =	vld [tilespmem:s15+$0xA640]  }
0xc3: {  	v42 =	vadd.f32 v43, v42;
	v48 =	vld [tilespmem:s15+$0xA5D0];
	v41 =	vadd.f32 v50, v41;
	v49 =	vmul.f32 v51, v10  }
0xc4: {  	v38 =	vadd.f32 v44, v38;
	v39 =	vadd.f32 v45, v39;
	v43 =	vmul.f32 v46, v9;
	v44 =	vld [tilespmem:s15+$0xA650]  }
0xc5: {  	v37 =	vadd.f32 v37, v42;
	v45 =	vld [tilespmem:s15+$0xA5E0];
	v41 =	vadd.f32 v49, v41;
	v46 =	vmul.f32 v52, v9  }
0xc6: {  	v38 =	vadd.f32 v40, v38;
	v39 =	vadd.f32 v43, v39;
	v34 =	vmul.f32 v34, v8;
	v40 =	vld [tilespmem:s15+$0xA660]  }
0xc7: {  	v33 =	vadd.f32 v33, v37;
	v42 =	vld [tilespmem:s15+$0xA5F0];
	v41 =	vadd.f32 v46, v41;
	v43 =	vmul.f32 v47, v8  }
0xc8: {  	v36 =	vadd.f32 v36, v38;
	v34 =	vadd.f32 v34, v39;
	v37 =	vmul.f32 v48, v7;
	v38 =	vld [tilespmem:s15+$0xA670]  }
0xc9: {  	v33 =	vadd.f32 v35, v33;
	v39 =	vadd.f32 v43, v41;
	v41 =	vmul.f32 v44, v7;
	v35 =	vld [tilespmem:s15+$0xA6F0]  }
0xca: {  	v32 =	vadd.f32 v32, v36;
	v34 =	vadd.f32 v37, v34;
	v36 =	vmul.f32 v45, v6  }
0xcb: {  	v28 =	vadd.f32 v28, v33;
	v37 =	vadd.f32 v41, v39;
	v39 =	vmul.f32 v40, v6  }
0xcc: {  	v29 =	vadd.f32 v29, v32;
	v32 =	vadd.f32 v36, v34;
	v33 =	vmul.f32 v42, v5  }
0xcd: {  	v26 =	vadd.f32 v26, v28;
	v34 =	vadd.f32 v39, v37;
	v36 =	vmul.f32 v38, v5  }
0xce: {  	v27 =	vadd.f32 v27, v29;
	v28 =	vadd.f32 v33, v32;
	v29 =	vmul.f32 v35, v5  }
0xcf: {  	v24 =	vadd.f32 v24, v31;
	v31 =	vperm.xlane v30, v2;
	v32 =	vadd.f32 v36, v34  }
0xd0: {  	v33 =	vperm.xlane v27, v0;
	v34 =	vperm.xlane v28, v0;
	v26 =	vadd.f32 v29, v26  }
0xd1: {  	v17 =	vadd.f32 v17, v25;
	v18 =	vadd.f32 v18, v24;
	v29 =	vperm.xlane v32, v0  }
0xd2: {  	v24 =	vadd.f32 v27, v33;
	v25 =	vadd.f32 v28, v34;
	v27 =	vperm.xlane v26, v0  }
0xd3: {  	v28 =	vadd.f32 v32, v29;
	v29 =	vperm.xlane v18, v0;
	v32 =	vperm.xlane v17, v0  }
0xd4: {  	v33 =	vperm.xlane v24, v1;
	v34 =	vperm.xlane v25, v1;
	v26 =	vadd.f32 v26, v27  }
0xd5: {  	v27 =	vperm.xlane v28, v1;
	v18 =	vadd.f32 v18, v29;
	v17 =	vadd.f32 v17, v32  }
0xd6: {  	v24 =	vadd.f32 v24, v33;
	v25 =	vadd.f32 v25, v34;
	v29 =	vperm.xlane v26, v1  }
0xd7: {  	v27 =	vadd.f32 v28, v27;
	v28 =	vperm.xlane v18, v1;
	v32 =	vperm.xlane v17, v1  }
0xd8: {  	v33 =	vperm.xlane v24, v2;
	v34 =	vperm.xlane v25, v2;
	v26 =	vadd.f32 v26, v29  }
0xd9: {  	v29 =	vperm.xlane v27, v2;
	v18 =	vadd.f32 v18, v28;
	v17 =	vadd.f32 v17, v32  }
0xda: {  	v24 =	vadd.f32 v24, v33;
	v25 =	vadd.f32 v25, v34;
	v28 =	vperm.xlane v26, v2  }
0xdb: {  	v27 =	vadd.f32 v27, v29;
	v29 =	vperm.xlane v18, v2;
	v32 =	vperm.xlane v17, v2  }
0xdc: {  	v33 =	vperm.xlane v24, v3;
	v34 =	vperm.xlane v25, v3;
	v26 =	vadd.f32 v26, v28  }
0xdd: {  	v28 =	vperm.xlane v27, v3;
	v18 =	vadd.f32 v18, v29;
	v17 =	vadd.f32 v17, v32  }
0xde: {  	v24 =	vadd.f32 v24, v33;
	v25 =	vadd.f32 v25, v34;
	v29 =	vperm.xlane v26, v3  }
0xdf: {  	v30 =	vadd.f32 v30, v31;
	v27 =	vadd.f32 v27, v28;
	v28 =	vperm.xlane v18, v3  }
0xe0: {  	v24 =	vsel vm0, v24, v25;
	v25 =	vadd.f32 v26, v29;
	v26 =	vperm.xlane v17, v3  }
0xe1: {  	v24 =	vsel vm1, v24, v27;
	v18 =	vadd.f32 v18, v28;
	v27 =	vperm.xlane v30, v3  }
0xe2: {  	v24 =	vsel vm2, v24, v25;
	v17 =	vadd.f32 v17, v26;
	v25 =	vperm.xlane v23, v3  }
0xe3: {  	v26 =	vperm.xlane v22, v3;
	v18 =	vsel vm3, v24, v18;
	v24 =	vadd.f32 v30, v27  }
0xe4: {  	v17 =	vsel vm4, v18, v17;
	v18 =	vadd.f32 v23, v25;
	v23 =	vperm.xlane v21, v3  }
0xe5: {  	v22 =	vadd.f32 v22, v26;
	v17 =	vsel vm5, v17, v24;
	v24 =	vperm.xlane v20, v3  }
0xe6: {  	v17 =	vsel vm6, v17, v18;
	v18 =	vadd.f32 v21, v23;
	v21 =	vperm.xlane v19, v3  }
0xe7: {  	v17 =	vsel vm7, v17, v22;
	v20 =	vadd.f32 v20, v24;
	v22 =	vperm.xlane v16, v3  }
0xe8: {  	v17 =	vsel vm8, v17, v18;
	v18 =	vadd.f32 v19, v21;
	v19 =	vperm.xlane v15, v3  }
0xe9: {  	v17 =	vsel vm9, v17, v20;
	v16 =	vadd.f32 v16, v22;
	v20 =	vperm.xlane v14, v3  }
0xea: {  	v17 =	vsel vm10, v17, v18;
	v15 =	vadd.f32 v15, v19;
	v18 =	vperm.xlane v13, v3;
	v19 =	vld [tilespmem:s13+$0x16D00]  }
0xeb: {  	v16 =	vsel vm11, v17, v16;
	v14 =	vadd.f32 v14, v20  }
0xec: {  	v15 =	vsel vm12, v16, v15;
	v13 =	vadd.f32 v13, v18  }
0xed: {  	v14 =	vsel vm13, v15, v14  }
0xee: {  	v13 =	vsel vm14, v14, v13  }
0xef: {  	s15 =	sshll.u32 s13, $0x3;
	v13 =	vadd.f32 v13, v19  }
0xf0: {  	s15 =	sand.u32 $0x400, s15  }
0xf1: {  	s21 =	sand.u32 $0x78, s13;
	s15 =	sadd.s32 s15, s17;
	v13 =	vadd.f32 v13, v4  }
0xf2: {  	s21 =	sadd.s32 s21, s15;
	s13 =	smin.u32 s20, $0xB8  }
0xf3: {  	s15 =	sshll.u32 s13, $0x7;
	[tilespmem:s21+$0x0] =	vst v13  }
0xf4: {  	v14 =	vld [tilespmem:s15+$0xACF0]  }
0xf5: {  	v18 =	vld [tilespmem:s15+$0xAC70]  }
0xf6: {  	v19 =	vld [tilespmem:s15+$0xACE0]  }
0xf7: {  	v20 =	vld [tilespmem:s15+$0xABF0]  }
0xf8: {  	v21 =	vld [tilespmem:s15+$0xAC60]  }
0xf9: {  	v22 =	vld [tilespmem:s15+$0xACD0]  }
0xfa: {  	v23 =	vld [tilespmem:s15+$0xAB70]  }
0xfb: {  	v24 =	vld [tilespmem:s15+$0xABE0]  }
0xfc: {  	v25 =	vld [tilespmem:s15+$0xAC50]  }
0xfd: {  	v26 =	vld [tilespmem:s15+$0xACC0]  }
0xfe: {  	v27 =	vld [tilespmem:s15+$0xAAF0]  }
0xff: {  	v28 =	vld [tilespmem:s15+$0xAB60]  }
0x100: {  	v29 =	vld [tilespmem:s15+$0xABD0]  }
0x101: {  	v30 =	vld [tilespmem:s15+$0xAC40]  }
0x102: {  	v31 =	vld [tilespmem:s15+$0xACB0]  }
0x103: {  	v32 =	vld [tilespmem:s15+$0xAA70]  }
0x104: {  	v33 =	vld [tilespmem:s15+$0xAAE0]  }
0x105: {  	v34 =	vld [tilespmem:s15+$0xAB50]  }
0x106: {  	v35 =	vld [tilespmem:s15+$0xABC0]  }
0x107: {  	v36 =	vld [tilespmem:s15+$0xAC30]  }
0x108: {  	v37 =	vld [tilespmem:s15+$0xACA0]  }
0x109: {  	v38 =	vld [tilespmem:s15+$0xA9F0]  }
0x10a: {  	v39 =	vld [tilespmem:s15+$0xAA60]  }
0x10b: {  	v40 =	vld [tilespmem:s15+$0xAAD0]  }
0x10c: {  	v41 =	vld [tilespmem:s15+$0xAB40]  }
0x10d: {  	v42 =	vld [tilespmem:s15+$0xABB0]  }
0x10e: {  	v43 =	vld [tilespmem:s15+$0xAC20]  }
0x10f: {  	v44 =	vld [tilespmem:s15+$0xAC80]  }
0x110: {  	v45 =	vld [tilespmem:s15+$0xAC90]  }
0x111: {  	v16 =	vld [tilespmem:s15+$0xA970]  }
0x112: {  	v15 =	vld [tilespmem:s15+$0xA9E0]  }
0x113: {  	v13 =	vld [tilespmem:s15+$0xAA50]  }
0x114: {  	v46 =	vmul.f32 v14, v5;
	v17 =	vld [tilespmem:s15+$0xAAC0]  }
0x115: {  	v48 =	vmul.f32 v18, v5;
	v49 =	vmul.f32 v19, v6;
	v47 =	vld [tilespmem:s15+$0xAB30]  }
0x116: {  	v14 =	vmul.f32 v44, v11;
	v18 =	vmul.f32 v45, v12;
	v50 =	vld [tilespmem:s15+$0xABA0]  }
0x117: {  	v21 =	vmul.f32 v21, v6;
	v44 =	vmul.f32 v20, v5;
	v19 =	vld [tilespmem:s15+$0xAC00]  }
0x118: {  	v37 =	vmul.f32 v37, v10;
	v45 =	vmul.f32 v22, v7;
	v14 =	vadd.f32 v18, v14;
	v20 =	vld [tilespmem:s15+$0xAC10]  }
0x119: {  	v23 =	vmul.f32 v23, v5;
	v51 =	vmul.f32 v24, v6;
	v18 =	vld [tilespmem:s15+$0xA8F0]  }
0x11a: {  	v25 =	vmul.f32 v25, v7;
	v31 =	vmul.f32 v31, v9;
	v37 =	vadd.f32 v37, v14;
	v24 =	vld [tilespmem:s15+$0xAB80]  }
0x11b: {  	v26 =	vmul.f32 v26, v8;
	v14 =	vmul.f32 v27, v5;
	v27 =	vld [tilespmem:s15+$0xAB90]  }
0x11c: {  	v28 =	vmul.f32 v28, v6;
	v29 =	vmul.f32 v29, v7;
	v31 =	vadd.f32 v31, v37;
	v22 =	vld [tilespmem:s15+$0xA960]  }
0x11d: {  	v52 =	vmul.f32 v19, v11;
	v37 =	vld [tilespmem:s15+$0xAB00];
	v20 =	vmul.f32 v20, v12  }
0x11e: {  	v30 =	vmul.f32 v30, v8;
	v19 =	vmul.f32 v32, v5;
	v26 =	vadd.f32 v26, v31;
	v32 =	vld [tilespmem:s15+$0xAB10]  }
0x11f: {  	v33 =	vmul.f32 v33, v6;
	v43 =	vmul.f32 v43, v10;
	v31 =	vld [tilespmem:s15+$0xA9D0];
	v20 =	vadd.f32 v20, v52  }
0x120: {  	v24 =	vmul.f32 v24, v11;
	v26 =	vadd.f32 v45, v26;
	v52 =	vld [tilespmem:s15+$0xAB20];
	v27 =	vmul.f32 v27, v12  }
0x121: {  	v34 =	vmul.f32 v34, v7;
	v36 =	vmul.f32 v36, v9;
	v45 =	vld [tilespmem:s15+$0xAA40];
	v20 =	vadd.f32 v43, v20  }
0x122: {  	v26 =	vadd.f32 v49, v26;
	v43 =	vld [tilespmem:s15+$0xAAB0];
	v24 =	vadd.f32 v27, v24;
	v27 =	vmul.f32 v50, v10  }
0x123: {  	v37 =	vmul.f32 v37, v11;
	v49 =	vld [tilespmem:s15+$0xA870];
	v32 =	vmul.f32 v32, v12;
	v20 =	vadd.f32 v36, v20  }
0x124: {  	v26 =	vadd.f32 v46, v26;
	v36 =	vld [tilespmem:s15+$0xA8E0];
	v24 =	vadd.f32 v27, v24;
	v27 =	vmul.f32 v42, v9  }
0x125: {  	v42 =	vld [tilespmem:s15+$0xA950];
	v32 =	vadd.f32 v32, v37;
	v37 =	vmul.f32 v52, v10;
	v20 =	vadd.f32 v30, v20  }
0x126: {  	v30 =	vld [tilespmem:s15+$0xAA80];
	v24 =	vadd.f32 v27, v24;
	v27 =	vmul.f32 v35, v8;
	v35 =	vperm.xlane v26, v0  }
0x127: {  	v46 =	vld [tilespmem:s15+$0xAA90];
	v32 =	vadd.f32 v37, v32;
	v37 =	vmul.f32 v47, v9;
	v25 =	vadd.f32 v25, v20  }
0x128: {  	v20 =	vmul.f32 v38, v5;
	v47 =	vld [tilespmem:s15+$0xA9C0];
	v27 =	vadd.f32 v27, v24;
	v26 =	vadd.f32 v26, v35  }
0x129: {  	v35 =	vld [tilespmem:s15+$0xAAA0];
	v32 =	vadd.f32 v37, v32;
	v37 =	vmul.f32 v41, v8;
	v21 =	vadd.f32 v21, v25  }
0x12a: {  	v38 =	vmul.f32 v40, v7;
	v24 =	vmul.f32 v39, v6;
	v25 =	vld [tilespmem:s15+$0xAA30];
	v27 =	vadd.f32 v29, v27  }
0x12b: {  	v29 =	vld [tilespmem:s15+$0xA7F0];
	v32 =	vadd.f32 v37, v32;
	v21 =	vadd.f32 v48, v21;
	v37 =	vperm.xlane v26, v1  }
0x12c: {  	v30 =	vmul.f32 v30, v11;
	v39 =	vld [tilespmem:s15+$0xA860];
	v40 =	vmul.f32 v46, v12;
	v27 =	vadd.f32 v51, v27  }
0x12d: {  	v41 =	vld [tilespmem:s15+$0xA8D0];
	v32 =	vadd.f32 v34, v32;
	v34 =	vperm.xlane v21, v0;
	v37 =	vadd.f32 v26, v37  }
0x12e: {  	v46 =	vld [tilespmem:s15+$0xA940];
	v26 =	vadd.f32 v40, v30;
	v30 =	vmul.f32 v35, v10;
	v27 =	vadd.f32 v44, v27  }
0x12f: {  	v35 =	vld [tilespmem:s15+$0xA9B0];
	v28 =	vadd.f32 v28, v32;
	v32 =	vadd.f32 v21, v34;
	v34 =	vperm.xlane v37, v2  }
0x130: {  	v40 =	vld [tilespmem:s15+$0xAA20];
	v21 =	vadd.f32 v30, v26;
	v30 =	vmul.f32 v43, v9;
	v43 =	vperm.xlane v27, v0  }
0x131: {  	v26 =	vmul.f32 v16, v5;
	v44 =	vld [tilespmem:s15+$0xA770];
	v16 =	vadd.f32 v23, v28;
	v23 =	vperm.xlane v32, v1  }
0x132: {  	v17 =	vmul.f32 v17, v8;
	v48 =	vld [tilespmem:s15+$0xA7E0];
	v28 =	vadd.f32 v30, v21;
	v27 =	vadd.f32 v27, v43  }
0x133: {  	v30 =	vmul.f32 v15, v6;
	v21 =	vld [tilespmem:s15+$0xA850];
	v15 =	vperm.xlane v16, v0;
	v32 =	vadd.f32 v32, v23  }
0x134: {  	v50 =	vmul.f32 v13, v7;
	v43 =	vld [tilespmem:s15+$0xA8C0];
	v13 =	vadd.f32 v17, v28;
	v17 =	vperm.xlane v27, v1  }
0x135: {  	v23 =	vmul.f32 v18, v5;
	v18 =	vld [tilespmem:s15+$0xA930];
	v15 =	vadd.f32 v16, v15;
	v16 =	vperm.xlane v32, v2  }
0x136: {  	v51 =	vmul.f32 v22, v6;
	v52 =	vld [tilespmem:s15+$0xA9A0];
	v13 =	vadd.f32 v38, v13;
	v38 =	vadd.f32 v27, v17  }
0x137: {  	v53 =	vmul.f32 v31, v7;
	v28 =	vld [tilespmem:s15+$0xAA00];
	v17 =	vperm.xlane v15, v1  }
0x138: {  	v45 =	vmul.f32 v45, v8;
	v54 =	vld [tilespmem:s15+$0xAA10];
	v13 =	vadd.f32 v33, v13;
	v33 =	vperm.xlane v38, v2  }
0x139: {  	v31 =	vmul.f32 v36, v6;
	v22 =	vmul.f32 v49, v5;
	v27 =	vld [tilespmem:s15+$0xA760];
	v36 =	vadd.f32 v15, v17  }
0x13a: {  	v42 =	vmul.f32 v42, v7;
	v47 =	vmul.f32 v47, v8;
	v49 =	vld [tilespmem:s15+$0xA980];
	v55 =	vadd.f32 v14, v13  }
0x13b: {  	v25 =	vmul.f32 v25, v9;
	v56 =	vld [tilespmem:s15+$0xA990];
	v57 =	vperm.xlane v36, v2  }
0x13c: {  	v17 =	vmul.f32 v29, v5;
	v13 =	vadd.f32 v37, v34;
	v58 =	vld [tilespmem:s15+$0xA900];
	v59 =	vperm.xlane v55, v0  }
0x13d: {  	v14 =	vadd.f32 v32, v16;
	v37 =	vmul.f32 v28, v11;
	v34 =	vld [tilespmem:s15+$0xA910];
	v54 =	vmul.f32 v54, v12  }
0x13e: {  	v32 =	vmul.f32 v41, v7;
	v15 =	vadd.f32 v38, v33;
	v28 =	vmul.f32 v39, v6;
	v29 =	vld [tilespmem:s15+$0xA7D0]  }
0x13f: {  	v38 =	vmul.f32 v40, v10;
	v39 =	vadd.f32 v55, v59;
	v33 =	vld [tilespmem:s15+$0xA920];
	v37 =	vadd.f32 v54, v37  }
0x140: {  	v16 =	vadd.f32 v36, v57;
	v41 =	vmul.f32 v49, v11;
	v40 =	vld [tilespmem:s15+$0xA840];
	v49 =	vmul.f32 v56, v12  }
0x141: {  	v52 =	vmul.f32 v52, v10;
	v36 =	vld [tilespmem:s15+$0xA880];
	v37 =	vadd.f32 v38, v37;
	v38 =	vperm.xlane v39, v1  }
0x142: {  	v55 =	vmul.f32 v58, v11;
	v54 =	vld [tilespmem:s15+$0xA890];
	v34 =	vmul.f32 v34, v12;
	v41 =	vadd.f32 v49, v41  }
0x143: {  	v35 =	vmul.f32 v35, v9;
	v49 =	vld [tilespmem:s15+$0xA8B0];
	v25 =	vadd.f32 v25, v37;
	v38 =	vadd.f32 v39, v38  }
0x144: {  	v37 =	vld [tilespmem:s15+$0xA8A0];
	v34 =	vadd.f32 v34, v55;
	v33 =	vmul.f32 v33, v10;
	v39 =	vadd.f32 v52, v41  }
0x145: {  	v46 =	vmul.f32 v46, v8;
	v41 =	vld [tilespmem:s15+$0xA6E0];
	v25 =	vadd.f32 v45, v25;
	v45 =	vperm.xlane v38, v2  }
0x146: {  	v52 =	vld [tilespmem:s15+$0xA750];
	v33 =	vadd.f32 v33, v34;
	v34 =	vmul.f32 v18, v9;
	v35 =	vadd.f32 v35, v39  }
0x147: {  	v36 =	vmul.f32 v36, v11;
	v39 =	vld [tilespmem:s15+$0xA800];
	v54 =	vmul.f32 v54, v12;
	v25 =	vadd.f32 v50, v25  }
0x148: {  	v18 =	vmul.f32 v44, v5;
	v44 =	vld [tilespmem:s15+$0xA810];
	v33 =	vadd.f32 v34, v33;
	v34 =	vadd.f32 v47, v35  }
0x149: {  	v35 =	vld [tilespmem:s15+$0xA7C0];
	v36 =	vadd.f32 v54, v36;
	v37 =	vmul.f32 v37, v10;
	v24 =	vadd.f32 v24, v25  }
0x14a: {  	v25 =	vmul.f32 v48, v6;
	v47 =	vld [tilespmem:s15+$0xA820];
	v33 =	vadd.f32 v46, v33;
	v34 =	vadd.f32 v53, v34  }
0x14b: {  	v46 =	vld [tilespmem:s15+$0xA830];
	v36 =	vadd.f32 v37, v36;
	v37 =	vmul.f32 v49, v9;
	v19 =	vadd.f32 v19, v24  }
0x14c: {  	v24 =	vmul.f32 v43, v8;
	v48 =	vld [tilespmem:s15+$0xA570];
	v33 =	vadd.f32 v42, v33;
	v30 =	vadd.f32 v30, v34  }
0x14d: {  	v34 =	vmul.f32 v39, v11;
	v42 =	vld [tilespmem:s15+$0xA6D0];
	v39 =	vmul.f32 v44, v12;
	v36 =	vadd.f32 v37, v36  }
0x14e: {  	v43 =	vld [tilespmem:s15+$0xA740];
	v33 =	vadd.f32 v51, v33;
	v20 =	vadd.f32 v20, v30;
	v30 =	vperm.xlane v19, v0  }
0x14f: {  	v44 =	vld [tilespmem:s15+$0xA7B0];
	v34 =	vadd.f32 v39, v34;
	v37 =	vmul.f32 v47, v10;
	v24 =	vadd.f32 v24, v36  }
0x150: {  	v49 =	vld [tilespmem:s15+$0xA560];
	v26 =	vadd.f32 v26, v33;
	v33 =	vperm.xlane v20, v0;
	v19 =	vadd.f32 v19, v30  }
0x151: {  	v36 =	vmul.f32 v46, v9;
	v53 =	vld [tilespmem:s15+$0xA6C0];
	v34 =	vadd.f32 v37, v34;
	v24 =	vadd.f32 v32, v24  }
0x152: {  	v30 =	vld [tilespmem:s15+$0xA730];
	v37 =	vperm.xlane v26, v0;
	v20 =	vadd.f32 v20, v33;
	v33 =	vperm.xlane v19, v1  }
0x153: {  	v46 =	vld [tilespmem:s15+$0xA7A0];
	v34 =	vadd.f32 v36, v34;
	v36 =	vmul.f32 v40, v8;
	v24 =	vadd.f32 v31, v24  }
0x154: {  	v32 =	vld [tilespmem:s15+$0xA550];
	v26 =	vadd.f32 v26, v37;
	v31 =	vperm.xlane v20, v1;
	v40 =	vadd.f32 v19, v33  }
0x155: {  	v21 =	vmul.f32 v21, v7;
	v33 =	vld [tilespmem:s15+$0xA6B0];
	v19 =	vadd.f32 v36, v34;
	v23 =	vadd.f32 v23, v24  }
0x156: {  	v54 =	vld [tilespmem:s15+$0xA720];
	v36 =	vperm.xlane v26, v1;
	v47 =	vadd.f32 v20, v31;
	v20 =	vperm.xlane v40, v2  }
0x157: {  	v24 =	vmul.f32 v27, v6;
	v50 =	vld [tilespmem:s15+$0xA780];
	v19 =	vadd.f32 v21, v19;
	v21 =	vperm.xlane v23, v0  }
0x158: {  	v34 =	vmul.f32 v29, v7;
	v51 =	vld [tilespmem:s15+$0xA790];
	v29 =	vadd.f32 v26, v36;
	v55 =	vperm.xlane v47, v2  }
0x159: {  	v26 =	vmul.f32 v41, v6;
	v36 =	vld [tilespmem:s15+$0xA540];
	v27 =	vadd.f32 v28, v19;
	v21 =	vadd.f32 v23, v21  }
0x15a: {  	v39 =	vmul.f32 v35, v8;
	v31 =	vmul.f32 v52, v7;
	v19 =	vadd.f32 v38, v45;
	v37 =	vld [tilespmem:s15+$0xA6A0]  }
0x15b: {  	v41 =	vperm.xlane v29, v2;
	v23 =	vld [tilespmem:s15+$0xA700];
	v35 =	vadd.f32 v22, v27;
	v22 =	vperm.xlane v21, v1  }
0x15c: {  	v20 =	vadd.f32 v40, v20;
	v28 =	vmul.f32 v42, v7;
	v27 =	vmul.f32 v48, v5;
	v45 =	vld [tilespmem:s15+$0xA710]  }
0x15d: {  	v38 =	vmul.f32 v43, v8;
	v40 =	vld [tilespmem:s15+$0xA530];
	v48 =	vperm.xlane v35, v0;
	v52 =	vadd.f32 v21, v22  }
0x15e: {  	v50 =	vmul.f32 v50, v11;
	v51 =	vmul.f32 v51, v12;
	v21 =	vadd.f32 v47, v55;
	v42 =	vld [tilespmem:s15+$0xA680]  }
.Ltmp0:
0x15f: {  	v47 =	vmul.f32 v44, v9;
	v22 =	vadd.f32 v29, v41;
	v43 =	vld [tilespmem:s15+$0xA690];
	v55 =	vperm.xlane v52, v2;
	(pc) =	sbr.rel @p0 .LBB2_3-.Ltmp0, $4  }
0x160: {  	v46 =	vmul.f32 v46, v10;
	v50 =	vadd.f32 v51, v50;
	v48 =	vadd.f32 v35, v48;
	v44 =	vld [tilespmem:s15+$0xA520]  }
0x161: {  	v56 =	vmul.f32 v23, v11;
	v41 =	vld [tilespmem:s15+$0xA600];
	v57 =	vmul.f32 v45, v12;
	v23 =	vadd.f32 v52, v55  }
0x162: {  	v29 =	vmul.f32 v49, v6;
	v50 =	vadd.f32 v46, v50;
	v51 =	vperm.xlane v48, v1;
	v45 =	vld [tilespmem:s15+$0xA500]  }
0x163: {  	s20 =	sadd.s32 $0x10, s20;
	v35 =	vmul.f32 v53, v8;
	v52 =	vmul.f32 v54, v10;
	v46 =	vld [tilespmem:s15+$0xA510];
	v49 =	vadd.f32 v57, v56  }
0x164: {  	v53 =	vld [tilespmem:s15+$0xA580];
	v30 =	vmul.f32 v30, v9  }
0x165: {  	v47 =	vadd.f32 v47, v50;
	v48 =	vadd.f32 v48, v51;
	v32 =	vmul.f32 v32, v7;
	v60 =	vld [tilespmem:s15+$0xA590]  }
0x166: {  	v33 =	vmul.f32 v33, v9;
	v36 =	vmul.f32 v36, v8;
	v61 =	vld [tilespmem:s15+$0xA610];
	v49 =	vadd.f32 v52, v49  }
0x167: {  	v37 =	vmul.f32 v37, v10;
	v40 =	vmul.f32 v40, v9;
	v39 =	vadd.f32 v39, v47  }
0x168: {  	v62 =	vld [tilespmem:s15+$0xA5A0];
	v42 =	vmul.f32 v42, v11;
	v43 =	vmul.f32 v43, v12;
	v30 =	vadd.f32 v30, v49  }
0x169: {  	v49 =	vld [tilespmem:s15+$0xA620];
	v63 =	vmul.f32 v45, v11;
	v34 =	vadd.f32 v34, v39;
	v56 =	vmul.f32 v46, v12  }
0x16a: {  	v57 =	vld [tilespmem:s15+$0xA5B0];
	v30 =	vadd.f32 v38, v30;
	v58 =	vmul.f32 v53, v11;
	v50 =	vmul.f32 v60, v12  }
0x16b: {  	v59 =	vld [tilespmem:s15+$0xA630];
	v11 =	vmul.f32 v41, v11;
	v12 =	vmul.f32 v61, v12;
	v25 =	vadd.f32 v25, v34  }
0x16c: {  	v44 =	vmul.f32 v44, v10;
	v60 =	vld [tilespmem:s15+$0xA5C0];
	v30 =	vadd.f32 v31, v30;
	v31 =	vadd.f32 v56, v63  }
0x16d: {  	v61 =	vmul.f32 v62, v10;
	v62 =	vld [tilespmem:s15+$0xA640];
	v38 =	vadd.f32 v50, v58;
	v11 =	vadd.f32 v12, v11  }
0x16e: {  	v63 =	vld [tilespmem:s15+$0xA5D0];
	v12 =	vadd.f32 v43, v42;
	v10 =	vmul.f32 v49, v10;
	v17 =	vadd.f32 v17, v25  }
0x16f: {  	v51 =	vld [tilespmem:s15+$0xA650];
	v50 =	vmul.f32 v57, v9;
	v31 =	vadd.f32 v44, v31;
	v38 =	vadd.f32 v61, v38  }
0x170: {  	v53 =	vld [tilespmem:s15+$0xA5E0];
	v9 =	vmul.f32 v59, v9;
	v10 =	vadd.f32 v10, v11;
	v11 =	vadd.f32 v37, v12  }
0x171: {  	v54 =	vld [tilespmem:s15+$0xA660];
	v34 =	vmul.f32 v60, v8;
	v12 =	vadd.f32 v40, v31;
	v31 =	vadd.f32 v50, v38  }
0x172: {  	v55 =	vld [tilespmem:s15+$0xA5F0];
	v8 =	vmul.f32 v62, v8;
	v9 =	vadd.f32 v9, v10;
	v10 =	vadd.f32 v33, v11  }
0x173: {  	v56 =	vld [tilespmem:s15+$0xA670];
	v11 =	vadd.f32 v36, v12;
	v12 =	vadd.f32 v34, v31;
	v31 =	vmul.f32 v63, v7  }
0x174: {  	v7 =	vmul.f32 v51, v7;
	v8 =	vadd.f32 v8, v9;
	v9 =	vadd.f32 v35, v10;
	v10 =	vld [tilespmem:s15+$0xA6F0]  }
0x175: {  	v11 =	vadd.f32 v32, v11;
	v12 =	vadd.f32 v31, v12;
	v31 =	vmul.f32 v53, v6  }
0x176: {  	v6 =	vmul.f32 v54, v6;
	v7 =	vadd.f32 v7, v8;
	v8 =	vadd.f32 v28, v9  }
0x177: {  	v9 =	vadd.f32 v29, v11;
	v11 =	vadd.f32 v31, v12;
	v12 =	vmul.f32 v55, v5  }
0x178: {  	v6 =	vadd.f32 v6, v7;
	v7 =	vmul.f32 v56, v5;
	v8 =	vadd.f32 v26, v8  }
0x179: {  	v9 =	vadd.f32 v27, v9;
	v11 =	vadd.f32 v12, v11;
	v5 =	vmul.f32 v10, v5  }
0x17a: {  	v6 =	vadd.f32 v7, v6;
	v7 =	vadd.f32 v24, v30  }
0x17b: {  	v12 =	vperm.xlane v9, v0;
	v24 =	vperm.xlane v11, v0;
	v5 =	vadd.f32 v5, v8  }
0x17c: {  	v10 =	vperm.xlane v48, v2;
	v8 =	vperm.xlane v6, v0;
	v7 =	vadd.f32 v18, v7  }
0x17d: {  	v9 =	vadd.f32 v9, v12;
	v11 =	vadd.f32 v11, v24;
	v12 =	vperm.xlane v5, v0  }
0x17e: {  	v18 =	vperm.xlane v17, v0;
	v6 =	vadd.f32 v6, v8;
	v8 =	vperm.xlane v7, v0  }
0x17f: {  	v24 =	vperm.xlane v9, v1;
	v25 =	vperm.xlane v11, v1;
	v5 =	vadd.f32 v5, v12  }
0x180: {  	v12 =	vperm.xlane v6, v1;
	v7 =	vadd.f32 v7, v8;
	v8 =	vadd.f32 v17, v18  }
0x181: {  	v9 =	vadd.f32 v9, v24;
	v11 =	vadd.f32 v11, v25;
	v17 =	vperm.xlane v5, v1  }
0x182: {  	v6 =	vadd.f32 v6, v12;
	v12 =	vperm.xlane v7, v1;
	v18 =	vperm.xlane v8, v1  }
0x183: {  	v24 =	vperm.xlane v9, v2;
	v25 =	vperm.xlane v11, v2;
	v5 =	vadd.f32 v5, v17  }
0x184: {  	v17 =	vperm.xlane v6, v2;
	v7 =	vadd.f32 v7, v12;
	v8 =	vadd.f32 v8, v18  }
0x185: {  	v9 =	vadd.f32 v9, v24;
	v11 =	vadd.f32 v11, v25;
	v12 =	vperm.xlane v5, v2  }
0x186: {  	v6 =	vadd.f32 v6, v17;
	v17 =	vperm.xlane v7, v2;
	v18 =	vperm.xlane v8, v2  }
0x187: {  	v24 =	vperm.xlane v9, v3;
	v25 =	vperm.xlane v11, v3;
	v5 =	vadd.f32 v5, v12  }
0x188: {  	v12 =	vperm.xlane v6, v3;
	v7 =	vadd.f32 v7, v17;
	v8 =	vadd.f32 v8, v18  }
0x189: {  	v9 =	vadd.f32 v9, v24;
	v11 =	vadd.f32 v11, v25;
	v17 =	vperm.xlane v5, v3  }
0x18a: {  	v10 =	vadd.f32 v48, v10;
	v6 =	vadd.f32 v6, v12;
	v12 =	vperm.xlane v7, v3  }
0x18b: {  	v9 =	vsel vm0, v9, v11;
	v5 =	vadd.f32 v5, v17;
	v11 =	vperm.xlane v8, v3  }
0x18c: {  	v6 =	vsel vm1, v9, v6;
	v7 =	vadd.f32 v7, v12;
	v9 =	vperm.xlane v10, v3  }
0x18d: {  	v5 =	vsel vm2, v6, v5;
	v6 =	vadd.f32 v8, v11;
	v8 =	vperm.xlane v23, v3  }
0x18e: {  	v5 =	vsel vm3, v5, v7;
	v7 =	vadd.f32 v10, v9;
	v9 =	vperm.xlane v22, v3  }
0x18f: {  	v5 =	vsel vm4, v5, v6;
	v6 =	vadd.f32 v23, v8;
	v8 =	vperm.xlane v21, v3  }
0x190: {  	v5 =	vsel vm5, v5, v7;
	v7 =	vadd.f32 v22, v9;
	v9 =	vperm.xlane v20, v3  }
0x191: {  	v5 =	vsel vm6, v5, v6;
	v6 =	vadd.f32 v21, v8;
	v8 =	vperm.xlane v19, v3  }
0x192: {  	v5 =	vsel vm7, v5, v7;
	v7 =	vadd.f32 v20, v9;
	v9 =	vperm.xlane v16, v3  }
0x193: {  	v5 =	vsel vm8, v5, v6;
	v6 =	vadd.f32 v19, v8;
	v8 =	vperm.xlane v15, v3  }
0x194: {  	v5 =	vsel vm9, v5, v7;
	v7 =	vadd.f32 v16, v9;
	v9 =	vperm.xlane v14, v3  }
0x195: {  	v10 =	vld [tilespmem:s13+$0x16D00];
	v5 =	vsel vm10, v5, v6;
	v6 =	vadd.f32 v15, v8;
	v8 =	vperm.xlane v13, v3  }
0x196: {  	v5 =	vsel vm11, v5, v7;
	v7 =	vadd.f32 v14, v9  }
0x197: {  	v5 =	vsel vm12, v5, v6;
	v6 =	vadd.f32 v13, v8  }
0x198: {  	v5 =	vsel vm13, v5, v7  }
0x199: {  	v5 =	vsel vm14, v5, v6  }
0x19a: {  	s20 =	sshll.u32 s13, $0x3;
	p0 =	seq.s32 s3, $0x3F;
	v5 =	vadd.f32 v5, v10  }
0x19b: {  	s15 =	sand.u32 $0x400, s20;
	s20 =	smul.u32 @!p0 $0x640, s3  }
0x19c: {  	s21 =	sand.u32 $0x78, s13;
	s15 =	sadd.s32 s15, s17;
	v4 =	vadd.f32 v5, v4  }
0x19d: {  	s13 =	sadd.s32 s21, s15;
	s15 =	sshra.s32 @!p0 s20, $0x2  }
0x19e: {  	s17 =	simm.s32 @!p0 $0x68;
	s20 =	simm.s32 @!p0 $0xA500;
	[tilespmem:s13+$0x0] =	vst v4;
	s13 =	sadd.s32 @!p0 $0x210, s15  }
0x19f: {  	[tilespmem:s20], [sflag:$0x1] =	stream.indirect.gather @!p0 [hbm4b:s1+s17], $0x80, s13, s17, $0xb8;
	[tilespmem:$0x1EF00] =	vst v63  }
0x1a0: {  	s21 =	simm.s32 @!p0 $0xD900;
	s15 =	sadd.s32 @!p0 $0x278, s15;
	s20 =	simm.s32 @!p0 $0x60  }
0x1a1: {  	[tilespmem:s21], [sflag:$0x1] =	stream.indirect.gather @!p0 [hbm4b:s1+s20], $0x80, s15, s20, $0xb8;
	[tilespmem:$0x1EF00] =	vst v63  }
0x1a2: {  	s21 =	simm.s32 @!p0 $0x16D00  }
0x1a3: {  	[tilespmem:s21], [sflag:$0x1] =	stream.indirect.gather @!p0 [hbm4b:s4+s17], $0x1, s13, s17, $0xb8;
	[tilespmem:$0x1EF00] =	vst v63  }
0x1a4: {  	s13 =	simm.s32 @!p0 $0x16D68  }
0x1a5: {  	[tilespmem:s13], [sflag:$0x1] =	stream.indirect.gather @!p0 [hbm4b:s4+s20], $0x1, s15, s20, $0xb8;
	[tilespmem:$0x1EF00] =	vst v63  }
0x1a6: {  	_ =	swait.ge [sflag:s29], $0x3400  }
0x1a7: {  	[sflag:s29] =	ssyncset.done $0x0  }
0x1a8: {  	[sflag:s29] =	ssyncadd.s32 $0xFFFFCC00  }
0x1a9: {  	_ =	swait.ge [sflag:s29], $0x3000  }
0x1aa: {  	[sflag:s29] =	ssyncset.done $0x0  }
0x1ab: {  	[sflag:s29] =	ssyncadd.s32 $0xFFFFD000  }
0x1ac: {  	_ =	swait.ge [sflag:s29], $0x68  }
0x1ad: {  	[sflag:s29] =	ssyncset.done $0x0  }
0x1ae: {  	[sflag:s29] =	ssyncadd.s32 $0xFFFFFF98  }
0x1af: {  	_ =	swait.ge [sflag:s29], $0x60  }
0x1b0: {  	[sflag:s29] =	ssyncset.done $0x0  }
0x1b1: {  	s17 =	sshll.u32 s5, $0x7;
	[sflag:s29] =	ssyncadd.s32 $0xFFFFFFA0  }
0x1b2: {  	v11 =	vld [tilespmem:s17+$0x6480]  }
0x1b3: {  	v12 =	vld [tilespmem:s17+$0x6490]  }
0x1b4: {  	v10 =	vld [tilespmem:s17+$0x64A0]  }
0x1b5: {  	v9 =	vld [tilespmem:s17+$0x64B0]  }
0x1b6: {  	v8 =	vld [tilespmem:s17+$0x64C0]  }
0x1b7: {  	v7 =	vld [tilespmem:s17+$0x64D0]  }
0x1b8: {  	s20 =	simm.s32 $0x0;
	v6 =	vld [tilespmem:s17+$0x64E0]  }
0x1b9: {  	s13 =	smin.u32 s20, $0xB8;
	v5 =	vld [tilespmem:s17+$0x64F0]  }
0x1ba: {  	v4 =	vld [tilespmem:s0+$0xA480];
	s0 =	sshll.u32 s13, $0x7  }
0x1bb: {  	v13 =	vld [tilespmem:s0+$0x110F0]  }
0x1bc: {  	v14 =	vld [tilespmem:s0+$0x11070]  }
0x1bd: {  	v15 =	vld [tilespmem:s0+$0x110E0]  }
0x1be: {  	v16 =	vld [tilespmem:s0+$0x10FF0]  }
0x1bf: {  	v17 =	vld [tilespmem:s0+$0x11060]  }
0x1c0: {  	v18 =	vld [tilespmem:s0+$0x110D0]  }
0x1c1: {  	v19 =	vld [tilespmem:s0+$0x10F70]  }
0x1c2: {  	v20 =	vld [tilespmem:s0+$0x10FE0]  }
0x1c3: {  	v21 =	vld [tilespmem:s0+$0x11050]  }
0x1c4: {  	v22 =	vld [tilespmem:s0+$0x110C0]  }
0x1c5: {  	v23 =	vld [tilespmem:s0+$0x10EF0]  }
0x1c6: {  	v24 =	vld [tilespmem:s0+$0x10F60]  }
0x1c7: {  	v25 =	vld [tilespmem:s0+$0x10FD0]  }
0x1c8: {  	v26 =	vld [tilespmem:s0+$0x11040]  }
0x1c9: {  	v27 =	vld [tilespmem:s0+$0x110B0]  }
0x1ca: {  	v28 =	vld [tilespmem:s0+$0x10E70]  }
0x1cb: {  	v29 =	vld [tilespmem:s0+$0x10EE0]  }
0x1cc: {  	v30 =	vld [tilespmem:s0+$0x10F50]  }
0x1cd: {  	v31 =	vld [tilespmem:s0+$0x10FC0]  }
0x1ce: {  	v32 =	vld [tilespmem:s0+$0x11030]  }
0x1cf: {  	v57 =	vld [tilespmem:s0+$0x110A0]  }
0x1d0: {  	v34 =	vld [tilespmem:s0+$0x10DF0]  }
0x1d1: {  	v35 =	vld [tilespmem:s0+$0x10E60]  }
0x1d2: {  	v36 =	vld [tilespmem:s0+$0x10ED0]  }
0x1d3: {  	v37 =	vld [tilespmem:s0+$0x10F40]  }
0x1d4: {  	v38 =	vld [tilespmem:s0+$0x10FB0]  }
0x1d5: {  	v58 =	vld [tilespmem:s0+$0x11080]  }
0x1d6: {  	v59 =	vld [tilespmem:s0+$0x11090]  }
0x1d7: {  	v60 =	vmov s5;
	v39 =	vld [tilespmem:s0+$0x11020]  }
0x1d8: {  	v42 =	vld [tilespmem:s0+$0x10D70];
	v4 =	vperm.xlane v4, v60  }
0x1d9: {  	v43 =	vld [tilespmem:s0+$0x10DE0];
	v13 =	vmul.f32 v13, v5;
	v14 =	vmul.f32 v14, v5  }
0x1da: {  	v45 =	vld [tilespmem:s0+$0x10E50];
	v15 =	vmul.f32 v15, v6;
	v40 =	vmul.f32 v58, v11  }
0x1db: {  	v62 =	vld [tilespmem:s0+$0x11000];
	v41 =	vmul.f32 v59, v12;
	v16 =	vmul.f32 v16, v5  }
0x1dc: {  	v63 =	vld [tilespmem:s0+$0x11010];
	v17 =	vmul.f32 v17, v6;
	v33 =	vmul.f32 v57, v10  }
0x1dd: {  	v44 =	vld [tilespmem:s0+$0x10EC0];
	v18 =	vmul.f32 v18, v7;
	v50 =	vmul.f32 v19, v5  }
0x1de: {  	v46 =	vld [tilespmem:s0+$0x10F30];
	v56 =	vmul.f32 v20, v6;
	v21 =	vmul.f32 v21, v7  }
0x1df: {  	v61 =	vld [tilespmem:s0+$0x10FA0];
	v27 =	vmul.f32 v27, v9;
	v22 =	vmul.f32 v22, v8  }
0x1e0: {  	v52 =	vld [tilespmem:s0+$0x10E90];
	v24 =	vmul.f32 v24, v6;
	v25 =	vmul.f32 v25, v7  }
0x1e1: {  	v20 =	vld [tilespmem:s0+$0x10F80];
	v48 =	vmul.f32 v62, v11;
	v49 =	vmul.f32 v63, v12  }
0x1e2: {  	v57 =	vld [tilespmem:s0+$0x10F00];
	v26 =	vmul.f32 v26, v8;
	v29 =	vmul.f32 v29, v6  }
0x1e3: {  	v39 =	vmul.f32 v39, v10;
	v58 =	vld [tilespmem:s0+$0x10F20];
	v30 =	vmul.f32 v30, v7  }
0x1e4: {  	v32 =	vmul.f32 v32, v9;
	v59 =	vld [tilespmem:s0+$0x10EB0];
	v31 =	vmul.f32 v31, v8;
	v40 =	vadd.f32 v41, v40  }
0x1e5: {  	v62 =	vld [tilespmem:s0+$0x10E80];
	v53 =	vmul.f32 v46, v9;
	v54 =	vmul.f32 v37, v8  }
0x1e6: {  	v48 =	vadd.f32 v49, v48;
	v19 =	vadd.f32 v33, v40;
	v33 =	vmul.f32 v23, v5;
	v23 =	vld [tilespmem:s0+$0x10F90]  }
0x1e7: {  	v37 =	vld [tilespmem:s0+$0x10E30];
	v35 =	vmul.f32 v35, v6;
	v36 =	vmul.f32 v36, v7  }
0x1e8: {  	v39 =	vadd.f32 v39, v48;
	v27 =	vadd.f32 v27, v19;
	v19 =	vmul.f32 v28, v5;
	v28 =	vld [tilespmem:s0+$0x10F10]  }
0x1e9: {  	v55 =	vmul.f32 v52, v12;
	v46 =	vld [tilespmem:s0+$0x10D40];
	v42 =	vmul.f32 v42, v5  }
0x1ea: {  	v45 =	vmul.f32 v45, v7;
	v41 =	vld [tilespmem:s0+$0x10CF0];
	v32 =	vadd.f32 v32, v39;
	v22 =	vadd.f32 v22, v27  }
0x1eb: {  	v49 =	vld [tilespmem:s0+$0x10BE0];
	v20 =	vmul.f32 v20, v11;
	v23 =	vmul.f32 v23, v12  }
0x1ec: {  	v40 =	vld [tilespmem:s0+$0x10D60];
	v60 =	vmul.f32 v57, v11;
	v26 =	vadd.f32 v26, v32;
	v18 =	vadd.f32 v18, v22  }
0x1ed: {  	v39 =	vld [tilespmem:s0+$0x10CE0];
	v20 =	vadd.f32 v23, v20;
	v23 =	vmul.f32 v61, v10;
	v28 =	vmul.f32 v28, v12  }
0x1ee: {  	v27 =	vld [tilespmem:s0+$0x10DD0];
	v32 =	vmul.f32 v62, v11;
	v61 =	vmul.f32 v58, v10;
	v15 =	vadd.f32 v15, v18  }
0x1ef: {  	v62 =	vld [tilespmem:s0+$0x10E10];
	v20 =	vadd.f32 v23, v20;
	v23 =	vmul.f32 v38, v9;
	v28 =	vadd.f32 v28, v60  }
0x1f0: {  	v37 =	vmul.f32 v37, v9;
	v22 =	vld [tilespmem:s0+$0x10E40];
	v21 =	vadd.f32 v21, v26;
	v13 =	vadd.f32 v13, v15  }
0x1f1: {  	v40 =	vmul.f32 v40, v6;
	v26 =	vld [tilespmem:s0+$0x10DC0];
	v23 =	vadd.f32 v23, v20;
	v28 =	vadd.f32 v61, v28  }
0x1f2: {  	v39 =	vmul.f32 v39, v6;
	v18 =	vld [tilespmem:s0+$0x10C70];
	v17 =	vadd.f32 v17, v21;
	v63 =	vperm.xlane v13, v0  }
0x1f3: {  	v27 =	vmul.f32 v27, v7;
	v23 =	vadd.f32 v31, v23;
	v31 =	vld [tilespmem:s0+$0x10EA0];
	v28 =	vadd.f32 v53, v28  }
0x1f4: {  	v38 =	vld [tilespmem:s0+$0x10CD0];
	v51 =	vmul.f32 v62, v12;
	v20 =	vmul.f32 v34, v5;
	v13 =	vadd.f32 v13, v63  }
0x1f5: {  	v60 =	vld [tilespmem:s0+$0x10E00];
	v52 =	vmul.f32 v22, v8;
	v21 =	vadd.f32 v25, v23;
	v23 =	vadd.f32 v54, v28  }
0x1f6: {  	v14 =	vadd.f32 v14, v17;
	v26 =	vmul.f32 v26, v8;
	v63 =	vld [tilespmem:s0+$0x10D80];
	v17 =	vperm.xlane v13, v1  }
0x1f7: {  	v62 =	vld [tilespmem:s0+$0x10CA0];
	v22 =	vmul.f32 v18, v5;
	v21 =	vadd.f32 v56, v21;
	v23 =	vadd.f32 v30, v23  }
0x1f8: {  	v28 =	vld [tilespmem:s0+$0x10C60];
	v13 =	vadd.f32 v13, v17;
	v17 =	vadd.f32 v55, v32;
	v31 =	vmul.f32 v31, v10  }
0x1f9: {  	v38 =	vmul.f32 v38, v7;
	v54 =	vld [tilespmem:s0+$0x10D90];
	v30 =	vperm.xlane v14, v0;
	v16 =	vadd.f32 v16, v21  }
0x1fa: {  	v15 =	vld [tilespmem:s0+$0x10D50];
	v21 =	vadd.f32 v24, v23;
	v23 =	vmul.f32 v59, v9;
	v17 =	vadd.f32 v31, v17  }
0x1fb: {  	v34 =	vld [tilespmem:s0+$0x10B70];
	v14 =	vadd.f32 v14, v30;
	v48 =	vmul.f32 v63, v11;
	v63 =	vmul.f32 v46, v8  }
0x1fc: {  	v32 =	vld [tilespmem:s0+$0x10DB0];
	v31 =	vperm.xlane v16, v0;
	v17 =	vadd.f32 v23, v17;
	v23 =	vmul.f32 v44, v8  }
0x1fd: {  	v30 =	vld [tilespmem:s0+$0x10E20];
	v24 =	vperm.xlane v13, v2;
	v28 =	vmul.f32 v28, v6;
	v56 =	vadd.f32 v50, v21  }
0x1fe: {  	v53 =	vld [tilespmem:s0+$0x10B60];
	v54 =	vmul.f32 v54, v12;
	v16 =	vadd.f32 v16, v31;
	v17 =	vadd.f32 v23, v17  }
0x1ff: {  	v25 =	vld [tilespmem:s0+$0x10BF0];
	v57 =	vperm.xlane v14, v1;
	v13 =	vadd.f32 v13, v24;
	v58 =	vperm.xlane v56, v0  }
0x200: {  	v21 =	vld [tilespmem:s0+$0x10C50];
	v31 =	vmul.f32 v43, v6;
	v59 =	vperm.xlane v16, v1;
	v17 =	vadd.f32 v36, v17  }
0x201: {  	v50 =	vld [tilespmem:s0+$0x10DA0];
	v32 =	vmul.f32 v32, v9;
	v23 =	vmul.f32 v41, v5;
	v43 =	vadd.f32 v56, v58  }
0x202: {  	v44 =	vld [tilespmem:s0+$0x10CC0];
	v30 =	vmul.f32 v30, v10;
	v16 =	vadd.f32 v16, v59;
	v17 =	vadd.f32 v29, v17  }
0x203: {  	v24 =	vld [tilespmem:s0+$0x10D10];
	v14 =	vadd.f32 v14, v57;
	v36 =	vmul.f32 v60, v11;
	v61 =	vperm.xlane v43, v1  }
0x204: {  	v29 =	vperm.xlane v16, v2;
	v33 =	vadd.f32 v33, v17;
	v17 =	vmul.f32 v25, v5;
	v25 =	vld [tilespmem:s0+$0x10D00]  }
0x205: {  	v47 =	vperm.xlane v14, v2;
	v60 =	vld [tilespmem:s0+$0x10C90];
	v36 =	vadd.f32 v51, v36;
	v18 =	vadd.f32 v43, v61  }
0x206: {  	v50 =	vmul.f32 v50, v10;
	v43 =	vmul.f32 v15, v7;
	v15 =	vadd.f32 v16, v29;
	v29 =	vld [tilespmem:s0+$0x10D20]  }
0x207: {  	v21 =	vmul.f32 v21, v7;
	v61 =	vld [tilespmem:s0+$0x10CB0];
	v30 =	vadd.f32 v30, v36;
	v55 =	vperm.xlane v18, v2  }
0x208: {  	v48 =	vadd.f32 v54, v48;
	v41 =	vld [tilespmem:s0+$0x10D30];
	v24 =	vmul.f32 v24, v12;
	v56 =	vperm.xlane v33, v0  }
0x209: {  	v30 =	vadd.f32 v37, v30;
	v16 =	vadd.f32 v18, v55;
	v18 =	vld [tilespmem:s0+$0x10C80];
	v25 =	vmul.f32 v25, v11  }
0x20a: {  	v14 =	vadd.f32 v14, v47;
	v47 =	vld [tilespmem:s0+$0x10BD0];
	v58 =	vmul.f32 v60, v12;
	v33 =	vadd.f32 v33, v56  }
0x20b: {  	v51 =	vld [tilespmem:s0+$0x10C40];
	v30 =	vadd.f32 v52, v30;
	v24 =	vadd.f32 v24, v25;
	v25 =	vmul.f32 v29, v10  }
0x20c: {  	v36 =	vld [tilespmem:s0+$0x10940];
	v61 =	vmul.f32 v61, v9;
	v59 =	vperm.xlane v33, v1;
	v29 =	vadd.f32 v50, v48  }
0x20d: {  	v60 =	vld [tilespmem:s0+$0x10C20];
	v30 =	vadd.f32 v45, v30;
	v24 =	vadd.f32 v25, v24;
	v25 =	vmul.f32 v41, v9  }
0x20e: {  	v52 =	vld [tilespmem:s0+$0x10C00];
	v56 =	vadd.f32 v33, v59;
	v57 =	vmul.f32 v18, v11;
	v29 =	vadd.f32 v32, v29  }
0x20f: {  	v18 =	vmul.f32 v34, v5;
	v59 =	vld [tilespmem:s0+$0x10C10];
	v33 =	vmul.f32 v62, v10;
	v24 =	vadd.f32 v25, v24  }
0x210: {  	v37 =	vld [tilespmem:s0+$0x10AE0];
	v30 =	vadd.f32 v35, v30;
	v34 =	vmul.f32 v47, v7;
	v26 =	vadd.f32 v26, v29  }
0x211: {  	v45 =	vld [tilespmem:s0+$0x10BA0];
	v46 =	vperm.xlane v56, v2;
	v41 =	vadd.f32 v58, v57;
	v24 =	vadd.f32 v63, v24  }
0x212: {  	v19 =	vadd.f32 v19, v30;
	v30 =	vmul.f32 v44, v8;
	v26 =	vadd.f32 v27, v26;
	v27 =	vld [tilespmem:s0+$0x10C30]  }
0x213: {  	v48 =	vld [tilespmem:s0+$0x10B50];
	v25 =	vmul.f32 v49, v6;
	v33 =	vadd.f32 v33, v41;
	v24 =	vadd.f32 v43, v24  }
0x214: {  	v62 =	vmul.f32 v59, v12;
	v63 =	vld [tilespmem:s0+$0x10B40];
	v26 =	vadd.f32 v31, v26;
	v31 =	vmul.f32 v52, v11  }
0x215: {  	v35 =	vld [tilespmem:s0+$0x10960];
	v33 =	vadd.f32 v61, v33;
	v52 =	vmul.f32 v60, v10;
	v24 =	vadd.f32 v40, v24  }
0x216: {  	v29 =	vld [tilespmem:s0+$0x10BC0];
	v20 =	vadd.f32 v20, v26;
	v26 =	vperm.xlane v19, v0;
	v31 =	vadd.f32 v62, v31  }
0x217: {  	v30 =	vadd.f32 v30, v33;
	v40 =	vld [tilespmem:s0+$0x10BB0];
	v27 =	vmul.f32 v27, v9;
	v24 =	vadd.f32 v42, v24  }
0x218: {  	v32 =	vld [tilespmem:s0+$0x10950];
	v54 =	vperm.xlane v20, v0;
	v19 =	vadd.f32 v19, v26;
	v26 =	vadd.f32 v52, v31  }
0x219: {  	v31 =	vadd.f32 v38, v30;
	v52 =	vld [tilespmem:s0+$0x10B20];
	v38 =	vmul.f32 v63, v8;
	v55 =	vperm.xlane v24, v0  }
0x21a: {  	v44 =	vld [tilespmem:s0+$0x10920];
	v20 =	vadd.f32 v20, v54;
	v57 =	vperm.xlane v19, v1;
	v26 =	vadd.f32 v27, v26  }
0x21b: {  	v49 =	vld [tilespmem:s0+$0x10AC0];
	v27 =	vmul.f32 v51, v8;
	v31 =	vadd.f32 v39, v31;
	v39 =	vmul.f32 v29, v8  }
0x21c: {  	v51 =	vld [tilespmem:s0+$0x10B80];
	v47 =	vmul.f32 v40, v9;
	v58 =	vadd.f32 v24, v55;
	v59 =	vadd.f32 v19, v57  }
0x21d: {  	v41 =	vld [tilespmem:s0+$0x10970];
	v24 =	vperm.xlane v20, v1;
	v19 =	vadd.f32 v27, v26;
	v23 =	vadd.f32 v23, v31  }
0x21e: {  	v43 =	vld [tilespmem:s0+$0x10AD0];
	v31 =	vmul.f32 v48, v7;
	v52 =	vmul.f32 v52, v10  }
0x21f: {  	v33 =	vld [tilespmem:s0+$0x10AB0];
	v26 =	vperm.xlane v58, v1;
	v19 =	vadd.f32 v21, v19;
	v21 =	vperm.xlane v23, v0  }
0x220: {  	v50 =	vadd.f32 v20, v24;
	v20 =	vperm.xlane v59, v2;
	v24 =	vmul.f32 v53, v6;
	v53 =	vld [tilespmem:s0+$0x10B90]  }
0x221: {  	v30 =	vld [tilespmem:s0+$0x10B30];
	v51 =	vmul.f32 v51, v11;
	v27 =	vadd.f32 v28, v19;
	v21 =	vadd.f32 v23, v21  }
0x222: {  	v60 =	vadd.f32 v58, v26;
	v61 =	vperm.xlane v50, v2;
	v26 =	vmul.f32 v37, v6;
	v23 =	vld [tilespmem:s0+$0x10B00]  }
0x223: {  	v55 =	vld [tilespmem:s0+$0x10B10];
	v28 =	vmul.f32 v43, v7;
	v29 =	vadd.f32 v22, v27;
	v22 =	vperm.xlane v21, v1  }
0x224: {  	v42 =	vld [tilespmem:s0+$0x10A80];
	v19 =	vadd.f32 v56, v46;
	v62 =	vperm.xlane v60, v2;
	v27 =	vmul.f32 v41, v5  }
0x225: {  	v40 =	vld [tilespmem:s0+$0x10A00];
	v53 =	vmul.f32 v53, v12;
	v63 =	vperm.xlane v29, v0;
	v56 =	vadd.f32 v21, v22  }
0x226: {  	v37 =	vld [tilespmem:s0+$0x10AA0];
	v21 =	vadd.f32 v50, v61;
	v22 =	vadd.f32 v60, v62;
	v61 =	vmul.f32 v45, v10  }
0x227: {  	v43 =	vld [tilespmem:s0+$0x10A90];
	v60 =	vadd.f32 v53, v51;
	v62 =	vmul.f32 v23, v11;
	v48 =	vadd.f32 v29, v63  }
0x228: {  	v20 =	vadd.f32 v59, v20;
	v46 =	vld [tilespmem:s0+$0x10910];
	v59 =	vperm.xlane v56, v2;
	v63 =	vmul.f32 v55, v12  }
0x229: {  	s21 =	sand.u32 $0x380, s17;
	v41 =	vld [tilespmem:s0+$0x10930];
	v29 =	vmul.f32 v35, v6;
	v50 =	vadd.f32 v61, v60;
	v51 =	vperm.xlane v48, v1  }
0x22a: {  	s5 =	simm.s32 $0x10;
	s2 =	sadd.s32 s21, s2;
	v45 =	vld [tilespmem:s0+$0x10900];
	v35 =	vmul.f32 v49, v8;
	v23 =	vadd.f32 v56, v59;
	v49 =	vadd.f32 v63, v62  }
.LBB2_5:
0x22b: {  	p0 =	sne.s32 s5, $0xC0;
	v53 =	vld [tilespmem:s0+$0x10980];
	v54 =	vmul.f32 v30, v9;
	v47 =	vadd.f32 v47, v50;
	v30 =	vadd.f32 v48, v51  }
0x22c: {  	v32 =	vmul.f32 v32, v7;
	v33 =	vmul.f32 v33, v9;
	v48 =	vld [tilespmem:s0+$0x10990];
	v49 =	vadd.f32 v52, v49  }
0x22d: {  	v36 =	vmul.f32 v36, v8;
	v37 =	vmul.f32 v37, v10;
	v50 =	vld [tilespmem:s0+$0x10A10];
	v39 =	vadd.f32 v39, v47  }
0x22e: {  	v41 =	vmul.f32 v41, v9;
	v42 =	vmul.f32 v42, v11;
	v47 =	vld [tilespmem:s0+$0x109A0];
	v49 =	vadd.f32 v54, v49  }
0x22f: {  	v43 =	vmul.f32 v43, v12;
	v44 =	vmul.f32 v44, v10;
	v51 =	vld [tilespmem:s0+$0x10A20];
	v34 =	vadd.f32 v34, v39  }
0x230: {  	v39 =	vmul.f32 v45, v11;
	v45 =	vmul.f32 v46, v12;
	v46 =	vld [tilespmem:s0+$0x109B0];
	v38 =	vadd.f32 v38, v49  }
0x231: {  	v49 =	vmul.f32 v53, v11;
	v48 =	vmul.f32 v48, v12;
	v52 =	vld [tilespmem:s0+$0x10A30];
	v25 =	vadd.f32 v25, v34  }
0x232: {  	v40 =	vmul.f32 v40, v11;
	v34 =	vld [tilespmem:s0+$0x109C0];
	v50 =	vmul.f32 v50, v12;
	v31 =	vadd.f32 v31, v38  }
0x233: {  	v38 =	vadd.f32 v45, v39;
	v39 =	vadd.f32 v48, v49;
	v45 =	vmul.f32 v47, v10;
	v47 =	vld [tilespmem:s0+$0x10A40]  }
0x234: {  	v42 =	vadd.f32 v43, v42;
	v48 =	vld [tilespmem:s0+$0x109D0];
	v40 =	vadd.f32 v50, v40;
	v49 =	vmul.f32 v51, v10  }
0x235: {  	v38 =	vadd.f32 v44, v38;
	v39 =	vadd.f32 v45, v39;
	v43 =	vmul.f32 v46, v9;
	v44 =	vld [tilespmem:s0+$0x10A50]  }
0x236: {  	v37 =	vadd.f32 v37, v42;
	v45 =	vld [tilespmem:s0+$0x109E0];
	v40 =	vadd.f32 v49, v40;
	v46 =	vmul.f32 v52, v9  }
0x237: {  	v38 =	vadd.f32 v41, v38;
	v39 =	vadd.f32 v43, v39;
	v34 =	vmul.f32 v34, v8;
	v41 =	vld [tilespmem:s0+$0x10A60]  }
0x238: {  	v33 =	vadd.f32 v33, v37;
	v42 =	vld [tilespmem:s0+$0x109F0];
	v40 =	vadd.f32 v46, v40;
	v43 =	vmul.f32 v47, v8  }
0x239: {  	v36 =	vadd.f32 v36, v38;
	v34 =	vadd.f32 v34, v39;
	v37 =	vmul.f32 v48, v7;
	v38 =	vld [tilespmem:s0+$0x10A70]  }
0x23a: {  	v33 =	vadd.f32 v35, v33;
	v39 =	vadd.f32 v43, v40;
	v40 =	vmul.f32 v44, v7;
	v35 =	vld [tilespmem:s0+$0x10AF0]  }
0x23b: {  	v32 =	vadd.f32 v32, v36;
	v34 =	vadd.f32 v37, v34;
	v36 =	vmul.f32 v45, v6  }
0x23c: {  	v28 =	vadd.f32 v28, v33;
	v37 =	vadd.f32 v40, v39;
	v39 =	vmul.f32 v41, v6  }
0x23d: {  	v29 =	vadd.f32 v29, v32;
	v32 =	vadd.f32 v36, v34;
	v33 =	vmul.f32 v42, v5  }
0x23e: {  	v26 =	vadd.f32 v26, v28;
	v34 =	vadd.f32 v39, v37;
	v36 =	vmul.f32 v38, v5  }
0x23f: {  	v27 =	vadd.f32 v27, v29;
	v28 =	vadd.f32 v33, v32;
	v29 =	vmul.f32 v35, v5  }
0x240: {  	v24 =	vadd.f32 v24, v31;
	v31 =	vperm.xlane v30, v2;
	v32 =	vadd.f32 v36, v34  }
0x241: {  	v33 =	vperm.xlane v27, v0;
	v34 =	vperm.xlane v28, v0;
	v26 =	vadd.f32 v29, v26  }
0x242: {  	v17 =	vadd.f32 v17, v25;
	v18 =	vadd.f32 v18, v24;
	v29 =	vperm.xlane v32, v0  }
0x243: {  	v24 =	vadd.f32 v27, v33;
	v25 =	vadd.f32 v28, v34;
	v27 =	vperm.xlane v26, v0  }
0x244: {  	v28 =	vadd.f32 v32, v29;
	v29 =	vperm.xlane v18, v0;
	v32 =	vperm.xlane v17, v0  }
0x245: {  	v33 =	vperm.xlane v24, v1;
	v34 =	vperm.xlane v25, v1;
	v26 =	vadd.f32 v26, v27  }
0x246: {  	v27 =	vperm.xlane v28, v1;
	v18 =	vadd.f32 v18, v29;
	v17 =	vadd.f32 v17, v32  }
0x247: {  	v24 =	vadd.f32 v24, v33;
	v25 =	vadd.f32 v25, v34;
	v29 =	vperm.xlane v26, v1  }
0x248: {  	v27 =	vadd.f32 v28, v27;
	v28 =	vperm.xlane v18, v1;
	v32 =	vperm.xlane v17, v1  }
0x249: {  	v33 =	vperm.xlane v24, v2;
	v34 =	vperm.xlane v25, v2;
	v26 =	vadd.f32 v26, v29  }
0x24a: {  	v29 =	vperm.xlane v27, v2;
	v18 =	vadd.f32 v18, v28;
	v17 =	vadd.f32 v17, v32  }
0x24b: {  	v24 =	vadd.f32 v24, v33;
	v25 =	vadd.f32 v25, v34;
	v28 =	vperm.xlane v26, v2  }
0x24c: {  	v27 =	vadd.f32 v27, v29;
	v29 =	vperm.xlane v18, v2;
	v32 =	vperm.xlane v17, v2  }
0x24d: {  	v33 =	vperm.xlane v24, v3;
	v34 =	vperm.xlane v25, v3;
	v26 =	vadd.f32 v26, v28  }
0x24e: {  	v28 =	vperm.xlane v27, v3;
	v18 =	vadd.f32 v18, v29;
	v17 =	vadd.f32 v17, v32  }
0x24f: {  	v24 =	vadd.f32 v24, v33;
	v25 =	vadd.f32 v25, v34;
	v29 =	vperm.xlane v26, v3  }
0x250: {  	v30 =	vadd.f32 v30, v31;
	v27 =	vadd.f32 v27, v28;
	v28 =	vperm.xlane v18, v3  }
0x251: {  	v24 =	vsel vm0, v24, v25;
	v25 =	vadd.f32 v26, v29;
	v26 =	vperm.xlane v17, v3  }
0x252: {  	v24 =	vsel vm1, v24, v27;
	v18 =	vadd.f32 v18, v28;
	v27 =	vperm.xlane v30, v3  }
0x253: {  	v24 =	vsel vm2, v24, v25;
	v17 =	vadd.f32 v17, v26;
	v25 =	vperm.xlane v23, v3  }
0x254: {  	v26 =	vperm.xlane v22, v3;
	v18 =	vsel vm3, v24, v18;
	v24 =	vadd.f32 v30, v27  }
0x255: {  	v17 =	vsel vm4, v18, v17;
	v18 =	vadd.f32 v23, v25;
	v23 =	vperm.xlane v21, v3  }
0x256: {  	v22 =	vadd.f32 v22, v26;
	v17 =	vsel vm5, v17, v24;
	v24 =	vperm.xlane v20, v3  }
0x257: {  	v17 =	vsel vm6, v17, v18;
	v18 =	vadd.f32 v21, v23;
	v21 =	vperm.xlane v19, v3  }
0x258: {  	v17 =	vsel vm7, v17, v22;
	v20 =	vadd.f32 v20, v24;
	v22 =	vperm.xlane v16, v3  }
0x259: {  	v17 =	vsel vm8, v17, v18;
	v18 =	vadd.f32 v19, v21;
	v19 =	vperm.xlane v15, v3  }
0x25a: {  	v17 =	vsel vm9, v17, v20;
	v16 =	vadd.f32 v16, v22;
	v20 =	vperm.xlane v14, v3  }
0x25b: {  	v17 =	vsel vm10, v17, v18;
	v15 =	vadd.f32 v15, v19;
	v18 =	vperm.xlane v13, v3;
	v19 =	vld [tilespmem:s13+$0x16E00]  }
0x25c: {  	v16 =	vsel vm11, v17, v16;
	v14 =	vadd.f32 v14, v20  }
0x25d: {  	v15 =	vsel vm12, v16, v15;
	v13 =	vadd.f32 v13, v18  }
0x25e: {  	v14 =	vsel vm13, v15, v14  }
0x25f: {  	v13 =	vsel vm14, v14, v13  }
0x260: {  	s0 =	sshll.u32 s13, $0x3;
	v13 =	vadd.f32 v13, v19  }
0x261: {  	s0 =	sand.u32 $0x400, s0  }
0x262: {  	s15 =	sand.u32 $0x78, s13;
	s0 =	sadd.s32 s0, s2;
	v13 =	vadd.f32 v13, v4  }
0x263: {  	s15 =	sadd.s32 s15, s0;
	s13 =	smin.u32 s5, $0xB8  }
0x264: {  	s0 =	sshll.u32 s13, $0x7;
	[tilespmem:s15+$0x0] =	vst v13  }
0x265: {  	v14 =	vld [tilespmem:s0+$0x110F0]  }
0x266: {  	v18 =	vld [tilespmem:s0+$0x11070]  }
0x267: {  	v19 =	vld [tilespmem:s0+$0x110E0]  }
0x268: {  	v20 =	vld [tilespmem:s0+$0x10FF0]  }
0x269: {  	v21 =	vld [tilespmem:s0+$0x11060]  }
0x26a: {  	v22 =	vld [tilespmem:s0+$0x110D0]  }
0x26b: {  	v23 =	vld [tilespmem:s0+$0x10F70]  }
0x26c: {  	v24 =	vld [tilespmem:s0+$0x10FE0]  }
0x26d: {  	v25 =	vld [tilespmem:s0+$0x11050]  }
0x26e: {  	v26 =	vld [tilespmem:s0+$0x110C0]  }
0x26f: {  	v27 =	vld [tilespmem:s0+$0x10EF0]  }
0x270: {  	v28 =	vld [tilespmem:s0+$0x10F60]  }
0x271: {  	v29 =	vld [tilespmem:s0+$0x10FD0]  }
0x272: {  	v30 =	vld [tilespmem:s0+$0x11040]  }
0x273: {  	v31 =	vld [tilespmem:s0+$0x110B0]  }
0x274: {  	v32 =	vld [tilespmem:s0+$0x10E70]  }
0x275: {  	v33 =	vld [tilespmem:s0+$0x10EE0]  }
0x276: {  	v34 =	vld [tilespmem:s0+$0x10F50]  }
0x277: {  	v35 =	vld [tilespmem:s0+$0x10FC0]  }
0x278: {  	v36 =	vld [tilespmem:s0+$0x11030]  }
0x279: {  	v37 =	vld [tilespmem:s0+$0x110A0]  }
0x27a: {  	v38 =	vld [tilespmem:s0+$0x10DF0]  }
0x27b: {  	v39 =	vld [tilespmem:s0+$0x10E60]  }
0x27c: {  	v40 =	vld [tilespmem:s0+$0x10ED0]  }
0x27d: {  	v41 =	vld [tilespmem:s0+$0x10F40]  }
0x27e: {  	v42 =	vld [tilespmem:s0+$0x10FB0]  }
0x27f: {  	v43 =	vld [tilespmem:s0+$0x11020]  }
0x280: {  	v44 =	vld [tilespmem:s0+$0x11080]  }
0x281: {  	v45 =	vld [tilespmem:s0+$0x11090]  }
0x282: {  	v16 =	vld [tilespmem:s0+$0x10D70]  }
0x283: {  	v15 =	vld [tilespmem:s0+$0x10DE0]  }
0x284: {  	v13 =	vld [tilespmem:s0+$0x10E50]  }
0x285: {  	v46 =	vmul.f32 v14, v5;
	v17 =	vld [tilespmem:s0+$0x10EC0]  }
0x286: {  	v48 =	vmul.f32 v18, v5;
	v49 =	vmul.f32 v19, v6;
	v47 =	vld [tilespmem:s0+$0x10F30]  }
0x287: {  	v14 =	vmul.f32 v44, v11;
	v18 =	vmul.f32 v45, v12;
	v50 =	vld [tilespmem:s0+$0x10FA0]  }
0x288: {  	v21 =	vmul.f32 v21, v6;
	v44 =	vmul.f32 v20, v5;
	v19 =	vld [tilespmem:s0+$0x11000]  }
0x289: {  	v37 =	vmul.f32 v37, v10;
	v45 =	vmul.f32 v22, v7;
	v14 =	vadd.f32 v18, v14;
	v20 =	vld [tilespmem:s0+$0x11010]  }
0x28a: {  	v23 =	vmul.f32 v23, v5;
	v51 =	vmul.f32 v24, v6;
	v18 =	vld [tilespmem:s0+$0x10CF0]  }
0x28b: {  	v25 =	vmul.f32 v25, v7;
	v31 =	vmul.f32 v31, v9;
	v37 =	vadd.f32 v37, v14;
	v24 =	vld [tilespmem:s0+$0x10F80]  }
0x28c: {  	v26 =	vmul.f32 v26, v8;
	v14 =	vmul.f32 v27, v5;
	v27 =	vld [tilespmem:s0+$0x10F90]  }
0x28d: {  	v28 =	vmul.f32 v28, v6;
	v29 =	vmul.f32 v29, v7;
	v31 =	vadd.f32 v31, v37;
	v22 =	vld [tilespmem:s0+$0x10D60]  }
0x28e: {  	v52 =	vmul.f32 v19, v11;
	v37 =	vld [tilespmem:s0+$0x10F00];
	v20 =	vmul.f32 v20, v12  }
0x28f: {  	v30 =	vmul.f32 v30, v8;
	v19 =	vmul.f32 v32, v5;
	v26 =	vadd.f32 v26, v31;
	v32 =	vld [tilespmem:s0+$0x10F10]  }
0x290: {  	v33 =	vmul.f32 v33, v6;
	v43 =	vmul.f32 v43, v10;
	v31 =	vld [tilespmem:s0+$0x10DD0];
	v20 =	vadd.f32 v20, v52  }
0x291: {  	v24 =	vmul.f32 v24, v11;
	v26 =	vadd.f32 v45, v26;
	v52 =	vld [tilespmem:s0+$0x10F20];
	v27 =	vmul.f32 v27, v12  }
0x292: {  	v34 =	vmul.f32 v34, v7;
	v36 =	vmul.f32 v36, v9;
	v45 =	vld [tilespmem:s0+$0x10E40];
	v20 =	vadd.f32 v43, v20  }
0x293: {  	v26 =	vadd.f32 v49, v26;
	v43 =	vld [tilespmem:s0+$0x10EB0];
	v24 =	vadd.f32 v27, v24;
	v27 =	vmul.f32 v50, v10  }
0x294: {  	v37 =	vmul.f32 v37, v11;
	v49 =	vld [tilespmem:s0+$0x10C70];
	v32 =	vmul.f32 v32, v12;
	v20 =	vadd.f32 v36, v20  }
0x295: {  	v26 =	vadd.f32 v46, v26;
	v36 =	vld [tilespmem:s0+$0x10CE0];
	v24 =	vadd.f32 v27, v24;
	v27 =	vmul.f32 v42, v9  }
0x296: {  	v42 =	vld [tilespmem:s0+$0x10D50];
	v32 =	vadd.f32 v32, v37;
	v37 =	vmul.f32 v52, v10;
	v20 =	vadd.f32 v30, v20  }
0x297: {  	v30 =	vld [tilespmem:s0+$0x10E80];
	v24 =	vadd.f32 v27, v24;
	v27 =	vmul.f32 v35, v8;
	v35 =	vperm.xlane v26, v0  }
0x298: {  	v46 =	vld [tilespmem:s0+$0x10E90];
	v32 =	vadd.f32 v37, v32;
	v37 =	vmul.f32 v47, v9;
	v25 =	vadd.f32 v25, v20  }
0x299: {  	v20 =	vmul.f32 v38, v5;
	v47 =	vld [tilespmem:s0+$0x10DC0];
	v27 =	vadd.f32 v27, v24;
	v26 =	vadd.f32 v26, v35  }
0x29a: {  	v35 =	vld [tilespmem:s0+$0x10EA0];
	v32 =	vadd.f32 v37, v32;
	v37 =	vmul.f32 v41, v8;
	v21 =	vadd.f32 v21, v25  }
0x29b: {  	v38 =	vmul.f32 v40, v7;
	v24 =	vmul.f32 v39, v6;
	v25 =	vld [tilespmem:s0+$0x10E30];
	v27 =	vadd.f32 v29, v27  }
0x29c: {  	v29 =	vld [tilespmem:s0+$0x10BF0];
	v32 =	vadd.f32 v37, v32;
	v21 =	vadd.f32 v48, v21;
	v37 =	vperm.xlane v26, v1  }
0x29d: {  	v30 =	vmul.f32 v30, v11;
	v39 =	vld [tilespmem:s0+$0x10C60];
	v40 =	vmul.f32 v46, v12;
	v27 =	vadd.f32 v51, v27  }
0x29e: {  	v41 =	vld [tilespmem:s0+$0x10CD0];
	v32 =	vadd.f32 v34, v32;
	v34 =	vperm.xlane v21, v0;
	v37 =	vadd.f32 v26, v37  }
0x29f: {  	v46 =	vld [tilespmem:s0+$0x10D40];
	v26 =	vadd.f32 v40, v30;
	v30 =	vmul.f32 v35, v10;
	v27 =	vadd.f32 v44, v27  }
0x2a0: {  	v35 =	vld [tilespmem:s0+$0x10DB0];
	v28 =	vadd.f32 v28, v32;
	v32 =	vadd.f32 v21, v34;
	v34 =	vperm.xlane v37, v2  }
0x2a1: {  	v40 =	vld [tilespmem:s0+$0x10E20];
	v21 =	vadd.f32 v30, v26;
	v30 =	vmul.f32 v43, v9;
	v43 =	vperm.xlane v27, v0  }
0x2a2: {  	v26 =	vmul.f32 v16, v5;
	v44 =	vld [tilespmem:s0+$0x10B70];
	v16 =	vadd.f32 v23, v28;
	v23 =	vperm.xlane v32, v1  }
0x2a3: {  	v17 =	vmul.f32 v17, v8;
	v48 =	vld [tilespmem:s0+$0x10BE0];
	v28 =	vadd.f32 v30, v21;
	v27 =	vadd.f32 v27, v43  }
0x2a4: {  	v30 =	vmul.f32 v15, v6;
	v21 =	vld [tilespmem:s0+$0x10C50];
	v15 =	vperm.xlane v16, v0;
	v32 =	vadd.f32 v32, v23  }
0x2a5: {  	v50 =	vmul.f32 v13, v7;
	v43 =	vld [tilespmem:s0+$0x10CC0];
	v13 =	vadd.f32 v17, v28;
	v17 =	vperm.xlane v27, v1  }
0x2a6: {  	v23 =	vmul.f32 v18, v5;
	v18 =	vld [tilespmem:s0+$0x10D30];
	v15 =	vadd.f32 v16, v15;
	v16 =	vperm.xlane v32, v2  }
0x2a7: {  	v51 =	vmul.f32 v22, v6;
	v52 =	vld [tilespmem:s0+$0x10DA0];
	v13 =	vadd.f32 v38, v13;
	v38 =	vadd.f32 v27, v17  }
0x2a8: {  	v53 =	vmul.f32 v31, v7;
	v28 =	vld [tilespmem:s0+$0x10E00];
	v17 =	vperm.xlane v15, v1  }
0x2a9: {  	v45 =	vmul.f32 v45, v8;
	v54 =	vld [tilespmem:s0+$0x10E10];
	v13 =	vadd.f32 v33, v13;
	v33 =	vperm.xlane v38, v2  }
0x2aa: {  	v31 =	vmul.f32 v36, v6;
	v22 =	vmul.f32 v49, v5;
	v27 =	vld [tilespmem:s0+$0x10B60];
	v36 =	vadd.f32 v15, v17  }
0x2ab: {  	v42 =	vmul.f32 v42, v7;
	v47 =	vmul.f32 v47, v8;
	v49 =	vld [tilespmem:s0+$0x10D80];
	v55 =	vadd.f32 v14, v13  }
0x2ac: {  	v25 =	vmul.f32 v25, v9;
	v56 =	vld [tilespmem:s0+$0x10D90];
	v57 =	vperm.xlane v36, v2  }
0x2ad: {  	v17 =	vmul.f32 v29, v5;
	v13 =	vadd.f32 v37, v34;
	v58 =	vld [tilespmem:s0+$0x10D00];
	v59 =	vperm.xlane v55, v0  }
0x2ae: {  	v14 =	vadd.f32 v32, v16;
	v37 =	vmul.f32 v28, v11;
	v34 =	vld [tilespmem:s0+$0x10D10];
	v54 =	vmul.f32 v54, v12  }
0x2af: {  	v32 =	vmul.f32 v41, v7;
	v15 =	vadd.f32 v38, v33;
	v28 =	vmul.f32 v39, v6;
	v29 =	vld [tilespmem:s0+$0x10BD0]  }
0x2b0: {  	v38 =	vmul.f32 v40, v10;
	v39 =	vadd.f32 v55, v59;
	v33 =	vld [tilespmem:s0+$0x10D20];
	v37 =	vadd.f32 v54, v37  }
0x2b1: {  	v16 =	vadd.f32 v36, v57;
	v41 =	vmul.f32 v49, v11;
	v40 =	vld [tilespmem:s0+$0x10C40];
	v49 =	vmul.f32 v56, v12  }
0x2b2: {  	v52 =	vmul.f32 v52, v10;
	v36 =	vld [tilespmem:s0+$0x10C80];
	v37 =	vadd.f32 v38, v37;
	v38 =	vperm.xlane v39, v1  }
0x2b3: {  	v55 =	vmul.f32 v58, v11;
	v54 =	vld [tilespmem:s0+$0x10C90];
	v34 =	vmul.f32 v34, v12;
	v41 =	vadd.f32 v49, v41  }
0x2b4: {  	v35 =	vmul.f32 v35, v9;
	v49 =	vld [tilespmem:s0+$0x10CB0];
	v25 =	vadd.f32 v25, v37;
	v38 =	vadd.f32 v39, v38  }
0x2b5: {  	v37 =	vld [tilespmem:s0+$0x10CA0];
	v34 =	vadd.f32 v34, v55;
	v33 =	vmul.f32 v33, v10;
	v39 =	vadd.f32 v52, v41  }
0x2b6: {  	v46 =	vmul.f32 v46, v8;
	v41 =	vld [tilespmem:s0+$0x10AE0];
	v25 =	vadd.f32 v45, v25;
	v45 =	vperm.xlane v38, v2  }
0x2b7: {  	v52 =	vld [tilespmem:s0+$0x10B50];
	v33 =	vadd.f32 v33, v34;
	v34 =	vmul.f32 v18, v9;
	v35 =	vadd.f32 v35, v39  }
0x2b8: {  	v36 =	vmul.f32 v36, v11;
	v39 =	vld [tilespmem:s0+$0x10C00];
	v54 =	vmul.f32 v54, v12;
	v25 =	vadd.f32 v50, v25  }
0x2b9: {  	v18 =	vmul.f32 v44, v5;
	v44 =	vld [tilespmem:s0+$0x10C10];
	v33 =	vadd.f32 v34, v33;
	v34 =	vadd.f32 v47, v35  }
0x2ba: {  	v35 =	vld [tilespmem:s0+$0x10BC0];
	v36 =	vadd.f32 v54, v36;
	v37 =	vmul.f32 v37, v10;
	v24 =	vadd.f32 v24, v25  }
0x2bb: {  	v25 =	vmul.f32 v48, v6;
	v47 =	vld [tilespmem:s0+$0x10C20];
	v33 =	vadd.f32 v46, v33;
	v34 =	vadd.f32 v53, v34  }
0x2bc: {  	v46 =	vld [tilespmem:s0+$0x10C30];
	v36 =	vadd.f32 v37, v36;
	v37 =	vmul.f32 v49, v9;
	v19 =	vadd.f32 v19, v24  }
0x2bd: {  	v24 =	vmul.f32 v43, v8;
	v48 =	vld [tilespmem:s0+$0x10970];
	v33 =	vadd.f32 v42, v33;
	v30 =	vadd.f32 v30, v34  }
0x2be: {  	v34 =	vmul.f32 v39, v11;
	v42 =	vld [tilespmem:s0+$0x10AD0];
	v39 =	vmul.f32 v44, v12;
	v36 =	vadd.f32 v37, v36  }
0x2bf: {  	v43 =	vld [tilespmem:s0+$0x10B40];
	v33 =	vadd.f32 v51, v33;
	v20 =	vadd.f32 v20, v30;
	v30 =	vperm.xlane v19, v0  }
0x2c0: {  	v44 =	vld [tilespmem:s0+$0x10BB0];
	v34 =	vadd.f32 v39, v34;
	v37 =	vmul.f32 v47, v10;
	v24 =	vadd.f32 v24, v36  }
0x2c1: {  	v49 =	vld [tilespmem:s0+$0x10960];
	v26 =	vadd.f32 v26, v33;
	v33 =	vperm.xlane v20, v0;
	v19 =	vadd.f32 v19, v30  }
0x2c2: {  	v36 =	vmul.f32 v46, v9;
	v53 =	vld [tilespmem:s0+$0x10AC0];
	v34 =	vadd.f32 v37, v34;
	v24 =	vadd.f32 v32, v24  }
0x2c3: {  	v30 =	vld [tilespmem:s0+$0x10B30];
	v37 =	vperm.xlane v26, v0;
	v20 =	vadd.f32 v20, v33;
	v33 =	vperm.xlane v19, v1  }
0x2c4: {  	v46 =	vld [tilespmem:s0+$0x10BA0];
	v34 =	vadd.f32 v36, v34;
	v36 =	vmul.f32 v40, v8;
	v24 =	vadd.f32 v31, v24  }
0x2c5: {  	v32 =	vld [tilespmem:s0+$0x10950];
	v26 =	vadd.f32 v26, v37;
	v31 =	vperm.xlane v20, v1;
	v40 =	vadd.f32 v19, v33  }
0x2c6: {  	v21 =	vmul.f32 v21, v7;
	v33 =	vld [tilespmem:s0+$0x10AB0];
	v19 =	vadd.f32 v36, v34;
	v23 =	vadd.f32 v23, v24  }
0x2c7: {  	v54 =	vld [tilespmem:s0+$0x10B20];
	v36 =	vperm.xlane v26, v1;
	v47 =	vadd.f32 v20, v31;
	v20 =	vperm.xlane v40, v2  }
0x2c8: {  	v24 =	vmul.f32 v27, v6;
	v50 =	vld [tilespmem:s0+$0x10B80];
	v19 =	vadd.f32 v21, v19;
	v21 =	vperm.xlane v23, v0  }
0x2c9: {  	v34 =	vmul.f32 v29, v7;
	v51 =	vld [tilespmem:s0+$0x10B90];
	v29 =	vadd.f32 v26, v36;
	v55 =	vperm.xlane v47, v2  }
0x2ca: {  	v26 =	vmul.f32 v41, v6;
	v36 =	vld [tilespmem:s0+$0x10940];
	v27 =	vadd.f32 v28, v19;
	v21 =	vadd.f32 v23, v21  }
0x2cb: {  	v39 =	vmul.f32 v35, v8;
	v31 =	vmul.f32 v52, v7;
	v19 =	vadd.f32 v38, v45;
	v37 =	vld [tilespmem:s0+$0x10AA0]  }
0x2cc: {  	v45 =	vperm.xlane v29, v2;
	v23 =	vld [tilespmem:s0+$0x10B00];
	v35 =	vadd.f32 v22, v27;
	v22 =	vperm.xlane v21, v1  }
0x2cd: {  	v20 =	vadd.f32 v40, v20;
	v28 =	vmul.f32 v42, v7;
	v27 =	vmul.f32 v48, v5;
	v52 =	vld [tilespmem:s0+$0x10B10]  }
0x2ce: {  	v38 =	vmul.f32 v43, v8;
	v41 =	vld [tilespmem:s0+$0x10930];
	v40 =	vperm.xlane v35, v0;
	v56 =	vadd.f32 v21, v22  }
0x2cf: {  	v48 =	vmul.f32 v50, v11;
	v50 =	vmul.f32 v51, v12;
	v21 =	vadd.f32 v47, v55;
	v42 =	vld [tilespmem:s0+$0x10A80]  }
.Ltmp1:
0x2d0: {  	v47 =	vmul.f32 v44, v9;
	v22 =	vadd.f32 v29, v45;
	v43 =	vld [tilespmem:s0+$0x10A90];
	v51 =	vperm.xlane v56, v2;
	(pc) =	sbr.rel @p0 .LBB2_5-.Ltmp1, $4  }
0x2d1: {  	v46 =	vmul.f32 v46, v10;
	v50 =	vadd.f32 v50, v48;
	v48 =	vadd.f32 v35, v40;
	v44 =	vld [tilespmem:s0+$0x10920]  }
0x2d2: {  	v55 =	vmul.f32 v23, v11;
	v40 =	vld [tilespmem:s0+$0x10A00];
	v52 =	vmul.f32 v52, v12;
	v23 =	vadd.f32 v56, v51  }
0x2d3: {  	v29 =	vmul.f32 v49, v6;
	v50 =	vadd.f32 v46, v50;
	v51 =	vperm.xlane v48, v1;
	v45 =	vld [tilespmem:s0+$0x10900]  }
0x2d4: {  	s5 =	sadd.s32 $0x10, s5;
	v35 =	vmul.f32 v53, v8;
	v46 =	vld [tilespmem:s0+$0x10910];
	v49 =	vadd.f32 v52, v55;
	v52 =	vmul.f32 v54, v10  }
0x2d5: {  	v53 =	vld [tilespmem:s0+$0x10980];
	v30 =	vmul.f32 v30, v9  }
0x2d6: {  	v47 =	vadd.f32 v47, v50;
	v48 =	vadd.f32 v48, v51;
	v32 =	vmul.f32 v32, v7;
	v60 =	vld [tilespmem:s0+$0x10990]  }
0x2d7: {  	v33 =	vmul.f32 v33, v9;
	v61 =	vld [tilespmem:s0+$0x10A10];
	v37 =	vmul.f32 v37, v10;
	v49 =	vadd.f32 v52, v49  }
0x2d8: {  	v41 =	vmul.f32 v41, v9;
	v42 =	vmul.f32 v42, v11;
	v58 =	vld [tilespmem:s0+$0x10A30];
	v39 =	vadd.f32 v39, v47  }
0x2d9: {  	v43 =	vmul.f32 v43, v12;
	v47 =	vld [tilespmem:s0+$0x109A0];
	v59 =	vmul.f32 v40, v11;
	v30 =	vadd.f32 v30, v49  }
0x2da: {  	v49 =	vld [tilespmem:s0+$0x10A20];
	v62 =	vmul.f32 v45, v11;
	v34 =	vadd.f32 v34, v39;
	v63 =	vmul.f32 v46, v12  }
0x2db: {  	v56 =	vld [tilespmem:s0+$0x109B0];
	v30 =	vadd.f32 v38, v30;
	v57 =	vmul.f32 v53, v11;
	v50 =	vmul.f32 v60, v12  }
0x2dc: {  	v60 =	vmul.f32 v61, v12;
	v53 =	vadd.f32 v43, v42;
	v25 =	vadd.f32 v25, v34  }
0x2dd: {  	v44 =	vmul.f32 v44, v10;
	v34 =	vld [tilespmem:s0+$0x109C0];
	v61 =	vadd.f32 v63, v62;
	v30 =	vadd.f32 v31, v30  }
0x2de: {  	v63 =	vld [tilespmem:s0+$0x10A40];
	v38 =	vadd.f32 v50, v57;
	v62 =	vmul.f32 v47, v10;
	v11 =	vadd.f32 v60, v59  }
0x2df: {  	v50 =	vld [tilespmem:s0+$0x109D0];
	v57 =	vmul.f32 v58, v9;
	v58 =	vadd.f32 v37, v53;
	v51 =	vmul.f32 v49, v10  }
0x2e0: {  	v55 =	vld [tilespmem:s0+$0x10A50];
	v54 =	vmul.f32 v56, v9;
	v31 =	vadd.f32 v44, v61;
	v38 =	vadd.f32 v62, v38  }
0x2e1: {  	v36 =	vmul.f32 v36, v8;
	v56 =	vld [tilespmem:s0+$0x109E0];
	v17 =	vadd.f32 v17, v25;
	v10 =	vadd.f32 v51, v11  }
0x2e2: {  	v61 =	vld [tilespmem:s0+$0x10A60];
	v59 =	vadd.f32 v41, v31;
	v60 =	vadd.f32 v54, v38;
	v34 =	vmul.f32 v34, v8  }
0x2e3: {  	v62 =	vld [tilespmem:s0+$0x109F0];
	v39 =	vadd.f32 v33, v58;
	v63 =	vmul.f32 v63, v8;
	v9 =	vadd.f32 v57, v10  }
0x2e4: {  	v45 =	vld [tilespmem:s0+$0x10A70];
	v40 =	vadd.f32 v36, v59;
	v44 =	vmul.f32 v50, v7;
	v41 =	vadd.f32 v34, v60  }
0x2e5: {  	v46 =	vmul.f32 v55, v7;
	v49 =	vld [tilespmem:s0+$0x10AF0];
	v47 =	vadd.f32 v35, v39;
	v8 =	vadd.f32 v63, v9  }
0x2e6: {  	v50 =	vmul.f32 v56, v6;
	v11 =	vadd.f32 v32, v40;
	v12 =	vadd.f32 v44, v41  }
0x2e7: {  	v51 =	vmul.f32 v61, v6;
	v52 =	vadd.f32 v28, v47;
	v7 =	vadd.f32 v46, v8  }
0x2e8: {  	v55 =	vmul.f32 v62, v5;
	v53 =	vadd.f32 v29, v11;
	v54 =	vadd.f32 v50, v12  }
0x2e9: {  	v56 =	vmul.f32 v45, v5;
	v8 =	vadd.f32 v26, v52;
	v6 =	vadd.f32 v51, v7  }
0x2ea: {  	v5 =	vmul.f32 v49, v5;
	v9 =	vadd.f32 v27, v53;
	v11 =	vadd.f32 v55, v54  }
0x2eb: {  	v57 =	vadd.f32 v24, v30;
	v6 =	vadd.f32 v56, v6  }
0x2ec: {  	v5 =	vadd.f32 v5, v8;
	v59 =	vperm.xlane v9, v0;
	v60 =	vperm.xlane v11, v0  }
0x2ed: {  	v58 =	vperm.xlane v48, v2;
	v7 =	vadd.f32 v18, v57;
	v61 =	vperm.xlane v6, v0  }
0x2ee: {  	v62 =	vperm.xlane v5, v0;
	v9 =	vadd.f32 v9, v59;
	v11 =	vadd.f32 v11, v60  }
0x2ef: {  	v28 =	vperm.xlane v17, v0;
	v63 =	vperm.xlane v7, v0;
	v6 =	vadd.f32 v6, v61  }
0x2f0: {  	v5 =	vadd.f32 v5, v62;
	v29 =	vperm.xlane v9, v1;
	v30 =	vperm.xlane v11, v1  }
0x2f1: {  	v32 =	vadd.f32 v17, v28;
	v7 =	vadd.f32 v7, v63;
	v31 =	vperm.xlane v6, v1  }
0x2f2: {  	v33 =	vperm.xlane v5, v1;
	v9 =	vadd.f32 v9, v29;
	v11 =	vadd.f32 v11, v30  }
0x2f3: {  	v18 =	vperm.xlane v32, v1;
	v34 =	vperm.xlane v7, v1;
	v6 =	vadd.f32 v6, v31  }
0x2f4: {  	v5 =	vadd.f32 v5, v33;
	v24 =	vperm.xlane v9, v2;
	v25 =	vperm.xlane v11, v2  }
0x2f5: {  	v8 =	vadd.f32 v32, v18;
	v7 =	vadd.f32 v7, v34;
	v35 =	vperm.xlane v6, v2  }
0x2f6: {  	v36 =	vperm.xlane v5, v2;
	v9 =	vadd.f32 v9, v24;
	v11 =	vadd.f32 v11, v25  }
0x2f7: {  	v18 =	vperm.xlane v8, v2;
	v37 =	vperm.xlane v7, v2;
	v6 =	vadd.f32 v6, v35  }
0x2f8: {  	v5 =	vadd.f32 v5, v36;
	v24 =	vperm.xlane v9, v3;
	v25 =	vperm.xlane v11, v3  }
0x2f9: {  	v8 =	vadd.f32 v8, v18;
	v7 =	vadd.f32 v7, v37;
	v38 =	vperm.xlane v6, v3  }
0x2fa: {  	v39 =	vperm.xlane v5, v3;
	v9 =	vadd.f32 v9, v24;
	v11 =	vadd.f32 v11, v25  }
0x2fb: {  	v10 =	vadd.f32 v48, v58;
	v40 =	vperm.xlane v7, v3;
	v6 =	vadd.f32 v6, v38  }
0x2fc: {  	v41 =	vperm.xlane v8, v3;
	v5 =	vadd.f32 v5, v39;
	v9 =	vsel vm0, v9, v11  }
0x2fd: {  	v42 =	vperm.xlane v10, v3;
	v7 =	vadd.f32 v7, v40;
	v6 =	vsel vm1, v9, v6  }
0x2fe: {  	v44 =	vperm.xlane v23, v3;
	v43 =	vadd.f32 v8, v41;
	v5 =	vsel vm2, v6, v5  }
0x2ff: {  	v45 =	vadd.f32 v10, v42;
	v46 =	vperm.xlane v22, v3;
	v5 =	vsel vm3, v5, v7  }
0x300: {  	v48 =	vperm.xlane v21, v3;
	v47 =	vadd.f32 v23, v44;
	v5 =	vsel vm4, v5, v43  }
0x301: {  	v50 =	vperm.xlane v20, v3;
	v49 =	vadd.f32 v22, v46;
	v5 =	vsel vm5, v5, v45  }
0x302: {  	v52 =	vperm.xlane v19, v3;
	v51 =	vadd.f32 v21, v48;
	v5 =	vsel vm6, v5, v47  }
0x303: {  	v53 =	vadd.f32 v20, v50;
	v54 =	vperm.xlane v16, v3;
	v5 =	vsel vm7, v5, v49  }
0x304: {  	v55 =	vadd.f32 v19, v52;
	v56 =	vperm.xlane v15, v3;
	v5 =	vsel vm8, v5, v51  }
0x305: {  	v58 =	vperm.xlane v14, v3;
	v57 =	vadd.f32 v16, v54;
	v5 =	vsel vm9, v5, v53  }
0x306: {  	v59 =	vadd.f32 v15, v56;
	v60 =	vperm.xlane v13, v3;
	v61 =	vld [tilespmem:s13+$0x16E00];
	v5 =	vsel vm10, v5, v55  }
0x307: {  	v62 =	vadd.f32 v14, v58;
	v5 =	vsel vm11, v5, v57  }
0x308: {  	v63 =	vadd.f32 v13, v60;
	v5 =	vsel vm12, v5, v59  }
0x309: {  	s3 =	sadd.s32 $0x1, s3;
	v5 =	vsel vm13, v5, v62  }
0x30a: {  	p0 =	sne.s32 s3, $0x40;
	v5 =	vsel vm14, v5, v63  }
.Ltmp2:
0x30b: {  	s21 =	sshll.u32 s13, $0x3;
	v5 =	vadd.f32 v5, v61;
	(pc) =	sbr.rel @p0 .LBB2_2-.Ltmp2, $4  }
0x30c: {  	s0 =	sand.u32 $0x400, s21  }
0x30d: {  	s5 =	sand.u32 $0x78, s13;
	s0 =	sadd.s32 s0, s2;
	v4 =	vadd.f32 v5, v4  }
0x30e: {  	s0 =	sadd.s32 s5, s0  }
0x30f: {  	[tilespmem:s0+$0x0] =	vst v4  }
0x310: {  	s31 =	sadd.s32 $0x1, s31  }
0x311: {  	p0 =	sne.s32 s31, s10  }
.Ltmp3:
0x312: {  	_ = 	snop;
	(pc) =	sbr.rel @p0 .LBB2_1-.Ltmp3, $4  }
0x313: {  	[hbm4b:s9+s6] =	stream.linear.scatter [tilespmem:s30], [sflag:$0x4], $0x8000, $0x38;
	[tilespmem:$0x1EF00] =	vst v63  }
0x314: {  	_ =	swait.ge [sflag:s11], $0x8000  }
0x315: {  	[sflag:s11] =	ssyncset.done $0x0  }
0x316: {  	[sflag:s11] =	ssyncadd.s32 $0xFFFF8000  }
0x317: {  	_ =	sfence.sel $0x180000  }
0x318: {  	[bflag:$0x0] =	sbarrier.arrive $0xFFFF  }
0x319: {  	_ =	strace $0x90000047  }
0x31a: {  	s0 =	stileid.u32;
	[bflag:$0x2] =	sbarrier.arrive $0xFFFF  }
0x31b: {  	p0 =	sne.s32 s0, $0x0;
	s0 =	rddreg [dreg:$0x7]  }
0x31c: {  	s0 =	sadd.s32 @!p0 $0x100000, s0  }
0x31d: {  	[sflag:s0] =	ssyncadd.tile.s32 @!p0 $0x1;
	_ =	shalt  }
.Lfunc_end2:
_tile_overlayer_lowered:
.L_overlay_start_2:
0x31e: {  	(tag) =	ssettag $0x2  }
0x31f: {  	s0 =	rddreg [dreg:$0x0];
	s2 =	stileid.u32  }
0x320: {  	s1 =	rddreg [dreg:$0x1];
	p0 =	sne.s32 s2, $0x0  }
0x321: {  	s3 =	rddreg [dreg:$0x2];
	[bflag:$0x3] =	sbarrier.arrive $0xFFFF;
	s2 =	simm.s32 @!p0 $0x1C04  }
0x322: {  	[timem:s3], [sflag:s2] =	dma.local @!p0 [hbm:s0], s1  }
0x323: {  	s0 =	simm.s32 @!p0 $0x4  }
0x324: {  	_ =	swait.ge @!p0 [sflag:s0], s1  }
0x325: {  	s1 =	ssub.s32 @!p0 $0x0, s1;
	[sflag:s0] =	ssyncset.done @!p0 $0x0  }
0x326: {  	[sflag:s0] =	ssyncadd.s32 @!p0 s1  }
0x327: {  	[bflag:$0x3] =	sbarrier.arrive $0xFFFF  }
0x328: {  	_ =	shalt  }

</sc_bundles>
